<compile_context>
chip_gen: v7x
topology: tpu7x:2x2x1
jax: 0.10.2.dev20260603
libtpu: 0.0.44.dev20260713+nightly
codegen_flags: <defaults>
</compile_context>

<pallas_src>
import functools
import math

import jax
import jax.numpy as jnp
from jax import lax
from jax.experimental import pallas as pl
from jax.experimental.pallas import tpu as pltpu
from jax.experimental.pallas import tpu_sc as plsc

_B, _T, _C, _K = 64, 200, 128, 16
_DFF = int(_C * 1.5)
_NC, _NS, _L = 2, 16, 16
_NW = _NC * _NS
_BPW = _B // _NW
_NG = (_T + _L - 1) // _L
_NSLAB = 2
_TP = _NSLAB * _C
_G = 8



def _s1_body(x_ref, idx_ref, radj_ref, wqk_ref, s_ref, aux_ref):
    xg = x_ref[...].reshape(_G * _T, _C)
    qk = jnp.dot(xg, wqk_ref[...], preferred_element_type=jnp.float32)
    zpad = jnp.zeros((_TP - _T, _C), jnp.float32)
    for g in range(_G):
        q = qk[g * _T:(g + 1) * _T, :_C]
        k = qk[g * _T:(g + 1) * _T, _C:]
        kpad = jnp.concatenate([k, zpad], axis=0)
        s = lax.dot_general(q, kpad, (((1,), (1,)), ((), ())),
                            preferred_element_type=jnp.float32)
        s_ref[g, :_T] = s[:, :_C]
        s_ref[g, _T:] = s[:, _C:]
    zk = jnp.zeros((_T, _C - 2 * _K), jnp.float32)
    for g in range(_G):
        idx_f = lax.bitcast_convert_type(
            jnp.transpose(idx_ref[g], (1, 0)), jnp.float32)
        radj_g = jnp.transpose(radj_ref[g], (1, 0))
        aux_ref[g] = jnp.concatenate([radj_g, idx_f, zk], axis=1)


def _scores(x, inxs, radj, Wqk, nb, off):
    return pl.pallas_call(
        _s1_body,
        grid=(nb // _G,),
        in_specs=[
            pl.BlockSpec((_G, _T, _C), lambda b, o=off: (b + o, 0, 0)),
            pl.BlockSpec((_G, _K, _T), lambda b, o=off: (b + o, 0, 0)),
            pl.BlockSpec((_G, _K, _T), lambda b, o=off: (b + o, 0, 0)),
            pl.BlockSpec((_C, 2 * _C), lambda b: (0, 0)),
        ],
        out_specs=[
            pl.BlockSpec((_G, _NSLAB * _T, _C), lambda b: (b, 0, 0)),
            pl.BlockSpec((_G, _T, _C), lambda b: (b, 0, 0)),
        ],
        out_shape=[
            jax.ShapeDtypeStruct((nb, _NSLAB * _T, _C), jnp.float32),
            jax.ShapeDtypeStruct((nb, _T, _C), jnp.float32),
        ],
    )(x, inxs, radj, Wqk)



def _sc_body(bpw, s_hbm, aux_hbm, a_hbm, s_v, a_v, aux_v, sem_s, sem_x):
    wid = lax.axis_index("s") * _NC + lax.axis_index("c")
    zero16 = jnp.zeros((_L,), jnp.float32)
    lanes = jnp.arange(_L, dtype=jnp.int32)

    for i in range(bpw):
        b = wid * bpw + i
        cp_s = pltpu.async_copy(s_hbm.at[b], s_v, sem_s)
        cp_x = pltpu.async_copy(aux_hbm.at[b], aux_v, sem_x)

        def _zrow(t, carry):
            for j in range(_C // _L):
                a_v[t, pl.ds(j * _L, _L)] = zero16
            return carry
        lax.fori_loop(0, _NSLAB * _T, _zrow, None)
        cp_x.wait()
        cp_s.wait()

        def _group(g, carry):
            tb = g * _L
            rows_raw = tb + lanes
            valid = rows_raw < _T
            rows = jnp.minimum(rows_raw, _T - 1)
            nks, sks = [], []
            m = jnp.full((_L,), -jnp.inf, jnp.float32)
            for k in range(_K):
                rk = plsc.load_gather(aux_v, [rows, jnp.full((_L,), k, jnp.int32)])
                nf = plsc.load_gather(aux_v, [rows, jnp.full((_L,), _K + k, jnp.int32)])
                nk = plsc.bitcast(nf, jnp.int32)
                srow = (nk >> 7) * _T + rows
                sk = plsc.load_gather(s_v, [srow, nk & 127]) + rk
                m = jnp.maximum(m, sk)
                nks.append(nk)
                sks.append(sk)
            es = [jnp.exp(sk - m) for sk in sks]
            ssum = zero16
            for e in es:
                ssum = ssum + e
            rinv = 1.0 / ssum
            for k in range(_K):
                nk = nks[k]
                srow = (nk >> 7) * _T + rows
                plsc.addupdate_scatter(a_v, [srow, nk & 127], es[k] * rinv,
                                       mask=valid)
            return carry
        lax.fori_loop(0, _NG, _group, None)

        pltpu.sync_copy(a_v, a_hbm.at[b])


def _sc_attention(S2, aux):
    nb = S2.shape[0]
    mesh = plsc.VectorSubcoreMesh(core_axis_name="c", subcore_axis_name="s")
    f = functools.partial(
        pl.kernel,
        mesh=mesh,
        compiler_params=pltpu.CompilerParams(needs_layout_passes=False,
                                             use_tc_tiling_on_sc=False),
        out_type=jax.ShapeDtypeStruct((nb, _NSLAB * _T, _C), jnp.float32),
        scratch_types=[
            pltpu.VMEM((_NSLAB * _T, _C), jnp.float32),
            pltpu.VMEM((_NSLAB * _T, _C), jnp.float32),
            pltpu.VMEM((_T, _C), jnp.float32),
            pltpu.SemaphoreType.DMA,
            pltpu.SemaphoreType.DMA,
        ],
    )(functools.partial(_sc_body, nb // _NW))
    return f(S2, aux)



def _ln(x, g, b, eps=1e-5):
    mu = jnp.mean(x, axis=-1, keepdims=True)
    xc = x - mu
    var = jnp.mean(xc * xc, axis=-1, keepdims=True)
    return xc * lax.rsqrt(var + eps) * g + b


def _s3_body(a_ref, x_ref, wv_ref, wo_ref, g1_ref, be1_ref, w1_ref, bf1_ref,
             w2_ref, bf2_ref, g2_ref, be2_ref, o_ref):
    xg = x_ref[...].reshape(_G * _T, _C)
    v = jnp.dot(xg, wv_ref[...], preferred_element_type=jnp.float32)
    zpad = jnp.zeros((_TP - _T, _C), jnp.float32)
    hs = []
    for g in range(_G):
        vb = v[g * _T:(g + 1) * _T]
        vhi = jnp.concatenate([vb[_C:], zpad], axis=0)
        hg = jnp.dot(a_ref[g, :_T], vb[:_C], preferred_element_type=jnp.float32)
        hg = hg + jnp.dot(a_ref[g, _T:], vhi, preferred_element_type=jnp.float32)
        hs.append(hg)
    h = jnp.concatenate(hs, axis=0)
    h = jnp.dot(h, wo_ref[...], preferred_element_type=jnp.float32)
    h = jnp.maximum(h, 0.0)
    y = _ln(xg + h, g1_ref[...], be1_ref[...])
    f = jnp.dot(y, w1_ref[...], preferred_element_type=jnp.float32)
    f = jnp.maximum(f + bf1_ref[...], 0.0)
    f = jnp.dot(f, w2_ref[...], preferred_element_type=jnp.float32)
    f = f + bf2_ref[...]
    o_ref[...] = _ln(y + f, g2_ref[...], be2_ref[...]).reshape(_G, _T, _C)


def _epilog(A2, x, Wv, Wo, g1, be1, W1, bf1, W2, bf2, g2, be2, nb, off):
    full = lambda shape: pl.BlockSpec(shape, lambda b: (0,) * len(shape))
    return pl.pallas_call(
        _s3_body,
        grid=(nb // _G,),
        in_specs=[
            pl.BlockSpec((_G, _NSLAB * _T, _C), lambda b: (b, 0, 0)),
            pl.BlockSpec((_G, _T, _C), lambda b, o=off: (b + o, 0, 0)),
            full((_C, _C)), full((_C, _C)),
            full((1, _C)), full((1, _C)),
            full((_C, _DFF)), full((1, _DFF)),
            full((_DFF, _C)), full((1, _C)),
            full((1, _C)), full((1, _C)),
        ],
        out_specs=pl.BlockSpec((_G, _T, _C), lambda b: (b, 0, 0)),
        out_shape=jax.ShapeDtypeStruct((nb, _T, _C), jnp.float32),
    )(A2, x, Wv, Wo, g1.reshape(1, _C), be1.reshape(1, _C), W1,
      bf1.reshape(1, _DFF), W2, bf2.reshape(1, _C), g2.reshape(1, _C),
      be2.reshape(1, _C))


def kernel(x, radj, inxs, Wq, Wk, Wv, Wo, g1, be1, W1, bf1, W2, bf2, g2, be2):
    inxs = jnp.transpose(inxs.astype(jnp.int32), (0, 2, 1))
    radj = jnp.transpose(radj, (0, 2, 1))
    Wqk = jnp.concatenate([Wq * (1.0 / math.sqrt(_C)), Wk], axis=1)
    nh = _B // 2
    halves = []
    prev_a2 = prev_off = None
    for h in range(2):
        off = h * (nh // _G)
        S2, aux = _scores(x, inxs, radj, Wqk, nh, off)
        if prev_a2 is not None:
            prev_a2, S2, aux = lax.optimization_barrier((prev_a2, S2, aux))
            halves.append(
                _epilog(prev_a2, x, Wv, Wo, g1, be1, W1, bf1, W2, bf2,
                        g2, be2, nh, prev_off))
        prev_a2 = _sc_attention(S2, aux)
        prev_off = off
    halves.append(
        _epilog(prev_a2, x, Wv, Wo, g1, be1, W1, bf1, W2, bf2, g2, be2,
                nh, prev_off))
    return jnp.concatenate(halves, axis=0)

# --- scband reference (transcript-rebuilt; emitter-appended) ---
"""Pipeline reference for scband-reason-net-8108898255116 (READ-ONLY COPY).

The authoritative reference and input builder live on the scoring server;
editing this copy changes nothing except your own understanding.
"""

import jax, jax.numpy as jnp
import numpy as np
import math

B, T, C, K = 64, 200, 128, 16
DFF = int(C * 1.5)

def layer_norm(x, g, b, eps=1e-5):
    mu = jnp.mean(x, axis=-1, keepdims=True)
    var = jnp.var(x, axis=-1, keepdims=True)
    return (x - mu) / jnp.sqrt(var + eps) * g + b

def setup_inputs(seed: int = 0) -> dict:
    key = jax.random.key(seed)
    ks = jax.random.split(key, 12)
    x = jax.random.normal(ks[0], (B, T, C), dtype=jnp.float32)
    radj = jax.random.normal(ks[1], (B, T, K), dtype=jnp.float32)
    inxs = jax.random.randint(ks[2], (B, T, K), 0, T).astype(jnp.int64)
    s = 1.0 / math.sqrt(C)
    Wq = jax.random.normal(ks[3], (C, C), dtype=jnp.float32) * s
    Wk = jax.random.normal(ks[4], (C, C), dtype=jnp.float32) * s
    Wv = jax.random.normal(ks[5], (C, C), dtype=jnp.float32) * s
    Wo = jax.random.normal(ks[6], (C, C), dtype=jnp.float32) * s
    g1 = jnp.ones((C,), dtype=jnp.float32)
    be1 = jnp.zeros((C,), dtype=jnp.float32)
    W1 = jax.random.normal(ks[7], (C, DFF), dtype=jnp.float32) * s
    bf1 = jnp.zeros((DFF,), dtype=jnp.float32)
    W2 = jax.random.normal(ks[8], (DFF, C), dtype=jnp.float32) * (1.0 / math.sqrt(DFF))
    bf2 = jnp.zeros((C,), dtype=jnp.float32)
    g2 = jnp.ones((C,), dtype=jnp.float32)
    be2 = jnp.zeros((C,), dtype=jnp.float32)
    return {"x": x, "radj": radj, "inxs": inxs, "Wq": Wq, "Wk": Wk, "Wv": Wv, "Wo": Wo,
            "g1": g1, "be1": be1, "W1": W1, "bf1": bf1, "W2": W2, "bf2": bf2, "g2": g2, "be2": be2}

def _gather_neighbors(h, idx):
    # h: (B, T, C); idx: (B, T, K) -> (B, T, K, C)
    return jax.vmap(lambda hb, ib: hb[ib])(h, idx)

def reference(x, radj, inxs, Wq, Wk, Wv, Wo, g1, be1, W1, bf1, W2, bf2, g2, be2):
    _x = x
    # MBasicReason: sparse neighbor attention over topk*tnei segment neighbors
    q = x @ Wq
    k = x @ Wk
    v = x @ Wv
    k_n = _gather_neighbors(k, inxs)  # (B,T,K,C)
    v_n = _gather_neighbors(v, inxs)  # (B,T,K,C)
    scores = jnp.einsum('btc,btkc->btk', q, k_n) / math.sqrt(C) + radj
    attn = jax.nn.softmax(scores, axis=-1)
    h = jnp.einsum('btk,btkc->btc', attn, v_n) @ Wo
    # relu -> residual -> LN
    h = jax.nn.relu(h)
    h = layer_norm(_x + h, g1, be1)
    _x2 = h
    # FeedForward (dropout is identity in eval)
    f = jax.nn.relu(h @ W1 + bf1) @ W2 + bf2
    out = layer_norm(_x2 + f, g2, be2)
    return out

if False:  # reference __main__ guard neutralized (emitter)
    inp = setup_inputs()
    o = reference(**inp)
    print(o.shape, o.dtype)

if __name__ == "__main__":
    import jax
    _d = setup_inputs()
    print(jax.jit(kernel)(*tuple(_d.values())))

</pallas_src>

<mosaic_0001>
#map = affine_map<(d0, d1) -> (0, 0, 0)>
module attributes {stable_mosaic.version = 14 : i64} {
  func.func @_sc_body(%arg0: i32, %arg1: i32, %arg2: memref<32x400x128xf32, #tpu.memory_space<hbm>>, %arg3: memref<32x200x128xf32, #tpu.memory_space<hbm>>, %arg4: memref<32x400x128xf32, #tpu.memory_space<hbm>>, %arg5: memref<400x128xf32, #tpu.memory_space<vmem>>, %arg6: memref<400x128xf32, #tpu.memory_space<vmem>>, %arg7: memref<200x128xf32, #tpu.memory_space<vmem>>, %arg8: memref<!tpu.dma_semaphore, #tpu.memory_space<semaphore_mem>>, %arg9: memref<!tpu.dma_semaphore, #tpu.memory_space<semaphore_mem>>) attributes {dimension_semantics = [#tpu.dimension_semantics<core_parallel>, #tpu.dimension_semantics<subcore_parallel>], iteration_bounds = array<i64: 2, 16>, scalar_prefetch = 0 : i64, scratch_operands = 5 : i64, tpu.core_type = #tpu.core_type<sc_vector_subcore>, window_params = [{transform_indices = #map}, {transform_indices = #map}, {transform_indices = #map}]} {
    %mul3A = arith.constant 2 : i32
    %mul3A_0 = arith.muli %arg1, %mul3A : i32
    %add3A = arith.addi %mul3A_0, %arg0 : i32
    %broadcast_in_dim3A = arith.constant 0.000000e+00 : f32
    %broadcast_in_dim3A_1 = vector.broadcast %broadcast_in_dim3A : f32 to vector<16xf32>
    %iota3A = tpu.iota {dimensions = array<i32: 0>} : vector<16xi32>
    %mul3A_2 = arith.constant 1 : i32
    %mul3A_3 = arith.muli %add3A, %mul3A_2 : i32
    %add3A_4 = arith.constant 0 : i32
    %add3A_5 = arith.addi %mul3A_3, %add3A_4 : i32
    %dma_start3A = arith.constant 0 : i32
    %dma_start3A_6 = arith.constant 0 : i32
    %dma_start3A_7 = tpu.memref_slice %arg2[%add3A_5, %dma_start3A, %dma_start3A_6] : memref<32x400x128xf32, #tpu.memory_space<hbm>> -> memref<1x400x128xf32, #tpu.memory_space<hbm>>
    %dma_start3A_8 = tpu.memref_squeeze %dma_start3A_7 : memref<1x400x128xf32, #tpu.memory_space<hbm>> -> memref<400x128xf32, #tpu.memory_space<hbm>>
    %dma_start3A_9 = arith.constant 0 : i32
    %dma_start3A_10 = arith.constant 0 : i32
    %dma_start3A_11 = tpu.memref_slice %arg2[%add3A_5, %dma_start3A_9, %dma_start3A_10] : memref<32x400x128xf32, #tpu.memory_space<hbm>> -> memref<1x400x128xf32, #tpu.memory_space<hbm>>
    %dma_start3A_12 = tpu.memref_squeeze %dma_start3A_11 : memref<1x400x128xf32, #tpu.memory_space<hbm>> -> memref<400x128xf32, #tpu.memory_space<hbm>>
    tpu.enqueue_dma source(%dma_start3A_12 : memref<400x128xf32, #tpu.memory_space<hbm>>) target(%arg5 : memref<400x128xf32, #tpu.memory_space<vmem>>) target_semaphore(%arg8 : memref<!tpu.dma_semaphore, #tpu.memory_space<semaphore_mem>>)
    %dma_start3A_13 = arith.constant 0 : i32
    %dma_start3A_14 = arith.constant 0 : i32
    %dma_start3A_15 = tpu.memref_slice %arg3[%add3A_5, %dma_start3A_13, %dma_start3A_14] : memref<32x200x128xf32, #tpu.memory_space<hbm>> -> memref<1x200x128xf32, #tpu.memory_space<hbm>>
    %dma_start3A_16 = tpu.memref_squeeze %dma_start3A_15 : memref<1x200x128xf32, #tpu.memory_space<hbm>> -> memref<200x128xf32, #tpu.memory_space<hbm>>
    %dma_start3A_17 = arith.constant 0 : i32
    %dma_start3A_18 = arith.constant 0 : i32
    %dma_start3A_19 = tpu.memref_slice %arg3[%add3A_5, %dma_start3A_17, %dma_start3A_18] : memref<32x200x128xf32, #tpu.memory_space<hbm>> -> memref<1x200x128xf32, #tpu.memory_space<hbm>>
    %dma_start3A_20 = tpu.memref_squeeze %dma_start3A_19 : memref<1x200x128xf32, #tpu.memory_space<hbm>> -> memref<200x128xf32, #tpu.memory_space<hbm>>
    tpu.enqueue_dma source(%dma_start3A_20 : memref<200x128xf32, #tpu.memory_space<hbm>>) target(%arg7 : memref<200x128xf32, #tpu.memory_space<vmem>>) target_semaphore(%arg9 : memref<!tpu.dma_semaphore, #tpu.memory_space<semaphore_mem>>)
    %scan3A = arith.constant 0 : i32
    %scan3A_21 = arith.constant 400 : i32
    %scan3A_22 = arith.addi %scan3A, %scan3A_21 : i32
    %scan3A_23 = arith.constant 1 : i32
    scf.for %scan3A_45 = %scan3A to %scan3A_22 step %scan3A_23  : i32 {
      %swap3A = arith.index_cast %scan3A_45 : i32 to index
      %swap3A_46 = arith.constant 0 : index
      %swap3A_47 = tpu.vector_load %arg6[%swap3A, %swap3A_46] {strides = array<i32>} : memref<400x128xf32, #tpu.memory_space<vmem>>, vector<16xf32>,
      tpu.vector_store %arg6[%swap3A, %swap3A_46], %broadcast_in_dim3A_1 {strides = array<i32>} : memref<400x128xf32, #tpu.memory_space<vmem>>, vector<16xf32>,
      %swap3A_48 = arith.index_cast %scan3A_45 : i32 to index
      %swap3A_49 = arith.constant 16 : index
      %swap3A_50 = tpu.vector_load %arg6[%swap3A_48, %swap3A_49] {strides = array<i32>} : memref<400x128xf32, #tpu.memory_space<vmem>>, vector<16xf32>,
      tpu.vector_store %arg6[%swap3A_48, %swap3A_49], %broadcast_in_dim3A_1 {strides = array<i32>} : memref<400x128xf32, #tpu.memory_space<vmem>>, vector<16xf32>,
      %swap3A_51 = arith.index_cast %scan3A_45 : i32 to index
      %swap3A_52 = arith.constant 32 : index
      %swap3A_53 = tpu.vector_load %arg6[%swap3A_51, %swap3A_52] {strides = array<i32>} : memref<400x128xf32, #tpu.memory_space<vmem>>, vector<16xf32>,
      tpu.vector_store %arg6[%swap3A_51, %swap3A_52], %broadcast_in_dim3A_1 {strides = array<i32>} : memref<400x128xf32, #tpu.memory_space<vmem>>, vector<16xf32>,
      %swap3A_54 = arith.index_cast %scan3A_45 : i32 to index
      %swap3A_55 = arith.constant 48 : index
      %swap3A_56 = tpu.vector_load %arg6[%swap3A_54, %swap3A_55] {strides = array<i32>} : memref<400x128xf32, #tpu.memory_space<vmem>>, vector<16xf32>,
      tpu.vector_store %arg6[%swap3A_54, %swap3A_55], %broadcast_in_dim3A_1 {strides = array<i32>} : memref<400x128xf32, #tpu.memory_space<vmem>>, vector<16xf32>,
      %swap3A_57 = arith.index_cast %scan3A_45 : i32 to index
      %swap3A_58 = arith.constant 64 : index
      %swap3A_59 = tpu.vector_load %arg6[%swap3A_57, %swap3A_58] {strides = array<i32>} : memref<400x128xf32, #tpu.memory_space<vmem>>, vector<16xf32>,
      tpu.vector_store %arg6[%swap3A_57, %swap3A_58], %broadcast_in_dim3A_1 {strides = array<i32>} : memref<400x128xf32, #tpu.memory_space<vmem>>, vector<16xf32>,
      %swap3A_60 = arith.index_cast %scan3A_45 : i32 to index
      %swap3A_61 = arith.constant 80 : index
      %swap3A_62 = tpu.vector_load %arg6[%swap3A_60, %swap3A_61] {strides = array<i32>} : memref<400x128xf32, #tpu.memory_space<vmem>>, vector<16xf32>,
      tpu.vector_store %arg6[%swap3A_60, %swap3A_61], %broadcast_in_dim3A_1 {strides = array<i32>} : memref<400x128xf32, #tpu.memory_space<vmem>>, vector<16xf32>,
      %swap3A_63 = arith.index_cast %scan3A_45 : i32 to index
      %swap3A_64 = arith.constant 96 : index
      %swap3A_65 = tpu.vector_load %arg6[%swap3A_63, %swap3A_64] {strides = array<i32>} : memref<400x128xf32, #tpu.memory_space<vmem>>, vector<16xf32>,
      tpu.vector_store %arg6[%swap3A_63, %swap3A_64], %broadcast_in_dim3A_1 {strides = array<i32>} : memref<400x128xf32, #tpu.memory_space<vmem>>, vector<16xf32>,
      %swap3A_66 = arith.index_cast %scan3A_45 : i32 to index
      %swap3A_67 = arith.constant 112 : index
      %swap3A_68 = tpu.vector_load %arg6[%swap3A_66, %swap3A_67] {strides = array<i32>} : memref<400x128xf32, #tpu.memory_space<vmem>>, vector<16xf32>,
      tpu.vector_store %arg6[%swap3A_66, %swap3A_67], %broadcast_in_dim3A_1 {strides = array<i32>} : memref<400x128xf32, #tpu.memory_space<vmem>>, vector<16xf32>,
    }
    %scan3A_24 = arith.constant 400 : i32
    %dma_wait3A = arith.constant 0 : i32
    %dma_wait3A_25 = arith.constant 0 : i32
    %dma_wait3A_26 = tpu.memref_slice %arg3[%add3A_5, %dma_wait3A, %dma_wait3A_25] : memref<32x200x128xf32, #tpu.memory_space<hbm>> -> memref<1x200x128xf32, #tpu.memory_space<hbm>>
    %dma_wait3A_27 = tpu.memref_squeeze %dma_wait3A_26 : memref<1x200x128xf32, #tpu.memory_space<hbm>> -> memref<200x128xf32, #tpu.memory_space<hbm>>
    %dma_wait3A_28 = arith.constant 0 : i32
    %dma_wait3A_29 = arith.constant 0 : i32
    %dma_wait3A_30 = tpu.memref_slice %arg3[%add3A_5, %dma_wait3A_28, %dma_wait3A_29] : memref<32x200x128xf32, #tpu.memory_space<hbm>> -> memref<1x200x128xf32, #tpu.memory_space<hbm>>
    %dma_wait3A_31 = tpu.memref_squeeze %dma_wait3A_30 : memref<1x200x128xf32, #tpu.memory_space<hbm>> -> memref<200x128xf32, #tpu.memory_space<hbm>>
    tpu.wait_dma2 semaphore(%arg9 : memref<!tpu.dma_semaphore, #tpu.memory_space<semaphore_mem>>) src(%dma_wait3A_31 : memref<200x128xf32, #tpu.memory_space<hbm>>) dst(%arg7 : memref<200x128xf32, #tpu.memory_space<vmem>>)
    %dma_wait3A_32 = arith.constant 0 : i32
    %dma_wait3A_33 = arith.constant 0 : i32
    %dma_wait3A_34 = tpu.memref_slice %arg2[%add3A_5, %dma_wait3A_32, %dma_wait3A_33] : memref<32x400x128xf32, #tpu.memory_space<hbm>> -> memref<1x400x128xf32, #tpu.memory_space<hbm>>
    %dma_wait3A_35 = tpu.memref_squeeze %dma_wait3A_34 : memref<1x400x128xf32, #tpu.memory_space<hbm>> -> memref<400x128xf32, #tpu.memory_space<hbm>>
    %dma_wait3A_36 = arith.constant 0 : i32
    %dma_wait3A_37 = arith.constant 0 : i32
    %dma_wait3A_38 = tpu.memref_slice %arg2[%add3A_5, %dma_wait3A_36, %dma_wait3A_37] : memref<32x400x128xf32, #tpu.memory_space<hbm>> -> memref<1x400x128xf32, #tpu.memory_space<hbm>>
    %dma_wait3A_39 = tpu.memref_squeeze %dma_wait3A_38 : memref<1x400x128xf32, #tpu.memory_space<hbm>> -> memref<400x128xf32, #tpu.memory_space<hbm>>
    tpu.wait_dma2 semaphore(%arg8 : memref<!tpu.dma_semaphore, #tpu.memory_space<semaphore_mem>>) src(%dma_wait3A_39 : memref<400x128xf32, #tpu.memory_space<hbm>>) dst(%arg5 : memref<400x128xf32, #tpu.memory_space<vmem>>)
    %scan3A_40 = arith.constant 0 : i32
    %scan3A_41 = arith.constant 13 : i32
    %scan3A_42 = arith.addi %scan3A_40, %scan3A_41 : i32
    %scan3A_43 = arith.constant 1 : i32
    scf.for %scan3A_45 = %scan3A_40 to %scan3A_42 step %scan3A_43  : i32 {
      %mul3A_46 = arith.constant 16 : i32
      %mul3A_47 = arith.muli %scan3A_45, %mul3A_46 : i32
      %add3A_48 = vector.broadcast %mul3A_47 : i32 to vector<16xi32>
      %add3A_49 = arith.addi %add3A_48, %iota3A : vector<16xi32>
      %lt3A = arith.constant 200 : i32
      %lt3A_50 = vector.broadcast %lt3A : i32 to vector<16xi32>
      %lt3A_51 = arith.cmpi slt, %add3A_49, %lt3A_50 : vector<16xi32>
      %min3A = arith.constant 199 : i32
      %min3A_52 = vector.broadcast %min3A : i32 to vector<16xi32>
      %min3A_53 = arith.minsi %add3A_49, %min3A_52 : vector<16xi32>
      %broadcast_in_dim3A_54 = arith.constant 0xFF800000 : f32
      %broadcast_in_dim3A_55 = vector.broadcast %broadcast_in_dim3A_54 : f32 to vector<16xf32>
      %broadcast_in_dim3A_56 = arith.constant 0 : i32
      %broadcast_in_dim3A_57 = vector.broadcast %broadcast_in_dim3A_56 : i32 to vector<16xi32>
      %gather3A = tpu.vector_load_idx %arg7[%min3A_53, %broadcast_in_dim3A_57] : memref<200x128xf32, #tpu.memory_space<vmem>>[vector<16xi32>, vector<16xi32>], vector<16xf32>,
      %broadcast_in_dim3A_58 = arith.constant 16 : i32
      %broadcast_in_dim3A_59 = vector.broadcast %broadcast_in_dim3A_58 : i32 to vector<16xi32>
      %gather3A_60 = tpu.vector_load_idx %arg7[%min3A_53, %broadcast_in_dim3A_59] : memref<200x128xf32, #tpu.memory_space<vmem>>[vector<16xi32>, vector<16xi32>], vector<16xf32>,
      %bitcast3A = vector.bitcast %gather3A_60 : vector<16xf32> to vector<16xi32>
      %shift_right_arithmetic3A = arith.constant 7 : i32
      %shift_right_arithmetic3A_61 = vector.broadcast %shift_right_arithmetic3A : i32 to vector<16xi32>
      %shift_right_arithmetic3A_62 = arith.shrsi %bitcast3A, %shift_right_arithmetic3A_61 : vector<16xi32>
      %mul3A_63 = arith.constant 200 : i32
      %mul3A_64 = vector.broadcast %mul3A_63 : i32 to vector<16xi32>
      %mul3A_65 = arith.muli %shift_right_arithmetic3A_62, %mul3A_64 : vector<16xi32>
      %add3A_66 = arith.addi %mul3A_65, %min3A_53 : vector<16xi32>
      %and3A = arith.constant 127 : i32
      %and3A_67 = vector.broadcast %and3A : i32 to vector<16xi32>
      %and3A_68 = arith.andi %bitcast3A, %and3A_67 : vector<16xi32>
      %gather3A_69 = tpu.vector_load_idx %arg5[%add3A_66, %and3A_68] : memref<400x128xf32, #tpu.memory_space<vmem>>[vector<16xi32>, vector<16xi32>], vector<16xf32>,
      %add3A_70 = arith.addf %gather3A_69, %gather3A : vector<16xf32>
      %max3A = arith.maximumf %broadcast_in_dim3A_55, %add3A_70 : vector<16xf32>
      %broadcast_in_dim3A_71 = arith.constant 1 : i32
      %broadcast_in_dim3A_72 = vector.broadcast %broadcast_in_dim3A_71 : i32 to vector<16xi32>
      %gather3A_73 = tpu.vector_load_idx %arg7[%min3A_53, %broadcast_in_dim3A_72] : memref<200x128xf32, #tpu.memory_space<vmem>>[vector<16xi32>, vector<16xi32>], vector<16xf32>,
      %broadcast_in_dim3A_74 = arith.constant 17 : i32
      %broadcast_in_dim3A_75 = vector.broadcast %broadcast_in_dim3A_74 : i32 to vector<16xi32>
      %gather3A_76 = tpu.vector_load_idx %arg7[%min3A_53, %broadcast_in_dim3A_75] : memref<200x128xf32, #tpu.memory_space<vmem>>[vector<16xi32>, vector<16xi32>], vector<16xf32>,
      %bitcast3A_77 = vector.bitcast %gather3A_76 : vector<16xf32> to vector<16xi32>
      %shift_right_arithmetic3A_78 = arith.constant 7 : i32
      %shift_right_arithmetic3A_79 = vector.broadcast %shift_right_arithmetic3A_78 : i32 to vector<16xi32>
      %shift_right_arithmetic3A_80 = arith.shrsi %bitcast3A_77, %shift_right_arithmetic3A_79 : vector<16xi32>
      %mul3A_81 = arith.constant 200 : i32
      %mul3A_82 = vector.broadcast %mul3A_81 : i32 to vector<16xi32>
      %mul3A_83 = arith.muli %shift_right_arithmetic3A_80, %mul3A_82 : vector<16xi32>
      %add3A_84 = arith.addi %mul3A_83, %min3A_53 : vector<16xi32>
      %and3A_85 = arith.constant 127 : i32
      %and3A_86 = vector.broadcast %and3A_85 : i32 to vector<16xi32>
      %and3A_87 = arith.andi %bitcast3A_77, %and3A_86 : vector<16xi32>
      %gather3A_88 = tpu.vector_load_idx %arg5[%add3A_84, %and3A_87] : memref<400x128xf32, #tpu.memory_space<vmem>>[vector<16xi32>, vector<16xi32>], vector<16xf32>,
      %add3A_89 = arith.addf %gather3A_88, %gather3A_73 : vector<16xf32>
      %max3A_90 = arith.maximumf %max3A, %add3A_89 : vector<16xf32>
      %broadcast_in_dim3A_91 = arith.constant 2 : i32
      %broadcast_in_dim3A_92 = vector.broadcast %broadcast_in_dim3A_91 : i32 to vector<16xi32>
      %gather3A_93 = tpu.vector_load_idx %arg7[%min3A_53, %broadcast_in_dim3A_92] : memref<200x128xf32, #tpu.memory_space<vmem>>[vector<16xi32>, vector<16xi32>], vector<16xf32>,
      %broadcast_in_dim3A_94 = arith.constant 18 : i32
      %broadcast_in_dim3A_95 = vector.broadcast %broadcast_in_dim3A_94 : i32 to vector<16xi32>
      %gather3A_96 = tpu.vector_load_idx %arg7[%min3A_53, %broadcast_in_dim3A_95] : memref<200x128xf32, #tpu.memory_space<vmem>>[vector<16xi32>, vector<16xi32>], vector<16xf32>,
      %bitcast3A_97 = vector.bitcast %gather3A_96 : vector<16xf32> to vector<16xi32>
      %shift_right_arithmetic3A_98 = arith.constant 7 : i32
      %shift_right_arithmetic3A_99 = vector.broadcast %shift_right_arithmetic3A_98 : i32 to vector<16xi32>
      %shift_right_arithmetic3A_100 = arith.shrsi %bitcast3A_97, %shift_right_arithmetic3A_99 : vector<16xi32>
      %mul3A_101 = arith.constant 200 : i32
      %mul3A_102 = vector.broadcast %mul3A_101 : i32 to vector<16xi32>
      %mul3A_103 = arith.muli %shift_right_arithmetic3A_100, %mul3A_102 : vector<16xi32>
      %add3A_104 = arith.addi %mul3A_103, %min3A_53 : vector<16xi32>
      %and3A_105 = arith.constant 127 : i32
      %and3A_106 = vector.broadcast %and3A_105 : i32 to vector<16xi32>
      %and3A_107 = arith.andi %bitcast3A_97, %and3A_106 : vector<16xi32>
      %gather3A_108 = tpu.vector_load_idx %arg5[%add3A_104, %and3A_107] : memref<400x128xf32, #tpu.memory_space<vmem>>[vector<16xi32>, vector<16xi32>], vector<16xf32>,
      %add3A_109 = arith.addf %gather3A_108, %gather3A_93 : vector<16xf32>
      %max3A_110 = arith.maximumf %max3A_90, %add3A_109 : vector<16xf32>
      %broadcast_in_dim3A_111 = arith.constant 3 : i32
      %broadcast_in_dim3A_112 = vector.broadcast %broadcast_in_dim3A_111 : i32 to vector<16xi32>
      %gather3A_113 = tpu.vector_load_idx %arg7[%min3A_53, %broadcast_in_dim3A_112] : memref<200x128xf32, #tpu.memory_space<vmem>>[vector<16xi32>, vector<16xi32>], vector<16xf32>,
      %broadcast_in_dim3A_114 = arith.constant 19 : i32
      %broadcast_in_dim3A_115 = vector.broadcast %broadcast_in_dim3A_114 : i32 to vector<16xi32>
      %gather3A_116 = tpu.vector_load_idx %arg7[%min3A_53, %broadcast_in_dim3A_115] : memref<200x128xf32, #tpu.memory_space<vmem>>[vector<16xi32>, vector<16xi32>], vector<16xf32>,
      %bitcast3A_117 = vector.bitcast %gather3A_116 : vector<16xf32> to vector<16xi32>
      %shift_right_arithmetic3A_118 = arith.constant 7 : i32
      %shift_right_arithmetic3A_119 = vector.broadcast %shift_right_arithmetic3A_118 : i32 to vector<16xi32>
      %shift_right_arithmetic3A_120 = arith.shrsi %bitcast3A_117, %shift_right_arithmetic3A_119 : vector<16xi32>
      %mul3A_121 = arith.constant 200 : i32
      %mul3A_122 = vector.broadcast %mul3A_121 : i32 to vector<16xi32>
      %mul3A_123 = arith.muli %shift_right_arithmetic3A_120, %mul3A_122 : vector<16xi32>
      %add3A_124 = arith.addi %mul3A_123, %min3A_53 : vector<16xi32>
      %and3A_125 = arith.constant 127 : i32
      %and3A_126 = vector.broadcast %and3A_125 : i32 to vector<16xi32>
      %and3A_127 = arith.andi %bitcast3A_117, %and3A_126 : vector<16xi32>
      %gather3A_128 = tpu.vector_load_idx %arg5[%add3A_124, %and3A_127] : memref<400x128xf32, #tpu.memory_space<vmem>>[vector<16xi32>, vector<16xi32>], vector<16xf32>,
      %add3A_129 = arith.addf %gather3A_128, %gather3A_113 : vector<16xf32>
      %max3A_130 = arith.maximumf %max3A_110, %add3A_129 : vector<16xf32>
      %broadcast_in_dim3A_131 = arith.constant 4 : i32
      %broadcast_in_dim3A_132 = vector.broadcast %broadcast_in_dim3A_131 : i32 to vector<16xi32>
      %gather3A_133 = tpu.vector_load_idx %arg7[%min3A_53, %broadcast_in_dim3A_132] : memref<200x128xf32, #tpu.memory_space<vmem>>[vector<16xi32>, vector<16xi32>], vector<16xf32>,
      %broadcast_in_dim3A_134 = arith.constant 20 : i32
      %broadcast_in_dim3A_135 = vector.broadcast %broadcast_in_dim3A_134 : i32 to vector<16xi32>
      %gather3A_136 = tpu.vector_load_idx %arg7[%min3A_53, %broadcast_in_dim3A_135] : memref<200x128xf32, #tpu.memory_space<vmem>>[vector<16xi32>, vector<16xi32>], vector<16xf32>,
      %bitcast3A_137 = vector.bitcast %gather3A_136 : vector<16xf32> to vector<16xi32>
      %shift_right_arithmetic3A_138 = arith.constant 7 : i32
      %shift_right_arithmetic3A_139 = vector.broadcast %shift_right_arithmetic3A_138 : i32 to vector<16xi32>
      %shift_right_arithmetic3A_140 = arith.shrsi %bitcast3A_137, %shift_right_arithmetic3A_139 : vector<16xi32>
      %mul3A_141 = arith.constant 200 : i32
      %mul3A_142 = vector.broadcast %mul3A_141 : i32 to vector<16xi32>
      %mul3A_143 = arith.muli %shift_right_arithmetic3A_140, %mul3A_142 : vector<16xi32>
      %add3A_144 = arith.addi %mul3A_143, %min3A_53 : vector<16xi32>
      %and3A_145 = arith.constant 127 : i32
      %and3A_146 = vector.broadcast %and3A_145 : i32 to vector<16xi32>
      %and3A_147 = arith.andi %bitcast3A_137, %and3A_146 : vector<16xi32>
      %gather3A_148 = tpu.vector_load_idx %arg5[%add3A_144, %and3A_147] : memref<400x128xf32, #tpu.memory_space<vmem>>[vector<16xi32>, vector<16xi32>], vector<16xf32>,
      %add3A_149 = arith.addf %gather3A_148, %gather3A_133 : vector<16xf32>
      %max3A_150 = arith.maximumf %max3A_130, %add3A_149 : vector<16xf32>
      %broadcast_in_dim3A_151 = arith.constant 5 : i32
      %broadcast_in_dim3A_152 = vector.broadcast %broadcast_in_dim3A_151 : i32 to vector<16xi32>
      %gather3A_153 = tpu.vector_load_idx %arg7[%min3A_53, %broadcast_in_dim3A_152] : memref<200x128xf32, #tpu.memory_space<vmem>>[vector<16xi32>, vector<16xi32>], vector<16xf32>,
      %broadcast_in_dim3A_154 = arith.constant 21 : i32
      %broadcast_in_dim3A_155 = vector.broadcast %broadcast_in_dim3A_154 : i32 to vector<16xi32>
      %gather3A_156 = tpu.vector_load_idx %arg7[%min3A_53, %broadcast_in_dim3A_155] : memref<200x128xf32, #tpu.memory_space<vmem>>[vector<16xi32>, vector<16xi32>], vector<16xf32>,
      %bitcast3A_157 = vector.bitcast %gather3A_156 : vector<16xf32> to vector<16xi32>
      %shift_right_arithmetic3A_158 = arith.constant 7 : i32
      %shift_right_arithmetic3A_159 = vector.broadcast %shift_right_arithmetic3A_158 : i32 to vector<16xi32>
      %shift_right_arithmetic3A_160 = arith.shrsi %bitcast3A_157, %shift_right_arithmetic3A_159 : vector<16xi32>
      %mul3A_161 = arith.constant 200 : i32
      %mul3A_162 = vector.broadcast %mul3A_161 : i32 to vector<16xi32>
      %mul3A_163 = arith.muli %shift_right_arithmetic3A_160, %mul3A_162 : vector<16xi32>
      %add3A_164 = arith.addi %mul3A_163, %min3A_53 : vector<16xi32>
      %and3A_165 = arith.constant 127 : i32
      %and3A_166 = vector.broadcast %and3A_165 : i32 to vector<16xi32>
      %and3A_167 = arith.andi %bitcast3A_157, %and3A_166 : vector<16xi32>
      %gather3A_168 = tpu.vector_load_idx %arg5[%add3A_164, %and3A_167] : memref<400x128xf32, #tpu.memory_space<vmem>>[vector<16xi32>, vector<16xi32>], vector<16xf32>,
      %add3A_169 = arith.addf %gather3A_168, %gather3A_153 : vector<16xf32>
      %max3A_170 = arith.maximumf %max3A_150, %add3A_169 : vector<16xf32>
      %broadcast_in_dim3A_171 = arith.constant 6 : i32
      %broadcast_in_dim3A_172 = vector.broadcast %broadcast_in_dim3A_171 : i32 to vector<16xi32>
      %gather3A_173 = tpu.vector_load_idx %arg7[%min3A_53, %broadcast_in_dim3A_172] : memref<200x128xf32, #tpu.memory_space<vmem>>[vector<16xi32>, vector<16xi32>], vector<16xf32>,
      %broadcast_in_dim3A_174 = arith.constant 22 : i32
      %broadcast_in_dim3A_175 = vector.broadcast %broadcast_in_dim3A_174 : i32 to vector<16xi32>
      %gather3A_176 = tpu.vector_load_idx %arg7[%min3A_53, %broadcast_in_dim3A_175] : memref<200x128xf32, #tpu.memory_space<vmem>>[vector<16xi32>, vector<16xi32>], vector<16xf32>,
      %bitcast3A_177 = vector.bitcast %gather3A_176 : vector<16xf32> to vector<16xi32>
      %shift_right_arithmetic3A_178 = arith.constant 7 : i32
      %shift_right_arithmetic3A_179 = vector.broadcast %shift_right_arithmetic3A_178 : i32 to vector<16xi32>
      %shift_right_arithmetic3A_180 = arith.shrsi %bitcast3A_177, %shift_right_arithmetic3A_179 : vector<16xi32>
      %mul3A_181 = arith.constant 200 : i32
      %mul3A_182 = vector.broadcast %mul3A_181 : i32 to vector<16xi32>
      %mul3A_183 = arith.muli %shift_right_arithmetic3A_180, %mul3A_182 : vector<16xi32>
      %add3A_184 = arith.addi %mul3A_183, %min3A_53 : vector<16xi32>
      %and3A_185 = arith.constant 127 : i32
      %and3A_186 = vector.broadcast %and3A_185 : i32 to vector<16xi32>
      %and3A_187 = arith.andi %bitcast3A_177, %and3A_186 : vector<16xi32>
      %gather3A_188 = tpu.vector_load_idx %arg5[%add3A_184, %and3A_187] : memref<400x128xf32, #tpu.memory_space<vmem>>[vector<16xi32>, vector<16xi32>], vector<16xf32>,
      %add3A_189 = arith.addf %gather3A_188, %gather3A_173 : vector<16xf32>
      %max3A_190 = arith.maximumf %max3A_170, %add3A_189 : vector<16xf32>
      %broadcast_in_dim3A_191 = arith.constant 7 : i32
      %broadcast_in_dim3A_192 = vector.broadcast %broadcast_in_dim3A_191 : i32 to vector<16xi32>
      %gather3A_193 = tpu.vector_load_idx %arg7[%min3A_53, %broadcast_in_dim3A_192] : memref<200x128xf32, #tpu.memory_space<vmem>>[vector<16xi32>, vector<16xi32>], vector<16xf32>,
      %broadcast_in_dim3A_194 = arith.constant 23 : i32
      %broadcast_in_dim3A_195 = vector.broadcast %broadcast_in_dim3A_194 : i32 to vector<16xi32>
      %gather3A_196 = tpu.vector_load_idx %arg7[%min3A_53, %broadcast_in_dim3A_195] : memref<200x128xf32, #tpu.memory_space<vmem>>[vector<16xi32>, vector<16xi32>], vector<16xf32>,
      %bitcast3A_197 = vector.bitcast %gather3A_196 : vector<16xf32> to vector<16xi32>
      %shift_right_arithmetic3A_198 = arith.constant 7 : i32
      %shift_right_arithmetic3A_199 = vector.broadcast %shift_right_arithmetic3A_198 : i32 to vector<16xi32>
      %shift_right_arithmetic3A_200 = arith.shrsi %bitcast3A_197, %shift_right_arithmetic3A_199 : vector<16xi32>
      %mul3A_201 = arith.constant 200 : i32
      %mul3A_202 = vector.broadcast %mul3A_201 : i32 to vector<16xi32>
      %mul3A_203 = arith.muli %shift_right_arithmetic3A_200, %mul3A_202 : vector<16xi32>
      %add3A_204 = arith.addi %mul3A_203, %min3A_53 : vector<16xi32>
      %and3A_205 = arith.constant 127 : i32
      %and3A_206 = vector.broadcast %and3A_205 : i32 to vector<16xi32>
      %and3A_207 = arith.andi %bitcast3A_197, %and3A_206 : vector<16xi32>
      %gather3A_208 = tpu.vector_load_idx %arg5[%add3A_204, %and3A_207] : memref<400x128xf32, #tpu.memory_space<vmem>>[vector<16xi32>, vector<16xi32>], vector<16xf32>,
      %add3A_209 = arith.addf %gather3A_208, %gather3A_193 : vector<16xf32>
      %max3A_210 = arith.maximumf %max3A_190, %add3A_209 : vector<16xf32>
      %broadcast_in_dim3A_211 = arith.constant 8 : i32
      %broadcast_in_dim3A_212 = vector.broadcast %broadcast_in_dim3A_211 : i32 to vector<16xi32>
      %gather3A_213 = tpu.vector_load_idx %arg7[%min3A_53, %broadcast_in_dim3A_212] : memref<200x128xf32, #tpu.memory_space<vmem>>[vector<16xi32>, vector<16xi32>], vector<16xf32>,
      %broadcast_in_dim3A_214 = arith.constant 24 : i32
      %broadcast_in_dim3A_215 = vector.broadcast %broadcast_in_dim3A_214 : i32 to vector<16xi32>
      %gather3A_216 = tpu.vector_load_idx %arg7[%min3A_53, %broadcast_in_dim3A_215] : memref<200x128xf32, #tpu.memory_space<vmem>>[vector<16xi32>, vector<16xi32>], vector<16xf32>,
      %bitcast3A_217 = vector.bitcast %gather3A_216 : vector<16xf32> to vector<16xi32>
      %shift_right_arithmetic3A_218 = arith.constant 7 : i32
      %shift_right_arithmetic3A_219 = vector.broadcast %shift_right_arithmetic3A_218 : i32 to vector<16xi32>
      %shift_right_arithmetic3A_220 = arith.shrsi %bitcast3A_217, %shift_right_arithmetic3A_219 : vector<16xi32>
      %mul3A_221 = arith.constant 200 : i32
      %mul3A_222 = vector.broadcast %mul3A_221 : i32 to vector<16xi32>
      %mul3A_223 = arith.muli %shift_right_arithmetic3A_220, %mul3A_222 : vector<16xi32>
      %add3A_224 = arith.addi %mul3A_223, %min3A_53 : vector<16xi32>
      %and3A_225 = arith.constant 127 : i32
      %and3A_226 = vector.broadcast %and3A_225 : i32 to vector<16xi32>
      %and3A_227 = arith.andi %bitcast3A_217, %and3A_226 : vector<16xi32>
      %gather3A_228 = tpu.vector_load_idx %arg5[%add3A_224, %and3A_227] : memref<400x128xf32, #tpu.memory_space<vmem>>[vector<16xi32>, vector<16xi32>], vector<16xf32>,
      %add3A_229 = arith.addf %gather3A_228, %gather3A_213 : vector<16xf32>
      %max3A_230 = arith.maximumf %max3A_210, %add3A_229 : vector<16xf32>
      %broadcast_in_dim3A_231 = arith.constant 9 : i32
      %broadcast_in_dim3A_232 = vector.broadcast %broadcast_in_dim3A_231 : i32 to vector<16xi32>
      %gather3A_233 = tpu.vector_load_idx %arg7[%min3A_53, %broadcast_in_dim3A_232] : memref<200x128xf32, #tpu.memory_space<vmem>>[vector<16xi32>, vector<16xi32>], vector<16xf32>,
      %broadcast_in_dim3A_234 = arith.constant 25 : i32
      %broadcast_in_dim3A_235 = vector.broadcast %broadcast_in_dim3A_234 : i32 to vector<16xi32>
      %gather3A_236 = tpu.vector_load_idx %arg7[%min3A_53, %broadcast_in_dim3A_235] : memref<200x128xf32, #tpu.memory_space<vmem>>[vector<16xi32>, vector<16xi32>], vector<16xf32>,
      %bitcast3A_237 = vector.bitcast %gather3A_236 : vector<16xf32> to vector<16xi32>
      %shift_right_arithmetic3A_238 = arith.constant 7 : i32
      %shift_right_arithmetic3A_239 = vector.broadcast %shift_right_arithmetic3A_238 : i32 to vector<16xi32>
      %shift_right_arithmetic3A_240 = arith.shrsi %bitcast3A_237, %shift_right_arithmetic3A_239 : vector<16xi32>
      %mul3A_241 = arith.constant 200 : i32
      %mul3A_242 = vector.broadcast %mul3A_241 : i32 to vector<16xi32>
      %mul3A_243 = arith.muli %shift_right_arithmetic3A_240, %mul3A_242 : vector<16xi32>
      %add3A_244 = arith.addi %mul3A_243, %min3A_53 : vector<16xi32>
      %and3A_245 = arith.constant 127 : i32
      %and3A_246 = vector.broadcast %and3A_245 : i32 to vector<16xi32>
      %and3A_247 = arith.andi %bitcast3A_237, %and3A_246 : vector<16xi32>
      %gather3A_248 = tpu.vector_load_idx %arg5[%add3A_244, %and3A_247] : memref<400x128xf32, #tpu.memory_space<vmem>>[vector<16xi32>, vector<16xi32>], vector<16xf32>,
      %add3A_249 = arith.addf %gather3A_248, %gather3A_233 : vector<16xf32>
      %max3A_250 = arith.maximumf %max3A_230, %add3A_249 : vector<16xf32>
      %broadcast_in_dim3A_251 = arith.constant 10 : i32
      %broadcast_in_dim3A_252 = vector.broadcast %broadcast_in_dim3A_251 : i32 to vector<16xi32>
      %gather3A_253 = tpu.vector_load_idx %arg7[%min3A_53, %broadcast_in_dim3A_252] : memref<200x128xf32, #tpu.memory_space<vmem>>[vector<16xi32>, vector<16xi32>], vector<16xf32>,
      %broadcast_in_dim3A_254 = arith.constant 26 : i32
      %broadcast_in_dim3A_255 = vector.broadcast %broadcast_in_dim3A_254 : i32 to vector<16xi32>
      %gather3A_256 = tpu.vector_load_idx %arg7[%min3A_53, %broadcast_in_dim3A_255] : memref<200x128xf32, #tpu.memory_space<vmem>>[vector<16xi32>, vector<16xi32>], vector<16xf32>,
      %bitcast3A_257 = vector.bitcast %gather3A_256 : vector<16xf32> to vector<16xi32>
      %shift_right_arithmetic3A_258 = arith.constant 7 : i32
      %shift_right_arithmetic3A_259 = vector.broadcast %shift_right_arithmetic3A_258 : i32 to vector<16xi32>
      %shift_right_arithmetic3A_260 = arith.shrsi %bitcast3A_257, %shift_right_arithmetic3A_259 : vector<16xi32>
      %mul3A_261 = arith.constant 200 : i32
      %mul3A_262 = vector.broadcast %mul3A_261 : i32 to vector<16xi32>
      %mul3A_263 = arith.muli %shift_right_arithmetic3A_260, %mul3A_262 : vector<16xi32>
      %add3A_264 = arith.addi %mul3A_263, %min3A_53 : vector<16xi32>
      %and3A_265 = arith.constant 127 : i32
      %and3A_266 = vector.broadcast %and3A_265 : i32 to vector<16xi32>
      %and3A_267 = arith.andi %bitcast3A_257, %and3A_266 : vector<16xi32>
      %gather3A_268 = tpu.vector_load_idx %arg5[%add3A_264, %and3A_267] : memref<400x128xf32, #tpu.memory_space<vmem>>[vector<16xi32>, vector<16xi32>], vector<16xf32>,
      %add3A_269 = arith.addf %gather3A_268, %gather3A_253 : vector<16xf32>
      %max3A_270 = arith.maximumf %max3A_250, %add3A_269 : vector<16xf32>
      %broadcast_in_dim3A_271 = arith.constant 11 : i32
      %broadcast_in_dim3A_272 = vector.broadcast %broadcast_in_dim3A_271 : i32 to vector<16xi32>
      %gather3A_273 = tpu.vector_load_idx %arg7[%min3A_53, %broadcast_in_dim3A_272] : memref<200x128xf32, #tpu.memory_space<vmem>>[vector<16xi32>, vector<16xi32>], vector<16xf32>,
      %broadcast_in_dim3A_274 = arith.constant 27 : i32
      %broadcast_in_dim3A_275 = vector.broadcast %broadcast_in_dim3A_274 : i32 to vector<16xi32>
      %gather3A_276 = tpu.vector_load_idx %arg7[%min3A_53, %broadcast_in_dim3A_275] : memref<200x128xf32, #tpu.memory_space<vmem>>[vector<16xi32>, vector<16xi32>], vector<16xf32>,
      %bitcast3A_277 = vector.bitcast %gather3A_276 : vector<16xf32> to vector<16xi32>
      %shift_right_arithmetic3A_278 = arith.constant 7 : i32
      %shift_right_arithmetic3A_279 = vector.broadcast %shift_right_arithmetic3A_278 : i32 to vector<16xi32>
      %shift_right_arithmetic3A_280 = arith.shrsi %bitcast3A_277, %shift_right_arithmetic3A_279 : vector<16xi32>
      %mul3A_281 = arith.constant 200 : i32
      %mul3A_282 = vector.broadcast %mul3A_281 : i32 to vector<16xi32>
      %mul3A_283 = arith.muli %shift_right_arithmetic3A_280, %mul3A_282 : vector<16xi32>
      %add3A_284 = arith.addi %mul3A_283, %min3A_53 : vector<16xi32>
      %and3A_285 = arith.constant 127 : i32
      %and3A_286 = vector.broadcast %and3A_285 : i32 to vector<16xi32>
      %and3A_287 = arith.andi %bitcast3A_277, %and3A_286 : vector<16xi32>
      %gather3A_288 = tpu.vector_load_idx %arg5[%add3A_284, %and3A_287] : memref<400x128xf32, #tpu.memory_space<vmem>>[vector<16xi32>, vector<16xi32>], vector<16xf32>,
      %add3A_289 = arith.addf %gather3A_288, %gather3A_273 : vector<16xf32>
      %max3A_290 = arith.maximumf %max3A_270, %add3A_289 : vector<16xf32>
      %broadcast_in_dim3A_291 = arith.constant 12 : i32
      %broadcast_in_dim3A_292 = vector.broadcast %broadcast_in_dim3A_291 : i32 to vector<16xi32>
      %gather3A_293 = tpu.vector_load_idx %arg7[%min3A_53, %broadcast_in_dim3A_292] : memref<200x128xf32, #tpu.memory_space<vmem>>[vector<16xi32>, vector<16xi32>], vector<16xf32>,
      %broadcast_in_dim3A_294 = arith.constant 28 : i32
      %broadcast_in_dim3A_295 = vector.broadcast %broadcast_in_dim3A_294 : i32 to vector<16xi32>
      %gather3A_296 = tpu.vector_load_idx %arg7[%min3A_53, %broadcast_in_dim3A_295] : memref<200x128xf32, #tpu.memory_space<vmem>>[vector<16xi32>, vector<16xi32>], vector<16xf32>,
      %bitcast3A_297 = vector.bitcast %gather3A_296 : vector<16xf32> to vector<16xi32>
      %shift_right_arithmetic3A_298 = arith.constant 7 : i32
      %shift_right_arithmetic3A_299 = vector.broadcast %shift_right_arithmetic3A_298 : i32 to vector<16xi32>
      %shift_right_arithmetic3A_300 = arith.shrsi %bitcast3A_297, %shift_right_arithmetic3A_299 : vector<16xi32>
      %mul3A_301 = arith.constant 200 : i32
      %mul3A_302 = vector.broadcast %mul3A_301 : i32 to vector<16xi32>
      %mul3A_303 = arith.muli %shift_right_arithmetic3A_300, %mul3A_302 : vector<16xi32>
      %add3A_304 = arith.addi %mul3A_303, %min3A_53 : vector<16xi32>
      %and3A_305 = arith.constant 127 : i32
      %and3A_306 = vector.broadcast %and3A_305 : i32 to vector<16xi32>
      %and3A_307 = arith.andi %bitcast3A_297, %and3A_306 : vector<16xi32>
      %gather3A_308 = tpu.vector_load_idx %arg5[%add3A_304, %and3A_307] : memref<400x128xf32, #tpu.memory_space<vmem>>[vector<16xi32>, vector<16xi32>], vector<16xf32>,
      %add3A_309 = arith.addf %gather3A_308, %gather3A_293 : vector<16xf32>
      %max3A_310 = arith.maximumf %max3A_290, %add3A_309 : vector<16xf32>
      %broadcast_in_dim3A_311 = arith.constant 13 : i32
      %broadcast_in_dim3A_312 = vector.broadcast %broadcast_in_dim3A_311 : i32 to vector<16xi32>
      %gather3A_313 = tpu.vector_load_idx %arg7[%min3A_53, %broadcast_in_dim3A_312] : memref<200x128xf32, #tpu.memory_space<vmem>>[vector<16xi32>, vector<16xi32>], vector<16xf32>,
      %broadcast_in_dim3A_314 = arith.constant 29 : i32
      %broadcast_in_dim3A_315 = vector.broadcast %broadcast_in_dim3A_314 : i32 to vector<16xi32>
      %gather3A_316 = tpu.vector_load_idx %arg7[%min3A_53, %broadcast_in_dim3A_315] : memref<200x128xf32, #tpu.memory_space<vmem>>[vector<16xi32>, vector<16xi32>], vector<16xf32>,
      %bitcast3A_317 = vector.bitcast %gather3A_316 : vector<16xf32> to vector<16xi32>
      %shift_right_arithmetic3A_318 = arith.constant 7 : i32
      %shift_right_arithmetic3A_319 = vector.broadcast %shift_right_arithmetic3A_318 : i32 to vector<16xi32>
      %shift_right_arithmetic3A_320 = arith.shrsi %bitcast3A_317, %shift_right_arithmetic3A_319 : vector<16xi32>
      %mul3A_321 = arith.constant 200 : i32
      %mul3A_322 = vector.broadcast %mul3A_321 : i32 to vector<16xi32>
      %mul3A_323 = arith.muli %shift_right_arithmetic3A_320, %mul3A_322 : vector<16xi32>
      %add3A_324 = arith.addi %mul3A_323, %min3A_53 : vector<16xi32>
      %and3A_325 = arith.constant 127 : i32
      %and3A_326 = vector.broadcast %and3A_325 : i32 to vector<16xi32>
      %and3A_327 = arith.andi %bitcast3A_317, %and3A_326 : vector<16xi32>
      %gather3A_328 = tpu.vector_load_idx %arg5[%add3A_324, %and3A_327] : memref<400x128xf32, #tpu.memory_space<vmem>>[vector<16xi32>, vector<16xi32>], vector<16xf32>,
      %add3A_329 = arith.addf %gather3A_328, %gather3A_313 : vector<16xf32>
      %max3A_330 = arith.maximumf %max3A_310, %add3A_329 : vector<16xf32>
      %broadcast_in_dim3A_331 = arith.constant 14 : i32
      %broadcast_in_dim3A_332 = vector.broadcast %broadcast_in_dim3A_331 : i32 to vector<16xi32>
      %gather3A_333 = tpu.vector_load_idx %arg7[%min3A_53, %broadcast_in_dim3A_332] : memref<200x128xf32, #tpu.memory_space<vmem>>[vector<16xi32>, vector<16xi32>], vector<16xf32>,
      %broadcast_in_dim3A_334 = arith.constant 30 : i32
      %broadcast_in_dim3A_335 = vector.broadcast %broadcast_in_dim3A_334 : i32 to vector<16xi32>
      %gather3A_336 = tpu.vector_load_idx %arg7[%min3A_53, %broadcast_in_dim3A_335] : memref<200x128xf32, #tpu.memory_space<vmem>>[vector<16xi32>, vector<16xi32>], vector<16xf32>,
      %bitcast3A_337 = vector.bitcast %gather3A_336 : vector<16xf32> to vector<16xi32>
      %shift_right_arithmetic3A_338 = arith.constant 7 : i32
      %shift_right_arithmetic3A_339 = vector.broadcast %shift_right_arithmetic3A_338 : i32 to vector<16xi32>
      %shift_right_arithmetic3A_340 = arith.shrsi %bitcast3A_337, %shift_right_arithmetic3A_339 : vector<16xi32>
      %mul3A_341 = arith.constant 200 : i32
      %mul3A_342 = vector.broadcast %mul3A_341 : i32 to vector<16xi32>
      %mul3A_343 = arith.muli %shift_right_arithmetic3A_340, %mul3A_342 : vector<16xi32>
      %add3A_344 = arith.addi %mul3A_343, %min3A_53 : vector<16xi32>
      %and3A_345 = arith.constant 127 : i32
      %and3A_346 = vector.broadcast %and3A_345 : i32 to vector<16xi32>
      %and3A_347 = arith.andi %bitcast3A_337, %and3A_346 : vector<16xi32>
      %gather3A_348 = tpu.vector_load_idx %arg5[%add3A_344, %and3A_347] : memref<400x128xf32, #tpu.memory_space<vmem>>[vector<16xi32>, vector<16xi32>], vector<16xf32>,
      %add3A_349 = arith.addf %gather3A_348, %gather3A_333 : vector<16xf32>
      %max3A_350 = arith.maximumf %max3A_330, %add3A_349 : vector<16xf32>
      %broadcast_in_dim3A_351 = arith.constant 15 : i32
      %broadcast_in_dim3A_352 = vector.broadcast %broadcast_in_dim3A_351 : i32 to vector<16xi32>
      %gather3A_353 = tpu.vector_load_idx %arg7[%min3A_53, %broadcast_in_dim3A_352] : memref<200x128xf32, #tpu.memory_space<vmem>>[vector<16xi32>, vector<16xi32>], vector<16xf32>,
      %broadcast_in_dim3A_354 = arith.constant 31 : i32
      %broadcast_in_dim3A_355 = vector.broadcast %broadcast_in_dim3A_354 : i32 to vector<16xi32>
      %gather3A_356 = tpu.vector_load_idx %arg7[%min3A_53, %broadcast_in_dim3A_355] : memref<200x128xf32, #tpu.memory_space<vmem>>[vector<16xi32>, vector<16xi32>], vector<16xf32>,
      %bitcast3A_357 = vector.bitcast %gather3A_356 : vector<16xf32> to vector<16xi32>
      %shift_right_arithmetic3A_358 = arith.constant 7 : i32
      %shift_right_arithmetic3A_359 = vector.broadcast %shift_right_arithmetic3A_358 : i32 to vector<16xi32>
      %shift_right_arithmetic3A_360 = arith.shrsi %bitcast3A_357, %shift_right_arithmetic3A_359 : vector<16xi32>
      %mul3A_361 = arith.constant 200 : i32
      %mul3A_362 = vector.broadcast %mul3A_361 : i32 to vector<16xi32>
      %mul3A_363 = arith.muli %shift_right_arithmetic3A_360, %mul3A_362 : vector<16xi32>
      %add3A_364 = arith.addi %mul3A_363, %min3A_53 : vector<16xi32>
      %and3A_365 = arith.constant 127 : i32
      %and3A_366 = vector.broadcast %and3A_365 : i32 to vector<16xi32>
      %and3A_367 = arith.andi %bitcast3A_357, %and3A_366 : vector<16xi32>
      %gather3A_368 = tpu.vector_load_idx %arg5[%add3A_364, %and3A_367] : memref<400x128xf32, #tpu.memory_space<vmem>>[vector<16xi32>, vector<16xi32>], vector<16xf32>,
      %add3A_369 = arith.addf %gather3A_368, %gather3A_353 : vector<16xf32>
      %max3A_370 = arith.maximumf %max3A_350, %add3A_369 : vector<16xf32>
      %sub3A = arith.subf %add3A_70, %max3A_370 : vector<16xf32>
      %exp3A = math.exp %sub3A : vector<16xf32>
      %sub3A_371 = arith.subf %add3A_89, %max3A_370 : vector<16xf32>
      %exp3A_372 = math.exp %sub3A_371 : vector<16xf32>
      %sub3A_373 = arith.subf %add3A_109, %max3A_370 : vector<16xf32>
      %exp3A_374 = math.exp %sub3A_373 : vector<16xf32>
      %sub3A_375 = arith.subf %add3A_129, %max3A_370 : vector<16xf32>
      %exp3A_376 = math.exp %sub3A_375 : vector<16xf32>
      %sub3A_377 = arith.subf %add3A_149, %max3A_370 : vector<16xf32>
      %exp3A_378 = math.exp %sub3A_377 : vector<16xf32>
      %sub3A_379 = arith.subf %add3A_169, %max3A_370 : vector<16xf32>
      %exp3A_380 = math.exp %sub3A_379 : vector<16xf32>
      %sub3A_381 = arith.subf %add3A_189, %max3A_370 : vector<16xf32>
      %exp3A_382 = math.exp %sub3A_381 : vector<16xf32>
      %sub3A_383 = arith.subf %add3A_209, %max3A_370 : vector<16xf32>
      %exp3A_384 = math.exp %sub3A_383 : vector<16xf32>
      %sub3A_385 = arith.subf %add3A_229, %max3A_370 : vector<16xf32>
      %exp3A_386 = math.exp %sub3A_385 : vector<16xf32>
      %sub3A_387 = arith.subf %add3A_249, %max3A_370 : vector<16xf32>
      %exp3A_388 = math.exp %sub3A_387 : vector<16xf32>
      %sub3A_389 = arith.subf %add3A_269, %max3A_370 : vector<16xf32>
      %exp3A_390 = math.exp %sub3A_389 : vector<16xf32>
      %sub3A_391 = arith.subf %add3A_289, %max3A_370 : vector<16xf32>
      %exp3A_392 = math.exp %sub3A_391 : vector<16xf32>
      %sub3A_393 = arith.subf %add3A_309, %max3A_370 : vector<16xf32>
      %exp3A_394 = math.exp %sub3A_393 : vector<16xf32>
      %sub3A_395 = arith.subf %add3A_329, %max3A_370 : vector<16xf32>
      %exp3A_396 = math.exp %sub3A_395 : vector<16xf32>
      %sub3A_397 = arith.subf %add3A_349, %max3A_370 : vector<16xf32>
      %exp3A_398 = math.exp %sub3A_397 : vector<16xf32>
      %sub3A_399 = arith.subf %add3A_369, %max3A_370 : vector<16xf32>
      %exp3A_400 = math.exp %sub3A_399 : vector<16xf32>
      %add3A_401 = arith.addf %broadcast_in_dim3A_1, %exp3A : vector<16xf32>
      %add3A_402 = arith.addf %add3A_401, %exp3A_372 : vector<16xf32>
      %add3A_403 = arith.addf %add3A_402, %exp3A_374 : vector<16xf32>
      %add3A_404 = arith.addf %add3A_403, %exp3A_376 : vector<16xf32>
      %add3A_405 = arith.addf %add3A_404, %exp3A_378 : vector<16xf32>
      %add3A_406 = arith.addf %add3A_405, %exp3A_380 : vector<16xf32>
      %add3A_407 = arith.addf %add3A_406, %exp3A_382 : vector<16xf32>
      %add3A_408 = arith.addf %add3A_407, %exp3A_384 : vector<16xf32>
      %add3A_409 = arith.addf %add3A_408, %exp3A_386 : vector<16xf32>
      %add3A_410 = arith.addf %add3A_409, %exp3A_388 : vector<16xf32>
      %add3A_411 = arith.addf %add3A_410, %exp3A_390 : vector<16xf32>
      %add3A_412 = arith.addf %add3A_411, %exp3A_392 : vector<16xf32>
      %add3A_413 = arith.addf %add3A_412, %exp3A_394 : vector<16xf32>
      %add3A_414 = arith.addf %add3A_413, %exp3A_396 : vector<16xf32>
      %add3A_415 = arith.addf %add3A_414, %exp3A_398 : vector<16xf32>
      %add3A_416 = arith.addf %add3A_415, %exp3A_400 : vector<16xf32>
      %div3A = arith.constant 1.000000e+00 : f32
      %div3A_417 = vector.broadcast %div3A : f32 to vector<16xf32>
      %div3A_418 = arith.divf %div3A_417, %add3A_416 : vector<16xf32>
      %shift_right_arithmetic3A_419 = arith.constant 7 : i32
      %shift_right_arithmetic3A_420 = vector.broadcast %shift_right_arithmetic3A_419 : i32 to vector<16xi32>
      %shift_right_arithmetic3A_421 = arith.shrsi %bitcast3A, %shift_right_arithmetic3A_420 : vector<16xi32>
      %mul3A_422 = arith.constant 200 : i32
      %mul3A_423 = vector.broadcast %mul3A_422 : i32 to vector<16xi32>
      %mul3A_424 = arith.muli %shift_right_arithmetic3A_421, %mul3A_423 : vector<16xi32>
      %add3A_425 = arith.addi %mul3A_424, %min3A_53 : vector<16xi32>
      %and3A_426 = arith.constant 127 : i32
      %and3A_427 = vector.broadcast %and3A_426 : i32 to vector<16xi32>
      %and3A_428 = arith.andi %bitcast3A, %and3A_427 : vector<16xi32>
      %mul3A_429 = arith.mulf %exp3A, %div3A_418 : vector<16xf32>
      tpu.vector_store_idx %arg6[%add3A_425, %and3A_428], %mul3A_429 masked %lt3A_51 {add = true} : memref<400x128xf32, #tpu.memory_space<vmem>>[vector<16xi32>, vector<16xi32>], vector<16xf32>, vector<16xi1>
      %shift_right_arithmetic3A_430 = arith.constant 7 : i32
      %shift_right_arithmetic3A_431 = vector.broadcast %shift_right_arithmetic3A_430 : i32 to vector<16xi32>
      %shift_right_arithmetic3A_432 = arith.shrsi %bitcast3A_77, %shift_right_arithmetic3A_431 : vector<16xi32>
      %mul3A_433 = arith.constant 200 : i32
      %mul3A_434 = vector.broadcast %mul3A_433 : i32 to vector<16xi32>
      %mul3A_435 = arith.muli %shift_right_arithmetic3A_432, %mul3A_434 : vector<16xi32>
      %add3A_436 = arith.addi %mul3A_435, %min3A_53 : vector<16xi32>
      %and3A_437 = arith.constant 127 : i32
      %and3A_438 = vector.broadcast %and3A_437 : i32 to vector<16xi32>
      %and3A_439 = arith.andi %bitcast3A_77, %and3A_438 : vector<16xi32>
      %mul3A_440 = arith.mulf %exp3A_372, %div3A_418 : vector<16xf32>
      tpu.vector_store_idx %arg6[%add3A_436, %and3A_439], %mul3A_440 masked %lt3A_51 {add = true} : memref<400x128xf32, #tpu.memory_space<vmem>>[vector<16xi32>, vector<16xi32>], vector<16xf32>, vector<16xi1>
      %shift_right_arithmetic3A_441 = arith.constant 7 : i32
      %shift_right_arithmetic3A_442 = vector.broadcast %shift_right_arithmetic3A_441 : i32 to vector<16xi32>
      %shift_right_arithmetic3A_443 = arith.shrsi %bitcast3A_97, %shift_right_arithmetic3A_442 : vector<16xi32>
      %mul3A_444 = arith.constant 200 : i32
      %mul3A_445 = vector.broadcast %mul3A_444 : i32 to vector<16xi32>
      %mul3A_446 = arith.muli %shift_right_arithmetic3A_443, %mul3A_445 : vector<16xi32>
      %add3A_447 = arith.addi %mul3A_446, %min3A_53 : vector<16xi32>
      %and3A_448 = arith.constant 127 : i32
      %and3A_449 = vector.broadcast %and3A_448 : i32 to vector<16xi32>
      %and3A_450 = arith.andi %bitcast3A_97, %and3A_449 : vector<16xi32>
      %mul3A_451 = arith.mulf %exp3A_374, %div3A_418 : vector<16xf32>
      tpu.vector_store_idx %arg6[%add3A_447, %and3A_450], %mul3A_451 masked %lt3A_51 {add = true} : memref<400x128xf32, #tpu.memory_space<vmem>>[vector<16xi32>, vector<16xi32>], vector<16xf32>, vector<16xi1>
      %shift_right_arithmetic3A_452 = arith.constant 7 : i32
      %shift_right_arithmetic3A_453 = vector.broadcast %shift_right_arithmetic3A_452 : i32 to vector<16xi32>
      %shift_right_arithmetic3A_454 = arith.shrsi %bitcast3A_117, %shift_right_arithmetic3A_453 : vector<16xi32>
      %mul3A_455 = arith.constant 200 : i32
      %mul3A_456 = vector.broadcast %mul3A_455 : i32 to vector<16xi32>
      %mul3A_457 = arith.muli %shift_right_arithmetic3A_454, %mul3A_456 : vector<16xi32>
      %add3A_458 = arith.addi %mul3A_457, %min3A_53 : vector<16xi32>
      %and3A_459 = arith.constant 127 : i32
      %and3A_460 = vector.broadcast %and3A_459 : i32 to vector<16xi32>
      %and3A_461 = arith.andi %bitcast3A_117, %and3A_460 : vector<16xi32>
      %mul3A_462 = arith.mulf %exp3A_376, %div3A_418 : vector<16xf32>
      tpu.vector_store_idx %arg6[%add3A_458, %and3A_461], %mul3A_462 masked %lt3A_51 {add = true} : memref<400x128xf32, #tpu.memory_space<vmem>>[vector<16xi32>, vector<16xi32>], vector<16xf32>, vector<16xi1>
      %shift_right_arithmetic3A_463 = arith.constant 7 : i32
      %shift_right_arithmetic3A_464 = vector.broadcast %shift_right_arithmetic3A_463 : i32 to vector<16xi32>
      %shift_right_arithmetic3A_465 = arith.shrsi %bitcast3A_137, %shift_right_arithmetic3A_464 : vector<16xi32>
      %mul3A_466 = arith.constant 200 : i32
      %mul3A_467 = vector.broadcast %mul3A_466 : i32 to vector<16xi32>
      %mul3A_468 = arith.muli %shift_right_arithmetic3A_465, %mul3A_467 : vector<16xi32>
      %add3A_469 = arith.addi %mul3A_468, %min3A_53 : vector<16xi32>
      %and3A_470 = arith.constant 127 : i32
      %and3A_471 = vector.broadcast %and3A_470 : i32 to vector<16xi32>
      %and3A_472 = arith.andi %bitcast3A_137, %and3A_471 : vector<16xi32>
      %mul3A_473 = arith.mulf %exp3A_378, %div3A_418 : vector<16xf32>
      tpu.vector_store_idx %arg6[%add3A_469, %and3A_472], %mul3A_473 masked %lt3A_51 {add = true} : memref<400x128xf32, #tpu.memory_space<vmem>>[vector<16xi32>, vector<16xi32>], vector<16xf32>, vector<16xi1>
      %shift_right_arithmetic3A_474 = arith.constant 7 : i32
      %shift_right_arithmetic3A_475 = vector.broadcast %shift_right_arithmetic3A_474 : i32 to vector<16xi32>
      %shift_right_arithmetic3A_476 = arith.shrsi %bitcast3A_157, %shift_right_arithmetic3A_475 : vector<16xi32>
      %mul3A_477 = arith.constant 200 : i32
      %mul3A_478 = vector.broadcast %mul3A_477 : i32 to vector<16xi32>
      %mul3A_479 = arith.muli %shift_right_arithmetic3A_476, %mul3A_478 : vector<16xi32>
      %add3A_480 = arith.addi %mul3A_479, %min3A_53 : vector<16xi32>
      %and3A_481 = arith.constant 127 : i32
      %and3A_482 = vector.broadcast %and3A_481 : i32 to vector<16xi32>
      %and3A_483 = arith.andi %bitcast3A_157, %and3A_482 : vector<16xi32>
      %mul3A_484 = arith.mulf %exp3A_380, %div3A_418 : vector<16xf32>
      tpu.vector_store_idx %arg6[%add3A_480, %and3A_483], %mul3A_484 masked %lt3A_51 {add = true} : memref<400x128xf32, #tpu.memory_space<vmem>>[vector<16xi32>, vector<16xi32>], vector<16xf32>, vector<16xi1>
      %shift_right_arithmetic3A_485 = arith.constant 7 : i32
      %shift_right_arithmetic3A_486 = vector.broadcast %shift_right_arithmetic3A_485 : i32 to vector<16xi32>
      %shift_right_arithmetic3A_487 = arith.shrsi %bitcast3A_177, %shift_right_arithmetic3A_486 : vector<16xi32>
      %mul3A_488 = arith.constant 200 : i32
      %mul3A_489 = vector.broadcast %mul3A_488 : i32 to vector<16xi32>
      %mul3A_490 = arith.muli %shift_right_arithmetic3A_487, %mul3A_489 : vector<16xi32>
      %add3A_491 = arith.addi %mul3A_490, %min3A_53 : vector<16xi32>
      %and3A_492 = arith.constant 127 : i32
      %and3A_493 = vector.broadcast %and3A_492 : i32 to vector<16xi32>
      %and3A_494 = arith.andi %bitcast3A_177, %and3A_493 : vector<16xi32>
      %mul3A_495 = arith.mulf %exp3A_382, %div3A_418 : vector<16xf32>
      tpu.vector_store_idx %arg6[%add3A_491, %and3A_494], %mul3A_495 masked %lt3A_51 {add = true} : memref<400x128xf32, #tpu.memory_space<vmem>>[vector<16xi32>, vector<16xi32>], vector<16xf32>, vector<16xi1>
      %shift_right_arithmetic3A_496 = arith.constant 7 : i32
      %shift_right_arithmetic3A_497 = vector.broadcast %shift_right_arithmetic3A_496 : i32 to vector<16xi32>
      %shift_right_arithmetic3A_498 = arith.shrsi %bitcast3A_197, %shift_right_arithmetic3A_497 : vector<16xi32>
      %mul3A_499 = arith.constant 200 : i32
      %mul3A_500 = vector.broadcast %mul3A_499 : i32 to vector<16xi32>
      %mul3A_501 = arith.muli %shift_right_arithmetic3A_498, %mul3A_500 : vector<16xi32>
      %add3A_502 = arith.addi %mul3A_501, %min3A_53 : vector<16xi32>
      %and3A_503 = arith.constant 127 : i32
      %and3A_504 = vector.broadcast %and3A_503 : i32 to vector<16xi32>
      %and3A_505 = arith.andi %bitcast3A_197, %and3A_504 : vector<16xi32>
      %mul3A_506 = arith.mulf %exp3A_384, %div3A_418 : vector<16xf32>
      tpu.vector_store_idx %arg6[%add3A_502, %and3A_505], %mul3A_506 masked %lt3A_51 {add = true} : memref<400x128xf32, #tpu.memory_space<vmem>>[vector<16xi32>, vector<16xi32>], vector<16xf32>, vector<16xi1>
      %shift_right_arithmetic3A_507 = arith.constant 7 : i32
      %shift_right_arithmetic3A_508 = vector.broadcast %shift_right_arithmetic3A_507 : i32 to vector<16xi32>
      %shift_right_arithmetic3A_509 = arith.shrsi %bitcast3A_217, %shift_right_arithmetic3A_508 : vector<16xi32>
      %mul3A_510 = arith.constant 200 : i32
      %mul3A_511 = vector.broadcast %mul3A_510 : i32 to vector<16xi32>
      %mul3A_512 = arith.muli %shift_right_arithmetic3A_509, %mul3A_511 : vector<16xi32>
      %add3A_513 = arith.addi %mul3A_512, %min3A_53 : vector<16xi32>
      %and3A_514 = arith.constant 127 : i32
      %and3A_515 = vector.broadcast %and3A_514 : i32 to vector<16xi32>
      %and3A_516 = arith.andi %bitcast3A_217, %and3A_515 : vector<16xi32>
      %mul3A_517 = arith.mulf %exp3A_386, %div3A_418 : vector<16xf32>
      tpu.vector_store_idx %arg6[%add3A_513, %and3A_516], %mul3A_517 masked %lt3A_51 {add = true} : memref<400x128xf32, #tpu.memory_space<vmem>>[vector<16xi32>, vector<16xi32>], vector<16xf32>, vector<16xi1>
      %shift_right_arithmetic3A_518 = arith.constant 7 : i32
      %shift_right_arithmetic3A_519 = vector.broadcast %shift_right_arithmetic3A_518 : i32 to vector<16xi32>
      %shift_right_arithmetic3A_520 = arith.shrsi %bitcast3A_237, %shift_right_arithmetic3A_519 : vector<16xi32>
      %mul3A_521 = arith.constant 200 : i32
      %mul3A_522 = vector.broadcast %mul3A_521 : i32 to vector<16xi32>
      %mul3A_523 = arith.muli %shift_right_arithmetic3A_520, %mul3A_522 : vector<16xi32>
      %add3A_524 = arith.addi %mul3A_523, %min3A_53 : vector<16xi32>
      %and3A_525 = arith.constant 127 : i32
      %and3A_526 = vector.broadcast %and3A_525 : i32 to vector<16xi32>
      %and3A_527 = arith.andi %bitcast3A_237, %and3A_526 : vector<16xi32>
      %mul3A_528 = arith.mulf %exp3A_388, %div3A_418 : vector<16xf32>
      tpu.vector_store_idx %arg6[%add3A_524, %and3A_527], %mul3A_528 masked %lt3A_51 {add = true} : memref<400x128xf32, #tpu.memory_space<vmem>>[vector<16xi32>, vector<16xi32>], vector<16xf32>, vector<16xi1>
      %shift_right_arithmetic3A_529 = arith.constant 7 : i32
      %shift_right_arithmetic3A_530 = vector.broadcast %shift_right_arithmetic3A_529 : i32 to vector<16xi32>
      %shift_right_arithmetic3A_531 = arith.shrsi %bitcast3A_257, %shift_right_arithmetic3A_530 : vector<16xi32>
      %mul3A_532 = arith.constant 200 : i32
      %mul3A_533 = vector.broadcast %mul3A_532 : i32 to vector<16xi32>
      %mul3A_534 = arith.muli %shift_right_arithmetic3A_531, %mul3A_533 : vector<16xi32>
      %add3A_535 = arith.addi %mul3A_534, %min3A_53 : vector<16xi32>
      %and3A_536 = arith.constant 127 : i32
      %and3A_537 = vector.broadcast %and3A_536 : i32 to vector<16xi32>
      %and3A_538 = arith.andi %bitcast3A_257, %and3A_537 : vector<16xi32>
      %mul3A_539 = arith.mulf %exp3A_390, %div3A_418 : vector<16xf32>
      tpu.vector_store_idx %arg6[%add3A_535, %and3A_538], %mul3A_539 masked %lt3A_51 {add = true} : memref<400x128xf32, #tpu.memory_space<vmem>>[vector<16xi32>, vector<16xi32>], vector<16xf32>, vector<16xi1>
      %shift_right_arithmetic3A_540 = arith.constant 7 : i32
      %shift_right_arithmetic3A_541 = vector.broadcast %shift_right_arithmetic3A_540 : i32 to vector<16xi32>
      %shift_right_arithmetic3A_542 = arith.shrsi %bitcast3A_277, %shift_right_arithmetic3A_541 : vector<16xi32>
      %mul3A_543 = arith.constant 200 : i32
      %mul3A_544 = vector.broadcast %mul3A_543 : i32 to vector<16xi32>
      %mul3A_545 = arith.muli %shift_right_arithmetic3A_542, %mul3A_544 : vector<16xi32>
      %add3A_546 = arith.addi %mul3A_545, %min3A_53 : vector<16xi32>
      %and3A_547 = arith.constant 127 : i32
      %and3A_548 = vector.broadcast %and3A_547 : i32 to vector<16xi32>
      %and3A_549 = arith.andi %bitcast3A_277, %and3A_548 : vector<16xi32>
      %mul3A_550 = arith.mulf %exp3A_392, %div3A_418 : vector<16xf32>
      tpu.vector_store_idx %arg6[%add3A_546, %and3A_549], %mul3A_550 masked %lt3A_51 {add = true} : memref<400x128xf32, #tpu.memory_space<vmem>>[vector<16xi32>, vector<16xi32>], vector<16xf32>, vector<16xi1>
      %shift_right_arithmetic3A_551 = arith.constant 7 : i32
      %shift_right_arithmetic3A_552 = vector.broadcast %shift_right_arithmetic3A_551 : i32 to vector<16xi32>
      %shift_right_arithmetic3A_553 = arith.shrsi %bitcast3A_297, %shift_right_arithmetic3A_552 : vector<16xi32>
      %mul3A_554 = arith.constant 200 : i32
      %mul3A_555 = vector.broadcast %mul3A_554 : i32 to vector<16xi32>
      %mul3A_556 = arith.muli %shift_right_arithmetic3A_553, %mul3A_555 : vector<16xi32>
      %add3A_557 = arith.addi %mul3A_556, %min3A_53 : vector<16xi32>
      %and3A_558 = arith.constant 127 : i32
      %and3A_559 = vector.broadcast %and3A_558 : i32 to vector<16xi32>
      %and3A_560 = arith.andi %bitcast3A_297, %and3A_559 : vector<16xi32>
      %mul3A_561 = arith.mulf %exp3A_394, %div3A_418 : vector<16xf32>
      tpu.vector_store_idx %arg6[%add3A_557, %and3A_560], %mul3A_561 masked %lt3A_51 {add = true} : memref<400x128xf32, #tpu.memory_space<vmem>>[vector<16xi32>, vector<16xi32>], vector<16xf32>, vector<16xi1>
      %shift_right_arithmetic3A_562 = arith.constant 7 : i32
      %shift_right_arithmetic3A_563 = vector.broadcast %shift_right_arithmetic3A_562 : i32 to vector<16xi32>
      %shift_right_arithmetic3A_564 = arith.shrsi %bitcast3A_317, %shift_right_arithmetic3A_563 : vector<16xi32>
      %mul3A_565 = arith.constant 200 : i32
      %mul3A_566 = vector.broadcast %mul3A_565 : i32 to vector<16xi32>
      %mul3A_567 = arith.muli %shift_right_arithmetic3A_564, %mul3A_566 : vector<16xi32>
      %add3A_568 = arith.addi %mul3A_567, %min3A_53 : vector<16xi32>
      %and3A_569 = arith.constant 127 : i32
      %and3A_570 = vector.broadcast %and3A_569 : i32 to vector<16xi32>
      %and3A_571 = arith.andi %bitcast3A_317, %and3A_570 : vector<16xi32>
      %mul3A_572 = arith.mulf %exp3A_396, %div3A_418 : vector<16xf32>
      tpu.vector_store_idx %arg6[%add3A_568, %and3A_571], %mul3A_572 masked %lt3A_51 {add = true} : memref<400x128xf32, #tpu.memory_space<vmem>>[vector<16xi32>, vector<16xi32>], vector<16xf32>, vector<16xi1>
      %shift_right_arithmetic3A_573 = arith.constant 7 : i32
      %shift_right_arithmetic3A_574 = vector.broadcast %shift_right_arithmetic3A_573 : i32 to vector<16xi32>
      %shift_right_arithmetic3A_575 = arith.shrsi %bitcast3A_337, %shift_right_arithmetic3A_574 : vector<16xi32>
      %mul3A_576 = arith.constant 200 : i32
      %mul3A_577 = vector.broadcast %mul3A_576 : i32 to vector<16xi32>
      %mul3A_578 = arith.muli %shift_right_arithmetic3A_575, %mul3A_577 : vector<16xi32>
      %add3A_579 = arith.addi %mul3A_578, %min3A_53 : vector<16xi32>
      %and3A_580 = arith.constant 127 : i32
      %and3A_581 = vector.broadcast %and3A_580 : i32 to vector<16xi32>
      %and3A_582 = arith.andi %bitcast3A_337, %and3A_581 : vector<16xi32>
      %mul3A_583 = arith.mulf %exp3A_398, %div3A_418 : vector<16xf32>
      tpu.vector_store_idx %arg6[%add3A_579, %and3A_582], %mul3A_583 masked %lt3A_51 {add = true} : memref<400x128xf32, #tpu.memory_space<vmem>>[vector<16xi32>, vector<16xi32>], vector<16xf32>, vector<16xi1>
      %shift_right_arithmetic3A_584 = arith.constant 7 : i32
      %shift_right_arithmetic3A_585 = vector.broadcast %shift_right_arithmetic3A_584 : i32 to vector<16xi32>
      %shift_right_arithmetic3A_586 = arith.shrsi %bitcast3A_357, %shift_right_arithmetic3A_585 : vector<16xi32>
      %mul3A_587 = arith.constant 200 : i32
      %mul3A_588 = vector.broadcast %mul3A_587 : i32 to vector<16xi32>
      %mul3A_589 = arith.muli %shift_right_arithmetic3A_586, %mul3A_588 : vector<16xi32>
      %add3A_590 = arith.addi %mul3A_589, %min3A_53 : vector<16xi32>
      %and3A_591 = arith.constant 127 : i32
      %and3A_592 = vector.broadcast %and3A_591 : i32 to vector<16xi32>
      %and3A_593 = arith.andi %bitcast3A_357, %and3A_592 : vector<16xi32>
      %mul3A_594 = arith.mulf %exp3A_400, %div3A_418 : vector<16xf32>
      tpu.vector_store_idx %arg6[%add3A_590, %and3A_593], %mul3A_594 masked %lt3A_51 {add = true} : memref<400x128xf32, #tpu.memory_space<vmem>>[vector<16xi32>, vector<16xi32>], vector<16xf32>, vector<16xi1>
    }
    %scan3A_44 = arith.constant 13 : i32
    "tpu.region"() ({
      %run_scoped3A = tpu.sem_alloc : memref<!tpu.dma_semaphore, #tpu.memory_space<semaphore_mem>>
      %dma_start3A_45 = arith.constant 0 : i32
      %dma_start3A_46 = arith.constant 0 : i32
      %dma_start3A_47 = tpu.memref_slice %arg4[%add3A_5, %dma_start3A_45, %dma_start3A_46] : memref<32x400x128xf32, #tpu.memory_space<hbm>> -> memref<1x400x128xf32, #tpu.memory_space<hbm>>
      %dma_start3A_48 = tpu.memref_squeeze %dma_start3A_47 : memref<1x400x128xf32, #tpu.memory_space<hbm>> -> memref<400x128xf32, #tpu.memory_space<hbm>>
      %dma_start3A_49 = arith.constant 0 : i32
      %dma_start3A_50 = arith.constant 0 : i32
      %dma_start3A_51 = tpu.memref_slice %arg4[%add3A_5, %dma_start3A_49, %dma_start3A_50] : memref<32x400x128xf32, #tpu.memory_space<hbm>> -> memref<1x400x128xf32, #tpu.memory_space<hbm>>
      %dma_start3A_52 = tpu.memref_squeeze %dma_start3A_51 : memref<1x400x128xf32, #tpu.memory_space<hbm>> -> memref<400x128xf32, #tpu.memory_space<hbm>>
      tpu.enqueue_dma source(%arg6 : memref<400x128xf32, #tpu.memory_space<vmem>>) target(%dma_start3A_52 : memref<400x128xf32, #tpu.memory_space<hbm>>) target_semaphore(%run_scoped3A : memref<!tpu.dma_semaphore, #tpu.memory_space<semaphore_mem>>)
      %dma_wait3A_53 = arith.constant 0 : i32
      %dma_wait3A_54 = arith.constant 0 : i32
      %dma_wait3A_55 = tpu.memref_slice %arg4[%add3A_5, %dma_wait3A_53, %dma_wait3A_54] : memref<32x400x128xf32, #tpu.memory_space<hbm>> -> memref<1x400x128xf32, #tpu.memory_space<hbm>>
      %dma_wait3A_56 = tpu.memref_squeeze %dma_wait3A_55 : memref<1x400x128xf32, #tpu.memory_space<hbm>> -> memref<400x128xf32, #tpu.memory_space<hbm>>
      %dma_wait3A_57 = arith.constant 0 : i32
      %dma_wait3A_58 = arith.constant 0 : i32
      %dma_wait3A_59 = tpu.memref_slice %arg4[%add3A_5, %dma_wait3A_57, %dma_wait3A_58] : memref<32x400x128xf32, #tpu.memory_space<hbm>> -> memref<1x400x128xf32, #tpu.memory_space<hbm>>
      %dma_wait3A_60 = tpu.memref_squeeze %dma_wait3A_59 : memref<1x400x128xf32, #tpu.memory_space<hbm>> -> memref<400x128xf32, #tpu.memory_space<hbm>>
      tpu.wait_dma2 semaphore(%run_scoped3A : memref<!tpu.dma_semaphore, #tpu.memory_space<semaphore_mem>>) src(%arg6 : memref<400x128xf32, #tpu.memory_space<vmem>>) dst(%dma_wait3A_60 : memref<400x128xf32, #tpu.memory_space<hbm>>)
      tpu.yield
    }) : () -> ()
    return
  }
}

#map = affine_map<(d0, d1) -> (0, 0, 0)>
module attributes {stable_mosaic.version = 14 : i64} {
  func.func @_sc_body(%arg0: i32, %arg1: i32, %arg2: memref<32x400x128xf32, #tpu.memory_space<hbm>>, %arg3: memref<32x200x128xf32, #tpu.memory_space<hbm>>, %arg4: memref<32x400x128xf32, #tpu.memory_space<hbm>>, %arg5: memref<400x128xf32, #tpu.memory_space<vmem>>, %arg6: memref<400x128xf32, #tpu.memory_space<vmem>>, %arg7: memref<200x128xf32, #tpu.memory_space<vmem>>, %arg8: memref<!tpu.dma_semaphore, #tpu.memory_space<semaphore_mem>>, %arg9: memref<!tpu.dma_semaphore, #tpu.memory_space<semaphore_mem>>) attributes {dimension_semantics = [#tpu.dimension_semantics<core_parallel>, #tpu.dimension_semantics<subcore_parallel>], iteration_bounds = array<i64: 2, 16>, scalar_prefetch = 0 : i64, scratch_operands = 5 : i64, tpu.core_type = #tpu.core_type<sc_vector_subcore>, window_params = [{transform_indices = #map}, {transform_indices = #map}, {transform_indices = #map}]} {
    %mul3A = arith.constant 2 : i32
    %mul3A_0 = arith.muli %arg1, %mul3A : i32
    %add3A = arith.addi %mul3A_0, %arg0 : i32
    %broadcast_in_dim3A = arith.constant 0.000000e+00 : f32
    %broadcast_in_dim3A_1 = vector.broadcast %broadcast_in_dim3A : f32 to vector<16xf32>
    %iota3A = tpu.iota {dimensions = array<i32: 0>} : vector<16xi32>
    %mul3A_2 = arith.constant 1 : i32
    %mul3A_3 = arith.muli %add3A, %mul3A_2 : i32
    %add3A_4 = arith.constant 0 : i32
    %add3A_5 = arith.addi %mul3A_3, %add3A_4 : i32
    %dma_start3A = arith.constant 0 : i32
    %dma_start3A_6 = arith.constant 0 : i32
    %dma_start3A_7 = tpu.memref_slice %arg2[%add3A_5, %dma_start3A, %dma_start3A_6] : memref<32x400x128xf32, #tpu.memory_space<hbm>> -> memref<1x400x128xf32, #tpu.memory_space<hbm>>
    %dma_start3A_8 = tpu.memref_squeeze %dma_start3A_7 : memref<1x400x128xf32, #tpu.memory_space<hbm>> -> memref<400x128xf32, #tpu.memory_space<hbm>>
    %dma_start3A_9 = arith.constant 0 : i32
    %dma_start3A_10 = arith.constant 0 : i32
    %dma_start3A_11 = tpu.memref_slice %arg2[%add3A_5, %dma_start3A_9, %dma_start3A_10] : memref<32x400x128xf32, #tpu.memory_space<hbm>> -> memref<1x400x128xf32, #tpu.memory_space<hbm>>
    %dma_start3A_12 = tpu.memref_squeeze %dma_start3A_11 : memref<1x400x128xf32, #tpu.memory_space<hbm>> -> memref<400x128xf32, #tpu.memory_space<hbm>>
    tpu.enqueue_dma source(%dma_start3A_12 : memref<400x128xf32, #tpu.memory_space<hbm>>) target(%arg5 : memref<400x128xf32, #tpu.memory_space<vmem>>) target_semaphore(%arg8 : memref<!tpu.dma_semaphore, #tpu.memory_space<semaphore_mem>>)
    %dma_start3A_13 = arith.constant 0 : i32
    %dma_start3A_14 = arith.constant 0 : i32
    %dma_start3A_15 = tpu.memref_slice %arg3[%add3A_5, %dma_start3A_13, %dma_start3A_14] : memref<32x200x128xf32, #tpu.memory_space<hbm>> -> memref<1x200x128xf32, #tpu.memory_space<hbm>>
    %dma_start3A_16 = tpu.memref_squeeze %dma_start3A_15 : memref<1x200x128xf32, #tpu.memory_space<hbm>> -> memref<200x128xf32, #tpu.memory_space<hbm>>
    %dma_start3A_17 = arith.constant 0 : i32
    %dma_start3A_18 = arith.constant 0 : i32
    %dma_start3A_19 = tpu.memref_slice %arg3[%add3A_5, %dma_start3A_17, %dma_start3A_18] : memref<32x200x128xf32, #tpu.memory_space<hbm>> -> memref<1x200x128xf32, #tpu.memory_space<hbm>>
    %dma_start3A_20 = tpu.memref_squeeze %dma_start3A_19 : memref<1x200x128xf32, #tpu.memory_space<hbm>> -> memref<200x128xf32, #tpu.memory_space<hbm>>
    tpu.enqueue_dma source(%dma_start3A_20 : memref<200x128xf32, #tpu.memory_space<hbm>>) target(%arg7 : memref<200x128xf32, #tpu.memory_space<vmem>>) target_semaphore(%arg9 : memref<!tpu.dma_semaphore, #tpu.memory_space<semaphore_mem>>)
    %scan3A = arith.constant 0 : i32
    %scan3A_21 = arith.constant 400 : i32
    %scan3A_22 = arith.addi %scan3A, %scan3A_21 : i32
    %scan3A_23 = arith.constant 1 : i32
    scf.for %scan3A_45 = %scan3A to %scan3A_22 step %scan3A_23  : i32 {
      %swap3A = arith.index_cast %scan3A_45 : i32 to index
      %swap3A_46 = arith.constant 0 : index
      %swap3A_47 = tpu.vector_load %arg6[%swap3A, %swap3A_46] {strides = array<i32>} : memref<400x128xf32, #tpu.memory_space<vmem>>, vector<16xf32>,
      tpu.vector_store %arg6[%swap3A, %swap3A_46], %broadcast_in_dim3A_1 {strides = array<i32>} : memref<400x128xf32, #tpu.memory_space<vmem>>, vector<16xf32>,
      %swap3A_48 = arith.index_cast %scan3A_45 : i32 to index
      %swap3A_49 = arith.constant 16 : index
      %swap3A_50 = tpu.vector_load %arg6[%swap3A_48, %swap3A_49] {strides = array<i32>} : memref<400x128xf32, #tpu.memory_space<vmem>>, vector<16xf32>,
      tpu.vector_store %arg6[%swap3A_48, %swap3A_49], %broadcast_in_dim3A_1 {strides = array<i32>} : memref<400x128xf32, #tpu.memory_space<vmem>>, vector<16xf32>,
      %swap3A_51 = arith.index_cast %scan3A_45 : i32 to index
      %swap3A_52 = arith.constant 32 : index
      %swap3A_53 = tpu.vector_load %arg6[%swap3A_51, %swap3A_52] {strides = array<i32>} : memref<400x128xf32, #tpu.memory_space<vmem>>, vector<16xf32>,
      tpu.vector_store %arg6[%swap3A_51, %swap3A_52], %broadcast_in_dim3A_1 {strides = array<i32>} : memref<400x128xf32, #tpu.memory_space<vmem>>, vector<16xf32>,
      %swap3A_54 = arith.index_cast %scan3A_45 : i32 to index
      %swap3A_55 = arith.constant 48 : index
      %swap3A_56 = tpu.vector_load %arg6[%swap3A_54, %swap3A_55] {strides = array<i32>} : memref<400x128xf32, #tpu.memory_space<vmem>>, vector<16xf32>,
      tpu.vector_store %arg6[%swap3A_54, %swap3A_55], %broadcast_in_dim3A_1 {strides = array<i32>} : memref<400x128xf32, #tpu.memory_space<vmem>>, vector<16xf32>,
      %swap3A_57 = arith.index_cast %scan3A_45 : i32 to index
      %swap3A_58 = arith.constant 64 : index
      %swap3A_59 = tpu.vector_load %arg6[%swap3A_57, %swap3A_58] {strides = array<i32>} : memref<400x128xf32, #tpu.memory_space<vmem>>, vector<16xf32>,
      tpu.vector_store %arg6[%swap3A_57, %swap3A_58], %broadcast_in_dim3A_1 {strides = array<i32>} : memref<400x128xf32, #tpu.memory_space<vmem>>, vector<16xf32>,
      %swap3A_60 = arith.index_cast %scan3A_45 : i32 to index
      %swap3A_61 = arith.constant 80 : index
      %swap3A_62 = tpu.vector_load %arg6[%swap3A_60, %swap3A_61] {strides = array<i32>} : memref<400x128xf32, #tpu.memory_space<vmem>>, vector<16xf32>,
      tpu.vector_store %arg6[%swap3A_60, %swap3A_61], %broadcast_in_dim3A_1 {strides = array<i32>} : memref<400x128xf32, #tpu.memory_space<vmem>>, vector<16xf32>,
      %swap3A_63 = arith.index_cast %scan3A_45 : i32 to index
      %swap3A_64 = arith.constant 96 : index
      %swap3A_65 = tpu.vector_load %arg6[%swap3A_63, %swap3A_64] {strides = array<i32>} : memref<400x128xf32, #tpu.memory_space<vmem>>, vector<16xf32>,
      tpu.vector_store %arg6[%swap3A_63, %swap3A_64], %broadcast_in_dim3A_1 {strides = array<i32>} : memref<400x128xf32, #tpu.memory_space<vmem>>, vector<16xf32>,
      %swap3A_66 = arith.index_cast %scan3A_45 : i32 to index
      %swap3A_67 = arith.constant 112 : index
      %swap3A_68 = tpu.vector_load %arg6[%swap3A_66, %swap3A_67] {strides = array<i32>} : memref<400x128xf32, #tpu.memory_space<vmem>>, vector<16xf32>,
      tpu.vector_store %arg6[%swap3A_66, %swap3A_67], %broadcast_in_dim3A_1 {strides = array<i32>} : memref<400x128xf32, #tpu.memory_space<vmem>>, vector<16xf32>,
    }
    %scan3A_24 = arith.constant 400 : i32
    %dma_wait3A = arith.constant 0 : i32
    %dma_wait3A_25 = arith.constant 0 : i32
    %dma_wait3A_26 = tpu.memref_slice %arg3[%add3A_5, %dma_wait3A, %dma_wait3A_25] : memref<32x200x128xf32, #tpu.memory_space<hbm>> -> memref<1x200x128xf32, #tpu.memory_space<hbm>>
    %dma_wait3A_27 = tpu.memref_squeeze %dma_wait3A_26 : memref<1x200x128xf32, #tpu.memory_space<hbm>> -> memref<200x128xf32, #tpu.memory_space<hbm>>
    %dma_wait3A_28 = arith.constant 0 : i32
    %dma_wait3A_29 = arith.constant 0 : i32
    %dma_wait3A_30 = tpu.memref_slice %arg3[%add3A_5, %dma_wait3A_28, %dma_wait3A_29] : memref<32x200x128xf32, #tpu.memory_space<hbm>> -> memref<1x200x128xf32, #tpu.memory_space<hbm>>
    %dma_wait3A_31 = tpu.memref_squeeze %dma_wait3A_30 : memref<1x200x128xf32, #tpu.memory_space<hbm>> -> memref<200x128xf32, #tpu.memory_space<hbm>>
    tpu.wait_dma2 semaphore(%arg9 : memref<!tpu.dma_semaphore, #tpu.memory_space<semaphore_mem>>) src(%dma_wait3A_31 : memref<200x128xf32, #tpu.memory_space<hbm>>) dst(%arg7 : memref<200x128xf32, #tpu.memory_space<vmem>>)
    %dma_wait3A_32 = arith.constant 0 : i32
    %dma_wait3A_33 = arith.constant 0 : i32
    %dma_wait3A_34 = tpu.memref_slice %arg2[%add3A_5, %dma_wait3A_32, %dma_wait3A_33] : memref<32x400x128xf32, #tpu.memory_space<hbm>> -> memref<1x400x128xf32, #tpu.memory_space<hbm>>
    %dma_wait3A_35 = tpu.memref_squeeze %dma_wait3A_34 : memref<1x400x128xf32, #tpu.memory_space<hbm>> -> memref<400x128xf32, #tpu.memory_space<hbm>>
    %dma_wait3A_36 = arith.constant 0 : i32
    %dma_wait3A_37 = arith.constant 0 : i32
    %dma_wait3A_38 = tpu.memref_slice %arg2[%add3A_5, %dma_wait3A_36, %dma_wait3A_37] : memref<32x400x128xf32, #tpu.memory_space<hbm>> -> memref<1x400x128xf32, #tpu.memory_space<hbm>>
    %dma_wait3A_39 = tpu.memref_squeeze %dma_wait3A_38 : memref<1x400x128xf32, #tpu.memory_space<hbm>> -> memref<400x128xf32, #tpu.memory_space<hbm>>
    tpu.wait_dma2 semaphore(%arg8 : memref<!tpu.dma_semaphore, #tpu.memory_space<semaphore_mem>>) src(%dma_wait3A_39 : memref<400x128xf32, #tpu.memory_space<hbm>>) dst(%arg5 : memref<400x128xf32, #tpu.memory_space<vmem>>)
    %scan3A_40 = arith.constant 0 : i32
    %scan3A_41 = arith.constant 13 : i32
    %scan3A_42 = arith.addi %scan3A_40, %scan3A_41 : i32
    %scan3A_43 = arith.constant 1 : i32
    scf.for %scan3A_45 = %scan3A_40 to %scan3A_42 step %scan3A_43  : i32 {
      %mul3A_46 = arith.constant 16 : i32
      %mul3A_47 = arith.muli %scan3A_45, %mul3A_46 : i32
      %add3A_48 = vector.broadcast %mul3A_47 : i32 to vector<16xi32>
      %add3A_49 = arith.addi %add3A_48, %iota3A : vector<16xi32>
      %lt3A = arith.constant 200 : i32
      %lt3A_50 = vector.broadcast %lt3A : i32 to vector<16xi32>
      %lt3A_51 = arith.cmpi slt, %add3A_49, %lt3A_50 : vector<16xi32>
      %min3A = arith.constant 199 : i32
      %min3A_52 = vector.broadcast %min3A : i32 to vector<16xi32>
      %min3A_53 = arith.minsi %add3A_49, %min3A_52 : vector<16xi32>
      %broadcast_in_dim3A_54 = arith.constant 0xFF800000 : f32
      %broadcast_in_dim3A_55 = vector.broadcast %broadcast_in_dim3A_54 : f32 to vector<16xf32>
      %broadcast_in_dim3A_56 = arith.constant 0 : i32
      %broadcast_in_dim3A_57 = vector.broadcast %broadcast_in_dim3A_56 : i32 to vector<16xi32>
      %gather3A = tpu.vector_load_idx %arg7[%min3A_53, %broadcast_in_dim3A_57] : memref<200x128xf32, #tpu.memory_space<vmem>>[vector<16xi32>, vector<16xi32>], vector<16xf32>,
      %broadcast_in_dim3A_58 = arith.constant 16 : i32
      %broadcast_in_dim3A_59 = vector.broadcast %broadcast_in_dim3A_58 : i32 to vector<16xi32>
      %gather3A_60 = tpu.vector_load_idx %arg7[%min3A_53, %broadcast_in_dim3A_59] : memref<200x128xf32, #tpu.memory_space<vmem>>[vector<16xi32>, vector<16xi32>], vector<16xf32>,
      %bitcast3A = vector.bitcast %gather3A_60 : vector<16xf32> to vector<16xi32>
      %shift_right_arithmetic3A = arith.constant 7 : i32
      %shift_right_arithmetic3A_61 = vector.broadcast %shift_right_arithmetic3A : i32 to vector<16xi32>
      %shift_right_arithmetic3A_62 = arith.shrsi %bitcast3A, %shift_right_arithmetic3A_61 : vector<16xi32>
      %mul3A_63 = arith.constant 200 : i32
      %mul3A_64 = vector.broadcast %mul3A_63 : i32 to vector<16xi32>
      %mul3A_65 = arith.muli %shift_right_arithmetic3A_62, %mul3A_64 : vector<16xi32>
      %add3A_66 = arith.addi %mul3A_65, %min3A_53 : vector<16xi32>
      %and3A = arith.constant 127 : i32
      %and3A_67 = vector.broadcast %and3A : i32 to vector<16xi32>
      %and3A_68 = arith.andi %bitcast3A, %and3A_67 : vector<16xi32>
      %gather3A_69 = tpu.vector_load_idx %arg5[%add3A_66, %and3A_68] : memref<400x128xf32, #tpu.memory_space<vmem>>[vector<16xi32>, vector<16xi32>], vector<16xf32>,
      %add3A_70 = arith.addf %gather3A_69, %gather3A : vector<16xf32>
      %max3A = arith.maximumf %broadcast_in_dim3A_55, %add3A_70 : vector<16xf32>
      %broadcast_in_dim3A_71 = arith.constant 1 : i32
      %broadcast_in_dim3A_72 = vector.broadcast %broadcast_in_dim3A_71 : i32 to vector<16xi32>
      %gather3A_73 = tpu.vector_load_idx %arg7[%min3A_53, %broadcast_in_dim3A_72] : memref<200x128xf32, #tpu.memory_space<vmem>>[vector<16xi32>, vector<16xi32>], vector<16xf32>,
      %broadcast_in_dim3A_74 = arith.constant 17 : i32
      %broadcast_in_dim3A_75 = vector.broadcast %broadcast_in_dim3A_74 : i32 to vector<16xi32>
      %gather3A_76 = tpu.vector_load_idx %arg7[%min3A_53, %broadcast_in_dim3A_75] : memref<200x128xf32, #tpu.memory_space<vmem>>[vector<16xi32>, vector<16xi32>], vector<16xf32>,
      %bitcast3A_77 = vector.bitcast %gather3A_76 : vector<16xf32> to vector<16xi32>
      %shift_right_arithmetic3A_78 = arith.constant 7 : i32
      %shift_right_arithmetic3A_79 = vector.broadcast %shift_right_arithmetic3A_78 : i32 to vector<16xi32>
      %shift_right_arithmetic3A_80 = arith.shrsi %bitcast3A_77, %shift_right_arithmetic3A_79 : vector<16xi32>
      %mul3A_81 = arith.constant 200 : i32
      %mul3A_82 = vector.broadcast %mul3A_81 : i32 to vector<16xi32>
      %mul3A_83 = arith.muli %shift_right_arithmetic3A_80, %mul3A_82 : vector<16xi32>
      %add3A_84 = arith.addi %mul3A_83, %min3A_53 : vector<16xi32>
      %and3A_85 = arith.constant 127 : i32
      %and3A_86 = vector.broadcast %and3A_85 : i32 to vector<16xi32>
      %and3A_87 = arith.andi %bitcast3A_77, %and3A_86 : vector<16xi32>
      %gather3A_88 = tpu.vector_load_idx %arg5[%add3A_84, %and3A_87] : memref<400x128xf32, #tpu.memory_space<vmem>>[vector<16xi32>, vector<16xi32>], vector<16xf32>,
      %add3A_89 = arith.addf %gather3A_88, %gather3A_73 : vector<16xf32>
      %max3A_90 = arith.maximumf %max3A, %add3A_89 : vector<16xf32>
      %broadcast_in_dim3A_91 = arith.constant 2 : i32
      %broadcast_in_dim3A_92 = vector.broadcast %broadcast_in_dim3A_91 : i32 to vector<16xi32>
      %gather3A_93 = tpu.vector_load_idx %arg7[%min3A_53, %broadcast_in_dim3A_92] : memref<200x128xf32, #tpu.memory_space<vmem>>[vector<16xi32>, vector<16xi32>], vector<16xf32>,
      %broadcast_in_dim3A_94 = arith.constant 18 : i32
      %broadcast_in_dim3A_95 = vector.broadcast %broadcast_in_dim3A_94 : i32 to vector<16xi32>
      %gather3A_96 = tpu.vector_load_idx %arg7[%min3A_53, %broadcast_in_dim3A_95] : memref<200x128xf32, #tpu.memory_space<vmem>>[vector<16xi32>, vector<16xi32>], vector<16xf32>,
      %bitcast3A_97 = vector.bitcast %gather3A_96 : vector<16xf32> to vector<16xi32>
      %shift_right_arithmetic3A_98 = arith.constant 7 : i32
      %shift_right_arithmetic3A_99 = vector.broadcast %shift_right_arithmetic3A_98 : i32 to vector<16xi32>
      %shift_right_arithmetic3A_100 = arith.shrsi %bitcast3A_97, %shift_right_arithmetic3A_99 : vector<16xi32>
      %mul3A_101 = arith.constant 200 : i32
      %mul3A_102 = vector.broadcast %mul3A_101 : i32 to vector<16xi32>
      %mul3A_103 = arith.muli %shift_right_arithmetic3A_100, %mul3A_102 : vector<16xi32>
      %add3A_104 = arith.addi %mul3A_103, %min3A_53 : vector<16xi32>
      %and3A_105 = arith.constant 127 : i32
      %and3A_106 = vector.broadcast %and3A_105 : i32 to vector<16xi32>
      %and3A_107 = arith.andi %bitcast3A_97, %and3A_106 : vector<16xi32>
      %gather3A_108 = tpu.vector_load_idx %arg5[%add3A_104, %and3A_107] : memref<400x128xf32, #tpu.memory_space<vmem>>[vector<16xi32>, vector<16xi32>], vector<16xf32>,
      %add3A_109 = arith.addf %gather3A_108, %gather3A_93 : vector<16xf32>
      %max3A_110 = arith.maximumf %max3A_90, %add3A_109 : vector<16xf32>
      %broadcast_in_dim3A_111 = arith.constant 3 : i32
      %broadcast_in_dim3A_112 = vector.broadcast %broadcast_in_dim3A_111 : i32 to vector<16xi32>
      %gather3A_113 = tpu.vector_load_idx %arg7[%min3A_53, %broadcast_in_dim3A_112] : memref<200x128xf32, #tpu.memory_space<vmem>>[vector<16xi32>, vector<16xi32>], vector<16xf32>,
      %broadcast_in_dim3A_114 = arith.constant 19 : i32
      %broadcast_in_dim3A_115 = vector.broadcast %broadcast_in_dim3A_114 : i32 to vector<16xi32>
      %gather3A_116 = tpu.vector_load_idx %arg7[%min3A_53, %broadcast_in_dim3A_115] : memref<200x128xf32, #tpu.memory_space<vmem>>[vector<16xi32>, vector<16xi32>], vector<16xf32>,
      %bitcast3A_117 = vector.bitcast %gather3A_116 : vector<16xf32> to vector<16xi32>
      %shift_right_arithmetic3A_118 = arith.constant 7 : i32
      %shift_right_arithmetic3A_119 = vector.broadcast %shift_right_arithmetic3A_118 : i32 to vector<16xi32>
      %shift_right_arithmetic3A_120 = arith.shrsi %bitcast3A_117, %shift_right_arithmetic3A_119 : vector<16xi32>
      %mul3A_121 = arith.constant 200 : i32
      %mul3A_122 = vector.broadcast %mul3A_121 : i32 to vector<16xi32>
      %mul3A_123 = arith.muli %shift_right_arithmetic3A_120, %mul3A_122 : vector<16xi32>
      %add3A_124 = arith.addi %mul3A_123, %min3A_53 : vector<16xi32>
      %and3A_125 = arith.constant 127 : i32
      %and3A_126 = vector.broadcast %and3A_125 : i32 to vector<16xi32>
      %and3A_127 = arith.andi %bitcast3A_117, %and3A_126 : vector<16xi32>
      %gather3A_128 = tpu.vector_load_idx %arg5[%add3A_124, %and3A_127] : memref<400x128xf32, #tpu.memory_space<vmem>>[vector<16xi32>, vector<16xi32>], vector<16xf32>,
      %add3A_129 = arith.addf %gather3A_128, %gather3A_113 : vector<16xf32>
      %max3A_130 = arith.maximumf %max3A_110, %add3A_129 : vector<16xf32>
      %broadcast_in_dim3A_131 = arith.constant 4 : i32
      %broadcast_in_dim3A_132 = vector.broadcast %broadcast_in_dim3A_131 : i32 to vector<16xi32>
      %gather3A_133 = tpu.vector_load_idx %arg7[%min3A_53, %broadcast_in_dim3A_132] : memref<200x128xf32, #tpu.memory_space<vmem>>[vector<16xi32>, vector<16xi32>], vector<16xf32>,
      %broadcast_in_dim3A_134 = arith.constant 20 : i32
      %broadcast_in_dim3A_135 = vector.broadcast %broadcast_in_dim3A_134 : i32 to vector<16xi32>
      %gather3A_136 = tpu.vector_load_idx %arg7[%min3A_53, %broadcast_in_dim3A_135] : memref<200x128xf32, #tpu.memory_space<vmem>>[vector<16xi32>, vector<16xi32>], vector<16xf32>,
      %bitcast3A_137 = vector.bitcast %gather3A_136 : vector<16xf32> to vector<16xi32>
      %shift_right_arithmetic3A_138 = arith.constant 7 : i32
      %shift_right_arithmetic3A_139 = vector.broadcast %shift_right_arithmetic3A_138 : i32 to vector<16xi32>
      %shift_right_arithmetic3A_140 = arith.shrsi %bitcast3A_137, %shift_right_arithmetic3A_139 : vector<16xi32>
      %mul3A_141 = arith.constant 200 : i32
      %mul3A_142 = vector.broadcast %mul3A_141 : i32 to vector<16xi32>
      %mul3A_143 = arith.muli %shift_right_arithmetic3A_140, %mul3A_142 : vector<16xi32>
      %add3A_144 = arith.addi %mul3A_143, %min3A_53 : vector<16xi32>
      %and3A_145 = arith.constant 127 : i32
      %and3A_146 = vector.broadcast %and3A_145 : i32 to vector<16xi32>
      %and3A_147 = arith.andi %bitcast3A_137, %and3A_146 : vector<16xi32>
      %gather3A_148 = tpu.vector_load_idx %arg5[%add3A_144, %and3A_147] : memref<400x128xf32, #tpu.memory_space<vmem>>[vector<16xi32>, vector<16xi32>], vector<16xf32>,
      %add3A_149 = arith.addf %gather3A_148, %gather3A_133 : vector<16xf32>
      %max3A_150 = arith.maximumf %max3A_130, %add3A_149 : vector<16xf32>
      %broadcast_in_dim3A_151 = arith.constant 5 : i32
      %broadcast_in_dim3A_152 = vector.broadcast %broadcast_in_dim3A_151 : i32 to vector<16xi32>
      %gather3A_153 = tpu.vector_load_idx %arg7[%min3A_53, %broadcast_in_dim3A_152] : memref<200x128xf32, #tpu.memory_space<vmem>>[vector<16xi32>, vector<16xi32>], vector<16xf32>,
      %broadcast_in_dim3A_154 = arith.constant 21 : i32
      %broadcast_in_dim3A_155 = vector.broadcast %broadcast_in_dim3A_154 : i32 to vector<16xi32>
      %gather3A_156 = tpu.vector_load_idx %arg7[%min3A_53, %broadcast_in_dim3A_155] : memref<200x128xf32, #tpu.memory_space<vmem>>[vector<16xi32>, vector<16xi32>], vector<16xf32>,
      %bitcast3A_157 = vector.bitcast %gather3A_156 : vector<16xf32> to vector<16xi32>
      %shift_right_arithmetic3A_158 = arith.constant 7 : i32
      %shift_right_arithmetic3A_159 = vector.broadcast %shift_right_arithmetic3A_158 : i32 to vector<16xi32>
      %shift_right_arithmetic3A_160 = arith.shrsi %bitcast3A_157, %shift_right_arithmetic3A_159 : vector<16xi32>
      %mul3A_161 = arith.constant 200 : i32
      %mul3A_162 = vector.broadcast %mul3A_161 : i32 to vector<16xi32>
      %mul3A_163 = arith.muli %shift_right_arithmetic3A_160, %mul3A_162 : vector<16xi32>
      %add3A_164 = arith.addi %mul3A_163, %min3A_53 : vector<16xi32>
      %and3A_165 = arith.constant 127 : i32
      %and3A_166 = vector.broadcast %and3A_165 : i32 to vector<16xi32>
      %and3A_167 = arith.andi %bitcast3A_157, %and3A_166 : vector<16xi32>
      %gather3A_168 = tpu.vector_load_idx %arg5[%add3A_164, %and3A_167] : memref<400x128xf32, #tpu.memory_space<vmem>>[vector<16xi32>, vector<16xi32>], vector<16xf32>,
      %add3A_169 = arith.addf %gather3A_168, %gather3A_153 : vector<16xf32>
      %max3A_170 = arith.maximumf %max3A_150, %add3A_169 : vector<16xf32>
      %broadcast_in_dim3A_171 = arith.constant 6 : i32
      %broadcast_in_dim3A_172 = vector.broadcast %broadcast_in_dim3A_171 : i32 to vector<16xi32>
      %gather3A_173 = tpu.vector_load_idx %arg7[%min3A_53, %broadcast_in_dim3A_172] : memref<200x128xf32, #tpu.memory_space<vmem>>[vector<16xi32>, vector<16xi32>], vector<16xf32>,
      %broadcast_in_dim3A_174 = arith.constant 22 : i32
      %broadcast_in_dim3A_175 = vector.broadcast %broadcast_in_dim3A_174 : i32 to vector<16xi32>
      %gather3A_176 = tpu.vector_load_idx %arg7[%min3A_53, %broadcast_in_dim3A_175] : memref<200x128xf32, #tpu.memory_space<vmem>>[vector<16xi32>, vector<16xi32>], vector<16xf32>,
      %bitcast3A_177 = vector.bitcast %gather3A_176 : vector<16xf32> to vector<16xi32>
      %shift_right_arithmetic3A_178 = arith.constant 7 : i32
      %shift_right_arithmetic3A_179 = vector.broadcast %shift_right_arithmetic3A_178 : i32 to vector<16xi32>
      %shift_right_arithmetic3A_180 = arith.shrsi %bitcast3A_177, %shift_right_arithmetic3A_179 : vector<16xi32>
      %mul3A_181 = arith.constant 200 : i32
      %mul3A_182 = vector.broadcast %mul3A_181 : i32 to vector<16xi32>
      %mul3A_183 = arith.muli %shift_right_arithmetic3A_180, %mul3A_182 : vector<16xi32>
      %add3A_184 = arith.addi %mul3A_183, %min3A_53 : vector<16xi32>
      %and3A_185 = arith.constant 127 : i32
      %and3A_186 = vector.broadcast %and3A_185 : i32 to vector<16xi32>
      %and3A_187 = arith.andi %bitcast3A_177, %and3A_186 : vector<16xi32>
      %gather3A_188 = tpu.vector_load_idx %arg5[%add3A_184, %and3A_187] : memref<400x128xf32, #tpu.memory_space<vmem>>[vector<16xi32>, vector<16xi32>], vector<16xf32>,
      %add3A_189 = arith.addf %gather3A_188, %gather3A_173 : vector<16xf32>
      %max3A_190 = arith.maximumf %max3A_170, %add3A_189 : vector<16xf32>
      %broadcast_in_dim3A_191 = arith.constant 7 : i32
      %broadcast_in_dim3A_192 = vector.broadcast %broadcast_in_dim3A_191 : i32 to vector<16xi32>
      %gather3A_193 = tpu.vector_load_idx %arg7[%min3A_53, %broadcast_in_dim3A_192] : memref<200x128xf32, #tpu.memory_space<vmem>>[vector<16xi32>, vector<16xi32>], vector<16xf32>,
      %broadcast_in_dim3A_194 = arith.constant 23 : i32
      %broadcast_in_dim3A_195 = vector.broadcast %broadcast_in_dim3A_194 : i32 to vector<16xi32>
      %gather3A_196 = tpu.vector_load_idx %arg7[%min3A_53, %broadcast_in_dim3A_195] : memref<200x128xf32, #tpu.memory_space<vmem>>[vector<16xi32>, vector<16xi32>], vector<16xf32>,
      %bitcast3A_197 = vector.bitcast %gather3A_196 : vector<16xf32> to vector<16xi32>
      %shift_right_arithmetic3A_198 = arith.constant 7 : i32
      %shift_right_arithmetic3A_199 = vector.broadcast %shift_right_arithmetic3A_198 : i32 to vector<16xi32>
      %shift_right_arithmetic3A_200 = arith.shrsi %bitcast3A_197, %shift_right_arithmetic3A_199 : vector<16xi32>
      %mul3A_201 = arith.constant 200 : i32
      %mul3A_202 = vector.broadcast %mul3A_201 : i32 to vector<16xi32>
      %mul3A_203 = arith.muli %shift_right_arithmetic3A_200, %mul3A_202 : vector<16xi32>
      %add3A_204 = arith.addi %mul3A_203, %min3A_53 : vector<16xi32>
      %and3A_205 = arith.constant 127 : i32
      %and3A_206 = vector.broadcast %and3A_205 : i32 to vector<16xi32>
      %and3A_207 = arith.andi %bitcast3A_197, %and3A_206 : vector<16xi32>
      %gather3A_208 = tpu.vector_load_idx %arg5[%add3A_204, %and3A_207] : memref<400x128xf32, #tpu.memory_space<vmem>>[vector<16xi32>, vector<16xi32>], vector<16xf32>,
      %add3A_209 = arith.addf %gather3A_208, %gather3A_193 : vector<16xf32>
      %max3A_210 = arith.maximumf %max3A_190, %add3A_209 : vector<16xf32>
      %broadcast_in_dim3A_211 = arith.constant 8 : i32
      %broadcast_in_dim3A_212 = vector.broadcast %broadcast_in_dim3A_211 : i32 to vector<16xi32>
      %gather3A_213 = tpu.vector_load_idx %arg7[%min3A_53, %broadcast_in_dim3A_212] : memref<200x128xf32, #tpu.memory_space<vmem>>[vector<16xi32>, vector<16xi32>], vector<16xf32>,
      %broadcast_in_dim3A_214 = arith.constant 24 : i32
      %broadcast_in_dim3A_215 = vector.broadcast %broadcast_in_dim3A_214 : i32 to vector<16xi32>
      %gather3A_216 = tpu.vector_load_idx %arg7[%min3A_53, %broadcast_in_dim3A_215] : memref<200x128xf32, #tpu.memory_space<vmem>>[vector<16xi32>, vector<16xi32>], vector<16xf32>,
      %bitcast3A_217 = vector.bitcast %gather3A_216 : vector<16xf32> to vector<16xi32>
      %shift_right_arithmetic3A_218 = arith.constant 7 : i32
      %shift_right_arithmetic3A_219 = vector.broadcast %shift_right_arithmetic3A_218 : i32 to vector<16xi32>
      %shift_right_arithmetic3A_220 = arith.shrsi %bitcast3A_217, %shift_right_arithmetic3A_219 : vector<16xi32>
      %mul3A_221 = arith.constant 200 : i32
      %mul3A_222 = vector.broadcast %mul3A_221 : i32 to vector<16xi32>
      %mul3A_223 = arith.muli %shift_right_arithmetic3A_220, %mul3A_222 : vector<16xi32>
      %add3A_224 = arith.addi %mul3A_223, %min3A_53 : vector<16xi32>
      %and3A_225 = arith.constant 127 : i32
      %and3A_226 = vector.broadcast %and3A_225 : i32 to vector<16xi32>
      %and3A_227 = arith.andi %bitcast3A_217, %and3A_226 : vector<16xi32>
      %gather3A_228 = tpu.vector_load_idx %arg5[%add3A_224, %and3A_227] : memref<400x128xf32, #tpu.memory_space<vmem>>[vector<16xi32>, vector<16xi32>], vector<16xf32>,
      %add3A_229 = arith.addf %gather3A_228, %gather3A_213 : vector<16xf32>
      %max3A_230 = arith.maximumf %max3A_210, %add3A_229 : vector<16xf32>
      %broadcast_in_dim3A_231 = arith.constant 9 : i32
      %broadcast_in_dim3A_232 = vector.broadcast %broadcast_in_dim3A_231 : i32 to vector<16xi32>
      %gather3A_233 = tpu.vector_load_idx %arg7[%min3A_53, %broadcast_in_dim3A_232] : memref<200x128xf32, #tpu.memory_space<vmem>>[vector<16xi32>, vector<16xi32>], vector<16xf32>,
      %broadcast_in_dim3A_234 = arith.constant 25 : i32
      %broadcast_in_dim3A_235 = vector.broadcast %broadcast_in_dim3A_234 : i32 to vector<16xi32>
      %gather3A_236 = tpu.vector_load_idx %arg7[%min3A_53, %broadcast_in_dim3A_235] : memref<200x128xf32, #tpu.memory_space<vmem>>[vector<16xi32>, vector<16xi32>], vector<16xf32>,
      %bitcast3A_237 = vector.bitcast %gather3A_236 : vector<16xf32> to vector<16xi32>
      %shift_right_arithmetic3A_238 = arith.constant 7 : i32
      %shift_right_arithmetic3A_239 = vector.broadcast %shift_right_arithmetic3A_238 : i32 to vector<16xi32>
      %shift_right_arithmetic3A_240 = arith.shrsi %bitcast3A_237, %shift_right_arithmetic3A_239 : vector<16xi32>
      %mul3A_241 = arith.constant 200 : i32
      %mul3A_242 = vector.broadcast %mul3A_241 : i32 to vector<16xi32>
      %mul3A_243 = arith.muli %shift_right_arithmetic3A_240, %mul3A_242 : vector<16xi32>
      %add3A_244 = arith.addi %mul3A_243, %min3A_53 : vector<16xi32>
      %and3A_245 = arith.constant 127 : i32
      %and3A_246 = vector.broadcast %and3A_245 : i32 to vector<16xi32>
      %and3A_247 = arith.andi %bitcast3A_237, %and3A_246 : vector<16xi32>
      %gather3A_248 = tpu.vector_load_idx %arg5[%add3A_244, %and3A_247] : memref<400x128xf32, #tpu.memory_space<vmem>>[vector<16xi32>, vector<16xi32>], vector<16xf32>,
      %add3A_249 = arith.addf %gather3A_248, %gather3A_233 : vector<16xf32>
      %max3A_250 = arith.maximumf %max3A_230, %add3A_249 : vector<16xf32>
      %broadcast_in_dim3A_251 = arith.constant 10 : i32
      %broadcast_in_dim3A_252 = vector.broadcast %broadcast_in_dim3A_251 : i32 to vector<16xi32>
      %gather3A_253 = tpu.vector_load_idx %arg7[%min3A_53, %broadcast_in_dim3A_252] : memref<200x128xf32, #tpu.memory_space<vmem>>[vector<16xi32>, vector<16xi32>], vector<16xf32>,
      %broadcast_in_dim3A_254 = arith.constant 26 : i32
      %broadcast_in_dim3A_255 = vector.broadcast %broadcast_in_dim3A_254 : i32 to vector<16xi32>
      %gather3A_256 = tpu.vector_load_idx %arg7[%min3A_53, %broadcast_in_dim3A_255] : memref<200x128xf32, #tpu.memory_space<vmem>>[vector<16xi32>, vector<16xi32>], vector<16xf32>,
      %bitcast3A_257 = vector.bitcast %gather3A_256 : vector<16xf32> to vector<16xi32>
      %shift_right_arithmetic3A_258 = arith.constant 7 : i32
      %shift_right_arithmetic3A_259 = vector.broadcast %shift_right_arithmetic3A_258 : i32 to vector<16xi32>
      %shift_right_arithmetic3A_260 = arith.shrsi %bitcast3A_257, %shift_right_arithmetic3A_259 : vector<16xi32>
      %mul3A_261 = arith.constant 200 : i32
      %mul3A_262 = vector.broadcast %mul3A_261 : i32 to vector<16xi32>
      %mul3A_263 = arith.muli %shift_right_arithmetic3A_260, %mul3A_262 : vector<16xi32>
      %add3A_264 = arith.addi %mul3A_263, %min3A_53 : vector<16xi32>
      %and3A_265 = arith.constant 127 : i32
      %and3A_266 = vector.broadcast %and3A_265 : i32 to vector<16xi32>
      %and3A_267 = arith.andi %bitcast3A_257, %and3A_266 : vector<16xi32>
      %gather3A_268 = tpu.vector_load_idx %arg5[%add3A_264, %and3A_267] : memref<400x128xf32, #tpu.memory_space<vmem>>[vector<16xi32>, vector<16xi32>], vector<16xf32>,
      %add3A_269 = arith.addf %gather3A_268, %gather3A_253 : vector<16xf32>
      %max3A_270 = arith.maximumf %max3A_250, %add3A_269 : vector<16xf32>
      %broadcast_in_dim3A_271 = arith.constant 11 : i32
      %broadcast_in_dim3A_272 = vector.broadcast %broadcast_in_dim3A_271 : i32 to vector<16xi32>
      %gather3A_273 = tpu.vector_load_idx %arg7[%min3A_53, %broadcast_in_dim3A_272] : memref<200x128xf32, #tpu.memory_space<vmem>>[vector<16xi32>, vector<16xi32>], vector<16xf32>,
      %broadcast_in_dim3A_274 = arith.constant 27 : i32
      %broadcast_in_dim3A_275 = vector.broadcast %broadcast_in_dim3A_274 : i32 to vector<16xi32>
      %gather3A_276 = tpu.vector_load_idx %arg7[%min3A_53, %broadcast_in_dim3A_275] : memref<200x128xf32, #tpu.memory_space<vmem>>[vector<16xi32>, vector<16xi32>], vector<16xf32>,
      %bitcast3A_277 = vector.bitcast %gather3A_276 : vector<16xf32> to vector<16xi32>
      %shift_right_arithmetic3A_278 = arith.constant 7 : i32
      %shift_right_arithmetic3A_279 = vector.broadcast %shift_right_arithmetic3A_278 : i32 to vector<16xi32>
      %shift_right_arithmetic3A_280 = arith.shrsi %bitcast3A_277, %shift_right_arithmetic3A_279 : vector<16xi32>
      %mul3A_281 = arith.constant 200 : i32
      %mul3A_282 = vector.broadcast %mul3A_281 : i32 to vector<16xi32>
      %mul3A_283 = arith.muli %shift_right_arithmetic3A_280, %mul3A_282 : vector<16xi32>
      %add3A_284 = arith.addi %mul3A_283, %min3A_53 : vector<16xi32>
      %and3A_285 = arith.constant 127 : i32
      %and3A_286 = vector.broadcast %and3A_285 : i32 to vector<16xi32>
      %and3A_287 = arith.andi %bitcast3A_277, %and3A_286 : vector<16xi32>
      %gather3A_288 = tpu.vector_load_idx %arg5[%add3A_284, %and3A_287] : memref<400x128xf32, #tpu.memory_space<vmem>>[vector<16xi32>, vector<16xi32>], vector<16xf32>,
      %add3A_289 = arith.addf %gather3A_288, %gather3A_273 : vector<16xf32>
      %max3A_290 = arith.maximumf %max3A_270, %add3A_289 : vector<16xf32>
      %broadcast_in_dim3A_291 = arith.constant 12 : i32
      %broadcast_in_dim3A_292 = vector.broadcast %broadcast_in_dim3A_291 : i32 to vector<16xi32>
      %gather3A_293 = tpu.vector_load_idx %arg7[%min3A_53, %broadcast_in_dim3A_292] : memref<200x128xf32, #tpu.memory_space<vmem>>[vector<16xi32>, vector<16xi32>], vector<16xf32>,
      %broadcast_in_dim3A_294 = arith.constant 28 : i32
      %broadcast_in_dim3A_295 = vector.broadcast %broadcast_in_dim3A_294 : i32 to vector<16xi32>
      %gather3A_296 = tpu.vector_load_idx %arg7[%min3A_53, %broadcast_in_dim3A_295] : memref<200x128xf32, #tpu.memory_space<vmem>>[vector<16xi32>, vector<16xi32>], vector<16xf32>,
      %bitcast3A_297 = vector.bitcast %gather3A_296 : vector<16xf32> to vector<16xi32>
      %shift_right_arithmetic3A_298 = arith.constant 7 : i32
      %shift_right_arithmetic3A_299 = vector.broadcast %shift_right_arithmetic3A_298 : i32 to vector<16xi32>
      %shift_right_arithmetic3A_300 = arith.shrsi %bitcast3A_297, %shift_right_arithmetic3A_299 : vector<16xi32>
      %mul3A_301 = arith.constant 200 : i32
      %mul3A_302 = vector.broadcast %mul3A_301 : i32 to vector<16xi32>
      %mul3A_303 = arith.muli %shift_right_arithmetic3A_300, %mul3A_302 : vector<16xi32>
      %add3A_304 = arith.addi %mul3A_303, %min3A_53 : vector<16xi32>
      %and3A_305 = arith.constant 127 : i32
      %and3A_306 = vector.broadcast %and3A_305 : i32 to vector<16xi32>
      %and3A_307 = arith.andi %bitcast3A_297, %and3A_306 : vector<16xi32>
      %gather3A_308 = tpu.vector_load_idx %arg5[%add3A_304, %and3A_307] : memref<400x128xf32, #tpu.memory_space<vmem>>[vector<16xi32>, vector<16xi32>], vector<16xf32>,
      %add3A_309 = arith.addf %gather3A_308, %gather3A_293 : vector<16xf32>
      %max3A_310 = arith.maximumf %max3A_290, %add3A_309 : vector<16xf32>
      %broadcast_in_dim3A_311 = arith.constant 13 : i32
      %broadcast_in_dim3A_312 = vector.broadcast %broadcast_in_dim3A_311 : i32 to vector<16xi32>
      %gather3A_313 = tpu.vector_load_idx %arg7[%min3A_53, %broadcast_in_dim3A_312] : memref<200x128xf32, #tpu.memory_space<vmem>>[vector<16xi32>, vector<16xi32>], vector<16xf32>,
      %broadcast_in_dim3A_314 = arith.constant 29 : i32
      %broadcast_in_dim3A_315 = vector.broadcast %broadcast_in_dim3A_314 : i32 to vector<16xi32>
      %gather3A_316 = tpu.vector_load_idx %arg7[%min3A_53, %broadcast_in_dim3A_315] : memref<200x128xf32, #tpu.memory_space<vmem>>[vector<16xi32>, vector<16xi32>], vector<16xf32>,
      %bitcast3A_317 = vector.bitcast %gather3A_316 : vector<16xf32> to vector<16xi32>
      %shift_right_arithmetic3A_318 = arith.constant 7 : i32
      %shift_right_arithmetic3A_319 = vector.broadcast %shift_right_arithmetic3A_318 : i32 to vector<16xi32>
      %shift_right_arithmetic3A_320 = arith.shrsi %bitcast3A_317, %shift_right_arithmetic3A_319 : vector<16xi32>
      %mul3A_321 = arith.constant 200 : i32
      %mul3A_322 = vector.broadcast %mul3A_321 : i32 to vector<16xi32>
      %mul3A_323 = arith.muli %shift_right_arithmetic3A_320, %mul3A_322 : vector<16xi32>
      %add3A_324 = arith.addi %mul3A_323, %min3A_53 : vector<16xi32>
      %and3A_325 = arith.constant 127 : i32
      %and3A_326 = vector.broadcast %and3A_325 : i32 to vector<16xi32>
      %and3A_327 = arith.andi %bitcast3A_317, %and3A_326 : vector<16xi32>
      %gather3A_328 = tpu.vector_load_idx %arg5[%add3A_324, %and3A_327] : memref<400x128xf32, #tpu.memory_space<vmem>>[vector<16xi32>, vector<16xi32>], vector<16xf32>,
      %add3A_329 = arith.addf %gather3A_328, %gather3A_313 : vector<16xf32>
      %max3A_330 = arith.maximumf %max3A_310, %add3A_329 : vector<16xf32>
      %broadcast_in_dim3A_331 = arith.constant 14 : i32
      %broadcast_in_dim3A_332 = vector.broadcast %broadcast_in_dim3A_331 : i32 to vector<16xi32>
      %gather3A_333 = tpu.vector_load_idx %arg7[%min3A_53, %broadcast_in_dim3A_332] : memref<200x128xf32, #tpu.memory_space<vmem>>[vector<16xi32>, vector<16xi32>], vector<16xf32>,
      %broadcast_in_dim3A_334 = arith.constant 30 : i32
      %broadcast_in_dim3A_335 = vector.broadcast %broadcast_in_dim3A_334 : i32 to vector<16xi32>
      %gather3A_336 = tpu.vector_load_idx %arg7[%min3A_53, %broadcast_in_dim3A_335] : memref<200x128xf32, #tpu.memory_space<vmem>>[vector<16xi32>, vector<16xi32>], vector<16xf32>,
      %bitcast3A_337 = vector.bitcast %gather3A_336 : vector<16xf32> to vector<16xi32>
      %shift_right_arithmetic3A_338 = arith.constant 7 : i32
      %shift_right_arithmetic3A_339 = vector.broadcast %shift_right_arithmetic3A_338 : i32 to vector<16xi32>
      %shift_right_arithmetic3A_340 = arith.shrsi %bitcast3A_337, %shift_right_arithmetic3A_339 : vector<16xi32>
      %mul3A_341 = arith.constant 200 : i32
      %mul3A_342 = vector.broadcast %mul3A_341 : i32 to vector<16xi32>
      %mul3A_343 = arith.muli %shift_right_arithmetic3A_340, %mul3A_342 : vector<16xi32>
      %add3A_344 = arith.addi %mul3A_343, %min3A_53 : vector<16xi32>
      %and3A_345 = arith.constant 127 : i32
      %and3A_346 = vector.broadcast %and3A_345 : i32 to vector<16xi32>
      %and3A_347 = arith.andi %bitcast3A_337, %and3A_346 : vector<16xi32>
      %gather3A_348 = tpu.vector_load_idx %arg5[%add3A_344, %and3A_347] : memref<400x128xf32, #tpu.memory_space<vmem>>[vector<16xi32>, vector<16xi32>], vector<16xf32>,
      %add3A_349 = arith.addf %gather3A_348, %gather3A_333 : vector<16xf32>
      %max3A_350 = arith.maximumf %max3A_330, %add3A_349 : vector<16xf32>
      %broadcast_in_dim3A_351 = arith.constant 15 : i32
      %broadcast_in_dim3A_352 = vector.broadcast %broadcast_in_dim3A_351 : i32 to vector<16xi32>
      %gather3A_353 = tpu.vector_load_idx %arg7[%min3A_53, %broadcast_in_dim3A_352] : memref<200x128xf32, #tpu.memory_space<vmem>>[vector<16xi32>, vector<16xi32>], vector<16xf32>,
      %broadcast_in_dim3A_354 = arith.constant 31 : i32
      %broadcast_in_dim3A_355 = vector.broadcast %broadcast_in_dim3A_354 : i32 to vector<16xi32>
      %gather3A_356 = tpu.vector_load_idx %arg7[%min3A_53, %broadcast_in_dim3A_355] : memref<200x128xf32, #tpu.memory_space<vmem>>[vector<16xi32>, vector<16xi32>], vector<16xf32>,
      %bitcast3A_357 = vector.bitcast %gather3A_356 : vector<16xf32> to vector<16xi32>
      %shift_right_arithmetic3A_358 = arith.constant 7 : i32
      %shift_right_arithmetic3A_359 = vector.broadcast %shift_right_arithmetic3A_358 : i32 to vector<16xi32>
      %shift_right_arithmetic3A_360 = arith.shrsi %bitcast3A_357, %shift_right_arithmetic3A_359 : vector<16xi32>
      %mul3A_361 = arith.constant 200 : i32
      %mul3A_362 = vector.broadcast %mul3A_361 : i32 to vector<16xi32>
      %mul3A_363 = arith.muli %shift_right_arithmetic3A_360, %mul3A_362 : vector<16xi32>
      %add3A_364 = arith.addi %mul3A_363, %min3A_53 : vector<16xi32>
      %and3A_365 = arith.constant 127 : i32
      %and3A_366 = vector.broadcast %and3A_365 : i32 to vector<16xi32>
      %and3A_367 = arith.andi %bitcast3A_357, %and3A_366 : vector<16xi32>
      %gather3A_368 = tpu.vector_load_idx %arg5[%add3A_364, %and3A_367] : memref<400x128xf32, #tpu.memory_space<vmem>>[vector<16xi32>, vector<16xi32>], vector<16xf32>,
      %add3A_369 = arith.addf %gather3A_368, %gather3A_353 : vector<16xf32>
      %max3A_370 = arith.maximumf %max3A_350, %add3A_369 : vector<16xf32>
      %sub3A = arith.subf %add3A_70, %max3A_370 : vector<16xf32>
      %exp3A = math.exp %sub3A : vector<16xf32>
      %sub3A_371 = arith.subf %add3A_89, %max3A_370 : vector<16xf32>
      %exp3A_372 = math.exp %sub3A_371 : vector<16xf32>
      %sub3A_373 = arith.subf %add3A_109, %max3A_370 : vector<16xf32>
      %exp3A_374 = math.exp %sub3A_373 : vector<16xf32>
      %sub3A_375 = arith.subf %add3A_129, %max3A_370 : vector<16xf32>
      %exp3A_376 = math.exp %sub3A_375 : vector<16xf32>
      %sub3A_377 = arith.subf %add3A_149, %max3A_370 : vector<16xf32>
      %exp3A_378 = math.exp %sub3A_377 : vector<16xf32>
      %sub3A_379 = arith.subf %add3A_169, %max3A_370 : vector<16xf32>
      %exp3A_380 = math.exp %sub3A_379 : vector<16xf32>
      %sub3A_381 = arith.subf %add3A_189, %max3A_370 : vector<16xf32>
      %exp3A_382 = math.exp %sub3A_381 : vector<16xf32>
      %sub3A_383 = arith.subf %add3A_209, %max3A_370 : vector<16xf32>
      %exp3A_384 = math.exp %sub3A_383 : vector<16xf32>
      %sub3A_385 = arith.subf %add3A_229, %max3A_370 : vector<16xf32>
      %exp3A_386 = math.exp %sub3A_385 : vector<16xf32>
      %sub3A_387 = arith.subf %add3A_249, %max3A_370 : vector<16xf32>
      %exp3A_388 = math.exp %sub3A_387 : vector<16xf32>
      %sub3A_389 = arith.subf %add3A_269, %max3A_370 : vector<16xf32>
      %exp3A_390 = math.exp %sub3A_389 : vector<16xf32>
      %sub3A_391 = arith.subf %add3A_289, %max3A_370 : vector<16xf32>
      %exp3A_392 = math.exp %sub3A_391 : vector<16xf32>
      %sub3A_393 = arith.subf %add3A_309, %max3A_370 : vector<16xf32>
      %exp3A_394 = math.exp %sub3A_393 : vector<16xf32>
      %sub3A_395 = arith.subf %add3A_329, %max3A_370 : vector<16xf32>
      %exp3A_396 = math.exp %sub3A_395 : vector<16xf32>
      %sub3A_397 = arith.subf %add3A_349, %max3A_370 : vector<16xf32>
      %exp3A_398 = math.exp %sub3A_397 : vector<16xf32>
      %sub3A_399 = arith.subf %add3A_369, %max3A_370 : vector<16xf32>
      %exp3A_400 = math.exp %sub3A_399 : vector<16xf32>
      %add3A_401 = arith.addf %broadcast_in_dim3A_1, %exp3A : vector<16xf32>
      %add3A_402 = arith.addf %add3A_401, %exp3A_372 : vector<16xf32>
      %add3A_403 = arith.addf %add3A_402, %exp3A_374 : vector<16xf32>
      %add3A_404 = arith.addf %add3A_403, %exp3A_376 : vector<16xf32>
      %add3A_405 = arith.addf %add3A_404, %exp3A_378 : vector<16xf32>
      %add3A_406 = arith.addf %add3A_405, %exp3A_380 : vector<16xf32>
      %add3A_407 = arith.addf %add3A_406, %exp3A_382 : vector<16xf32>
      %add3A_408 = arith.addf %add3A_407, %exp3A_384 : vector<16xf32>
      %add3A_409 = arith.addf %add3A_408, %exp3A_386 : vector<16xf32>
      %add3A_410 = arith.addf %add3A_409, %exp3A_388 : vector<16xf32>
      %add3A_411 = arith.addf %add3A_410, %exp3A_390 : vector<16xf32>
      %add3A_412 = arith.addf %add3A_411, %exp3A_392 : vector<16xf32>
      %add3A_413 = arith.addf %add3A_412, %exp3A_394 : vector<16xf32>
      %add3A_414 = arith.addf %add3A_413, %exp3A_396 : vector<16xf32>
      %add3A_415 = arith.addf %add3A_414, %exp3A_398 : vector<16xf32>
      %add3A_416 = arith.addf %add3A_415, %exp3A_400 : vector<16xf32>
      %div3A = arith.constant 1.000000e+00 : f32
      %div3A_417 = vector.broadcast %div3A : f32 to vector<16xf32>
      %div3A_418 = arith.divf %div3A_417, %add3A_416 : vector<16xf32>
      %shift_right_arithmetic3A_419 = arith.constant 7 : i32
      %shift_right_arithmetic3A_420 = vector.broadcast %shift_right_arithmetic3A_419 : i32 to vector<16xi32>
      %shift_right_arithmetic3A_421 = arith.shrsi %bitcast3A, %shift_right_arithmetic3A_420 : vector<16xi32>
      %mul3A_422 = arith.constant 200 : i32
      %mul3A_423 = vector.broadcast %mul3A_422 : i32 to vector<16xi32>
      %mul3A_424 = arith.muli %shift_right_arithmetic3A_421, %mul3A_423 : vector<16xi32>
      %add3A_425 = arith.addi %mul3A_424, %min3A_53 : vector<16xi32>
      %and3A_426 = arith.constant 127 : i32
      %and3A_427 = vector.broadcast %and3A_426 : i32 to vector<16xi32>
      %and3A_428 = arith.andi %bitcast3A, %and3A_427 : vector<16xi32>
      %mul3A_429 = arith.mulf %exp3A, %div3A_418 : vector<16xf32>
      tpu.vector_store_idx %arg6[%add3A_425, %and3A_428], %mul3A_429 masked %lt3A_51 {add = true} : memref<400x128xf32, #tpu.memory_space<vmem>>[vector<16xi32>, vector<16xi32>], vector<16xf32>, vector<16xi1>
      %shift_right_arithmetic3A_430 = arith.constant 7 : i32
      %shift_right_arithmetic3A_431 = vector.broadcast %shift_right_arithmetic3A_430 : i32 to vector<16xi32>
      %shift_right_arithmetic3A_432 = arith.shrsi %bitcast3A_77, %shift_right_arithmetic3A_431 : vector<16xi32>
      %mul3A_433 = arith.constant 200 : i32
      %mul3A_434 = vector.broadcast %mul3A_433 : i32 to vector<16xi32>
      %mul3A_435 = arith.muli %shift_right_arithmetic3A_432, %mul3A_434 : vector<16xi32>
      %add3A_436 = arith.addi %mul3A_435, %min3A_53 : vector<16xi32>
      %and3A_437 = arith.constant 127 : i32
      %and3A_438 = vector.broadcast %and3A_437 : i32 to vector<16xi32>
      %and3A_439 = arith.andi %bitcast3A_77, %and3A_438 : vector<16xi32>
      %mul3A_440 = arith.mulf %exp3A_372, %div3A_418 : vector<16xf32>
      tpu.vector_store_idx %arg6[%add3A_436, %and3A_439], %mul3A_440 masked %lt3A_51 {add = true} : memref<400x128xf32, #tpu.memory_space<vmem>>[vector<16xi32>, vector<16xi32>], vector<16xf32>, vector<16xi1>
      %shift_right_arithmetic3A_441 = arith.constant 7 : i32
      %shift_right_arithmetic3A_442 = vector.broadcast %shift_right_arithmetic3A_441 : i32 to vector<16xi32>
      %shift_right_arithmetic3A_443 = arith.shrsi %bitcast3A_97, %shift_right_arithmetic3A_442 : vector<16xi32>
      %mul3A_444 = arith.constant 200 : i32
      %mul3A_445 = vector.broadcast %mul3A_444 : i32 to vector<16xi32>
      %mul3A_446 = arith.muli %shift_right_arithmetic3A_443, %mul3A_445 : vector<16xi32>
      %add3A_447 = arith.addi %mul3A_446, %min3A_53 : vector<16xi32>
      %and3A_448 = arith.constant 127 : i32
      %and3A_449 = vector.broadcast %and3A_448 : i32 to vector<16xi32>
      %and3A_450 = arith.andi %bitcast3A_97, %and3A_449 : vector<16xi32>
      %mul3A_451 = arith.mulf %exp3A_374, %div3A_418 : vector<16xf32>
      tpu.vector_store_idx %arg6[%add3A_447, %and3A_450], %mul3A_451 masked %lt3A_51 {add = true} : memref<400x128xf32, #tpu.memory_space<vmem>>[vector<16xi32>, vector<16xi32>], vector<16xf32>, vector<16xi1>
      %shift_right_arithmetic3A_452 = arith.constant 7 : i32
      %shift_right_arithmetic3A_453 = vector.broadcast %shift_right_arithmetic3A_452 : i32 to vector<16xi32>
      %shift_right_arithmetic3A_454 = arith.shrsi %bitcast3A_117, %shift_right_arithmetic3A_453 : vector<16xi32>
      %mul3A_455 = arith.constant 200 : i32
      %mul3A_456 = vector.broadcast %mul3A_455 : i32 to vector<16xi32>
      %mul3A_457 = arith.muli %shift_right_arithmetic3A_454, %mul3A_456 : vector<16xi32>
      %add3A_458 = arith.addi %mul3A_457, %min3A_53 : vector<16xi32>
      %and3A_459 = arith.constant 127 : i32
      %and3A_460 = vector.broadcast %and3A_459 : i32 to vector<16xi32>
      %and3A_461 = arith.andi %bitcast3A_117, %and3A_460 : vector<16xi32>
      %mul3A_462 = arith.mulf %exp3A_376, %div3A_418 : vector<16xf32>
      tpu.vector_store_idx %arg6[%add3A_458, %and3A_461], %mul3A_462 masked %lt3A_51 {add = true} : memref<400x128xf32, #tpu.memory_space<vmem>>[vector<16xi32>, vector<16xi32>], vector<16xf32>, vector<16xi1>
      %shift_right_arithmetic3A_463 = arith.constant 7 : i32
      %shift_right_arithmetic3A_464 = vector.broadcast %shift_right_arithmetic3A_463 : i32 to vector<16xi32>
      %shift_right_arithmetic3A_465 = arith.shrsi %bitcast3A_137, %shift_right_arithmetic3A_464 : vector<16xi32>
      %mul3A_466 = arith.constant 200 : i32
      %mul3A_467 = vector.broadcast %mul3A_466 : i32 to vector<16xi32>
      %mul3A_468 = arith.muli %shift_right_arithmetic3A_465, %mul3A_467 : vector<16xi32>
      %add3A_469 = arith.addi %mul3A_468, %min3A_53 : vector<16xi32>
      %and3A_470 = arith.constant 127 : i32
      %and3A_471 = vector.broadcast %and3A_470 : i32 to vector<16xi32>
      %and3A_472 = arith.andi %bitcast3A_137, %and3A_471 : vector<16xi32>
      %mul3A_473 = arith.mulf %exp3A_378, %div3A_418 : vector<16xf32>
      tpu.vector_store_idx %arg6[%add3A_469, %and3A_472], %mul3A_473 masked %lt3A_51 {add = true} : memref<400x128xf32, #tpu.memory_space<vmem>>[vector<16xi32>, vector<16xi32>], vector<16xf32>, vector<16xi1>
      %shift_right_arithmetic3A_474 = arith.constant 7 : i32
      %shift_right_arithmetic3A_475 = vector.broadcast %shift_right_arithmetic3A_474 : i32 to vector<16xi32>
      %shift_right_arithmetic3A_476 = arith.shrsi %bitcast3A_157, %shift_right_arithmetic3A_475 : vector<16xi32>
      %mul3A_477 = arith.constant 200 : i32
      %mul3A_478 = vector.broadcast %mul3A_477 : i32 to vector<16xi32>
      %mul3A_479 = arith.muli %shift_right_arithmetic3A_476, %mul3A_478 : vector<16xi32>
      %add3A_480 = arith.addi %mul3A_479, %min3A_53 : vector<16xi32>
      %and3A_481 = arith.constant 127 : i32
      %and3A_482 = vector.broadcast %and3A_481 : i32 to vector<16xi32>
      %and3A_483 = arith.andi %bitcast3A_157, %and3A_482 : vector<16xi32>
      %mul3A_484 = arith.mulf %exp3A_380, %div3A_418 : vector<16xf32>
      tpu.vector_store_idx %arg6[%add3A_480, %and3A_483], %mul3A_484 masked %lt3A_51 {add = true} : memref<400x128xf32, #tpu.memory_space<vmem>>[vector<16xi32>, vector<16xi32>], vector<16xf32>, vector<16xi1>
      %shift_right_arithmetic3A_485 = arith.constant 7 : i32
      %shift_right_arithmetic3A_486 = vector.broadcast %shift_right_arithmetic3A_485 : i32 to vector<16xi32>
      %shift_right_arithmetic3A_487 = arith.shrsi %bitcast3A_177, %shift_right_arithmetic3A_486 : vector<16xi32>
      %mul3A_488 = arith.constant 200 : i32
      %mul3A_489 = vector.broadcast %mul3A_488 : i32 to vector<16xi32>
      %mul3A_490 = arith.muli %shift_right_arithmetic3A_487, %mul3A_489 : vector<16xi32>
      %add3A_491 = arith.addi %mul3A_490, %min3A_53 : vector<16xi32>
      %and3A_492 = arith.constant 127 : i32
      %and3A_493 = vector.broadcast %and3A_492 : i32 to vector<16xi32>
      %and3A_494 = arith.andi %bitcast3A_177, %and3A_493 : vector<16xi32>
      %mul3A_495 = arith.mulf %exp3A_382, %div3A_418 : vector<16xf32>
      tpu.vector_store_idx %arg6[%add3A_491, %and3A_494], %mul3A_495 masked %lt3A_51 {add = true} : memref<400x128xf32, #tpu.memory_space<vmem>>[vector<16xi32>, vector<16xi32>], vector<16xf32>, vector<16xi1>
      %shift_right_arithmetic3A_496 = arith.constant 7 : i32
      %shift_right_arithmetic3A_497 = vector.broadcast %shift_right_arithmetic3A_496 : i32 to vector<16xi32>
      %shift_right_arithmetic3A_498 = arith.shrsi %bitcast3A_197, %shift_right_arithmetic3A_497 : vector<16xi32>
      %mul3A_499 = arith.constant 200 : i32
      %mul3A_500 = vector.broadcast %mul3A_499 : i32 to vector<16xi32>
      %mul3A_501 = arith.muli %shift_right_arithmetic3A_498, %mul3A_500 : vector<16xi32>
      %add3A_502 = arith.addi %mul3A_501, %min3A_53 : vector<16xi32>
      %and3A_503 = arith.constant 127 : i32
      %and3A_504 = vector.broadcast %and3A_503 : i32 to vector<16xi32>
      %and3A_505 = arith.andi %bitcast3A_197, %and3A_504 : vector<16xi32>
      %mul3A_506 = arith.mulf %exp3A_384, %div3A_418 : vector<16xf32>
      tpu.vector_store_idx %arg6[%add3A_502, %and3A_505], %mul3A_506 masked %lt3A_51 {add = true} : memref<400x128xf32, #tpu.memory_space<vmem>>[vector<16xi32>, vector<16xi32>], vector<16xf32>, vector<16xi1>
      %shift_right_arithmetic3A_507 = arith.constant 7 : i32
      %shift_right_arithmetic3A_508 = vector.broadcast %shift_right_arithmetic3A_507 : i32 to vector<16xi32>
      %shift_right_arithmetic3A_509 = arith.shrsi %bitcast3A_217, %shift_right_arithmetic3A_508 : vector<16xi32>
      %mul3A_510 = arith.constant 200 : i32
      %mul3A_511 = vector.broadcast %mul3A_510 : i32 to vector<16xi32>
      %mul3A_512 = arith.muli %shift_right_arithmetic3A_509, %mul3A_511 : vector<16xi32>
      %add3A_513 = arith.addi %mul3A_512, %min3A_53 : vector<16xi32>
      %and3A_514 = arith.constant 127 : i32
      %and3A_515 = vector.broadcast %and3A_514 : i32 to vector<16xi32>
      %and3A_516 = arith.andi %bitcast3A_217, %and3A_515 : vector<16xi32>
      %mul3A_517 = arith.mulf %exp3A_386, %div3A_418 : vector<16xf32>
      tpu.vector_store_idx %arg6[%add3A_513, %and3A_516], %mul3A_517 masked %lt3A_51 {add = true} : memref<400x128xf32, #tpu.memory_space<vmem>>[vector<16xi32>, vector<16xi32>], vector<16xf32>, vector<16xi1>
      %shift_right_arithmetic3A_518 = arith.constant 7 : i32
      %shift_right_arithmetic3A_519 = vector.broadcast %shift_right_arithmetic3A_518 : i32 to vector<16xi32>
      %shift_right_arithmetic3A_520 = arith.shrsi %bitcast3A_237, %shift_right_arithmetic3A_519 : vector<16xi32>
      %mul3A_521 = arith.constant 200 : i32
      %mul3A_522 = vector.broadcast %mul3A_521 : i32 to vector<16xi32>
      %mul3A_523 = arith.muli %shift_right_arithmetic3A_520, %mul3A_522 : vector<16xi32>
      %add3A_524 = arith.addi %mul3A_523, %min3A_53 : vector<16xi32>
      %and3A_525 = arith.constant 127 : i32
      %and3A_526 = vector.broadcast %and3A_525 : i32 to vector<16xi32>
      %and3A_527 = arith.andi %bitcast3A_237, %and3A_526 : vector<16xi32>
      %mul3A_528 = arith.mulf %exp3A_388, %div3A_418 : vector<16xf32>
      tpu.vector_store_idx %arg6[%add3A_524, %and3A_527], %mul3A_528 masked %lt3A_51 {add = true} : memref<400x128xf32, #tpu.memory_space<vmem>>[vector<16xi32>, vector<16xi32>], vector<16xf32>, vector<16xi1>
      %shift_right_arithmetic3A_529 = arith.constant 7 : i32
      %shift_right_arithmetic3A_530 = vector.broadcast %shift_right_arithmetic3A_529 : i32 to vector<16xi32>
      %shift_right_arithmetic3A_531 = arith.shrsi %bitcast3A_257, %shift_right_arithmetic3A_530 : vector<16xi32>
      %mul3A_532 = arith.constant 200 : i32
      %mul3A_533 = vector.broadcast %mul3A_532 : i32 to vector<16xi32>
      %mul3A_534 = arith.muli %shift_right_arithmetic3A_531, %mul3A_533 : vector<16xi32>
      %add3A_535 = arith.addi %mul3A_534, %min3A_53 : vector<16xi32>
      %and3A_536 = arith.constant 127 : i32
      %and3A_537 = vector.broadcast %and3A_536 : i32 to vector<16xi32>
      %and3A_538 = arith.andi %bitcast3A_257, %and3A_537 : vector<16xi32>
      %mul3A_539 = arith.mulf %exp3A_390, %div3A_418 : vector<16xf32>
      tpu.vector_store_idx %arg6[%add3A_535, %and3A_538], %mul3A_539 masked %lt3A_51 {add = true} : memref<400x128xf32, #tpu.memory_space<vmem>>[vector<16xi32>, vector<16xi32>], vector<16xf32>, vector<16xi1>
      %shift_right_arithmetic3A_540 = arith.constant 7 : i32
      %shift_right_arithmetic3A_541 = vector.broadcast %shift_right_arithmetic3A_540 : i32 to vector<16xi32>
      %shift_right_arithmetic3A_542 = arith.shrsi %bitcast3A_277, %shift_right_arithmetic3A_541 : vector<16xi32>
      %mul3A_543 = arith.constant 200 : i32
      %mul3A_544 = vector.broadcast %mul3A_543 : i32 to vector<16xi32>
      %mul3A_545 = arith.muli %shift_right_arithmetic3A_542, %mul3A_544 : vector<16xi32>
      %add3A_546 = arith.addi %mul3A_545, %min3A_53 : vector<16xi32>
      %and3A_547 = arith.constant 127 : i32
      %and3A_548 = vector.broadcast %and3A_547 : i32 to vector<16xi32>
      %and3A_549 = arith.andi %bitcast3A_277, %and3A_548 : vector<16xi32>
      %mul3A_550 = arith.mulf %exp3A_392, %div3A_418 : vector<16xf32>
      tpu.vector_store_idx %arg6[%add3A_546, %and3A_549], %mul3A_550 masked %lt3A_51 {add = true} : memref<400x128xf32, #tpu.memory_space<vmem>>[vector<16xi32>, vector<16xi32>], vector<16xf32>, vector<16xi1>
      %shift_right_arithmetic3A_551 = arith.constant 7 : i32
      %shift_right_arithmetic3A_552 = vector.broadcast %shift_right_arithmetic3A_551 : i32 to vector<16xi32>
      %shift_right_arithmetic3A_553 = arith.shrsi %bitcast3A_297, %shift_right_arithmetic3A_552 : vector<16xi32>
      %mul3A_554 = arith.constant 200 : i32
      %mul3A_555 = vector.broadcast %mul3A_554 : i32 to vector<16xi32>
      %mul3A_556 = arith.muli %shift_right_arithmetic3A_553, %mul3A_555 : vector<16xi32>
      %add3A_557 = arith.addi %mul3A_556, %min3A_53 : vector<16xi32>
      %and3A_558 = arith.constant 127 : i32
      %and3A_559 = vector.broadcast %and3A_558 : i32 to vector<16xi32>
      %and3A_560 = arith.andi %bitcast3A_297, %and3A_559 : vector<16xi32>
      %mul3A_561 = arith.mulf %exp3A_394, %div3A_418 : vector<16xf32>
      tpu.vector_store_idx %arg6[%add3A_557, %and3A_560], %mul3A_561 masked %lt3A_51 {add = true} : memref<400x128xf32, #tpu.memory_space<vmem>>[vector<16xi32>, vector<16xi32>], vector<16xf32>, vector<16xi1>
      %shift_right_arithmetic3A_562 = arith.constant 7 : i32
      %shift_right_arithmetic3A_563 = vector.broadcast %shift_right_arithmetic3A_562 : i32 to vector<16xi32>
      %shift_right_arithmetic3A_564 = arith.shrsi %bitcast3A_317, %shift_right_arithmetic3A_563 : vector<16xi32>
      %mul3A_565 = arith.constant 200 : i32
      %mul3A_566 = vector.broadcast %mul3A_565 : i32 to vector<16xi32>
      %mul3A_567 = arith.muli %shift_right_arithmetic3A_564, %mul3A_566 : vector<16xi32>
      %add3A_568 = arith.addi %mul3A_567, %min3A_53 : vector<16xi32>
      %and3A_569 = arith.constant 127 : i32
      %and3A_570 = vector.broadcast %and3A_569 : i32 to vector<16xi32>
      %and3A_571 = arith.andi %bitcast3A_317, %and3A_570 : vector<16xi32>
      %mul3A_572 = arith.mulf %exp3A_396, %div3A_418 : vector<16xf32>
      tpu.vector_store_idx %arg6[%add3A_568, %and3A_571], %mul3A_572 masked %lt3A_51 {add = true} : memref<400x128xf32, #tpu.memory_space<vmem>>[vector<16xi32>, vector<16xi32>], vector<16xf32>, vector<16xi1>
      %shift_right_arithmetic3A_573 = arith.constant 7 : i32
      %shift_right_arithmetic3A_574 = vector.broadcast %shift_right_arithmetic3A_573 : i32 to vector<16xi32>
      %shift_right_arithmetic3A_575 = arith.shrsi %bitcast3A_337, %shift_right_arithmetic3A_574 : vector<16xi32>
      %mul3A_576 = arith.constant 200 : i32
      %mul3A_577 = vector.broadcast %mul3A_576 : i32 to vector<16xi32>
      %mul3A_578 = arith.muli %shift_right_arithmetic3A_575, %mul3A_577 : vector<16xi32>
      %add3A_579 = arith.addi %mul3A_578, %min3A_53 : vector<16xi32>
      %and3A_580 = arith.constant 127 : i32
      %and3A_581 = vector.broadcast %and3A_580 : i32 to vector<16xi32>
      %and3A_582 = arith.andi %bitcast3A_337, %and3A_581 : vector<16xi32>
      %mul3A_583 = arith.mulf %exp3A_398, %div3A_418 : vector<16xf32>
      tpu.vector_store_idx %arg6[%add3A_579, %and3A_582], %mul3A_583 masked %lt3A_51 {add = true} : memref<400x128xf32, #tpu.memory_space<vmem>>[vector<16xi32>, vector<16xi32>], vector<16xf32>, vector<16xi1>
      %shift_right_arithmetic3A_584 = arith.constant 7 : i32
      %shift_right_arithmetic3A_585 = vector.broadcast %shift_right_arithmetic3A_584 : i32 to vector<16xi32>
      %shift_right_arithmetic3A_586 = arith.shrsi %bitcast3A_357, %shift_right_arithmetic3A_585 : vector<16xi32>
      %mul3A_587 = arith.constant 200 : i32
      %mul3A_588 = vector.broadcast %mul3A_587 : i32 to vector<16xi32>
      %mul3A_589 = arith.muli %shift_right_arithmetic3A_586, %mul3A_588 : vector<16xi32>
      %add3A_590 = arith.addi %mul3A_589, %min3A_53 : vector<16xi32>
      %and3A_591 = arith.constant 127 : i32
      %and3A_592 = vector.broadcast %and3A_591 : i32 to vector<16xi32>
      %and3A_593 = arith.andi %bitcast3A_357, %and3A_592 : vector<16xi32>
      %mul3A_594 = arith.mulf %exp3A_400, %div3A_418 : vector<16xf32>
      tpu.vector_store_idx %arg6[%add3A_590, %and3A_593], %mul3A_594 masked %lt3A_51 {add = true} : memref<400x128xf32, #tpu.memory_space<vmem>>[vector<16xi32>, vector<16xi32>], vector<16xf32>, vector<16xi1>
    }
    %scan3A_44 = arith.constant 13 : i32
    "tpu.region"() ({
      %run_scoped3A = tpu.sem_alloc : memref<!tpu.dma_semaphore, #tpu.memory_space<semaphore_mem>>
      %dma_start3A_45 = arith.constant 0 : i32
      %dma_start3A_46 = arith.constant 0 : i32
      %dma_start3A_47 = tpu.memref_slice %arg4[%add3A_5, %dma_start3A_45, %dma_start3A_46] : memref<32x400x128xf32, #tpu.memory_space<hbm>> -> memref<1x400x128xf32, #tpu.memory_space<hbm>>
      %dma_start3A_48 = tpu.memref_squeeze %dma_start3A_47 : memref<1x400x128xf32, #tpu.memory_space<hbm>> -> memref<400x128xf32, #tpu.memory_space<hbm>>
      %dma_start3A_49 = arith.constant 0 : i32
      %dma_start3A_50 = arith.constant 0 : i32
      %dma_start3A_51 = tpu.memref_slice %arg4[%add3A_5, %dma_start3A_49, %dma_start3A_50] : memref<32x400x128xf32, #tpu.memory_space<hbm>> -> memref<1x400x128xf32, #tpu.memory_space<hbm>>
      %dma_start3A_52 = tpu.memref_squeeze %dma_start3A_51 : memref<1x400x128xf32, #tpu.memory_space<hbm>> -> memref<400x128xf32, #tpu.memory_space<hbm>>
      tpu.enqueue_dma source(%arg6 : memref<400x128xf32, #tpu.memory_space<vmem>>) target(%dma_start3A_52 : memref<400x128xf32, #tpu.memory_space<hbm>>) target_semaphore(%run_scoped3A : memref<!tpu.dma_semaphore, #tpu.memory_space<semaphore_mem>>)
      %dma_wait3A_53 = arith.constant 0 : i32
      %dma_wait3A_54 = arith.constant 0 : i32
      %dma_wait3A_55 = tpu.memref_slice %arg4[%add3A_5, %dma_wait3A_53, %dma_wait3A_54] : memref<32x400x128xf32, #tpu.memory_space<hbm>> -> memref<1x400x128xf32, #tpu.memory_space<hbm>>
      %dma_wait3A_56 = tpu.memref_squeeze %dma_wait3A_55 : memref<1x400x128xf32, #tpu.memory_space<hbm>> -> memref<400x128xf32, #tpu.memory_space<hbm>>
      %dma_wait3A_57 = arith.constant 0 : i32
      %dma_wait3A_58 = arith.constant 0 : i32
      %dma_wait3A_59 = tpu.memref_slice %arg4[%add3A_5, %dma_wait3A_57, %dma_wait3A_58] : memref<32x400x128xf32, #tpu.memory_space<hbm>> -> memref<1x400x128xf32, #tpu.memory_space<hbm>>
      %dma_wait3A_60 = tpu.memref_squeeze %dma_wait3A_59 : memref<1x400x128xf32, #tpu.memory_space<hbm>> -> memref<400x128xf32, #tpu.memory_space<hbm>>
      tpu.wait_dma2 semaphore(%run_scoped3A : memref<!tpu.dma_semaphore, #tpu.memory_space<semaphore_mem>>) src(%arg6 : memref<400x128xf32, #tpu.memory_space<vmem>>) dst(%dma_wait3A_60 : memref<400x128xf32, #tpu.memory_space<hbm>>)
      tpu.yield
    }) : () -> ()
    return
  }
}

module attributes {stable_mosaic.version = 14 : i64} {
  func.func @_s1_body(%arg0: i32, %arg1: memref<8x200x128xf32, #tpu.memory_space<vmem>>, %arg2: memref<8x16x200xi32, #tpu.memory_space<vmem>>, %arg3: memref<8x16x200xf32, #tpu.memory_space<vmem>>, %arg4: memref<128x256xf32, #tpu.memory_space<vmem>>, %arg5: memref<8x400x128xf32, #tpu.memory_space<vmem>>, %arg6: memref<8x200x128xf32, #tpu.memory_space<vmem>>) attributes {dimension_semantics = [#tpu.dimension_semantics<arbitrary>], iteration_bounds = array<i64: 4>, scalar_prefetch = 0 : i64, scratch_operands = 0 : i64, tpu.core_type = #tpu.core_type<tc>, window_params = [{transform_indices = @transform_0, window_bounds = array<i64: 8, 200, 128>}, {transform_indices = @transform_1, window_bounds = array<i64: 8, 16, 200>}, {transform_indices = @transform_2, window_bounds = array<i64: 8, 16, 200>}, {pipeline_mode = #tpu.pipeline_mode<synchronous>, transform_indices = @transform_3, window_bounds = array<i64: 128, 256>}, {transform_indices = @transform_4, window_bounds = array<i64: 8, 400, 128>}, {transform_indices = @transform_5, window_bounds = array<i64: 8, 200, 128>}]} {
    %get3A = arith.constant 0 : index
    %get3A_0 = arith.constant 0 : index
    %get3A_1 = arith.constant 0 : index
    %get3A_2 = vector.load %arg1[%get3A, %get3A_0, %get3A_1] : memref<8x200x128xf32, #tpu.memory_space<vmem>>, vector<8x200x128xf32>
    %reshape3A = vector.shape_cast %get3A_2 : vector<8x200x128xf32> to vector<1600x128xf32>
    %get3A_3 = arith.constant 0 : index
    %get3A_4 = arith.constant 0 : index
    %get3A_5 = vector.load %arg4[%get3A_3, %get3A_4] : memref<128x256xf32, #tpu.memory_space<vmem>>, vector<128x256xf32>
    %dot_general3A = arith.constant dense<0.000000e+00> : vector<1600x256xf32>
    %dot_general3A_6 = tpu.matmul %reshape3A, %get3A_5, %dot_general3A {dimension_numbers = #tpu.dot_dimension_numbers<[1], [0], [0], [1], [0, 0, 1, 1], [], []>, transpose_lhs_hint = false} : vector<1600x128xf32>, vector<128x256xf32>, vector<1600x256xf32> -> vector<1600x256xf32>
    %broadcast_in_dim3A = arith.constant 0.000000e+00 : f32
    %broadcast_in_dim3A_7 = vector.broadcast %broadcast_in_dim3A : f32 to vector<56x128xf32>
    %slice3A = vector.extract_strided_slice %dot_general3A_6 {offsets = [0, 0], sizes = [200, 128], strides = [1, 1]} : vector<1600x256xf32> to vector<200x128xf32>
    %slice3A_8 = vector.extract_strided_slice %dot_general3A_6 {offsets = [0, 128], sizes = [200, 128], strides = [1, 1]} : vector<1600x256xf32> to vector<200x128xf32>
    %concatenate3A = tpu.concatenate %slice3A_8, %broadcast_in_dim3A_7 in 0 : vector<200x128xf32>, vector<56x128xf32> -> vector<256x128xf32>
    %dot_general3A_9 = arith.constant dense<0.000000e+00> : vector<200x256xf32>
    %dot_general3A_10 = tpu.matmul %slice3A, %concatenate3A, %dot_general3A_9 {dimension_numbers = #tpu.dot_dimension_numbers<[1], [1], [0], [0], [0, 0, 1, 0], [], []>, transpose_lhs_hint = false} : vector<200x128xf32>, vector<256x128xf32>, vector<200x256xf32> -> vector<200x256xf32>
    %slice3A_11 = vector.extract_strided_slice %dot_general3A_10 {offsets = [0, 0], sizes = [200, 128], strides = [1, 1]} : vector<200x256xf32> to vector<200x128xf32>
    %swap3A = arith.constant 0 : index
    %swap3A_12 = arith.constant 0 : index
    %swap3A_13 = arith.constant 0 : index
    %swap3A_14 = vector.load %arg5[%swap3A, %swap3A_12, %swap3A_13] : memref<8x400x128xf32, #tpu.memory_space<vmem>>, vector<1x200x128xf32>
    %swap3A_15 = vector.shape_cast %swap3A_14 : vector<1x200x128xf32> to vector<200x128xf32>
    %swap3A_16 = vector.shape_cast %slice3A_11 : vector<200x128xf32> to vector<1x200x128xf32>
    tpu.vector_store %arg5[%swap3A, %swap3A_12, %swap3A_13], %swap3A_16 {strides = array<i32>} : memref<8x400x128xf32, #tpu.memory_space<vmem>>, vector<1x200x128xf32>,
    %slice3A_17 = vector.extract_strided_slice %dot_general3A_10 {offsets = [0, 128], sizes = [200, 128], strides = [1, 1]} : vector<200x256xf32> to vector<200x128xf32>
    %swap3A_18 = arith.constant 0 : index
    %swap3A_19 = arith.constant 200 : index
    %swap3A_20 = arith.constant 0 : index
    %swap3A_21 = vector.load %arg5[%swap3A_18, %swap3A_19, %swap3A_20] : memref<8x400x128xf32, #tpu.memory_space<vmem>>, vector<1x200x128xf32>
    %swap3A_22 = vector.shape_cast %swap3A_21 : vector<1x200x128xf32> to vector<200x128xf32>
    %swap3A_23 = vector.shape_cast %slice3A_17 : vector<200x128xf32> to vector<1x200x128xf32>
    tpu.vector_store %arg5[%swap3A_18, %swap3A_19, %swap3A_20], %swap3A_23 {strides = array<i32>} : memref<8x400x128xf32, #tpu.memory_space<vmem>>, vector<1x200x128xf32>,
    %slice3A_24 = vector.extract_strided_slice %dot_general3A_6 {offsets = [200, 0], sizes = [200, 128], strides = [1, 1]} : vector<1600x256xf32> to vector<200x128xf32>
    %slice3A_25 = vector.extract_strided_slice %dot_general3A_6 {offsets = [200, 128], sizes = [200, 128], strides = [1, 1]} : vector<1600x256xf32> to vector<200x128xf32>
    %concatenate3A_26 = tpu.concatenate %slice3A_25, %broadcast_in_dim3A_7 in 0 : vector<200x128xf32>, vector<56x128xf32> -> vector<256x128xf32>
    %dot_general3A_27 = arith.constant dense<0.000000e+00> : vector<200x256xf32>
    %dot_general3A_28 = tpu.matmul %slice3A_24, %concatenate3A_26, %dot_general3A_27 {dimension_numbers = #tpu.dot_dimension_numbers<[1], [1], [0], [0], [0, 0, 1, 0], [], []>, transpose_lhs_hint = false} : vector<200x128xf32>, vector<256x128xf32>, vector<200x256xf32> -> vector<200x256xf32>
    %slice3A_29 = vector.extract_strided_slice %dot_general3A_28 {offsets = [0, 0], sizes = [200, 128], strides = [1, 1]} : vector<200x256xf32> to vector<200x128xf32>
    %swap3A_30 = arith.constant 1 : index
    %swap3A_31 = arith.constant 0 : index
    %swap3A_32 = arith.constant 0 : index
    %swap3A_33 = vector.load %arg5[%swap3A_30, %swap3A_31, %swap3A_32] : memref<8x400x128xf32, #tpu.memory_space<vmem>>, vector<1x200x128xf32>
    %swap3A_34 = vector.shape_cast %swap3A_33 : vector<1x200x128xf32> to vector<200x128xf32>
    %swap3A_35 = vector.shape_cast %slice3A_29 : vector<200x128xf32> to vector<1x200x128xf32>
    tpu.vector_store %arg5[%swap3A_30, %swap3A_31, %swap3A_32], %swap3A_35 {strides = array<i32>} : memref<8x400x128xf32, #tpu.memory_space<vmem>>, vector<1x200x128xf32>,
    %slice3A_36 = vector.extract_strided_slice %dot_general3A_28 {offsets = [0, 128], sizes = [200, 128], strides = [1, 1]} : vector<200x256xf32> to vector<200x128xf32>
    %swap3A_37 = arith.constant 1 : index
    %swap3A_38 = arith.constant 200 : index
    %swap3A_39 = arith.constant 0 : index
    %swap3A_40 = vector.load %arg5[%swap3A_37, %swap3A_38, %swap3A_39] : memref<8x400x128xf32, #tpu.memory_space<vmem>>, vector<1x200x128xf32>
    %swap3A_41 = vector.shape_cast %swap3A_40 : vector<1x200x128xf32> to vector<200x128xf32>
    %swap3A_42 = vector.shape_cast %slice3A_36 : vector<200x128xf32> to vector<1x200x128xf32>
    tpu.vector_store %arg5[%swap3A_37, %swap3A_38, %swap3A_39], %swap3A_42 {strides = array<i32>} : memref<8x400x128xf32, #tpu.memory_space<vmem>>, vector<1x200x128xf32>,
    %slice3A_43 = vector.extract_strided_slice %dot_general3A_6 {offsets = [400, 0], sizes = [200, 128], strides = [1, 1]} : vector<1600x256xf32> to vector<200x128xf32>
    %slice3A_44 = vector.extract_strided_slice %dot_general3A_6 {offsets = [400, 128], sizes = [200, 128], strides = [1, 1]} : vector<1600x256xf32> to vector<200x128xf32>
    %concatenate3A_45 = tpu.concatenate %slice3A_44, %broadcast_in_dim3A_7 in 0 : vector<200x128xf32>, vector<56x128xf32> -> vector<256x128xf32>
    %dot_general3A_46 = arith.constant dense<0.000000e+00> : vector<200x256xf32>
    %dot_general3A_47 = tpu.matmul %slice3A_43, %concatenate3A_45, %dot_general3A_46 {dimension_numbers = #tpu.dot_dimension_numbers<[1], [1], [0], [0], [0, 0, 1, 0], [], []>, transpose_lhs_hint = false} : vector<200x128xf32>, vector<256x128xf32>, vector<200x256xf32> -> vector<200x256xf32>
    %slice3A_48 = vector.extract_strided_slice %dot_general3A_47 {offsets = [0, 0], sizes = [200, 128], strides = [1, 1]} : vector<200x256xf32> to vector<200x128xf32>
    %swap3A_49 = arith.constant 2 : index
    %swap3A_50 = arith.constant 0 : index
    %swap3A_51 = arith.constant 0 : index
    %swap3A_52 = vector.load %arg5[%swap3A_49, %swap3A_50, %swap3A_51] : memref<8x400x128xf32, #tpu.memory_space<vmem>>, vector<1x200x128xf32>
    %swap3A_53 = vector.shape_cast %swap3A_52 : vector<1x200x128xf32> to vector<200x128xf32>
    %swap3A_54 = vector.shape_cast %slice3A_48 : vector<200x128xf32> to vector<1x200x128xf32>
    tpu.vector_store %arg5[%swap3A_49, %swap3A_50, %swap3A_51], %swap3A_54 {strides = array<i32>} : memref<8x400x128xf32, #tpu.memory_space<vmem>>, vector<1x200x128xf32>,
    %slice3A_55 = vector.extract_strided_slice %dot_general3A_47 {offsets = [0, 128], sizes = [200, 128], strides = [1, 1]} : vector<200x256xf32> to vector<200x128xf32>
    %swap3A_56 = arith.constant 2 : index
    %swap3A_57 = arith.constant 200 : index
    %swap3A_58 = arith.constant 0 : index
    %swap3A_59 = vector.load %arg5[%swap3A_56, %swap3A_57, %swap3A_58] : memref<8x400x128xf32, #tpu.memory_space<vmem>>, vector<1x200x128xf32>
    %swap3A_60 = vector.shape_cast %swap3A_59 : vector<1x200x128xf32> to vector<200x128xf32>
    %swap3A_61 = vector.shape_cast %slice3A_55 : vector<200x128xf32> to vector<1x200x128xf32>
    tpu.vector_store %arg5[%swap3A_56, %swap3A_57, %swap3A_58], %swap3A_61 {strides = array<i32>} : memref<8x400x128xf32, #tpu.memory_space<vmem>>, vector<1x200x128xf32>,
    %slice3A_62 = vector.extract_strided_slice %dot_general3A_6 {offsets = [600, 0], sizes = [200, 128], strides = [1, 1]} : vector<1600x256xf32> to vector<200x128xf32>
    %slice3A_63 = vector.extract_strided_slice %dot_general3A_6 {offsets = [600, 128], sizes = [200, 128], strides = [1, 1]} : vector<1600x256xf32> to vector<200x128xf32>
    %concatenate3A_64 = tpu.concatenate %slice3A_63, %broadcast_in_dim3A_7 in 0 : vector<200x128xf32>, vector<56x128xf32> -> vector<256x128xf32>
    %dot_general3A_65 = arith.constant dense<0.000000e+00> : vector<200x256xf32>
    %dot_general3A_66 = tpu.matmul %slice3A_62, %concatenate3A_64, %dot_general3A_65 {dimension_numbers = #tpu.dot_dimension_numbers<[1], [1], [0], [0], [0, 0, 1, 0], [], []>, transpose_lhs_hint = false} : vector<200x128xf32>, vector<256x128xf32>, vector<200x256xf32> -> vector<200x256xf32>
    %slice3A_67 = vector.extract_strided_slice %dot_general3A_66 {offsets = [0, 0], sizes = [200, 128], strides = [1, 1]} : vector<200x256xf32> to vector<200x128xf32>
    %swap3A_68 = arith.constant 3 : index
    %swap3A_69 = arith.constant 0 : index
    %swap3A_70 = arith.constant 0 : index
    %swap3A_71 = vector.load %arg5[%swap3A_68, %swap3A_69, %swap3A_70] : memref<8x400x128xf32, #tpu.memory_space<vmem>>, vector<1x200x128xf32>
    %swap3A_72 = vector.shape_cast %swap3A_71 : vector<1x200x128xf32> to vector<200x128xf32>
    %swap3A_73 = vector.shape_cast %slice3A_67 : vector<200x128xf32> to vector<1x200x128xf32>
    tpu.vector_store %arg5[%swap3A_68, %swap3A_69, %swap3A_70], %swap3A_73 {strides = array<i32>} : memref<8x400x128xf32, #tpu.memory_space<vmem>>, vector<1x200x128xf32>,
    %slice3A_74 = vector.extract_strided_slice %dot_general3A_66 {offsets = [0, 128], sizes = [200, 128], strides = [1, 1]} : vector<200x256xf32> to vector<200x128xf32>
    %swap3A_75 = arith.constant 3 : index
    %swap3A_76 = arith.constant 200 : index
    %swap3A_77 = arith.constant 0 : index
    %swap3A_78 = vector.load %arg5[%swap3A_75, %swap3A_76, %swap3A_77] : memref<8x400x128xf32, #tpu.memory_space<vmem>>, vector<1x200x128xf32>
    %swap3A_79 = vector.shape_cast %swap3A_78 : vector<1x200x128xf32> to vector<200x128xf32>
    %swap3A_80 = vector.shape_cast %slice3A_74 : vector<200x128xf32> to vector<1x200x128xf32>
    tpu.vector_store %arg5[%swap3A_75, %swap3A_76, %swap3A_77], %swap3A_80 {strides = array<i32>} : memref<8x400x128xf32, #tpu.memory_space<vmem>>, vector<1x200x128xf32>,
    %slice3A_81 = vector.extract_strided_slice %dot_general3A_6 {offsets = [800, 0], sizes = [200, 128], strides = [1, 1]} : vector<1600x256xf32> to vector<200x128xf32>
    %slice3A_82 = vector.extract_strided_slice %dot_general3A_6 {offsets = [800, 128], sizes = [200, 128], strides = [1, 1]} : vector<1600x256xf32> to vector<200x128xf32>
    %concatenate3A_83 = tpu.concatenate %slice3A_82, %broadcast_in_dim3A_7 in 0 : vector<200x128xf32>, vector<56x128xf32> -> vector<256x128xf32>
    %dot_general3A_84 = arith.constant dense<0.000000e+00> : vector<200x256xf32>
    %dot_general3A_85 = tpu.matmul %slice3A_81, %concatenate3A_83, %dot_general3A_84 {dimension_numbers = #tpu.dot_dimension_numbers<[1], [1], [0], [0], [0, 0, 1, 0], [], []>, transpose_lhs_hint = false} : vector<200x128xf32>, vector<256x128xf32>, vector<200x256xf32> -> vector<200x256xf32>
    %slice3A_86 = vector.extract_strided_slice %dot_general3A_85 {offsets = [0, 0], sizes = [200, 128], strides = [1, 1]} : vector<200x256xf32> to vector<200x128xf32>
    %swap3A_87 = arith.constant 4 : index
    %swap3A_88 = arith.constant 0 : index
    %swap3A_89 = arith.constant 0 : index
    %swap3A_90 = vector.load %arg5[%swap3A_87, %swap3A_88, %swap3A_89] : memref<8x400x128xf32, #tpu.memory_space<vmem>>, vector<1x200x128xf32>
    %swap3A_91 = vector.shape_cast %swap3A_90 : vector<1x200x128xf32> to vector<200x128xf32>
    %swap3A_92 = vector.shape_cast %slice3A_86 : vector<200x128xf32> to vector<1x200x128xf32>
    tpu.vector_store %arg5[%swap3A_87, %swap3A_88, %swap3A_89], %swap3A_92 {strides = array<i32>} : memref<8x400x128xf32, #tpu.memory_space<vmem>>, vector<1x200x128xf32>,
    %slice3A_93 = vector.extract_strided_slice %dot_general3A_85 {offsets = [0, 128], sizes = [200, 128], strides = [1, 1]} : vector<200x256xf32> to vector<200x128xf32>
    %swap3A_94 = arith.constant 4 : index
    %swap3A_95 = arith.constant 200 : index
    %swap3A_96 = arith.constant 0 : index
    %swap3A_97 = vector.load %arg5[%swap3A_94, %swap3A_95, %swap3A_96] : memref<8x400x128xf32, #tpu.memory_space<vmem>>, vector<1x200x128xf32>
    %swap3A_98 = vector.shape_cast %swap3A_97 : vector<1x200x128xf32> to vector<200x128xf32>
    %swap3A_99 = vector.shape_cast %slice3A_93 : vector<200x128xf32> to vector<1x200x128xf32>
    tpu.vector_store %arg5[%swap3A_94, %swap3A_95, %swap3A_96], %swap3A_99 {strides = array<i32>} : memref<8x400x128xf32, #tpu.memory_space<vmem>>, vector<1x200x128xf32>,
    %slice3A_100 = vector.extract_strided_slice %dot_general3A_6 {offsets = [1000, 0], sizes = [200, 128], strides = [1, 1]} : vector<1600x256xf32> to vector<200x128xf32>
    %slice3A_101 = vector.extract_strided_slice %dot_general3A_6 {offsets = [1000, 128], sizes = [200, 128], strides = [1, 1]} : vector<1600x256xf32> to vector<200x128xf32>
    %concatenate3A_102 = tpu.concatenate %slice3A_101, %broadcast_in_dim3A_7 in 0 : vector<200x128xf32>, vector<56x128xf32> -> vector<256x128xf32>
    %dot_general3A_103 = arith.constant dense<0.000000e+00> : vector<200x256xf32>
    %dot_general3A_104 = tpu.matmul %slice3A_100, %concatenate3A_102, %dot_general3A_103 {dimension_numbers = #tpu.dot_dimension_numbers<[1], [1], [0], [0], [0, 0, 1, 0], [], []>, transpose_lhs_hint = false} : vector<200x128xf32>, vector<256x128xf32>, vector<200x256xf32> -> vector<200x256xf32>
    %slice3A_105 = vector.extract_strided_slice %dot_general3A_104 {offsets = [0, 0], sizes = [200, 128], strides = [1, 1]} : vector<200x256xf32> to vector<200x128xf32>
    %swap3A_106 = arith.constant 5 : index
    %swap3A_107 = arith.constant 0 : index
    %swap3A_108 = arith.constant 0 : index
    %swap3A_109 = vector.load %arg5[%swap3A_106, %swap3A_107, %swap3A_108] : memref<8x400x128xf32, #tpu.memory_space<vmem>>, vector<1x200x128xf32>
    %swap3A_110 = vector.shape_cast %swap3A_109 : vector<1x200x128xf32> to vector<200x128xf32>
    %swap3A_111 = vector.shape_cast %slice3A_105 : vector<200x128xf32> to vector<1x200x128xf32>
    tpu.vector_store %arg5[%swap3A_106, %swap3A_107, %swap3A_108], %swap3A_111 {strides = array<i32>} : memref<8x400x128xf32, #tpu.memory_space<vmem>>, vector<1x200x128xf32>,
    %slice3A_112 = vector.extract_strided_slice %dot_general3A_104 {offsets = [0, 128], sizes = [200, 128], strides = [1, 1]} : vector<200x256xf32> to vector<200x128xf32>
    %swap3A_113 = arith.constant 5 : index
    %swap3A_114 = arith.constant 200 : index
    %swap3A_115 = arith.constant 0 : index
    %swap3A_116 = vector.load %arg5[%swap3A_113, %swap3A_114, %swap3A_115] : memref<8x400x128xf32, #tpu.memory_space<vmem>>, vector<1x200x128xf32>
    %swap3A_117 = vector.shape_cast %swap3A_116 : vector<1x200x128xf32> to vector<200x128xf32>
    %swap3A_118 = vector.shape_cast %slice3A_112 : vector<200x128xf32> to vector<1x200x128xf32>
    tpu.vector_store %arg5[%swap3A_113, %swap3A_114, %swap3A_115], %swap3A_118 {strides = array<i32>} : memref<8x400x128xf32, #tpu.memory_space<vmem>>, vector<1x200x128xf32>,
    %slice3A_119 = vector.extract_strided_slice %dot_general3A_6 {offsets = [1200, 0], sizes = [200, 128], strides = [1, 1]} : vector<1600x256xf32> to vector<200x128xf32>
    %slice3A_120 = vector.extract_strided_slice %dot_general3A_6 {offsets = [1200, 128], sizes = [200, 128], strides = [1, 1]} : vector<1600x256xf32> to vector<200x128xf32>
    %concatenate3A_121 = tpu.concatenate %slice3A_120, %broadcast_in_dim3A_7 in 0 : vector<200x128xf32>, vector<56x128xf32> -> vector<256x128xf32>
    %dot_general3A_122 = arith.constant dense<0.000000e+00> : vector<200x256xf32>
    %dot_general3A_123 = tpu.matmul %slice3A_119, %concatenate3A_121, %dot_general3A_122 {dimension_numbers = #tpu.dot_dimension_numbers<[1], [1], [0], [0], [0, 0, 1, 0], [], []>, transpose_lhs_hint = false} : vector<200x128xf32>, vector<256x128xf32>, vector<200x256xf32> -> vector<200x256xf32>
    %slice3A_124 = vector.extract_strided_slice %dot_general3A_123 {offsets = [0, 0], sizes = [200, 128], strides = [1, 1]} : vector<200x256xf32> to vector<200x128xf32>
    %swap3A_125 = arith.constant 6 : index
    %swap3A_126 = arith.constant 0 : index
    %swap3A_127 = arith.constant 0 : index
    %swap3A_128 = vector.load %arg5[%swap3A_125, %swap3A_126, %swap3A_127] : memref<8x400x128xf32, #tpu.memory_space<vmem>>, vector<1x200x128xf32>
    %swap3A_129 = vector.shape_cast %swap3A_128 : vector<1x200x128xf32> to vector<200x128xf32>
    %swap3A_130 = vector.shape_cast %slice3A_124 : vector<200x128xf32> to vector<1x200x128xf32>
    tpu.vector_store %arg5[%swap3A_125, %swap3A_126, %swap3A_127], %swap3A_130 {strides = array<i32>} : memref<8x400x128xf32, #tpu.memory_space<vmem>>, vector<1x200x128xf32>,
    %slice3A_131 = vector.extract_strided_slice %dot_general3A_123 {offsets = [0, 128], sizes = [200, 128], strides = [1, 1]} : vector<200x256xf32> to vector<200x128xf32>
    %swap3A_132 = arith.constant 6 : index
    %swap3A_133 = arith.constant 200 : index
    %swap3A_134 = arith.constant 0 : index
    %swap3A_135 = vector.load %arg5[%swap3A_132, %swap3A_133, %swap3A_134] : memref<8x400x128xf32, #tpu.memory_space<vmem>>, vector<1x200x128xf32>
    %swap3A_136 = vector.shape_cast %swap3A_135 : vector<1x200x128xf32> to vector<200x128xf32>
    %swap3A_137 = vector.shape_cast %slice3A_131 : vector<200x128xf32> to vector<1x200x128xf32>
    tpu.vector_store %arg5[%swap3A_132, %swap3A_133, %swap3A_134], %swap3A_137 {strides = array<i32>} : memref<8x400x128xf32, #tpu.memory_space<vmem>>, vector<1x200x128xf32>,
    %slice3A_138 = vector.extract_strided_slice %dot_general3A_6 {offsets = [1400, 0], sizes = [200, 128], strides = [1, 1]} : vector<1600x256xf32> to vector<200x128xf32>
    %slice3A_139 = vector.extract_strided_slice %dot_general3A_6 {offsets = [1400, 128], sizes = [200, 128], strides = [1, 1]} : vector<1600x256xf32> to vector<200x128xf32>
    %concatenate3A_140 = tpu.concatenate %slice3A_139, %broadcast_in_dim3A_7 in 0 : vector<200x128xf32>, vector<56x128xf32> -> vector<256x128xf32>
    %dot_general3A_141 = arith.constant dense<0.000000e+00> : vector<200x256xf32>
    %dot_general3A_142 = tpu.matmul %slice3A_138, %concatenate3A_140, %dot_general3A_141 {dimension_numbers = #tpu.dot_dimension_numbers<[1], [1], [0], [0], [0, 0, 1, 0], [], []>, transpose_lhs_hint = false} : vector<200x128xf32>, vector<256x128xf32>, vector<200x256xf32> -> vector<200x256xf32>
    %slice3A_143 = vector.extract_strided_slice %dot_general3A_142 {offsets = [0, 0], sizes = [200, 128], strides = [1, 1]} : vector<200x256xf32> to vector<200x128xf32>
    %swap3A_144 = arith.constant 7 : index
    %swap3A_145 = arith.constant 0 : index
    %swap3A_146 = arith.constant 0 : index
    %swap3A_147 = vector.load %arg5[%swap3A_144, %swap3A_145, %swap3A_146] : memref<8x400x128xf32, #tpu.memory_space<vmem>>, vector<1x200x128xf32>
    %swap3A_148 = vector.shape_cast %swap3A_147 : vector<1x200x128xf32> to vector<200x128xf32>
    %swap3A_149 = vector.shape_cast %slice3A_143 : vector<200x128xf32> to vector<1x200x128xf32>
    tpu.vector_store %arg5[%swap3A_144, %swap3A_145, %swap3A_146], %swap3A_149 {strides = array<i32>} : memref<8x400x128xf32, #tpu.memory_space<vmem>>, vector<1x200x128xf32>,
    %slice3A_150 = vector.extract_strided_slice %dot_general3A_142 {offsets = [0, 128], sizes = [200, 128], strides = [1, 1]} : vector<200x256xf32> to vector<200x128xf32>
    %swap3A_151 = arith.constant 7 : index
    %swap3A_152 = arith.constant 200 : index
    %swap3A_153 = arith.constant 0 : index
    %swap3A_154 = vector.load %arg5[%swap3A_151, %swap3A_152, %swap3A_153] : memref<8x400x128xf32, #tpu.memory_space<vmem>>, vector<1x200x128xf32>
    %swap3A_155 = vector.shape_cast %swap3A_154 : vector<1x200x128xf32> to vector<200x128xf32>
    %swap3A_156 = vector.shape_cast %slice3A_150 : vector<200x128xf32> to vector<1x200x128xf32>
    tpu.vector_store %arg5[%swap3A_151, %swap3A_152, %swap3A_153], %swap3A_156 {strides = array<i32>} : memref<8x400x128xf32, #tpu.memory_space<vmem>>, vector<1x200x128xf32>,
    %broadcast_in_dim3A_157 = arith.constant 0.000000e+00 : f32
    %broadcast_in_dim3A_158 = vector.broadcast %broadcast_in_dim3A_157 : f32 to vector<200x96xf32>
    %get3A_159 = arith.constant 0 : index
    %get3A_160 = arith.constant 0 : index
    %get3A_161 = arith.constant 0 : index
    %get3A_162 = vector.load %arg2[%get3A_159, %get3A_160, %get3A_161] : memref<8x16x200xi32, #tpu.memory_space<vmem>>, vector<1x16x200xi32>
    %get3A_163 = vector.shape_cast %get3A_162 : vector<1x16x200xi32> to vector<16x200xi32>
    %transpose3A = tpu.transpose %get3A_163, [1, 0] : vector<16x200xi32> -> vector<200x16xi32>
    %bitcast_convert_type3A = tpu.bitcast %transpose3A : vector<200x16xi32> -> vector<200x16xf32>
    %get3A_164 = arith.constant 0 : index
    %get3A_165 = arith.constant 0 : index
    %get3A_166 = arith.constant 0 : index
    %get3A_167 = vector.load %arg3[%get3A_164, %get3A_165, %get3A_166] : memref<8x16x200xf32, #tpu.memory_space<vmem>>, vector<1x16x200xf32>
    %get3A_168 = vector.shape_cast %get3A_167 : vector<1x16x200xf32> to vector<16x200xf32>
    %transpose3A_169 = tpu.transpose %get3A_168, [1, 0] : vector<16x200xf32> -> vector<200x16xf32>
    %concatenate3A_170 = tpu.concatenate %transpose3A_169, %bitcast_convert_type3A, %broadcast_in_dim3A_158 in 1 : vector<200x16xf32>, vector<200x16xf32>, vector<200x96xf32> -> vector<200x128xf32>
    %swap3A_171 = arith.constant 0 : index
    %swap3A_172 = arith.constant 0 : index
    %swap3A_173 = arith.constant 0 : index
    %swap3A_174 = vector.load %arg6[%swap3A_171, %swap3A_172, %swap3A_173] : memref<8x200x128xf32, #tpu.memory_space<vmem>>, vector<1x200x128xf32>
    %swap3A_175 = vector.shape_cast %swap3A_174 : vector<1x200x128xf32> to vector<200x128xf32>
    %swap3A_176 = vector.shape_cast %concatenate3A_170 : vector<200x128xf32> to vector<1x200x128xf32>
    tpu.vector_store %arg6[%swap3A_171, %swap3A_172, %swap3A_173], %swap3A_176 {strides = array<i32>} : memref<8x200x128xf32, #tpu.memory_space<vmem>>, vector<1x200x128xf32>,
    %get3A_177 = arith.constant 1 : index
    %get3A_178 = arith.constant 0 : index
    %get3A_179 = arith.constant 0 : index
    %get3A_180 = vector.load %arg2[%get3A_177, %get3A_178, %get3A_179] : memref<8x16x200xi32, #tpu.memory_space<vmem>>, vector<1x16x200xi32>
    %get3A_181 = vector.shape_cast %get3A_180 : vector<1x16x200xi32> to vector<16x200xi32>
    %transpose3A_182 = tpu.transpose %get3A_181, [1, 0] : vector<16x200xi32> -> vector<200x16xi32>
    %bitcast_convert_type3A_183 = tpu.bitcast %transpose3A_182 : vector<200x16xi32> -> vector<200x16xf32>
    %get3A_184 = arith.constant 1 : index
    %get3A_185 = arith.constant 0 : index
    %get3A_186 = arith.constant 0 : index
    %get3A_187 = vector.load %arg3[%get3A_184, %get3A_185, %get3A_186] : memref<8x16x200xf32, #tpu.memory_space<vmem>>, vector<1x16x200xf32>
    %get3A_188 = vector.shape_cast %get3A_187 : vector<1x16x200xf32> to vector<16x200xf32>
    %transpose3A_189 = tpu.transpose %get3A_188, [1, 0] : vector<16x200xf32> -> vector<200x16xf32>
    %concatenate3A_190 = tpu.concatenate %transpose3A_189, %bitcast_convert_type3A_183, %broadcast_in_dim3A_158 in 1 : vector<200x16xf32>, vector<200x16xf32>, vector<200x96xf32> -> vector<200x128xf32>
    %swap3A_191 = arith.constant 1 : index
    %swap3A_192 = arith.constant 0 : index
    %swap3A_193 = arith.constant 0 : index
    %swap3A_194 = vector.load %arg6[%swap3A_191, %swap3A_192, %swap3A_193] : memref<8x200x128xf32, #tpu.memory_space<vmem>>, vector<1x200x128xf32>
    %swap3A_195 = vector.shape_cast %swap3A_194 : vector<1x200x128xf32> to vector<200x128xf32>
    %swap3A_196 = vector.shape_cast %concatenate3A_190 : vector<200x128xf32> to vector<1x200x128xf32>
    tpu.vector_store %arg6[%swap3A_191, %swap3A_192, %swap3A_193], %swap3A_196 {strides = array<i32>} : memref<8x200x128xf32, #tpu.memory_space<vmem>>, vector<1x200x128xf32>,
    %get3A_197 = arith.constant 2 : index
    %get3A_198 = arith.constant 0 : index
    %get3A_199 = arith.constant 0 : index
    %get3A_200 = vector.load %arg2[%get3A_197, %get3A_198, %get3A_199] : memref<8x16x200xi32, #tpu.memory_space<vmem>>, vector<1x16x200xi32>
    %get3A_201 = vector.shape_cast %get3A_200 : vector<1x16x200xi32> to vector<16x200xi32>
    %transpose3A_202 = tpu.transpose %get3A_201, [1, 0] : vector<16x200xi32> -> vector<200x16xi32>
    %bitcast_convert_type3A_203 = tpu.bitcast %transpose3A_202 : vector<200x16xi32> -> vector<200x16xf32>
    %get3A_204 = arith.constant 2 : index
    %get3A_205 = arith.constant 0 : index
    %get3A_206 = arith.constant 0 : index
    %get3A_207 = vector.load %arg3[%get3A_204, %get3A_205, %get3A_206] : memref<8x16x200xf32, #tpu.memory_space<vmem>>, vector<1x16x200xf32>
    %get3A_208 = vector.shape_cast %get3A_207 : vector<1x16x200xf32> to vector<16x200xf32>
    %transpose3A_209 = tpu.transpose %get3A_208, [1, 0] : vector<16x200xf32> -> vector<200x16xf32>
    %concatenate3A_210 = tpu.concatenate %transpose3A_209, %bitcast_convert_type3A_203, %broadcast_in_dim3A_158 in 1 : vector<200x16xf32>, vector<200x16xf32>, vector<200x96xf32> -> vector<200x128xf32>
    %swap3A_211 = arith.constant 2 : index
    %swap3A_212 = arith.constant 0 : index
    %swap3A_213 = arith.constant 0 : index
    %swap3A_214 = vector.load %arg6[%swap3A_211, %swap3A_212, %swap3A_213] : memref<8x200x128xf32, #tpu.memory_space<vmem>>, vector<1x200x128xf32>
    %swap3A_215 = vector.shape_cast %swap3A_214 : vector<1x200x128xf32> to vector<200x128xf32>
    %swap3A_216 = vector.shape_cast %concatenate3A_210 : vector<200x128xf32> to vector<1x200x128xf32>
    tpu.vector_store %arg6[%swap3A_211, %swap3A_212, %swap3A_213], %swap3A_216 {strides = array<i32>} : memref<8x200x128xf32, #tpu.memory_space<vmem>>, vector<1x200x128xf32>,
    %get3A_217 = arith.constant 3 : index
    %get3A_218 = arith.constant 0 : index
    %get3A_219 = arith.constant 0 : index
    %get3A_220 = vector.load %arg2[%get3A_217, %get3A_218, %get3A_219] : memref<8x16x200xi32, #tpu.memory_space<vmem>>, vector<1x16x200xi32>
    %get3A_221 = vector.shape_cast %get3A_220 : vector<1x16x200xi32> to vector<16x200xi32>
    %transpose3A_222 = tpu.transpose %get3A_221, [1, 0] : vector<16x200xi32> -> vector<200x16xi32>
    %bitcast_convert_type3A_223 = tpu.bitcast %transpose3A_222 : vector<200x16xi32> -> vector<200x16xf32>
    %get3A_224 = arith.constant 3 : index
    %get3A_225 = arith.constant 0 : index
    %get3A_226 = arith.constant 0 : index
    %get3A_227 = vector.load %arg3[%get3A_224, %get3A_225, %get3A_226] : memref<8x16x200xf32, #tpu.memory_space<vmem>>, vector<1x16x200xf32>
    %get3A_228 = vector.shape_cast %get3A_227 : vector<1x16x200xf32> to vector<16x200xf32>
    %transpose3A_229 = tpu.transpose %get3A_228, [1, 0] : vector<16x200xf32> -> vector<200x16xf32>
    %concatenate3A_230 = tpu.concatenate %transpose3A_229, %bitcast_convert_type3A_223, %broadcast_in_dim3A_158 in 1 : vector<200x16xf32>, vector<200x16xf32>, vector<200x96xf32> -> vector<200x128xf32>
    %swap3A_231 = arith.constant 3 : index
    %swap3A_232 = arith.constant 0 : index
    %swap3A_233 = arith.constant 0 : index
    %swap3A_234 = vector.load %arg6[%swap3A_231, %swap3A_232, %swap3A_233] : memref<8x200x128xf32, #tpu.memory_space<vmem>>, vector<1x200x128xf32>
    %swap3A_235 = vector.shape_cast %swap3A_234 : vector<1x200x128xf32> to vector<200x128xf32>
    %swap3A_236 = vector.shape_cast %concatenate3A_230 : vector<200x128xf32> to vector<1x200x128xf32>
    tpu.vector_store %arg6[%swap3A_231, %swap3A_232, %swap3A_233], %swap3A_236 {strides = array<i32>} : memref<8x200x128xf32, #tpu.memory_space<vmem>>, vector<1x200x128xf32>,
    %get3A_237 = arith.constant 4 : index
    %get3A_238 = arith.constant 0 : index
    %get3A_239 = arith.constant 0 : index
    %get3A_240 = vector.load %arg2[%get3A_237, %get3A_238, %get3A_239] : memref<8x16x200xi32, #tpu.memory_space<vmem>>, vector<1x16x200xi32>
    %get3A_241 = vector.shape_cast %get3A_240 : vector<1x16x200xi32> to vector<16x200xi32>
    %transpose3A_242 = tpu.transpose %get3A_241, [1, 0] : vector<16x200xi32> -> vector<200x16xi32>
    %bitcast_convert_type3A_243 = tpu.bitcast %transpose3A_242 : vector<200x16xi32> -> vector<200x16xf32>
    %get3A_244 = arith.constant 4 : index
    %get3A_245 = arith.constant 0 : index
    %get3A_246 = arith.constant 0 : index
    %get3A_247 = vector.load %arg3[%get3A_244, %get3A_245, %get3A_246] : memref<8x16x200xf32, #tpu.memory_space<vmem>>, vector<1x16x200xf32>
    %get3A_248 = vector.shape_cast %get3A_247 : vector<1x16x200xf32> to vector<16x200xf32>
    %transpose3A_249 = tpu.transpose %get3A_248, [1, 0] : vector<16x200xf32> -> vector<200x16xf32>
    %concatenate3A_250 = tpu.concatenate %transpose3A_249, %bitcast_convert_type3A_243, %broadcast_in_dim3A_158 in 1 : vector<200x16xf32>, vector<200x16xf32>, vector<200x96xf32> -> vector<200x128xf32>
    %swap3A_251 = arith.constant 4 : index
    %swap3A_252 = arith.constant 0 : index
    %swap3A_253 = arith.constant 0 : index
    %swap3A_254 = vector.load %arg6[%swap3A_251, %swap3A_252, %swap3A_253] : memref<8x200x128xf32, #tpu.memory_space<vmem>>, vector<1x200x128xf32>
    %swap3A_255 = vector.shape_cast %swap3A_254 : vector<1x200x128xf32> to vector<200x128xf32>
    %swap3A_256 = vector.shape_cast %concatenate3A_250 : vector<200x128xf32> to vector<1x200x128xf32>
    tpu.vector_store %arg6[%swap3A_251, %swap3A_252, %swap3A_253], %swap3A_256 {strides = array<i32>} : memref<8x200x128xf32, #tpu.memory_space<vmem>>, vector<1x200x128xf32>,
    %get3A_257 = arith.constant 5 : index
    %get3A_258 = arith.constant 0 : index
    %get3A_259 = arith.constant 0 : index
    %get3A_260 = vector.load %arg2[%get3A_257, %get3A_258, %get3A_259] : memref<8x16x200xi32, #tpu.memory_space<vmem>>, vector<1x16x200xi32>
    %get3A_261 = vector.shape_cast %get3A_260 : vector<1x16x200xi32> to vector<16x200xi32>
    %transpose3A_262 = tpu.transpose %get3A_261, [1, 0] : vector<16x200xi32> -> vector<200x16xi32>
    %bitcast_convert_type3A_263 = tpu.bitcast %transpose3A_262 : vector<200x16xi32> -> vector<200x16xf32>
    %get3A_264 = arith.constant 5 : index
    %get3A_265 = arith.constant 0 : index
    %get3A_266 = arith.constant 0 : index
    %get3A_267 = vector.load %arg3[%get3A_264, %get3A_265, %get3A_266] : memref<8x16x200xf32, #tpu.memory_space<vmem>>, vector<1x16x200xf32>
    %get3A_268 = vector.shape_cast %get3A_267 : vector<1x16x200xf32> to vector<16x200xf32>
    %transpose3A_269 = tpu.transpose %get3A_268, [1, 0] : vector<16x200xf32> -> vector<200x16xf32>
    %concatenate3A_270 = tpu.concatenate %transpose3A_269, %bitcast_convert_type3A_263, %broadcast_in_dim3A_158 in 1 : vector<200x16xf32>, vector<200x16xf32>, vector<200x96xf32> -> vector<200x128xf32>
    %swap3A_271 = arith.constant 5 : index
    %swap3A_272 = arith.constant 0 : index
    %swap3A_273 = arith.constant 0 : index
    %swap3A_274 = vector.load %arg6[%swap3A_271, %swap3A_272, %swap3A_273] : memref<8x200x128xf32, #tpu.memory_space<vmem>>, vector<1x200x128xf32>
    %swap3A_275 = vector.shape_cast %swap3A_274 : vector<1x200x128xf32> to vector<200x128xf32>
    %swap3A_276 = vector.shape_cast %concatenate3A_270 : vector<200x128xf32> to vector<1x200x128xf32>
    tpu.vector_store %arg6[%swap3A_271, %swap3A_272, %swap3A_273], %swap3A_276 {strides = array<i32>} : memref<8x200x128xf32, #tpu.memory_space<vmem>>, vector<1x200x128xf32>,
    %get3A_277 = arith.constant 6 : index
    %get3A_278 = arith.constant 0 : index
    %get3A_279 = arith.constant 0 : index
    %get3A_280 = vector.load %arg2[%get3A_277, %get3A_278, %get3A_279] : memref<8x16x200xi32, #tpu.memory_space<vmem>>, vector<1x16x200xi32>
    %get3A_281 = vector.shape_cast %get3A_280 : vector<1x16x200xi32> to vector<16x200xi32>
    %transpose3A_282 = tpu.transpose %get3A_281, [1, 0] : vector<16x200xi32> -> vector<200x16xi32>
    %bitcast_convert_type3A_283 = tpu.bitcast %transpose3A_282 : vector<200x16xi32> -> vector<200x16xf32>
    %get3A_284 = arith.constant 6 : index
    %get3A_285 = arith.constant 0 : index
    %get3A_286 = arith.constant 0 : index
    %get3A_287 = vector.load %arg3[%get3A_284, %get3A_285, %get3A_286] : memref<8x16x200xf32, #tpu.memory_space<vmem>>, vector<1x16x200xf32>
    %get3A_288 = vector.shape_cast %get3A_287 : vector<1x16x200xf32> to vector<16x200xf32>
    %transpose3A_289 = tpu.transpose %get3A_288, [1, 0] : vector<16x200xf32> -> vector<200x16xf32>
    %concatenate3A_290 = tpu.concatenate %transpose3A_289, %bitcast_convert_type3A_283, %broadcast_in_dim3A_158 in 1 : vector<200x16xf32>, vector<200x16xf32>, vector<200x96xf32> -> vector<200x128xf32>
    %swap3A_291 = arith.constant 6 : index
    %swap3A_292 = arith.constant 0 : index
    %swap3A_293 = arith.constant 0 : index
    %swap3A_294 = vector.load %arg6[%swap3A_291, %swap3A_292, %swap3A_293] : memref<8x200x128xf32, #tpu.memory_space<vmem>>, vector<1x200x128xf32>
    %swap3A_295 = vector.shape_cast %swap3A_294 : vector<1x200x128xf32> to vector<200x128xf32>
    %swap3A_296 = vector.shape_cast %concatenate3A_290 : vector<200x128xf32> to vector<1x200x128xf32>
    tpu.vector_store %arg6[%swap3A_291, %swap3A_292, %swap3A_293], %swap3A_296 {strides = array<i32>} : memref<8x200x128xf32, #tpu.memory_space<vmem>>, vector<1x200x128xf32>,
    %get3A_297 = arith.constant 7 : index
    %get3A_298 = arith.constant 0 : index
    %get3A_299 = arith.constant 0 : index
    %get3A_300 = vector.load %arg2[%get3A_297, %get3A_298, %get3A_299] : memref<8x16x200xi32, #tpu.memory_space<vmem>>, vector<1x16x200xi32>
    %get3A_301 = vector.shape_cast %get3A_300 : vector<1x16x200xi32> to vector<16x200xi32>
    %transpose3A_302 = tpu.transpose %get3A_301, [1, 0] : vector<16x200xi32> -> vector<200x16xi32>
    %bitcast_convert_type3A_303 = tpu.bitcast %transpose3A_302 : vector<200x16xi32> -> vector<200x16xf32>
    %get3A_304 = arith.constant 7 : index
    %get3A_305 = arith.constant 0 : index
    %get3A_306 = arith.constant 0 : index
    %get3A_307 = vector.load %arg3[%get3A_304, %get3A_305, %get3A_306] : memref<8x16x200xf32, #tpu.memory_space<vmem>>, vector<1x16x200xf32>
    %get3A_308 = vector.shape_cast %get3A_307 : vector<1x16x200xf32> to vector<16x200xf32>
    %transpose3A_309 = tpu.transpose %get3A_308, [1, 0] : vector<16x200xf32> -> vector<200x16xf32>
    %concatenate3A_310 = tpu.concatenate %transpose3A_309, %bitcast_convert_type3A_303, %broadcast_in_dim3A_158 in 1 : vector<200x16xf32>, vector<200x16xf32>, vector<200x96xf32> -> vector<200x128xf32>
    %swap3A_311 = arith.constant 7 : index
    %swap3A_312 = arith.constant 0 : index
    %swap3A_313 = arith.constant 0 : index
    %swap3A_314 = vector.load %arg6[%swap3A_311, %swap3A_312, %swap3A_313] : memref<8x200x128xf32, #tpu.memory_space<vmem>>, vector<1x200x128xf32>
    %swap3A_315 = vector.shape_cast %swap3A_314 : vector<1x200x128xf32> to vector<200x128xf32>
    %swap3A_316 = vector.shape_cast %concatenate3A_310 : vector<200x128xf32> to vector<1x200x128xf32>
    tpu.vector_store %arg6[%swap3A_311, %swap3A_312, %swap3A_313], %swap3A_316 {strides = array<i32>} : memref<8x200x128xf32, #tpu.memory_space<vmem>>, vector<1x200x128xf32>,
    return
  }
  func.func @transform_0(%arg0: i32) -> (i32, i32, i32) {
    %add3A = arith.constant 0 : i32
    %add3A_0 = arith.addi %arg0, %add3A : i32
    %c0_i32 = arith.constant 0 : i32
    %c0_i32_1 = arith.constant 0 : i32
    %c0_i32_2 = arith.constant 0 : i32
    return %add3A_0, %c0_i32, %c0_i32_1 : i32, i32, i32
  }
  func.func @transform_1(%arg0: i32) -> (i32, i32, i32) {
    %add3A = arith.constant 0 : i32
    %add3A_0 = arith.addi %arg0, %add3A : i32
    %c0_i32 = arith.constant 0 : i32
    %c0_i32_1 = arith.constant 0 : i32
    %c0_i32_2 = arith.constant 0 : i32
    return %add3A_0, %c0_i32, %c0_i32_1 : i32, i32, i32
  }
  func.func @transform_2(%arg0: i32) -> (i32, i32, i32) {
    %add3A = arith.constant 0 : i32
    %add3A_0 = arith.addi %arg0, %add3A : i32
    %c0_i32 = arith.constant 0 : i32
    %c0_i32_1 = arith.constant 0 : i32
    %c0_i32_2 = arith.constant 0 : i32
    return %add3A_0, %c0_i32, %c0_i32_1 : i32, i32, i32
  }
  func.func @transform_3(%arg0: i32) -> (i32, i32) {
    %c0_i32 = arith.constant 0 : i32
    %c0_i32_0 = arith.constant 0 : i32
    %c0_i32_1 = arith.constant 0 : i32
    return %c0_i32, %c0_i32_0 : i32, i32
  }
  func.func @transform_4(%arg0: i32) -> (i32, i32, i32) {
    %c0_i32 = arith.constant 0 : i32
    %c0_i32_0 = arith.constant 0 : i32
    %c0_i32_1 = arith.constant 0 : i32
    return %arg0, %c0_i32, %c0_i32_0 : i32, i32, i32
  }
  func.func @transform_5(%arg0: i32) -> (i32, i32, i32) {
    %c0_i32 = arith.constant 0 : i32
    %c0_i32_0 = arith.constant 0 : i32
    %c0_i32_1 = arith.constant 0 : i32
    return %arg0, %c0_i32, %c0_i32_0 : i32, i32, i32
  }
}

module attributes {stable_mosaic.version = 14 : i64} {
  func.func @_s3_body(%arg0: i32, %arg1: memref<8x400x128xf32, #tpu.memory_space<vmem>>, %arg2: memref<8x200x128xf32, #tpu.memory_space<vmem>>, %arg3: memref<128x128xf32, #tpu.memory_space<vmem>>, %arg4: memref<128x128xf32, #tpu.memory_space<vmem>>, %arg5: memref<1x128xf32, #tpu.memory_space<vmem>>, %arg6: memref<1x128xf32, #tpu.memory_space<vmem>>, %arg7: memref<128x192xf32, #tpu.memory_space<vmem>>, %arg8: memref<1x192xf32, #tpu.memory_space<vmem>>, %arg9: memref<192x128xf32, #tpu.memory_space<vmem>>, %arg10: memref<1x128xf32, #tpu.memory_space<vmem>>, %arg11: memref<1x128xf32, #tpu.memory_space<vmem>>, %arg12: memref<1x128xf32, #tpu.memory_space<vmem>>, %arg13: memref<8x200x128xf32, #tpu.memory_space<vmem>>) attributes {dimension_semantics = [#tpu.dimension_semantics<arbitrary>], iteration_bounds = array<i64: 4>, scalar_prefetch = 0 : i64, scratch_operands = 0 : i64, tpu.core_type = #tpu.core_type<tc>, window_params = [{transform_indices = @transform_0, window_bounds = array<i64: 8, 400, 128>}, {transform_indices = @transform_1, window_bounds = array<i64: 8, 200, 128>}, {pipeline_mode = #tpu.pipeline_mode<synchronous>, transform_indices = @transform_2, window_bounds = array<i64: 128, 128>}, {pipeline_mode = #tpu.pipeline_mode<synchronous>, transform_indices = @transform_3, window_bounds = array<i64: 128, 128>}, {pipeline_mode = #tpu.pipeline_mode<synchronous>, transform_indices = @transform_4, window_bounds = array<i64: 1, 128>}, {pipeline_mode = #tpu.pipeline_mode<synchronous>, transform_indices = @transform_5, window_bounds = array<i64: 1, 128>}, {pipeline_mode = #tpu.pipeline_mode<synchronous>, transform_indices = @transform_6, window_bounds = array<i64: 128, 192>}, {pipeline_mode = #tpu.pipeline_mode<synchronous>, transform_indices = @transform_7, window_bounds = array<i64: 1, 192>}, {pipeline_mode = #tpu.pipeline_mode<synchronous>, transform_indices = @transform_8, window_bounds = array<i64: 192, 128>}, {pipeline_mode = #tpu.pipeline_mode<synchronous>, transform_indices = @transform_9, window_bounds = array<i64: 1, 128>}, {pipeline_mode = #tpu.pipeline_mode<synchronous>, transform_indices = @transform_10, window_bounds = array<i64: 1, 128>}, {pipeline_mode = #tpu.pipeline_mode<synchronous>, transform_indices = @transform_11, window_bounds = array<i64: 1, 128>}, {transform_indices = @transform_12, window_bounds = array<i64: 8, 200, 128>}]} {
    %get3A = arith.constant 0 : index
    %get3A_0 = arith.constant 0 : index
    %get3A_1 = arith.constant 0 : index
    %get3A_2 = vector.load %arg2[%get3A, %get3A_0, %get3A_1] : memref<8x200x128xf32, #tpu.memory_space<vmem>>, vector<8x200x128xf32>
    %reshape3A = vector.shape_cast %get3A_2 : vector<8x200x128xf32> to vector<1600x128xf32>
    %get3A_3 = arith.constant 0 : index
    %get3A_4 = arith.constant 0 : index
    %get3A_5 = vector.load %arg3[%get3A_3, %get3A_4] : memref<128x128xf32, #tpu.memory_space<vmem>>, vector<128x128xf32>
    %dot_general3A = arith.constant dense<0.000000e+00> : vector<1600x128xf32>
    %dot_general3A_6 = tpu.matmul %reshape3A, %get3A_5, %dot_general3A {dimension_numbers = #tpu.dot_dimension_numbers<[1], [0], [0], [1], [0, 0, 1, 1], [], []>, transpose_lhs_hint = false} : vector<1600x128xf32>, vector<128x128xf32>, vector<1600x128xf32> -> vector<1600x128xf32>
    %broadcast_in_dim3A = arith.constant 0.000000e+00 : f32
    %broadcast_in_dim3A_7 = vector.broadcast %broadcast_in_dim3A : f32 to vector<56x128xf32>
    %slice3A = vector.extract_strided_slice %dot_general3A_6 {offsets = [0, 0], sizes = [200, 128], strides = [1, 1]} : vector<1600x128xf32> to vector<200x128xf32>
    %slice3A_8 = vector.extract_strided_slice %slice3A {offsets = [128, 0], sizes = [72, 128], strides = [1, 1]} : vector<200x128xf32> to vector<72x128xf32>
    %concatenate3A = tpu.concatenate %slice3A_8, %broadcast_in_dim3A_7 in 0 : vector<72x128xf32>, vector<56x128xf32> -> vector<128x128xf32>
    %get3A_9 = arith.constant 0 : index
    %get3A_10 = arith.constant 0 : index
    %get3A_11 = arith.constant 0 : index
    %get3A_12 = vector.load %arg1[%get3A_9, %get3A_10, %get3A_11] : memref<8x400x128xf32, #tpu.memory_space<vmem>>, vector<1x200x128xf32>
    %get3A_13 = vector.shape_cast %get3A_12 : vector<1x200x128xf32> to vector<200x128xf32>
    %slice3A_14 = vector.extract_strided_slice %slice3A {offsets = [0, 0], sizes = [128, 128], strides = [1, 1]} : vector<200x128xf32> to vector<128x128xf32>
    %dot_general3A_15 = arith.constant dense<0.000000e+00> : vector<200x128xf32>
    %dot_general3A_16 = tpu.matmul %get3A_13, %slice3A_14, %dot_general3A_15 {dimension_numbers = #tpu.dot_dimension_numbers<[1], [0], [0], [1], [0, 0, 1, 1], [], []>, transpose_lhs_hint = false} : vector<200x128xf32>, vector<128x128xf32>, vector<200x128xf32> -> vector<200x128xf32>
    %get3A_17 = arith.constant 0 : index
    %get3A_18 = arith.constant 200 : index
    %get3A_19 = arith.constant 0 : index
    %get3A_20 = vector.load %arg1[%get3A_17, %get3A_18, %get3A_19] : memref<8x400x128xf32, #tpu.memory_space<vmem>>, vector<1x200x128xf32>
    %get3A_21 = vector.shape_cast %get3A_20 : vector<1x200x128xf32> to vector<200x128xf32>
    %dot_general3A_22 = arith.constant dense<0.000000e+00> : vector<200x128xf32>
    %dot_general3A_23 = tpu.matmul %get3A_21, %concatenate3A, %dot_general3A_22 {dimension_numbers = #tpu.dot_dimension_numbers<[1], [0], [0], [1], [0, 0, 1, 1], [], []>, transpose_lhs_hint = false} : vector<200x128xf32>, vector<128x128xf32>, vector<200x128xf32> -> vector<200x128xf32>
    %add3A = arith.addf %dot_general3A_16, %dot_general3A_23 : vector<200x128xf32>
    %slice3A_24 = vector.extract_strided_slice %dot_general3A_6 {offsets = [200, 0], sizes = [200, 128], strides = [1, 1]} : vector<1600x128xf32> to vector<200x128xf32>
    %slice3A_25 = vector.extract_strided_slice %slice3A_24 {offsets = [128, 0], sizes = [72, 128], strides = [1, 1]} : vector<200x128xf32> to vector<72x128xf32>
    %concatenate3A_26 = tpu.concatenate %slice3A_25, %broadcast_in_dim3A_7 in 0 : vector<72x128xf32>, vector<56x128xf32> -> vector<128x128xf32>
    %get3A_27 = arith.constant 1 : index
    %get3A_28 = arith.constant 0 : index
    %get3A_29 = arith.constant 0 : index
    %get3A_30 = vector.load %arg1[%get3A_27, %get3A_28, %get3A_29] : memref<8x400x128xf32, #tpu.memory_space<vmem>>, vector<1x200x128xf32>
    %get3A_31 = vector.shape_cast %get3A_30 : vector<1x200x128xf32> to vector<200x128xf32>
    %slice3A_32 = vector.extract_strided_slice %slice3A_24 {offsets = [0, 0], sizes = [128, 128], strides = [1, 1]} : vector<200x128xf32> to vector<128x128xf32>
    %dot_general3A_33 = arith.constant dense<0.000000e+00> : vector<200x128xf32>
    %dot_general3A_34 = tpu.matmul %get3A_31, %slice3A_32, %dot_general3A_33 {dimension_numbers = #tpu.dot_dimension_numbers<[1], [0], [0], [1], [0, 0, 1, 1], [], []>, transpose_lhs_hint = false} : vector<200x128xf32>, vector<128x128xf32>, vector<200x128xf32> -> vector<200x128xf32>
    %get3A_35 = arith.constant 1 : index
    %get3A_36 = arith.constant 200 : index
    %get3A_37 = arith.constant 0 : index
    %get3A_38 = vector.load %arg1[%get3A_35, %get3A_36, %get3A_37] : memref<8x400x128xf32, #tpu.memory_space<vmem>>, vector<1x200x128xf32>
    %get3A_39 = vector.shape_cast %get3A_38 : vector<1x200x128xf32> to vector<200x128xf32>
    %dot_general3A_40 = arith.constant dense<0.000000e+00> : vector<200x128xf32>
    %dot_general3A_41 = tpu.matmul %get3A_39, %concatenate3A_26, %dot_general3A_40 {dimension_numbers = #tpu.dot_dimension_numbers<[1], [0], [0], [1], [0, 0, 1, 1], [], []>, transpose_lhs_hint = false} : vector<200x128xf32>, vector<128x128xf32>, vector<200x128xf32> -> vector<200x128xf32>
    %add3A_42 = arith.addf %dot_general3A_34, %dot_general3A_41 : vector<200x128xf32>
    %slice3A_43 = vector.extract_strided_slice %dot_general3A_6 {offsets = [400, 0], sizes = [200, 128], strides = [1, 1]} : vector<1600x128xf32> to vector<200x128xf32>
    %slice3A_44 = vector.extract_strided_slice %slice3A_43 {offsets = [128, 0], sizes = [72, 128], strides = [1, 1]} : vector<200x128xf32> to vector<72x128xf32>
    %concatenate3A_45 = tpu.concatenate %slice3A_44, %broadcast_in_dim3A_7 in 0 : vector<72x128xf32>, vector<56x128xf32> -> vector<128x128xf32>
    %get3A_46 = arith.constant 2 : index
    %get3A_47 = arith.constant 0 : index
    %get3A_48 = arith.constant 0 : index
    %get3A_49 = vector.load %arg1[%get3A_46, %get3A_47, %get3A_48] : memref<8x400x128xf32, #tpu.memory_space<vmem>>, vector<1x200x128xf32>
    %get3A_50 = vector.shape_cast %get3A_49 : vector<1x200x128xf32> to vector<200x128xf32>
    %slice3A_51 = vector.extract_strided_slice %slice3A_43 {offsets = [0, 0], sizes = [128, 128], strides = [1, 1]} : vector<200x128xf32> to vector<128x128xf32>
    %dot_general3A_52 = arith.constant dense<0.000000e+00> : vector<200x128xf32>
    %dot_general3A_53 = tpu.matmul %get3A_50, %slice3A_51, %dot_general3A_52 {dimension_numbers = #tpu.dot_dimension_numbers<[1], [0], [0], [1], [0, 0, 1, 1], [], []>, transpose_lhs_hint = false} : vector<200x128xf32>, vector<128x128xf32>, vector<200x128xf32> -> vector<200x128xf32>
    %get3A_54 = arith.constant 2 : index
    %get3A_55 = arith.constant 200 : index
    %get3A_56 = arith.constant 0 : index
    %get3A_57 = vector.load %arg1[%get3A_54, %get3A_55, %get3A_56] : memref<8x400x128xf32, #tpu.memory_space<vmem>>, vector<1x200x128xf32>
    %get3A_58 = vector.shape_cast %get3A_57 : vector<1x200x128xf32> to vector<200x128xf32>
    %dot_general3A_59 = arith.constant dense<0.000000e+00> : vector<200x128xf32>
    %dot_general3A_60 = tpu.matmul %get3A_58, %concatenate3A_45, %dot_general3A_59 {dimension_numbers = #tpu.dot_dimension_numbers<[1], [0], [0], [1], [0, 0, 1, 1], [], []>, transpose_lhs_hint = false} : vector<200x128xf32>, vector<128x128xf32>, vector<200x128xf32> -> vector<200x128xf32>
    %add3A_61 = arith.addf %dot_general3A_53, %dot_general3A_60 : vector<200x128xf32>
    %slice3A_62 = vector.extract_strided_slice %dot_general3A_6 {offsets = [600, 0], sizes = [200, 128], strides = [1, 1]} : vector<1600x128xf32> to vector<200x128xf32>
    %slice3A_63 = vector.extract_strided_slice %slice3A_62 {offsets = [128, 0], sizes = [72, 128], strides = [1, 1]} : vector<200x128xf32> to vector<72x128xf32>
    %concatenate3A_64 = tpu.concatenate %slice3A_63, %broadcast_in_dim3A_7 in 0 : vector<72x128xf32>, vector<56x128xf32> -> vector<128x128xf32>
    %get3A_65 = arith.constant 3 : index
    %get3A_66 = arith.constant 0 : index
    %get3A_67 = arith.constant 0 : index
    %get3A_68 = vector.load %arg1[%get3A_65, %get3A_66, %get3A_67] : memref<8x400x128xf32, #tpu.memory_space<vmem>>, vector<1x200x128xf32>
    %get3A_69 = vector.shape_cast %get3A_68 : vector<1x200x128xf32> to vector<200x128xf32>
    %slice3A_70 = vector.extract_strided_slice %slice3A_62 {offsets = [0, 0], sizes = [128, 128], strides = [1, 1]} : vector<200x128xf32> to vector<128x128xf32>
    %dot_general3A_71 = arith.constant dense<0.000000e+00> : vector<200x128xf32>
    %dot_general3A_72 = tpu.matmul %get3A_69, %slice3A_70, %dot_general3A_71 {dimension_numbers = #tpu.dot_dimension_numbers<[1], [0], [0], [1], [0, 0, 1, 1], [], []>, transpose_lhs_hint = false} : vector<200x128xf32>, vector<128x128xf32>, vector<200x128xf32> -> vector<200x128xf32>
    %get3A_73 = arith.constant 3 : index
    %get3A_74 = arith.constant 200 : index
    %get3A_75 = arith.constant 0 : index
    %get3A_76 = vector.load %arg1[%get3A_73, %get3A_74, %get3A_75] : memref<8x400x128xf32, #tpu.memory_space<vmem>>, vector<1x200x128xf32>
    %get3A_77 = vector.shape_cast %get3A_76 : vector<1x200x128xf32> to vector<200x128xf32>
    %dot_general3A_78 = arith.constant dense<0.000000e+00> : vector<200x128xf32>
    %dot_general3A_79 = tpu.matmul %get3A_77, %concatenate3A_64, %dot_general3A_78 {dimension_numbers = #tpu.dot_dimension_numbers<[1], [0], [0], [1], [0, 0, 1, 1], [], []>, transpose_lhs_hint = false} : vector<200x128xf32>, vector<128x128xf32>, vector<200x128xf32> -> vector<200x128xf32>
    %add3A_80 = arith.addf %dot_general3A_72, %dot_general3A_79 : vector<200x128xf32>
    %slice3A_81 = vector.extract_strided_slice %dot_general3A_6 {offsets = [800, 0], sizes = [200, 128], strides = [1, 1]} : vector<1600x128xf32> to vector<200x128xf32>
    %slice3A_82 = vector.extract_strided_slice %slice3A_81 {offsets = [128, 0], sizes = [72, 128], strides = [1, 1]} : vector<200x128xf32> to vector<72x128xf32>
    %concatenate3A_83 = tpu.concatenate %slice3A_82, %broadcast_in_dim3A_7 in 0 : vector<72x128xf32>, vector<56x128xf32> -> vector<128x128xf32>
    %get3A_84 = arith.constant 4 : index
    %get3A_85 = arith.constant 0 : index
    %get3A_86 = arith.constant 0 : index
    %get3A_87 = vector.load %arg1[%get3A_84, %get3A_85, %get3A_86] : memref<8x400x128xf32, #tpu.memory_space<vmem>>, vector<1x200x128xf32>
    %get3A_88 = vector.shape_cast %get3A_87 : vector<1x200x128xf32> to vector<200x128xf32>
    %slice3A_89 = vector.extract_strided_slice %slice3A_81 {offsets = [0, 0], sizes = [128, 128], strides = [1, 1]} : vector<200x128xf32> to vector<128x128xf32>
    %dot_general3A_90 = arith.constant dense<0.000000e+00> : vector<200x128xf32>
    %dot_general3A_91 = tpu.matmul %get3A_88, %slice3A_89, %dot_general3A_90 {dimension_numbers = #tpu.dot_dimension_numbers<[1], [0], [0], [1], [0, 0, 1, 1], [], []>, transpose_lhs_hint = false} : vector<200x128xf32>, vector<128x128xf32>, vector<200x128xf32> -> vector<200x128xf32>
    %get3A_92 = arith.constant 4 : index
    %get3A_93 = arith.constant 200 : index
    %get3A_94 = arith.constant 0 : index
    %get3A_95 = vector.load %arg1[%get3A_92, %get3A_93, %get3A_94] : memref<8x400x128xf32, #tpu.memory_space<vmem>>, vector<1x200x128xf32>
    %get3A_96 = vector.shape_cast %get3A_95 : vector<1x200x128xf32> to vector<200x128xf32>
    %dot_general3A_97 = arith.constant dense<0.000000e+00> : vector<200x128xf32>
    %dot_general3A_98 = tpu.matmul %get3A_96, %concatenate3A_83, %dot_general3A_97 {dimension_numbers = #tpu.dot_dimension_numbers<[1], [0], [0], [1], [0, 0, 1, 1], [], []>, transpose_lhs_hint = false} : vector<200x128xf32>, vector<128x128xf32>, vector<200x128xf32> -> vector<200x128xf32>
    %add3A_99 = arith.addf %dot_general3A_91, %dot_general3A_98 : vector<200x128xf32>
    %slice3A_100 = vector.extract_strided_slice %dot_general3A_6 {offsets = [1000, 0], sizes = [200, 128], strides = [1, 1]} : vector<1600x128xf32> to vector<200x128xf32>
    %slice3A_101 = vector.extract_strided_slice %slice3A_100 {offsets = [128, 0], sizes = [72, 128], strides = [1, 1]} : vector<200x128xf32> to vector<72x128xf32>
    %concatenate3A_102 = tpu.concatenate %slice3A_101, %broadcast_in_dim3A_7 in 0 : vector<72x128xf32>, vector<56x128xf32> -> vector<128x128xf32>
    %get3A_103 = arith.constant 5 : index
    %get3A_104 = arith.constant 0 : index
    %get3A_105 = arith.constant 0 : index
    %get3A_106 = vector.load %arg1[%get3A_103, %get3A_104, %get3A_105] : memref<8x400x128xf32, #tpu.memory_space<vmem>>, vector<1x200x128xf32>
    %get3A_107 = vector.shape_cast %get3A_106 : vector<1x200x128xf32> to vector<200x128xf32>
    %slice3A_108 = vector.extract_strided_slice %slice3A_100 {offsets = [0, 0], sizes = [128, 128], strides = [1, 1]} : vector<200x128xf32> to vector<128x128xf32>
    %dot_general3A_109 = arith.constant dense<0.000000e+00> : vector<200x128xf32>
    %dot_general3A_110 = tpu.matmul %get3A_107, %slice3A_108, %dot_general3A_109 {dimension_numbers = #tpu.dot_dimension_numbers<[1], [0], [0], [1], [0, 0, 1, 1], [], []>, transpose_lhs_hint = false} : vector<200x128xf32>, vector<128x128xf32>, vector<200x128xf32> -> vector<200x128xf32>
    %get3A_111 = arith.constant 5 : index
    %get3A_112 = arith.constant 200 : index
    %get3A_113 = arith.constant 0 : index
    %get3A_114 = vector.load %arg1[%get3A_111, %get3A_112, %get3A_113] : memref<8x400x128xf32, #tpu.memory_space<vmem>>, vector<1x200x128xf32>
    %get3A_115 = vector.shape_cast %get3A_114 : vector<1x200x128xf32> to vector<200x128xf32>
    %dot_general3A_116 = arith.constant dense<0.000000e+00> : vector<200x128xf32>
    %dot_general3A_117 = tpu.matmul %get3A_115, %concatenate3A_102, %dot_general3A_116 {dimension_numbers = #tpu.dot_dimension_numbers<[1], [0], [0], [1], [0, 0, 1, 1], [], []>, transpose_lhs_hint = false} : vector<200x128xf32>, vector<128x128xf32>, vector<200x128xf32> -> vector<200x128xf32>
    %add3A_118 = arith.addf %dot_general3A_110, %dot_general3A_117 : vector<200x128xf32>
    %slice3A_119 = vector.extract_strided_slice %dot_general3A_6 {offsets = [1200, 0], sizes = [200, 128], strides = [1, 1]} : vector<1600x128xf32> to vector<200x128xf32>
    %slice3A_120 = vector.extract_strided_slice %slice3A_119 {offsets = [128, 0], sizes = [72, 128], strides = [1, 1]} : vector<200x128xf32> to vector<72x128xf32>
    %concatenate3A_121 = tpu.concatenate %slice3A_120, %broadcast_in_dim3A_7 in 0 : vector<72x128xf32>, vector<56x128xf32> -> vector<128x128xf32>
    %get3A_122 = arith.constant 6 : index
    %get3A_123 = arith.constant 0 : index
    %get3A_124 = arith.constant 0 : index
    %get3A_125 = vector.load %arg1[%get3A_122, %get3A_123, %get3A_124] : memref<8x400x128xf32, #tpu.memory_space<vmem>>, vector<1x200x128xf32>
    %get3A_126 = vector.shape_cast %get3A_125 : vector<1x200x128xf32> to vector<200x128xf32>
    %slice3A_127 = vector.extract_strided_slice %slice3A_119 {offsets = [0, 0], sizes = [128, 128], strides = [1, 1]} : vector<200x128xf32> to vector<128x128xf32>
    %dot_general3A_128 = arith.constant dense<0.000000e+00> : vector<200x128xf32>
    %dot_general3A_129 = tpu.matmul %get3A_126, %slice3A_127, %dot_general3A_128 {dimension_numbers = #tpu.dot_dimension_numbers<[1], [0], [0], [1], [0, 0, 1, 1], [], []>, transpose_lhs_hint = false} : vector<200x128xf32>, vector<128x128xf32>, vector<200x128xf32> -> vector<200x128xf32>
    %get3A_130 = arith.constant 6 : index
    %get3A_131 = arith.constant 200 : index
    %get3A_132 = arith.constant 0 : index
    %get3A_133 = vector.load %arg1[%get3A_130, %get3A_131, %get3A_132] : memref<8x400x128xf32, #tpu.memory_space<vmem>>, vector<1x200x128xf32>
    %get3A_134 = vector.shape_cast %get3A_133 : vector<1x200x128xf32> to vector<200x128xf32>
    %dot_general3A_135 = arith.constant dense<0.000000e+00> : vector<200x128xf32>
    %dot_general3A_136 = tpu.matmul %get3A_134, %concatenate3A_121, %dot_general3A_135 {dimension_numbers = #tpu.dot_dimension_numbers<[1], [0], [0], [1], [0, 0, 1, 1], [], []>, transpose_lhs_hint = false} : vector<200x128xf32>, vector<128x128xf32>, vector<200x128xf32> -> vector<200x128xf32>
    %add3A_137 = arith.addf %dot_general3A_129, %dot_general3A_136 : vector<200x128xf32>
    %slice3A_138 = vector.extract_strided_slice %dot_general3A_6 {offsets = [1400, 0], sizes = [200, 128], strides = [1, 1]} : vector<1600x128xf32> to vector<200x128xf32>
    %slice3A_139 = vector.extract_strided_slice %slice3A_138 {offsets = [128, 0], sizes = [72, 128], strides = [1, 1]} : vector<200x128xf32> to vector<72x128xf32>
    %concatenate3A_140 = tpu.concatenate %slice3A_139, %broadcast_in_dim3A_7 in 0 : vector<72x128xf32>, vector<56x128xf32> -> vector<128x128xf32>
    %get3A_141 = arith.constant 7 : index
    %get3A_142 = arith.constant 0 : index
    %get3A_143 = arith.constant 0 : index
    %get3A_144 = vector.load %arg1[%get3A_141, %get3A_142, %get3A_143] : memref<8x400x128xf32, #tpu.memory_space<vmem>>, vector<1x200x128xf32>
    %get3A_145 = vector.shape_cast %get3A_144 : vector<1x200x128xf32> to vector<200x128xf32>
    %slice3A_146 = vector.extract_strided_slice %slice3A_138 {offsets = [0, 0], sizes = [128, 128], strides = [1, 1]} : vector<200x128xf32> to vector<128x128xf32>
    %dot_general3A_147 = arith.constant dense<0.000000e+00> : vector<200x128xf32>
    %dot_general3A_148 = tpu.matmul %get3A_145, %slice3A_146, %dot_general3A_147 {dimension_numbers = #tpu.dot_dimension_numbers<[1], [0], [0], [1], [0, 0, 1, 1], [], []>, transpose_lhs_hint = false} : vector<200x128xf32>, vector<128x128xf32>, vector<200x128xf32> -> vector<200x128xf32>
    %get3A_149 = arith.constant 7 : index
    %get3A_150 = arith.constant 200 : index
    %get3A_151 = arith.constant 0 : index
    %get3A_152 = vector.load %arg1[%get3A_149, %get3A_150, %get3A_151] : memref<8x400x128xf32, #tpu.memory_space<vmem>>, vector<1x200x128xf32>
    %get3A_153 = vector.shape_cast %get3A_152 : vector<1x200x128xf32> to vector<200x128xf32>
    %dot_general3A_154 = arith.constant dense<0.000000e+00> : vector<200x128xf32>
    %dot_general3A_155 = tpu.matmul %get3A_153, %concatenate3A_140, %dot_general3A_154 {dimension_numbers = #tpu.dot_dimension_numbers<[1], [0], [0], [1], [0, 0, 1, 1], [], []>, transpose_lhs_hint = false} : vector<200x128xf32>, vector<128x128xf32>, vector<200x128xf32> -> vector<200x128xf32>
    %add3A_156 = arith.addf %dot_general3A_148, %dot_general3A_155 : vector<200x128xf32>
    %concatenate3A_157 = tpu.concatenate %add3A, %add3A_42, %add3A_61, %add3A_80, %add3A_99, %add3A_118, %add3A_137, %add3A_156 in 0 : vector<200x128xf32>, vector<200x128xf32>, vector<200x128xf32>, vector<200x128xf32>, vector<200x128xf32>, vector<200x128xf32>, vector<200x128xf32>, vector<200x128xf32> -> vector<1600x128xf32>
    %get3A_158 = arith.constant 0 : index
    %get3A_159 = arith.constant 0 : index
    %get3A_160 = vector.load %arg4[%get3A_158, %get3A_159] : memref<128x128xf32, #tpu.memory_space<vmem>>, vector<128x128xf32>
    %dot_general3A_161 = arith.constant dense<0.000000e+00> : vector<1600x128xf32>
    %dot_general3A_162 = tpu.matmul %concatenate3A_157, %get3A_160, %dot_general3A_161 {dimension_numbers = #tpu.dot_dimension_numbers<[1], [0], [0], [1], [0, 0, 1, 1], [], []>, transpose_lhs_hint = false} : vector<1600x128xf32>, vector<128x128xf32>, vector<1600x128xf32> -> vector<1600x128xf32>
    %max3A = arith.constant 0.000000e+00 : f32
    %max3A_163 = vector.broadcast %max3A : f32 to vector<1600x128xf32>
    %max3A_164 = arith.maximumf %dot_general3A_162, %max3A_163 : vector<1600x128xf32>
    %add3A_165 = arith.addf %reshape3A, %max3A_164 : vector<1600x128xf32>
    %get3A_166 = arith.constant 0 : index
    %get3A_167 = arith.constant 0 : index
    %get3A_168 = vector.load %arg5[%get3A_166, %get3A_167] : memref<1x128xf32, #tpu.memory_space<vmem>>, vector<1x128xf32>
    %get3A_169 = arith.constant 0 : index
    %get3A_170 = arith.constant 0 : index
    %get3A_171 = vector.load %arg6[%get3A_169, %get3A_170] : memref<1x128xf32, #tpu.memory_space<vmem>>, vector<1x128xf32>
    %reduce_sum3A = arith.constant dense<0.000000e+00> : vector<1600xf32>
    %reduce_sum3A_172 = vector.multi_reduction <add>, %add3A_165, %reduce_sum3A [1] : vector<1600x128xf32> to vector<1600xf32>
    %broadcast_in_dim3A_173 = vector.shape_cast %reduce_sum3A_172 : vector<1600xf32> to vector<1600x1xf32>
    %div3A = arith.constant 1.280000e+02 : f32
    %div3A_174 = vector.broadcast %div3A : f32 to vector<1600x1xf32>
    %div3A_175 = arith.divf %broadcast_in_dim3A_173, %div3A_174 : vector<1600x1xf32>
    %sub3A = vector.broadcast %div3A_175 : vector<1600x1xf32> to vector<1600x128xf32>
    %sub3A_176 = arith.subf %add3A_165, %sub3A : vector<1600x128xf32>
    %mul3A = arith.mulf %sub3A_176, %sub3A_176 : vector<1600x128xf32>
    %reduce_sum3A_177 = arith.constant dense<0.000000e+00> : vector<1600xf32>
    %reduce_sum3A_178 = vector.multi_reduction <add>, %mul3A, %reduce_sum3A_177 [1] : vector<1600x128xf32> to vector<1600xf32>
    %broadcast_in_dim3A_179 = vector.shape_cast %reduce_sum3A_178 : vector<1600xf32> to vector<1600x1xf32>
    %div3A_180 = arith.constant 1.280000e+02 : f32
    %div3A_181 = vector.broadcast %div3A_180 : f32 to vector<1600x1xf32>
    %div3A_182 = arith.divf %broadcast_in_dim3A_179, %div3A_181 : vector<1600x1xf32>
    %add3A_183 = arith.constant 9.99999974E-6 : f32
    %add3A_184 = vector.broadcast %add3A_183 : f32 to vector<1600x1xf32>
    %add3A_185 = arith.addf %div3A_182, %add3A_184 : vector<1600x1xf32>
    %rsqrt3A = math.rsqrt %add3A_185 : vector<1600x1xf32>
    %mul3A_186 = vector.broadcast %rsqrt3A : vector<1600x1xf32> to vector<1600x128xf32>
    %mul3A_187 = arith.mulf %sub3A_176, %mul3A_186 : vector<1600x128xf32>
    %mul3A_188 = vector.broadcast %get3A_168 : vector<1x128xf32> to vector<1600x128xf32>
    %mul3A_189 = arith.mulf %mul3A_187, %mul3A_188 : vector<1600x128xf32>
    %add3A_190 = vector.broadcast %get3A_171 : vector<1x128xf32> to vector<1600x128xf32>
    %add3A_191 = arith.addf %mul3A_189, %add3A_190 : vector<1600x128xf32>
    %get3A_192 = arith.constant 0 : index
    %get3A_193 = arith.constant 0 : index
    %get3A_194 = vector.load %arg7[%get3A_192, %get3A_193] : memref<128x192xf32, #tpu.memory_space<vmem>>, vector<128x192xf32>
    %dot_general3A_195 = arith.constant dense<0.000000e+00> : vector<1600x192xf32>
    %dot_general3A_196 = tpu.matmul %add3A_191, %get3A_194, %dot_general3A_195 {dimension_numbers = #tpu.dot_dimension_numbers<[1], [0], [0], [1], [0, 0, 1, 1], [], []>, transpose_lhs_hint = false} : vector<1600x128xf32>, vector<128x192xf32>, vector<1600x192xf32> -> vector<1600x192xf32>
    %get3A_197 = arith.constant 0 : index
    %get3A_198 = arith.constant 0 : index
    %get3A_199 = vector.load %arg8[%get3A_197, %get3A_198] : memref<1x192xf32, #tpu.memory_space<vmem>>, vector<1x192xf32>
    %add3A_200 = vector.broadcast %get3A_199 : vector<1x192xf32> to vector<1600x192xf32>
    %add3A_201 = arith.addf %dot_general3A_196, %add3A_200 : vector<1600x192xf32>
    %max3A_202 = arith.constant 0.000000e+00 : f32
    %max3A_203 = vector.broadcast %max3A_202 : f32 to vector<1600x192xf32>
    %max3A_204 = arith.maximumf %add3A_201, %max3A_203 : vector<1600x192xf32>
    %get3A_205 = arith.constant 0 : index
    %get3A_206 = arith.constant 0 : index
    %get3A_207 = vector.load %arg9[%get3A_205, %get3A_206] : memref<192x128xf32, #tpu.memory_space<vmem>>, vector<192x128xf32>
    %dot_general3A_208 = arith.constant dense<0.000000e+00> : vector<1600x128xf32>
    %dot_general3A_209 = tpu.matmul %max3A_204, %get3A_207, %dot_general3A_208 {dimension_numbers = #tpu.dot_dimension_numbers<[1], [0], [0], [1], [0, 0, 1, 1], [], []>, transpose_lhs_hint = false} : vector<1600x192xf32>, vector<192x128xf32>, vector<1600x128xf32> -> vector<1600x128xf32>
    %get3A_210 = arith.constant 0 : index
    %get3A_211 = arith.constant 0 : index
    %get3A_212 = vector.load %arg10[%get3A_210, %get3A_211] : memref<1x128xf32, #tpu.memory_space<vmem>>, vector<1x128xf32>
    %add3A_213 = vector.broadcast %get3A_212 : vector<1x128xf32> to vector<1600x128xf32>
    %add3A_214 = arith.addf %dot_general3A_209, %add3A_213 : vector<1600x128xf32>
    %add3A_215 = arith.addf %add3A_191, %add3A_214 : vector<1600x128xf32>
    %get3A_216 = arith.constant 0 : index
    %get3A_217 = arith.constant 0 : index
    %get3A_218 = vector.load %arg11[%get3A_216, %get3A_217] : memref<1x128xf32, #tpu.memory_space<vmem>>, vector<1x128xf32>
    %get3A_219 = arith.constant 0 : index
    %get3A_220 = arith.constant 0 : index
    %get3A_221 = vector.load %arg12[%get3A_219, %get3A_220] : memref<1x128xf32, #tpu.memory_space<vmem>>, vector<1x128xf32>
    %reduce_sum3A_222 = arith.constant dense<0.000000e+00> : vector<1600xf32>
    %reduce_sum3A_223 = vector.multi_reduction <add>, %add3A_215, %reduce_sum3A_222 [1] : vector<1600x128xf32> to vector<1600xf32>
    %broadcast_in_dim3A_224 = vector.shape_cast %reduce_sum3A_223 : vector<1600xf32> to vector<1600x1xf32>
    %div3A_225 = arith.constant 1.280000e+02 : f32
    %div3A_226 = vector.broadcast %div3A_225 : f32 to vector<1600x1xf32>
    %div3A_227 = arith.divf %broadcast_in_dim3A_224, %div3A_226 : vector<1600x1xf32>
    %sub3A_228 = vector.broadcast %div3A_227 : vector<1600x1xf32> to vector<1600x128xf32>
    %sub3A_229 = arith.subf %add3A_215, %sub3A_228 : vector<1600x128xf32>
    %mul3A_230 = arith.mulf %sub3A_229, %sub3A_229 : vector<1600x128xf32>
    %reduce_sum3A_231 = arith.constant dense<0.000000e+00> : vector<1600xf32>
    %reduce_sum3A_232 = vector.multi_reduction <add>, %mul3A_230, %reduce_sum3A_231 [1] : vector<1600x128xf32> to vector<1600xf32>
    %broadcast_in_dim3A_233 = vector.shape_cast %reduce_sum3A_232 : vector<1600xf32> to vector<1600x1xf32>
    %div3A_234 = arith.constant 1.280000e+02 : f32
    %div3A_235 = vector.broadcast %div3A_234 : f32 to vector<1600x1xf32>
    %div3A_236 = arith.divf %broadcast_in_dim3A_233, %div3A_235 : vector<1600x1xf32>
    %add3A_237 = arith.constant 9.99999974E-6 : f32
    %add3A_238 = vector.broadcast %add3A_237 : f32 to vector<1600x1xf32>
    %add3A_239 = arith.addf %div3A_236, %add3A_238 : vector<1600x1xf32>
    %rsqrt3A_240 = math.rsqrt %add3A_239 : vector<1600x1xf32>
    %mul3A_241 = vector.broadcast %rsqrt3A_240 : vector<1600x1xf32> to vector<1600x128xf32>
    %mul3A_242 = arith.mulf %sub3A_229, %mul3A_241 : vector<1600x128xf32>
    %mul3A_243 = vector.broadcast %get3A_218 : vector<1x128xf32> to vector<1600x128xf32>
    %mul3A_244 = arith.mulf %mul3A_242, %mul3A_243 : vector<1600x128xf32>
    %add3A_245 = vector.broadcast %get3A_221 : vector<1x128xf32> to vector<1600x128xf32>
    %add3A_246 = arith.addf %mul3A_244, %add3A_245 : vector<1600x128xf32>
    %reshape3A_247 = vector.shape_cast %add3A_246 : vector<1600x128xf32> to vector<8x200x128xf32>
    %swap3A = arith.constant 0 : index
    %swap3A_248 = arith.constant 0 : index
    %swap3A_249 = arith.constant 0 : index
    %swap3A_250 = vector.load %arg13[%swap3A, %swap3A_248, %swap3A_249] : memref<8x200x128xf32, #tpu.memory_space<vmem>>, vector<8x200x128xf32>
    tpu.vector_store %arg13[%swap3A, %swap3A_248, %swap3A_249], %reshape3A_247 {strides = array<i32>} : memref<8x200x128xf32, #tpu.memory_space<vmem>>, vector<8x200x128xf32>,
    return
  }
  func.func @transform_0(%arg0: i32) -> (i32, i32, i32) {
    %c0_i32 = arith.constant 0 : i32
    %c0_i32_0 = arith.constant 0 : i32
    %c0_i32_1 = arith.constant 0 : i32
    return %arg0, %c0_i32, %c0_i32_0 : i32, i32, i32
  }
  func.func @transform_1(%arg0: i32) -> (i32, i32, i32) {
    %add3A = arith.constant 0 : i32
    %add3A_0 = arith.addi %arg0, %add3A : i32
    %c0_i32 = arith.constant 0 : i32
    %c0_i32_1 = arith.constant 0 : i32
    %c0_i32_2 = arith.constant 0 : i32
    return %add3A_0, %c0_i32, %c0_i32_1 : i32, i32, i32
  }
  func.func @transform_2(%arg0: i32) -> (i32, i32) {
    %c0_i32 = arith.constant 0 : i32
    %c0_i32_0 = arith.constant 0 : i32
    %c0_i32_1 = arith.constant 0 : i32
    return %c0_i32, %c0_i32_0 : i32, i32
  }
  func.func @transform_3(%arg0: i32) -> (i32, i32) {
    %c0_i32 = arith.constant 0 : i32
    %c0_i32_0 = arith.constant 0 : i32
    %c0_i32_1 = arith.constant 0 : i32
    return %c0_i32, %c0_i32_0 : i32, i32
  }
  func.func @transform_4(%arg0: i32) -> (i32, i32) {
    %c0_i32 = arith.constant 0 : i32
    %c0_i32_0 = arith.constant 0 : i32
    %c0_i32_1 = arith.constant 0 : i32
    return %c0_i32, %c0_i32_0 : i32, i32
  }
  func.func @transform_5(%arg0: i32) -> (i32, i32) {
    %c0_i32 = arith.constant 0 : i32
    %c0_i32_0 = arith.constant 0 : i32
    %c0_i32_1 = arith.constant 0 : i32
    return %c0_i32, %c0_i32_0 : i32, i32
  }
  func.func @transform_6(%arg0: i32) -> (i32, i32) {
    %c0_i32 = arith.constant 0 : i32
    %c0_i32_0 = arith.constant 0 : i32
    %c0_i32_1 = arith.constant 0 : i32
    return %c0_i32, %c0_i32_0 : i32, i32
  }
  func.func @transform_7(%arg0: i32) -> (i32, i32) {
    %c0_i32 = arith.constant 0 : i32
    %c0_i32_0 = arith.constant 0 : i32
    %c0_i32_1 = arith.constant 0 : i32
    return %c0_i32, %c0_i32_0 : i32, i32
  }
  func.func @transform_8(%arg0: i32) -> (i32, i32) {
    %c0_i32 = arith.constant 0 : i32
    %c0_i32_0 = arith.constant 0 : i32
    %c0_i32_1 = arith.constant 0 : i32
    return %c0_i32, %c0_i32_0 : i32, i32
  }
  func.func @transform_9(%arg0: i32) -> (i32, i32) {
    %c0_i32 = arith.constant 0 : i32
    %c0_i32_0 = arith.constant 0 : i32
    %c0_i32_1 = arith.constant 0 : i32
    return %c0_i32, %c0_i32_0 : i32, i32
  }
  func.func @transform_10(%arg0: i32) -> (i32, i32) {
    %c0_i32 = arith.constant 0 : i32
    %c0_i32_0 = arith.constant 0 : i32
    %c0_i32_1 = arith.constant 0 : i32
    return %c0_i32, %c0_i32_0 : i32, i32
  }
  func.func @transform_11(%arg0: i32) -> (i32, i32) {
    %c0_i32 = arith.constant 0 : i32
    %c0_i32_0 = arith.constant 0 : i32
    %c0_i32_1 = arith.constant 0 : i32
    return %c0_i32, %c0_i32_0 : i32, i32
  }
  func.func @transform_12(%arg0: i32) -> (i32, i32, i32) {
    %c0_i32 = arith.constant 0 : i32
    %c0_i32_0 = arith.constant 0 : i32
    %c0_i32_1 = arith.constant 0 : i32
    return %arg0, %c0_i32, %c0_i32_0 : i32, i32, i32
  }
}

module attributes {stable_mosaic.version = 14 : i64} {
  func.func @_s3_body(%arg0: i32, %arg1: memref<8x400x128xf32, #tpu.memory_space<vmem>>, %arg2: memref<8x200x128xf32, #tpu.memory_space<vmem>>, %arg3: memref<128x128xf32, #tpu.memory_space<vmem>>, %arg4: memref<128x128xf32, #tpu.memory_space<vmem>>, %arg5: memref<1x128xf32, #tpu.memory_space<vmem>>, %arg6: memref<1x128xf32, #tpu.memory_space<vmem>>, %arg7: memref<128x192xf32, #tpu.memory_space<vmem>>, %arg8: memref<1x192xf32, #tpu.memory_space<vmem>>, %arg9: memref<192x128xf32, #tpu.memory_space<vmem>>, %arg10: memref<1x128xf32, #tpu.memory_space<vmem>>, %arg11: memref<1x128xf32, #tpu.memory_space<vmem>>, %arg12: memref<1x128xf32, #tpu.memory_space<vmem>>, %arg13: memref<8x200x128xf32, #tpu.memory_space<vmem>>) attributes {dimension_semantics = [#tpu.dimension_semantics<arbitrary>], iteration_bounds = array<i64: 4>, scalar_prefetch = 0 : i64, scratch_operands = 0 : i64, tpu.core_type = #tpu.core_type<tc>, window_params = [{transform_indices = @transform_0, window_bounds = array<i64: 8, 400, 128>}, {transform_indices = @transform_1, window_bounds = array<i64: 8, 200, 128>}, {pipeline_mode = #tpu.pipeline_mode<synchronous>, transform_indices = @transform_2, window_bounds = array<i64: 128, 128>}, {pipeline_mode = #tpu.pipeline_mode<synchronous>, transform_indices = @transform_3, window_bounds = array<i64: 128, 128>}, {pipeline_mode = #tpu.pipeline_mode<synchronous>, transform_indices = @transform_4, window_bounds = array<i64: 1, 128>}, {pipeline_mode = #tpu.pipeline_mode<synchronous>, transform_indices = @transform_5, window_bounds = array<i64: 1, 128>}, {pipeline_mode = #tpu.pipeline_mode<synchronous>, transform_indices = @transform_6, window_bounds = array<i64: 128, 192>}, {pipeline_mode = #tpu.pipeline_mode<synchronous>, transform_indices = @transform_7, window_bounds = array<i64: 1, 192>}, {pipeline_mode = #tpu.pipeline_mode<synchronous>, transform_indices = @transform_8, window_bounds = array<i64: 192, 128>}, {pipeline_mode = #tpu.pipeline_mode<synchronous>, transform_indices = @transform_9, window_bounds = array<i64: 1, 128>}, {pipeline_mode = #tpu.pipeline_mode<synchronous>, transform_indices = @transform_10, window_bounds = array<i64: 1, 128>}, {pipeline_mode = #tpu.pipeline_mode<synchronous>, transform_indices = @transform_11, window_bounds = array<i64: 1, 128>}, {transform_indices = @transform_12, window_bounds = array<i64: 8, 200, 128>}]} {
    %get3A = arith.constant 0 : index
    %get3A_0 = arith.constant 0 : index
    %get3A_1 = arith.constant 0 : index
    %get3A_2 = vector.load %arg2[%get3A, %get3A_0, %get3A_1] : memref<8x200x128xf32, #tpu.memory_space<vmem>>, vector<8x200x128xf32>
    %reshape3A = vector.shape_cast %get3A_2 : vector<8x200x128xf32> to vector<1600x128xf32>
    %get3A_3 = arith.constant 0 : index
    %get3A_4 = arith.constant 0 : index
    %get3A_5 = vector.load %arg3[%get3A_3, %get3A_4] : memref<128x128xf32, #tpu.memory_space<vmem>>, vector<128x128xf32>
    %dot_general3A = arith.constant dense<0.000000e+00> : vector<1600x128xf32>
    %dot_general3A_6 = tpu.matmul %reshape3A, %get3A_5, %dot_general3A {dimension_numbers = #tpu.dot_dimension_numbers<[1], [0], [0], [1], [0, 0, 1, 1], [], []>, transpose_lhs_hint = false} : vector<1600x128xf32>, vector<128x128xf32>, vector<1600x128xf32> -> vector<1600x128xf32>
    %broadcast_in_dim3A = arith.constant 0.000000e+00 : f32
    %broadcast_in_dim3A_7 = vector.broadcast %broadcast_in_dim3A : f32 to vector<56x128xf32>
    %slice3A = vector.extract_strided_slice %dot_general3A_6 {offsets = [0, 0], sizes = [200, 128], strides = [1, 1]} : vector<1600x128xf32> to vector<200x128xf32>
    %slice3A_8 = vector.extract_strided_slice %slice3A {offsets = [128, 0], sizes = [72, 128], strides = [1, 1]} : vector<200x128xf32> to vector<72x128xf32>
    %concatenate3A = tpu.concatenate %slice3A_8, %broadcast_in_dim3A_7 in 0 : vector<72x128xf32>, vector<56x128xf32> -> vector<128x128xf32>
    %get3A_9 = arith.constant 0 : index
    %get3A_10 = arith.constant 0 : index
    %get3A_11 = arith.constant 0 : index
    %get3A_12 = vector.load %arg1[%get3A_9, %get3A_10, %get3A_11] : memref<8x400x128xf32, #tpu.memory_space<vmem>>, vector<1x200x128xf32>
    %get3A_13 = vector.shape_cast %get3A_12 : vector<1x200x128xf32> to vector<200x128xf32>
    %slice3A_14 = vector.extract_strided_slice %slice3A {offsets = [0, 0], sizes = [128, 128], strides = [1, 1]} : vector<200x128xf32> to vector<128x128xf32>
    %dot_general3A_15 = arith.constant dense<0.000000e+00> : vector<200x128xf32>
    %dot_general3A_16 = tpu.matmul %get3A_13, %slice3A_14, %dot_general3A_15 {dimension_numbers = #tpu.dot_dimension_numbers<[1], [0], [0], [1], [0, 0, 1, 1], [], []>, transpose_lhs_hint = false} : vector<200x128xf32>, vector<128x128xf32>, vector<200x128xf32> -> vector<200x128xf32>
    %get3A_17 = arith.constant 0 : index
    %get3A_18 = arith.constant 200 : index
    %get3A_19 = arith.constant 0 : index
    %get3A_20 = vector.load %arg1[%get3A_17, %get3A_18, %get3A_19] : memref<8x400x128xf32, #tpu.memory_space<vmem>>, vector<1x200x128xf32>
    %get3A_21 = vector.shape_cast %get3A_20 : vector<1x200x128xf32> to vector<200x128xf32>
    %dot_general3A_22 = arith.constant dense<0.000000e+00> : vector<200x128xf32>
    %dot_general3A_23 = tpu.matmul %get3A_21, %concatenate3A, %dot_general3A_22 {dimension_numbers = #tpu.dot_dimension_numbers<[1], [0], [0], [1], [0, 0, 1, 1], [], []>, transpose_lhs_hint = false} : vector<200x128xf32>, vector<128x128xf32>, vector<200x128xf32> -> vector<200x128xf32>
    %add3A = arith.addf %dot_general3A_16, %dot_general3A_23 : vector<200x128xf32>
    %slice3A_24 = vector.extract_strided_slice %dot_general3A_6 {offsets = [200, 0], sizes = [200, 128], strides = [1, 1]} : vector<1600x128xf32> to vector<200x128xf32>
    %slice3A_25 = vector.extract_strided_slice %slice3A_24 {offsets = [128, 0], sizes = [72, 128], strides = [1, 1]} : vector<200x128xf32> to vector<72x128xf32>
    %concatenate3A_26 = tpu.concatenate %slice3A_25, %broadcast_in_dim3A_7 in 0 : vector<72x128xf32>, vector<56x128xf32> -> vector<128x128xf32>
    %get3A_27 = arith.constant 1 : index
    %get3A_28 = arith.constant 0 : index
    %get3A_29 = arith.constant 0 : index
    %get3A_30 = vector.load %arg1[%get3A_27, %get3A_28, %get3A_29] : memref<8x400x128xf32, #tpu.memory_space<vmem>>, vector<1x200x128xf32>
    %get3A_31 = vector.shape_cast %get3A_30 : vector<1x200x128xf32> to vector<200x128xf32>
    %slice3A_32 = vector.extract_strided_slice %slice3A_24 {offsets = [0, 0], sizes = [128, 128], strides = [1, 1]} : vector<200x128xf32> to vector<128x128xf32>
    %dot_general3A_33 = arith.constant dense<0.000000e+00> : vector<200x128xf32>
    %dot_general3A_34 = tpu.matmul %get3A_31, %slice3A_32, %dot_general3A_33 {dimension_numbers = #tpu.dot_dimension_numbers<[1], [0], [0], [1], [0, 0, 1, 1], [], []>, transpose_lhs_hint = false} : vector<200x128xf32>, vector<128x128xf32>, vector<200x128xf32> -> vector<200x128xf32>
    %get3A_35 = arith.constant 1 : index
    %get3A_36 = arith.constant 200 : index
    %get3A_37 = arith.constant 0 : index
    %get3A_38 = vector.load %arg1[%get3A_35, %get3A_36, %get3A_37] : memref<8x400x128xf32, #tpu.memory_space<vmem>>, vector<1x200x128xf32>
    %get3A_39 = vector.shape_cast %get3A_38 : vector<1x200x128xf32> to vector<200x128xf32>
    %dot_general3A_40 = arith.constant dense<0.000000e+00> : vector<200x128xf32>
    %dot_general3A_41 = tpu.matmul %get3A_39, %concatenate3A_26, %dot_general3A_40 {dimension_numbers = #tpu.dot_dimension_numbers<[1], [0], [0], [1], [0, 0, 1, 1], [], []>, transpose_lhs_hint = false} : vector<200x128xf32>, vector<128x128xf32>, vector<200x128xf32> -> vector<200x128xf32>
    %add3A_42 = arith.addf %dot_general3A_34, %dot_general3A_41 : vector<200x128xf32>
    %slice3A_43 = vector.extract_strided_slice %dot_general3A_6 {offsets = [400, 0], sizes = [200, 128], strides = [1, 1]} : vector<1600x128xf32> to vector<200x128xf32>
    %slice3A_44 = vector.extract_strided_slice %slice3A_43 {offsets = [128, 0], sizes = [72, 128], strides = [1, 1]} : vector<200x128xf32> to vector<72x128xf32>
    %concatenate3A_45 = tpu.concatenate %slice3A_44, %broadcast_in_dim3A_7 in 0 : vector<72x128xf32>, vector<56x128xf32> -> vector<128x128xf32>
    %get3A_46 = arith.constant 2 : index
    %get3A_47 = arith.constant 0 : index
    %get3A_48 = arith.constant 0 : index
    %get3A_49 = vector.load %arg1[%get3A_46, %get3A_47, %get3A_48] : memref<8x400x128xf32, #tpu.memory_space<vmem>>, vector<1x200x128xf32>
    %get3A_50 = vector.shape_cast %get3A_49 : vector<1x200x128xf32> to vector<200x128xf32>
    %slice3A_51 = vector.extract_strided_slice %slice3A_43 {offsets = [0, 0], sizes = [128, 128], strides = [1, 1]} : vector<200x128xf32> to vector<128x128xf32>
    %dot_general3A_52 = arith.constant dense<0.000000e+00> : vector<200x128xf32>
    %dot_general3A_53 = tpu.matmul %get3A_50, %slice3A_51, %dot_general3A_52 {dimension_numbers = #tpu.dot_dimension_numbers<[1], [0], [0], [1], [0, 0, 1, 1], [], []>, transpose_lhs_hint = false} : vector<200x128xf32>, vector<128x128xf32>, vector<200x128xf32> -> vector<200x128xf32>
    %get3A_54 = arith.constant 2 : index
    %get3A_55 = arith.constant 200 : index
    %get3A_56 = arith.constant 0 : index
    %get3A_57 = vector.load %arg1[%get3A_54, %get3A_55, %get3A_56] : memref<8x400x128xf32, #tpu.memory_space<vmem>>, vector<1x200x128xf32>
    %get3A_58 = vector.shape_cast %get3A_57 : vector<1x200x128xf32> to vector<200x128xf32>
    %dot_general3A_59 = arith.constant dense<0.000000e+00> : vector<200x128xf32>
    %dot_general3A_60 = tpu.matmul %get3A_58, %concatenate3A_45, %dot_general3A_59 {dimension_numbers = #tpu.dot_dimension_numbers<[1], [0], [0], [1], [0, 0, 1, 1], [], []>, transpose_lhs_hint = false} : vector<200x128xf32>, vector<128x128xf32>, vector<200x128xf32> -> vector<200x128xf32>
    %add3A_61 = arith.addf %dot_general3A_53, %dot_general3A_60 : vector<200x128xf32>
    %slice3A_62 = vector.extract_strided_slice %dot_general3A_6 {offsets = [600, 0], sizes = [200, 128], strides = [1, 1]} : vector<1600x128xf32> to vector<200x128xf32>
    %slice3A_63 = vector.extract_strided_slice %slice3A_62 {offsets = [128, 0], sizes = [72, 128], strides = [1, 1]} : vector<200x128xf32> to vector<72x128xf32>
    %concatenate3A_64 = tpu.concatenate %slice3A_63, %broadcast_in_dim3A_7 in 0 : vector<72x128xf32>, vector<56x128xf32> -> vector<128x128xf32>
    %get3A_65 = arith.constant 3 : index
    %get3A_66 = arith.constant 0 : index
    %get3A_67 = arith.constant 0 : index
    %get3A_68 = vector.load %arg1[%get3A_65, %get3A_66, %get3A_67] : memref<8x400x128xf32, #tpu.memory_space<vmem>>, vector<1x200x128xf32>
    %get3A_69 = vector.shape_cast %get3A_68 : vector<1x200x128xf32> to vector<200x128xf32>
    %slice3A_70 = vector.extract_strided_slice %slice3A_62 {offsets = [0, 0], sizes = [128, 128], strides = [1, 1]} : vector<200x128xf32> to vector<128x128xf32>
    %dot_general3A_71 = arith.constant dense<0.000000e+00> : vector<200x128xf32>
    %dot_general3A_72 = tpu.matmul %get3A_69, %slice3A_70, %dot_general3A_71 {dimension_numbers = #tpu.dot_dimension_numbers<[1], [0], [0], [1], [0, 0, 1, 1], [], []>, transpose_lhs_hint = false} : vector<200x128xf32>, vector<128x128xf32>, vector<200x128xf32> -> vector<200x128xf32>
    %get3A_73 = arith.constant 3 : index
    %get3A_74 = arith.constant 200 : index
    %get3A_75 = arith.constant 0 : index
    %get3A_76 = vector.load %arg1[%get3A_73, %get3A_74, %get3A_75] : memref<8x400x128xf32, #tpu.memory_space<vmem>>, vector<1x200x128xf32>
    %get3A_77 = vector.shape_cast %get3A_76 : vector<1x200x128xf32> to vector<200x128xf32>
    %dot_general3A_78 = arith.constant dense<0.000000e+00> : vector<200x128xf32>
    %dot_general3A_79 = tpu.matmul %get3A_77, %concatenate3A_64, %dot_general3A_78 {dimension_numbers = #tpu.dot_dimension_numbers<[1], [0], [0], [1], [0, 0, 1, 1], [], []>, transpose_lhs_hint = false} : vector<200x128xf32>, vector<128x128xf32>, vector<200x128xf32> -> vector<200x128xf32>
    %add3A_80 = arith.addf %dot_general3A_72, %dot_general3A_79 : vector<200x128xf32>
    %slice3A_81 = vector.extract_strided_slice %dot_general3A_6 {offsets = [800, 0], sizes = [200, 128], strides = [1, 1]} : vector<1600x128xf32> to vector<200x128xf32>
    %slice3A_82 = vector.extract_strided_slice %slice3A_81 {offsets = [128, 0], sizes = [72, 128], strides = [1, 1]} : vector<200x128xf32> to vector<72x128xf32>
    %concatenate3A_83 = tpu.concatenate %slice3A_82, %broadcast_in_dim3A_7 in 0 : vector<72x128xf32>, vector<56x128xf32> -> vector<128x128xf32>
    %get3A_84 = arith.constant 4 : index
    %get3A_85 = arith.constant 0 : index
    %get3A_86 = arith.constant 0 : index
    %get3A_87 = vector.load %arg1[%get3A_84, %get3A_85, %get3A_86] : memref<8x400x128xf32, #tpu.memory_space<vmem>>, vector<1x200x128xf32>
    %get3A_88 = vector.shape_cast %get3A_87 : vector<1x200x128xf32> to vector<200x128xf32>
    %slice3A_89 = vector.extract_strided_slice %slice3A_81 {offsets = [0, 0], sizes = [128, 128], strides = [1, 1]} : vector<200x128xf32> to vector<128x128xf32>
    %dot_general3A_90 = arith.constant dense<0.000000e+00> : vector<200x128xf32>
    %dot_general3A_91 = tpu.matmul %get3A_88, %slice3A_89, %dot_general3A_90 {dimension_numbers = #tpu.dot_dimension_numbers<[1], [0], [0], [1], [0, 0, 1, 1], [], []>, transpose_lhs_hint = false} : vector<200x128xf32>, vector<128x128xf32>, vector<200x128xf32> -> vector<200x128xf32>
    %get3A_92 = arith.constant 4 : index
    %get3A_93 = arith.constant 200 : index
    %get3A_94 = arith.constant 0 : index
    %get3A_95 = vector.load %arg1[%get3A_92, %get3A_93, %get3A_94] : memref<8x400x128xf32, #tpu.memory_space<vmem>>, vector<1x200x128xf32>
    %get3A_96 = vector.shape_cast %get3A_95 : vector<1x200x128xf32> to vector<200x128xf32>
    %dot_general3A_97 = arith.constant dense<0.000000e+00> : vector<200x128xf32>
    %dot_general3A_98 = tpu.matmul %get3A_96, %concatenate3A_83, %dot_general3A_97 {dimension_numbers = #tpu.dot_dimension_numbers<[1], [0], [0], [1], [0, 0, 1, 1], [], []>, transpose_lhs_hint = false} : vector<200x128xf32>, vector<128x128xf32>, vector<200x128xf32> -> vector<200x128xf32>
    %add3A_99 = arith.addf %dot_general3A_91, %dot_general3A_98 : vector<200x128xf32>
    %slice3A_100 = vector.extract_strided_slice %dot_general3A_6 {offsets = [1000, 0], sizes = [200, 128], strides = [1, 1]} : vector<1600x128xf32> to vector<200x128xf32>
    %slice3A_101 = vector.extract_strided_slice %slice3A_100 {offsets = [128, 0], sizes = [72, 128], strides = [1, 1]} : vector<200x128xf32> to vector<72x128xf32>
    %concatenate3A_102 = tpu.concatenate %slice3A_101, %broadcast_in_dim3A_7 in 0 : vector<72x128xf32>, vector<56x128xf32> -> vector<128x128xf32>
    %get3A_103 = arith.constant 5 : index
    %get3A_104 = arith.constant 0 : index
    %get3A_105 = arith.constant 0 : index
    %get3A_106 = vector.load %arg1[%get3A_103, %get3A_104, %get3A_105] : memref<8x400x128xf32, #tpu.memory_space<vmem>>, vector<1x200x128xf32>
    %get3A_107 = vector.shape_cast %get3A_106 : vector<1x200x128xf32> to vector<200x128xf32>
    %slice3A_108 = vector.extract_strided_slice %slice3A_100 {offsets = [0, 0], sizes = [128, 128], strides = [1, 1]} : vector<200x128xf32> to vector<128x128xf32>
    %dot_general3A_109 = arith.constant dense<0.000000e+00> : vector<200x128xf32>
    %dot_general3A_110 = tpu.matmul %get3A_107, %slice3A_108, %dot_general3A_109 {dimension_numbers = #tpu.dot_dimension_numbers<[1], [0], [0], [1], [0, 0, 1, 1], [], []>, transpose_lhs_hint = false} : vector<200x128xf32>, vector<128x128xf32>, vector<200x128xf32> -> vector<200x128xf32>
    %get3A_111 = arith.constant 5 : index
    %get3A_112 = arith.constant 200 : index
    %get3A_113 = arith.constant 0 : index
    %get3A_114 = vector.load %arg1[%get3A_111, %get3A_112, %get3A_113] : memref<8x400x128xf32, #tpu.memory_space<vmem>>, vector<1x200x128xf32>
    %get3A_115 = vector.shape_cast %get3A_114 : vector<1x200x128xf32> to vector<200x128xf32>
    %dot_general3A_116 = arith.constant dense<0.000000e+00> : vector<200x128xf32>
    %dot_general3A_117 = tpu.matmul %get3A_115, %concatenate3A_102, %dot_general3A_116 {dimension_numbers = #tpu.dot_dimension_numbers<[1], [0], [0], [1], [0, 0, 1, 1], [], []>, transpose_lhs_hint = false} : vector<200x128xf32>, vector<128x128xf32>, vector<200x128xf32> -> vector<200x128xf32>
    %add3A_118 = arith.addf %dot_general3A_110, %dot_general3A_117 : vector<200x128xf32>
    %slice3A_119 = vector.extract_strided_slice %dot_general3A_6 {offsets = [1200, 0], sizes = [200, 128], strides = [1, 1]} : vector<1600x128xf32> to vector<200x128xf32>
    %slice3A_120 = vector.extract_strided_slice %slice3A_119 {offsets = [128, 0], sizes = [72, 128], strides = [1, 1]} : vector<200x128xf32> to vector<72x128xf32>
    %concatenate3A_121 = tpu.concatenate %slice3A_120, %broadcast_in_dim3A_7 in 0 : vector<72x128xf32>, vector<56x128xf32> -> vector<128x128xf32>
    %get3A_122 = arith.constant 6 : index
    %get3A_123 = arith.constant 0 : index
    %get3A_124 = arith.constant 0 : index
    %get3A_125 = vector.load %arg1[%get3A_122, %get3A_123, %get3A_124] : memref<8x400x128xf32, #tpu.memory_space<vmem>>, vector<1x200x128xf32>
    %get3A_126 = vector.shape_cast %get3A_125 : vector<1x200x128xf32> to vector<200x128xf32>
    %slice3A_127 = vector.extract_strided_slice %slice3A_119 {offsets = [0, 0], sizes = [128, 128], strides = [1, 1]} : vector<200x128xf32> to vector<128x128xf32>
    %dot_general3A_128 = arith.constant dense<0.000000e+00> : vector<200x128xf32>
    %dot_general3A_129 = tpu.matmul %get3A_126, %slice3A_127, %dot_general3A_128 {dimension_numbers = #tpu.dot_dimension_numbers<[1], [0], [0], [1], [0, 0, 1, 1], [], []>, transpose_lhs_hint = false} : vector<200x128xf32>, vector<128x128xf32>, vector<200x128xf32> -> vector<200x128xf32>
    %get3A_130 = arith.constant 6 : index
    %get3A_131 = arith.constant 200 : index
    %get3A_132 = arith.constant 0 : index
    %get3A_133 = vector.load %arg1[%get3A_130, %get3A_131, %get3A_132] : memref<8x400x128xf32, #tpu.memory_space<vmem>>, vector<1x200x128xf32>
    %get3A_134 = vector.shape_cast %get3A_133 : vector<1x200x128xf32> to vector<200x128xf32>
    %dot_general3A_135 = arith.constant dense<0.000000e+00> : vector<200x128xf32>
    %dot_general3A_136 = tpu.matmul %get3A_134, %concatenate3A_121, %dot_general3A_135 {dimension_numbers = #tpu.dot_dimension_numbers<[1], [0], [0], [1], [0, 0, 1, 1], [], []>, transpose_lhs_hint = false} : vector<200x128xf32>, vector<128x128xf32>, vector<200x128xf32> -> vector<200x128xf32>
    %add3A_137 = arith.addf %dot_general3A_129, %dot_general3A_136 : vector<200x128xf32>
    %slice3A_138 = vector.extract_strided_slice %dot_general3A_6 {offsets = [1400, 0], sizes = [200, 128], strides = [1, 1]} : vector<1600x128xf32> to vector<200x128xf32>
    %slice3A_139 = vector.extract_strided_slice %slice3A_138 {offsets = [128, 0], sizes = [72, 128], strides = [1, 1]} : vector<200x128xf32> to vector<72x128xf32>
    %concatenate3A_140 = tpu.concatenate %slice3A_139, %broadcast_in_dim3A_7 in 0 : vector<72x128xf32>, vector<56x128xf32> -> vector<128x128xf32>
    %get3A_141 = arith.constant 7 : index
    %get3A_142 = arith.constant 0 : index
    %get3A_143 = arith.constant 0 : index
    %get3A_144 = vector.load %arg1[%get3A_141, %get3A_142, %get3A_143] : memref<8x400x128xf32, #tpu.memory_space<vmem>>, vector<1x200x128xf32>
    %get3A_145 = vector.shape_cast %get3A_144 : vector<1x200x128xf32> to vector<200x128xf32>
    %slice3A_146 = vector.extract_strided_slice %slice3A_138 {offsets = [0, 0], sizes = [128, 128], strides = [1, 1]} : vector<200x128xf32> to vector<128x128xf32>
    %dot_general3A_147 = arith.constant dense<0.000000e+00> : vector<200x128xf32>
    %dot_general3A_148 = tpu.matmul %get3A_145, %slice3A_146, %dot_general3A_147 {dimension_numbers = #tpu.dot_dimension_numbers<[1], [0], [0], [1], [0, 0, 1, 1], [], []>, transpose_lhs_hint = false} : vector<200x128xf32>, vector<128x128xf32>, vector<200x128xf32> -> vector<200x128xf32>
    %get3A_149 = arith.constant 7 : index
    %get3A_150 = arith.constant 200 : index
    %get3A_151 = arith.constant 0 : index
    %get3A_152 = vector.load %arg1[%get3A_149, %get3A_150, %get3A_151] : memref<8x400x128xf32, #tpu.memory_space<vmem>>, vector<1x200x128xf32>
    %get3A_153 = vector.shape_cast %get3A_152 : vector<1x200x128xf32> to vector<200x128xf32>
    %dot_general3A_154 = arith.constant dense<0.000000e+00> : vector<200x128xf32>
    %dot_general3A_155 = tpu.matmul %get3A_153, %concatenate3A_140, %dot_general3A_154 {dimension_numbers = #tpu.dot_dimension_numbers<[1], [0], [0], [1], [0, 0, 1, 1], [], []>, transpose_lhs_hint = false} : vector<200x128xf32>, vector<128x128xf32>, vector<200x128xf32> -> vector<200x128xf32>
    %add3A_156 = arith.addf %dot_general3A_148, %dot_general3A_155 : vector<200x128xf32>
    %concatenate3A_157 = tpu.concatenate %add3A, %add3A_42, %add3A_61, %add3A_80, %add3A_99, %add3A_118, %add3A_137, %add3A_156 in 0 : vector<200x128xf32>, vector<200x128xf32>, vector<200x128xf32>, vector<200x128xf32>, vector<200x128xf32>, vector<200x128xf32>, vector<200x128xf32>, vector<200x128xf32> -> vector<1600x128xf32>
    %get3A_158 = arith.constant 0 : index
    %get3A_159 = arith.constant 0 : index
    %get3A_160 = vector.load %arg4[%get3A_158, %get3A_159] : memref<128x128xf32, #tpu.memory_space<vmem>>, vector<128x128xf32>
    %dot_general3A_161 = arith.constant dense<0.000000e+00> : vector<1600x128xf32>
    %dot_general3A_162 = tpu.matmul %concatenate3A_157, %get3A_160, %dot_general3A_161 {dimension_numbers = #tpu.dot_dimension_numbers<[1], [0], [0], [1], [0, 0, 1, 1], [], []>, transpose_lhs_hint = false} : vector<1600x128xf32>, vector<128x128xf32>, vector<1600x128xf32> -> vector<1600x128xf32>
    %max3A = arith.constant 0.000000e+00 : f32
    %max3A_163 = vector.broadcast %max3A : f32 to vector<1600x128xf32>
    %max3A_164 = arith.maximumf %dot_general3A_162, %max3A_163 : vector<1600x128xf32>
    %add3A_165 = arith.addf %reshape3A, %max3A_164 : vector<1600x128xf32>
    %get3A_166 = arith.constant 0 : index
    %get3A_167 = arith.constant 0 : index
    %get3A_168 = vector.load %arg5[%get3A_166, %get3A_167] : memref<1x128xf32, #tpu.memory_space<vmem>>, vector<1x128xf32>
    %get3A_169 = arith.constant 0 : index
    %get3A_170 = arith.constant 0 : index
    %get3A_171 = vector.load %arg6[%get3A_169, %get3A_170] : memref<1x128xf32, #tpu.memory_space<vmem>>, vector<1x128xf32>
    %reduce_sum3A = arith.constant dense<0.000000e+00> : vector<1600xf32>
    %reduce_sum3A_172 = vector.multi_reduction <add>, %add3A_165, %reduce_sum3A [1] : vector<1600x128xf32> to vector<1600xf32>
    %broadcast_in_dim3A_173 = vector.shape_cast %reduce_sum3A_172 : vector<1600xf32> to vector<1600x1xf32>
    %div3A = arith.constant 1.280000e+02 : f32
    %div3A_174 = vector.broadcast %div3A : f32 to vector<1600x1xf32>
    %div3A_175 = arith.divf %broadcast_in_dim3A_173, %div3A_174 : vector<1600x1xf32>
    %sub3A = vector.broadcast %div3A_175 : vector<1600x1xf32> to vector<1600x128xf32>
    %sub3A_176 = arith.subf %add3A_165, %sub3A : vector<1600x128xf32>
    %mul3A = arith.mulf %sub3A_176, %sub3A_176 : vector<1600x128xf32>
    %reduce_sum3A_177 = arith.constant dense<0.000000e+00> : vector<1600xf32>
    %reduce_sum3A_178 = vector.multi_reduction <add>, %mul3A, %reduce_sum3A_177 [1] : vector<1600x128xf32> to vector<1600xf32>
    %broadcast_in_dim3A_179 = vector.shape_cast %reduce_sum3A_178 : vector<1600xf32> to vector<1600x1xf32>
    %div3A_180 = arith.constant 1.280000e+02 : f32
    %div3A_181 = vector.broadcast %div3A_180 : f32 to vector<1600x1xf32>
    %div3A_182 = arith.divf %broadcast_in_dim3A_179, %div3A_181 : vector<1600x1xf32>
    %add3A_183 = arith.constant 9.99999974E-6 : f32
    %add3A_184 = vector.broadcast %add3A_183 : f32 to vector<1600x1xf32>
    %add3A_185 = arith.addf %div3A_182, %add3A_184 : vector<1600x1xf32>
    %rsqrt3A = math.rsqrt %add3A_185 : vector<1600x1xf32>
    %mul3A_186 = vector.broadcast %rsqrt3A : vector<1600x1xf32> to vector<1600x128xf32>
    %mul3A_187 = arith.mulf %sub3A_176, %mul3A_186 : vector<1600x128xf32>
    %mul3A_188 = vector.broadcast %get3A_168 : vector<1x128xf32> to vector<1600x128xf32>
    %mul3A_189 = arith.mulf %mul3A_187, %mul3A_188 : vector<1600x128xf32>
    %add3A_190 = vector.broadcast %get3A_171 : vector<1x128xf32> to vector<1600x128xf32>
    %add3A_191 = arith.addf %mul3A_189, %add3A_190 : vector<1600x128xf32>
    %get3A_192 = arith.constant 0 : index
    %get3A_193 = arith.constant 0 : index
    %get3A_194 = vector.load %arg7[%get3A_192, %get3A_193] : memref<128x192xf32, #tpu.memory_space<vmem>>, vector<128x192xf32>
    %dot_general3A_195 = arith.constant dense<0.000000e+00> : vector<1600x192xf32>
    %dot_general3A_196 = tpu.matmul %add3A_191, %get3A_194, %dot_general3A_195 {dimension_numbers = #tpu.dot_dimension_numbers<[1], [0], [0], [1], [0, 0, 1, 1], [], []>, transpose_lhs_hint = false} : vector<1600x128xf32>, vector<128x192xf32>, vector<1600x192xf32> -> vector<1600x192xf32>
    %get3A_197 = arith.constant 0 : index
    %get3A_198 = arith.constant 0 : index
    %get3A_199 = vector.load %arg8[%get3A_197, %get3A_198] : memref<1x192xf32, #tpu.memory_space<vmem>>, vector<1x192xf32>
    %add3A_200 = vector.broadcast %get3A_199 : vector<1x192xf32> to vector<1600x192xf32>
    %add3A_201 = arith.addf %dot_general3A_196, %add3A_200 : vector<1600x192xf32>
    %max3A_202 = arith.constant 0.000000e+00 : f32
    %max3A_203 = vector.broadcast %max3A_202 : f32 to vector<1600x192xf32>
    %max3A_204 = arith.maximumf %add3A_201, %max3A_203 : vector<1600x192xf32>
    %get3A_205 = arith.constant 0 : index
    %get3A_206 = arith.constant 0 : index
    %get3A_207 = vector.load %arg9[%get3A_205, %get3A_206] : memref<192x128xf32, #tpu.memory_space<vmem>>, vector<192x128xf32>
    %dot_general3A_208 = arith.constant dense<0.000000e+00> : vector<1600x128xf32>
    %dot_general3A_209 = tpu.matmul %max3A_204, %get3A_207, %dot_general3A_208 {dimension_numbers = #tpu.dot_dimension_numbers<[1], [0], [0], [1], [0, 0, 1, 1], [], []>, transpose_lhs_hint = false} : vector<1600x192xf32>, vector<192x128xf32>, vector<1600x128xf32> -> vector<1600x128xf32>
    %get3A_210 = arith.constant 0 : index
    %get3A_211 = arith.constant 0 : index
    %get3A_212 = vector.load %arg10[%get3A_210, %get3A_211] : memref<1x128xf32, #tpu.memory_space<vmem>>, vector<1x128xf32>
    %add3A_213 = vector.broadcast %get3A_212 : vector<1x128xf32> to vector<1600x128xf32>
    %add3A_214 = arith.addf %dot_general3A_209, %add3A_213 : vector<1600x128xf32>
    %add3A_215 = arith.addf %add3A_191, %add3A_214 : vector<1600x128xf32>
    %get3A_216 = arith.constant 0 : index
    %get3A_217 = arith.constant 0 : index
    %get3A_218 = vector.load %arg11[%get3A_216, %get3A_217] : memref<1x128xf32, #tpu.memory_space<vmem>>, vector<1x128xf32>
    %get3A_219 = arith.constant 0 : index
    %get3A_220 = arith.constant 0 : index
    %get3A_221 = vector.load %arg12[%get3A_219, %get3A_220] : memref<1x128xf32, #tpu.memory_space<vmem>>, vector<1x128xf32>
    %reduce_sum3A_222 = arith.constant dense<0.000000e+00> : vector<1600xf32>
    %reduce_sum3A_223 = vector.multi_reduction <add>, %add3A_215, %reduce_sum3A_222 [1] : vector<1600x128xf32> to vector<1600xf32>
    %broadcast_in_dim3A_224 = vector.shape_cast %reduce_sum3A_223 : vector<1600xf32> to vector<1600x1xf32>
    %div3A_225 = arith.constant 1.280000e+02 : f32
    %div3A_226 = vector.broadcast %div3A_225 : f32 to vector<1600x1xf32>
    %div3A_227 = arith.divf %broadcast_in_dim3A_224, %div3A_226 : vector<1600x1xf32>
    %sub3A_228 = vector.broadcast %div3A_227 : vector<1600x1xf32> to vector<1600x128xf32>
    %sub3A_229 = arith.subf %add3A_215, %sub3A_228 : vector<1600x128xf32>
    %mul3A_230 = arith.mulf %sub3A_229, %sub3A_229 : vector<1600x128xf32>
    %reduce_sum3A_231 = arith.constant dense<0.000000e+00> : vector<1600xf32>
    %reduce_sum3A_232 = vector.multi_reduction <add>, %mul3A_230, %reduce_sum3A_231 [1] : vector<1600x128xf32> to vector<1600xf32>
    %broadcast_in_dim3A_233 = vector.shape_cast %reduce_sum3A_232 : vector<1600xf32> to vector<1600x1xf32>
    %div3A_234 = arith.constant 1.280000e+02 : f32
    %div3A_235 = vector.broadcast %div3A_234 : f32 to vector<1600x1xf32>
    %div3A_236 = arith.divf %broadcast_in_dim3A_233, %div3A_235 : vector<1600x1xf32>
    %add3A_237 = arith.constant 9.99999974E-6 : f32
    %add3A_238 = vector.broadcast %add3A_237 : f32 to vector<1600x1xf32>
    %add3A_239 = arith.addf %div3A_236, %add3A_238 : vector<1600x1xf32>
    %rsqrt3A_240 = math.rsqrt %add3A_239 : vector<1600x1xf32>
    %mul3A_241 = vector.broadcast %rsqrt3A_240 : vector<1600x1xf32> to vector<1600x128xf32>
    %mul3A_242 = arith.mulf %sub3A_229, %mul3A_241 : vector<1600x128xf32>
    %mul3A_243 = vector.broadcast %get3A_218 : vector<1x128xf32> to vector<1600x128xf32>
    %mul3A_244 = arith.mulf %mul3A_242, %mul3A_243 : vector<1600x128xf32>
    %add3A_245 = vector.broadcast %get3A_221 : vector<1x128xf32> to vector<1600x128xf32>
    %add3A_246 = arith.addf %mul3A_244, %add3A_245 : vector<1600x128xf32>
    %reshape3A_247 = vector.shape_cast %add3A_246 : vector<1600x128xf32> to vector<8x200x128xf32>
    %swap3A = arith.constant 0 : index
    %swap3A_248 = arith.constant 0 : index
    %swap3A_249 = arith.constant 0 : index
    %swap3A_250 = vector.load %arg13[%swap3A, %swap3A_248, %swap3A_249] : memref<8x200x128xf32, #tpu.memory_space<vmem>>, vector<8x200x128xf32>
    tpu.vector_store %arg13[%swap3A, %swap3A_248, %swap3A_249], %reshape3A_247 {strides = array<i32>} : memref<8x200x128xf32, #tpu.memory_space<vmem>>, vector<8x200x128xf32>,
    return
  }
  func.func @transform_0(%arg0: i32) -> (i32, i32, i32) {
    %c0_i32 = arith.constant 0 : i32
    %c0_i32_0 = arith.constant 0 : i32
    %c0_i32_1 = arith.constant 0 : i32
    return %arg0, %c0_i32, %c0_i32_0 : i32, i32, i32
  }
  func.func @transform_1(%arg0: i32) -> (i32, i32, i32) {
    %add3A = arith.constant 4 : i32
    %add3A_0 = arith.addi %arg0, %add3A : i32
    %c0_i32 = arith.constant 0 : i32
    %c0_i32_1 = arith.constant 0 : i32
    %c0_i32_2 = arith.constant 0 : i32
    return %add3A_0, %c0_i32, %c0_i32_1 : i32, i32, i32
  }
  func.func @transform_2(%arg0: i32) -> (i32, i32) {
    %c0_i32 = arith.constant 0 : i32
    %c0_i32_0 = arith.constant 0 : i32
    %c0_i32_1 = arith.constant 0 : i32
    return %c0_i32, %c0_i32_0 : i32, i32
  }
  func.func @transform_3(%arg0: i32) -> (i32, i32) {
    %c0_i32 = arith.constant 0 : i32
    %c0_i32_0 = arith.constant 0 : i32
    %c0_i32_1 = arith.constant 0 : i32
    return %c0_i32, %c0_i32_0 : i32, i32
  }
  func.func @transform_4(%arg0: i32) -> (i32, i32) {
    %c0_i32 = arith.constant 0 : i32
    %c0_i32_0 = arith.constant 0 : i32
    %c0_i32_1 = arith.constant 0 : i32
    return %c0_i32, %c0_i32_0 : i32, i32
  }
  func.func @transform_5(%arg0: i32) -> (i32, i32) {
    %c0_i32 = arith.constant 0 : i32
    %c0_i32_0 = arith.constant 0 : i32
    %c0_i32_1 = arith.constant 0 : i32
    return %c0_i32, %c0_i32_0 : i32, i32
  }
  func.func @transform_6(%arg0: i32) -> (i32, i32) {
    %c0_i32 = arith.constant 0 : i32
    %c0_i32_0 = arith.constant 0 : i32
    %c0_i32_1 = arith.constant 0 : i32
    return %c0_i32, %c0_i32_0 : i32, i32
  }
  func.func @transform_7(%arg0: i32) -> (i32, i32) {
    %c0_i32 = arith.constant 0 : i32
    %c0_i32_0 = arith.constant 0 : i32
    %c0_i32_1 = arith.constant 0 : i32
    return %c0_i32, %c0_i32_0 : i32, i32
  }
  func.func @transform_8(%arg0: i32) -> (i32, i32) {
    %c0_i32 = arith.constant 0 : i32
    %c0_i32_0 = arith.constant 0 : i32
    %c0_i32_1 = arith.constant 0 : i32
    return %c0_i32, %c0_i32_0 : i32, i32
  }
  func.func @transform_9(%arg0: i32) -> (i32, i32) {
    %c0_i32 = arith.constant 0 : i32
    %c0_i32_0 = arith.constant 0 : i32
    %c0_i32_1 = arith.constant 0 : i32
    return %c0_i32, %c0_i32_0 : i32, i32
  }
  func.func @transform_10(%arg0: i32) -> (i32, i32) {
    %c0_i32 = arith.constant 0 : i32
    %c0_i32_0 = arith.constant 0 : i32
    %c0_i32_1 = arith.constant 0 : i32
    return %c0_i32, %c0_i32_0 : i32, i32
  }
  func.func @transform_11(%arg0: i32) -> (i32, i32) {
    %c0_i32 = arith.constant 0 : i32
    %c0_i32_0 = arith.constant 0 : i32
    %c0_i32_1 = arith.constant 0 : i32
    return %c0_i32, %c0_i32_0 : i32, i32
  }
  func.func @transform_12(%arg0: i32) -> (i32, i32, i32) {
    %c0_i32 = arith.constant 0 : i32
    %c0_i32_0 = arith.constant 0 : i32
    %c0_i32_1 = arith.constant 0 : i32
    return %arg0, %c0_i32, %c0_i32_0 : i32, i32, i32
  }
}

module attributes {stable_mosaic.version = 14 : i64} {
  func.func @_s1_body(%arg0: i32, %arg1: memref<8x200x128xf32, #tpu.memory_space<vmem>>, %arg2: memref<8x16x200xi32, #tpu.memory_space<vmem>>, %arg3: memref<8x16x200xf32, #tpu.memory_space<vmem>>, %arg4: memref<128x256xf32, #tpu.memory_space<vmem>>, %arg5: memref<8x400x128xf32, #tpu.memory_space<vmem>>, %arg6: memref<8x200x128xf32, #tpu.memory_space<vmem>>) attributes {dimension_semantics = [#tpu.dimension_semantics<arbitrary>], iteration_bounds = array<i64: 4>, scalar_prefetch = 0 : i64, scratch_operands = 0 : i64, tpu.core_type = #tpu.core_type<tc>, window_params = [{transform_indices = @transform_0, window_bounds = array<i64: 8, 200, 128>}, {transform_indices = @transform_1, window_bounds = array<i64: 8, 16, 200>}, {transform_indices = @transform_2, window_bounds = array<i64: 8, 16, 200>}, {pipeline_mode = #tpu.pipeline_mode<synchronous>, transform_indices = @transform_3, window_bounds = array<i64: 128, 256>}, {transform_indices = @transform_4, window_bounds = array<i64: 8, 400, 128>}, {transform_indices = @transform_5, window_bounds = array<i64: 8, 200, 128>}]} {
    %get3A = arith.constant 0 : index
    %get3A_0 = arith.constant 0 : index
    %get3A_1 = arith.constant 0 : index
    %get3A_2 = vector.load %arg1[%get3A, %get3A_0, %get3A_1] : memref<8x200x128xf32, #tpu.memory_space<vmem>>, vector<8x200x128xf32>
    %reshape3A = vector.shape_cast %get3A_2 : vector<8x200x128xf32> to vector<1600x128xf32>
    %get3A_3 = arith.constant 0 : index
    %get3A_4 = arith.constant 0 : index
    %get3A_5 = vector.load %arg4[%get3A_3, %get3A_4] : memref<128x256xf32, #tpu.memory_space<vmem>>, vector<128x256xf32>
    %dot_general3A = arith.constant dense<0.000000e+00> : vector<1600x256xf32>
    %dot_general3A_6 = tpu.matmul %reshape3A, %get3A_5, %dot_general3A {dimension_numbers = #tpu.dot_dimension_numbers<[1], [0], [0], [1], [0, 0, 1, 1], [], []>, transpose_lhs_hint = false} : vector<1600x128xf32>, vector<128x256xf32>, vector<1600x256xf32> -> vector<1600x256xf32>
    %broadcast_in_dim3A = arith.constant 0.000000e+00 : f32
    %broadcast_in_dim3A_7 = vector.broadcast %broadcast_in_dim3A : f32 to vector<56x128xf32>
    %slice3A = vector.extract_strided_slice %dot_general3A_6 {offsets = [0, 0], sizes = [200, 128], strides = [1, 1]} : vector<1600x256xf32> to vector<200x128xf32>
    %slice3A_8 = vector.extract_strided_slice %dot_general3A_6 {offsets = [0, 128], sizes = [200, 128], strides = [1, 1]} : vector<1600x256xf32> to vector<200x128xf32>
    %concatenate3A = tpu.concatenate %slice3A_8, %broadcast_in_dim3A_7 in 0 : vector<200x128xf32>, vector<56x128xf32> -> vector<256x128xf32>
    %dot_general3A_9 = arith.constant dense<0.000000e+00> : vector<200x256xf32>
    %dot_general3A_10 = tpu.matmul %slice3A, %concatenate3A, %dot_general3A_9 {dimension_numbers = #tpu.dot_dimension_numbers<[1], [1], [0], [0], [0, 0, 1, 0], [], []>, transpose_lhs_hint = false} : vector<200x128xf32>, vector<256x128xf32>, vector<200x256xf32> -> vector<200x256xf32>
    %slice3A_11 = vector.extract_strided_slice %dot_general3A_10 {offsets = [0, 0], sizes = [200, 128], strides = [1, 1]} : vector<200x256xf32> to vector<200x128xf32>
    %swap3A = arith.constant 0 : index
    %swap3A_12 = arith.constant 0 : index
    %swap3A_13 = arith.constant 0 : index
    %swap3A_14 = vector.load %arg5[%swap3A, %swap3A_12, %swap3A_13] : memref<8x400x128xf32, #tpu.memory_space<vmem>>, vector<1x200x128xf32>
    %swap3A_15 = vector.shape_cast %swap3A_14 : vector<1x200x128xf32> to vector<200x128xf32>
    %swap3A_16 = vector.shape_cast %slice3A_11 : vector<200x128xf32> to vector<1x200x128xf32>
    tpu.vector_store %arg5[%swap3A, %swap3A_12, %swap3A_13], %swap3A_16 {strides = array<i32>} : memref<8x400x128xf32, #tpu.memory_space<vmem>>, vector<1x200x128xf32>,
    %slice3A_17 = vector.extract_strided_slice %dot_general3A_10 {offsets = [0, 128], sizes = [200, 128], strides = [1, 1]} : vector<200x256xf32> to vector<200x128xf32>
    %swap3A_18 = arith.constant 0 : index
    %swap3A_19 = arith.constant 200 : index
    %swap3A_20 = arith.constant 0 : index
    %swap3A_21 = vector.load %arg5[%swap3A_18, %swap3A_19, %swap3A_20] : memref<8x400x128xf32, #tpu.memory_space<vmem>>, vector<1x200x128xf32>
    %swap3A_22 = vector.shape_cast %swap3A_21 : vector<1x200x128xf32> to vector<200x128xf32>
    %swap3A_23 = vector.shape_cast %slice3A_17 : vector<200x128xf32> to vector<1x200x128xf32>
    tpu.vector_store %arg5[%swap3A_18, %swap3A_19, %swap3A_20], %swap3A_23 {strides = array<i32>} : memref<8x400x128xf32, #tpu.memory_space<vmem>>, vector<1x200x128xf32>,
    %slice3A_24 = vector.extract_strided_slice %dot_general3A_6 {offsets = [200, 0], sizes = [200, 128], strides = [1, 1]} : vector<1600x256xf32> to vector<200x128xf32>
    %slice3A_25 = vector.extract_strided_slice %dot_general3A_6 {offsets = [200, 128], sizes = [200, 128], strides = [1, 1]} : vector<1600x256xf32> to vector<200x128xf32>
    %concatenate3A_26 = tpu.concatenate %slice3A_25, %broadcast_in_dim3A_7 in 0 : vector<200x128xf32>, vector<56x128xf32> -> vector<256x128xf32>
    %dot_general3A_27 = arith.constant dense<0.000000e+00> : vector<200x256xf32>
    %dot_general3A_28 = tpu.matmul %slice3A_24, %concatenate3A_26, %dot_general3A_27 {dimension_numbers = #tpu.dot_dimension_numbers<[1], [1], [0], [0], [0, 0, 1, 0], [], []>, transpose_lhs_hint = false} : vector<200x128xf32>, vector<256x128xf32>, vector<200x256xf32> -> vector<200x256xf32>
    %slice3A_29 = vector.extract_strided_slice %dot_general3A_28 {offsets = [0, 0], sizes = [200, 128], strides = [1, 1]} : vector<200x256xf32> to vector<200x128xf32>
    %swap3A_30 = arith.constant 1 : index
    %swap3A_31 = arith.constant 0 : index
    %swap3A_32 = arith.constant 0 : index
    %swap3A_33 = vector.load %arg5[%swap3A_30, %swap3A_31, %swap3A_32] : memref<8x400x128xf32, #tpu.memory_space<vmem>>, vector<1x200x128xf32>
    %swap3A_34 = vector.shape_cast %swap3A_33 : vector<1x200x128xf32> to vector<200x128xf32>
    %swap3A_35 = vector.shape_cast %slice3A_29 : vector<200x128xf32> to vector<1x200x128xf32>
    tpu.vector_store %arg5[%swap3A_30, %swap3A_31, %swap3A_32], %swap3A_35 {strides = array<i32>} : memref<8x400x128xf32, #tpu.memory_space<vmem>>, vector<1x200x128xf32>,
    %slice3A_36 = vector.extract_strided_slice %dot_general3A_28 {offsets = [0, 128], sizes = [200, 128], strides = [1, 1]} : vector<200x256xf32> to vector<200x128xf32>
    %swap3A_37 = arith.constant 1 : index
    %swap3A_38 = arith.constant 200 : index
    %swap3A_39 = arith.constant 0 : index
    %swap3A_40 = vector.load %arg5[%swap3A_37, %swap3A_38, %swap3A_39] : memref<8x400x128xf32, #tpu.memory_space<vmem>>, vector<1x200x128xf32>
    %swap3A_41 = vector.shape_cast %swap3A_40 : vector<1x200x128xf32> to vector<200x128xf32>
    %swap3A_42 = vector.shape_cast %slice3A_36 : vector<200x128xf32> to vector<1x200x128xf32>
    tpu.vector_store %arg5[%swap3A_37, %swap3A_38, %swap3A_39], %swap3A_42 {strides = array<i32>} : memref<8x400x128xf32, #tpu.memory_space<vmem>>, vector<1x200x128xf32>,
    %slice3A_43 = vector.extract_strided_slice %dot_general3A_6 {offsets = [400, 0], sizes = [200, 128], strides = [1, 1]} : vector<1600x256xf32> to vector<200x128xf32>
    %slice3A_44 = vector.extract_strided_slice %dot_general3A_6 {offsets = [400, 128], sizes = [200, 128], strides = [1, 1]} : vector<1600x256xf32> to vector<200x128xf32>
    %concatenate3A_45 = tpu.concatenate %slice3A_44, %broadcast_in_dim3A_7 in 0 : vector<200x128xf32>, vector<56x128xf32> -> vector<256x128xf32>
    %dot_general3A_46 = arith.constant dense<0.000000e+00> : vector<200x256xf32>
    %dot_general3A_47 = tpu.matmul %slice3A_43, %concatenate3A_45, %dot_general3A_46 {dimension_numbers = #tpu.dot_dimension_numbers<[1], [1], [0], [0], [0, 0, 1, 0], [], []>, transpose_lhs_hint = false} : vector<200x128xf32>, vector<256x128xf32>, vector<200x256xf32> -> vector<200x256xf32>
    %slice3A_48 = vector.extract_strided_slice %dot_general3A_47 {offsets = [0, 0], sizes = [200, 128], strides = [1, 1]} : vector<200x256xf32> to vector<200x128xf32>
    %swap3A_49 = arith.constant 2 : index
    %swap3A_50 = arith.constant 0 : index
    %swap3A_51 = arith.constant 0 : index
    %swap3A_52 = vector.load %arg5[%swap3A_49, %swap3A_50, %swap3A_51] : memref<8x400x128xf32, #tpu.memory_space<vmem>>, vector<1x200x128xf32>
    %swap3A_53 = vector.shape_cast %swap3A_52 : vector<1x200x128xf32> to vector<200x128xf32>
    %swap3A_54 = vector.shape_cast %slice3A_48 : vector<200x128xf32> to vector<1x200x128xf32>
    tpu.vector_store %arg5[%swap3A_49, %swap3A_50, %swap3A_51], %swap3A_54 {strides = array<i32>} : memref<8x400x128xf32, #tpu.memory_space<vmem>>, vector<1x200x128xf32>,
    %slice3A_55 = vector.extract_strided_slice %dot_general3A_47 {offsets = [0, 128], sizes = [200, 128], strides = [1, 1]} : vector<200x256xf32> to vector<200x128xf32>
    %swap3A_56 = arith.constant 2 : index
    %swap3A_57 = arith.constant 200 : index
    %swap3A_58 = arith.constant 0 : index
    %swap3A_59 = vector.load %arg5[%swap3A_56, %swap3A_57, %swap3A_58] : memref<8x400x128xf32, #tpu.memory_space<vmem>>, vector<1x200x128xf32>
    %swap3A_60 = vector.shape_cast %swap3A_59 : vector<1x200x128xf32> to vector<200x128xf32>
    %swap3A_61 = vector.shape_cast %slice3A_55 : vector<200x128xf32> to vector<1x200x128xf32>
    tpu.vector_store %arg5[%swap3A_56, %swap3A_57, %swap3A_58], %swap3A_61 {strides = array<i32>} : memref<8x400x128xf32, #tpu.memory_space<vmem>>, vector<1x200x128xf32>,
    %slice3A_62 = vector.extract_strided_slice %dot_general3A_6 {offsets = [600, 0], sizes = [200, 128], strides = [1, 1]} : vector<1600x256xf32> to vector<200x128xf32>
    %slice3A_63 = vector.extract_strided_slice %dot_general3A_6 {offsets = [600, 128], sizes = [200, 128], strides = [1, 1]} : vector<1600x256xf32> to vector<200x128xf32>
    %concatenate3A_64 = tpu.concatenate %slice3A_63, %broadcast_in_dim3A_7 in 0 : vector<200x128xf32>, vector<56x128xf32> -> vector<256x128xf32>
    %dot_general3A_65 = arith.constant dense<0.000000e+00> : vector<200x256xf32>
    %dot_general3A_66 = tpu.matmul %slice3A_62, %concatenate3A_64, %dot_general3A_65 {dimension_numbers = #tpu.dot_dimension_numbers<[1], [1], [0], [0], [0, 0, 1, 0], [], []>, transpose_lhs_hint = false} : vector<200x128xf32>, vector<256x128xf32>, vector<200x256xf32> -> vector<200x256xf32>
    %slice3A_67 = vector.extract_strided_slice %dot_general3A_66 {offsets = [0, 0], sizes = [200, 128], strides = [1, 1]} : vector<200x256xf32> to vector<200x128xf32>
    %swap3A_68 = arith.constant 3 : index
    %swap3A_69 = arith.constant 0 : index
    %swap3A_70 = arith.constant 0 : index
    %swap3A_71 = vector.load %arg5[%swap3A_68, %swap3A_69, %swap3A_70] : memref<8x400x128xf32, #tpu.memory_space<vmem>>, vector<1x200x128xf32>
    %swap3A_72 = vector.shape_cast %swap3A_71 : vector<1x200x128xf32> to vector<200x128xf32>
    %swap3A_73 = vector.shape_cast %slice3A_67 : vector<200x128xf32> to vector<1x200x128xf32>
    tpu.vector_store %arg5[%swap3A_68, %swap3A_69, %swap3A_70], %swap3A_73 {strides = array<i32>} : memref<8x400x128xf32, #tpu.memory_space<vmem>>, vector<1x200x128xf32>,
    %slice3A_74 = vector.extract_strided_slice %dot_general3A_66 {offsets = [0, 128], sizes = [200, 128], strides = [1, 1]} : vector<200x256xf32> to vector<200x128xf32>
    %swap3A_75 = arith.constant 3 : index
    %swap3A_76 = arith.constant 200 : index
    %swap3A_77 = arith.constant 0 : index
    %swap3A_78 = vector.load %arg5[%swap3A_75, %swap3A_76, %swap3A_77] : memref<8x400x128xf32, #tpu.memory_space<vmem>>, vector<1x200x128xf32>
    %swap3A_79 = vector.shape_cast %swap3A_78 : vector<1x200x128xf32> to vector<200x128xf32>
    %swap3A_80 = vector.shape_cast %slice3A_74 : vector<200x128xf32> to vector<1x200x128xf32>
    tpu.vector_store %arg5[%swap3A_75, %swap3A_76, %swap3A_77], %swap3A_80 {strides = array<i32>} : memref<8x400x128xf32, #tpu.memory_space<vmem>>, vector<1x200x128xf32>,
    %slice3A_81 = vector.extract_strided_slice %dot_general3A_6 {offsets = [800, 0], sizes = [200, 128], strides = [1, 1]} : vector<1600x256xf32> to vector<200x128xf32>
    %slice3A_82 = vector.extract_strided_slice %dot_general3A_6 {offsets = [800, 128], sizes = [200, 128], strides = [1, 1]} : vector<1600x256xf32> to vector<200x128xf32>
    %concatenate3A_83 = tpu.concatenate %slice3A_82, %broadcast_in_dim3A_7 in 0 : vector<200x128xf32>, vector<56x128xf32> -> vector<256x128xf32>
    %dot_general3A_84 = arith.constant dense<0.000000e+00> : vector<200x256xf32>
    %dot_general3A_85 = tpu.matmul %slice3A_81, %concatenate3A_83, %dot_general3A_84 {dimension_numbers = #tpu.dot_dimension_numbers<[1], [1], [0], [0], [0, 0, 1, 0], [], []>, transpose_lhs_hint = false} : vector<200x128xf32>, vector<256x128xf32>, vector<200x256xf32> -> vector<200x256xf32>
    %slice3A_86 = vector.extract_strided_slice %dot_general3A_85 {offsets = [0, 0], sizes = [200, 128], strides = [1, 1]} : vector<200x256xf32> to vector<200x128xf32>
    %swap3A_87 = arith.constant 4 : index
    %swap3A_88 = arith.constant 0 : index
    %swap3A_89 = arith.constant 0 : index
    %swap3A_90 = vector.load %arg5[%swap3A_87, %swap3A_88, %swap3A_89] : memref<8x400x128xf32, #tpu.memory_space<vmem>>, vector<1x200x128xf32>
    %swap3A_91 = vector.shape_cast %swap3A_90 : vector<1x200x128xf32> to vector<200x128xf32>
    %swap3A_92 = vector.shape_cast %slice3A_86 : vector<200x128xf32> to vector<1x200x128xf32>
    tpu.vector_store %arg5[%swap3A_87, %swap3A_88, %swap3A_89], %swap3A_92 {strides = array<i32>} : memref<8x400x128xf32, #tpu.memory_space<vmem>>, vector<1x200x128xf32>,
    %slice3A_93 = vector.extract_strided_slice %dot_general3A_85 {offsets = [0, 128], sizes = [200, 128], strides = [1, 1]} : vector<200x256xf32> to vector<200x128xf32>
    %swap3A_94 = arith.constant 4 : index
    %swap3A_95 = arith.constant 200 : index
    %swap3A_96 = arith.constant 0 : index
    %swap3A_97 = vector.load %arg5[%swap3A_94, %swap3A_95, %swap3A_96] : memref<8x400x128xf32, #tpu.memory_space<vmem>>, vector<1x200x128xf32>
    %swap3A_98 = vector.shape_cast %swap3A_97 : vector<1x200x128xf32> to vector<200x128xf32>
    %swap3A_99 = vector.shape_cast %slice3A_93 : vector<200x128xf32> to vector<1x200x128xf32>
    tpu.vector_store %arg5[%swap3A_94, %swap3A_95, %swap3A_96], %swap3A_99 {strides = array<i32>} : memref<8x400x128xf32, #tpu.memory_space<vmem>>, vector<1x200x128xf32>,
    %slice3A_100 = vector.extract_strided_slice %dot_general3A_6 {offsets = [1000, 0], sizes = [200, 128], strides = [1, 1]} : vector<1600x256xf32> to vector<200x128xf32>
    %slice3A_101 = vector.extract_strided_slice %dot_general3A_6 {offsets = [1000, 128], sizes = [200, 128], strides = [1, 1]} : vector<1600x256xf32> to vector<200x128xf32>
    %concatenate3A_102 = tpu.concatenate %slice3A_101, %broadcast_in_dim3A_7 in 0 : vector<200x128xf32>, vector<56x128xf32> -> vector<256x128xf32>
    %dot_general3A_103 = arith.constant dense<0.000000e+00> : vector<200x256xf32>
    %dot_general3A_104 = tpu.matmul %slice3A_100, %concatenate3A_102, %dot_general3A_103 {dimension_numbers = #tpu.dot_dimension_numbers<[1], [1], [0], [0], [0, 0, 1, 0], [], []>, transpose_lhs_hint = false} : vector<200x128xf32>, vector<256x128xf32>, vector<200x256xf32> -> vector<200x256xf32>
    %slice3A_105 = vector.extract_strided_slice %dot_general3A_104 {offsets = [0, 0], sizes = [200, 128], strides = [1, 1]} : vector<200x256xf32> to vector<200x128xf32>
    %swap3A_106 = arith.constant 5 : index
    %swap3A_107 = arith.constant 0 : index
    %swap3A_108 = arith.constant 0 : index
    %swap3A_109 = vector.load %arg5[%swap3A_106, %swap3A_107, %swap3A_108] : memref<8x400x128xf32, #tpu.memory_space<vmem>>, vector<1x200x128xf32>
    %swap3A_110 = vector.shape_cast %swap3A_109 : vector<1x200x128xf32> to vector<200x128xf32>
    %swap3A_111 = vector.shape_cast %slice3A_105 : vector<200x128xf32> to vector<1x200x128xf32>
    tpu.vector_store %arg5[%swap3A_106, %swap3A_107, %swap3A_108], %swap3A_111 {strides = array<i32>} : memref<8x400x128xf32, #tpu.memory_space<vmem>>, vector<1x200x128xf32>,
    %slice3A_112 = vector.extract_strided_slice %dot_general3A_104 {offsets = [0, 128], sizes = [200, 128], strides = [1, 1]} : vector<200x256xf32> to vector<200x128xf32>
    %swap3A_113 = arith.constant 5 : index
    %swap3A_114 = arith.constant 200 : index
    %swap3A_115 = arith.constant 0 : index
    %swap3A_116 = vector.load %arg5[%swap3A_113, %swap3A_114, %swap3A_115] : memref<8x400x128xf32, #tpu.memory_space<vmem>>, vector<1x200x128xf32>
    %swap3A_117 = vector.shape_cast %swap3A_116 : vector<1x200x128xf32> to vector<200x128xf32>
    %swap3A_118 = vector.shape_cast %slice3A_112 : vector<200x128xf32> to vector<1x200x128xf32>
    tpu.vector_store %arg5[%swap3A_113, %swap3A_114, %swap3A_115], %swap3A_118 {strides = array<i32>} : memref<8x400x128xf32, #tpu.memory_space<vmem>>, vector<1x200x128xf32>,
    %slice3A_119 = vector.extract_strided_slice %dot_general3A_6 {offsets = [1200, 0], sizes = [200, 128], strides = [1, 1]} : vector<1600x256xf32> to vector<200x128xf32>
    %slice3A_120 = vector.extract_strided_slice %dot_general3A_6 {offsets = [1200, 128], sizes = [200, 128], strides = [1, 1]} : vector<1600x256xf32> to vector<200x128xf32>
    %concatenate3A_121 = tpu.concatenate %slice3A_120, %broadcast_in_dim3A_7 in 0 : vector<200x128xf32>, vector<56x128xf32> -> vector<256x128xf32>
    %dot_general3A_122 = arith.constant dense<0.000000e+00> : vector<200x256xf32>
    %dot_general3A_123 = tpu.matmul %slice3A_119, %concatenate3A_121, %dot_general3A_122 {dimension_numbers = #tpu.dot_dimension_numbers<[1], [1], [0], [0], [0, 0, 1, 0], [], []>, transpose_lhs_hint = false} : vector<200x128xf32>, vector<256x128xf32>, vector<200x256xf32> -> vector<200x256xf32>
    %slice3A_124 = vector.extract_strided_slice %dot_general3A_123 {offsets = [0, 0], sizes = [200, 128], strides = [1, 1]} : vector<200x256xf32> to vector<200x128xf32>
    %swap3A_125 = arith.constant 6 : index
    %swap3A_126 = arith.constant 0 : index
    %swap3A_127 = arith.constant 0 : index
    %swap3A_128 = vector.load %arg5[%swap3A_125, %swap3A_126, %swap3A_127] : memref<8x400x128xf32, #tpu.memory_space<vmem>>, vector<1x200x128xf32>
    %swap3A_129 = vector.shape_cast %swap3A_128 : vector<1x200x128xf32> to vector<200x128xf32>
    %swap3A_130 = vector.shape_cast %slice3A_124 : vector<200x128xf32> to vector<1x200x128xf32>
    tpu.vector_store %arg5[%swap3A_125, %swap3A_126, %swap3A_127], %swap3A_130 {strides = array<i32>} : memref<8x400x128xf32, #tpu.memory_space<vmem>>, vector<1x200x128xf32>,
    %slice3A_131 = vector.extract_strided_slice %dot_general3A_123 {offsets = [0, 128], sizes = [200, 128], strides = [1, 1]} : vector<200x256xf32> to vector<200x128xf32>
    %swap3A_132 = arith.constant 6 : index
    %swap3A_133 = arith.constant 200 : index
    %swap3A_134 = arith.constant 0 : index
    %swap3A_135 = vector.load %arg5[%swap3A_132, %swap3A_133, %swap3A_134] : memref<8x400x128xf32, #tpu.memory_space<vmem>>, vector<1x200x128xf32>
    %swap3A_136 = vector.shape_cast %swap3A_135 : vector<1x200x128xf32> to vector<200x128xf32>
    %swap3A_137 = vector.shape_cast %slice3A_131 : vector<200x128xf32> to vector<1x200x128xf32>
    tpu.vector_store %arg5[%swap3A_132, %swap3A_133, %swap3A_134], %swap3A_137 {strides = array<i32>} : memref<8x400x128xf32, #tpu.memory_space<vmem>>, vector<1x200x128xf32>,
    %slice3A_138 = vector.extract_strided_slice %dot_general3A_6 {offsets = [1400, 0], sizes = [200, 128], strides = [1, 1]} : vector<1600x256xf32> to vector<200x128xf32>
    %slice3A_139 = vector.extract_strided_slice %dot_general3A_6 {offsets = [1400, 128], sizes = [200, 128], strides = [1, 1]} : vector<1600x256xf32> to vector<200x128xf32>
    %concatenate3A_140 = tpu.concatenate %slice3A_139, %broadcast_in_dim3A_7 in 0 : vector<200x128xf32>, vector<56x128xf32> -> vector<256x128xf32>
    %dot_general3A_141 = arith.constant dense<0.000000e+00> : vector<200x256xf32>
    %dot_general3A_142 = tpu.matmul %slice3A_138, %concatenate3A_140, %dot_general3A_141 {dimension_numbers = #tpu.dot_dimension_numbers<[1], [1], [0], [0], [0, 0, 1, 0], [], []>, transpose_lhs_hint = false} : vector<200x128xf32>, vector<256x128xf32>, vector<200x256xf32> -> vector<200x256xf32>
    %slice3A_143 = vector.extract_strided_slice %dot_general3A_142 {offsets = [0, 0], sizes = [200, 128], strides = [1, 1]} : vector<200x256xf32> to vector<200x128xf32>
    %swap3A_144 = arith.constant 7 : index
    %swap3A_145 = arith.constant 0 : index
    %swap3A_146 = arith.constant 0 : index
    %swap3A_147 = vector.load %arg5[%swap3A_144, %swap3A_145, %swap3A_146] : memref<8x400x128xf32, #tpu.memory_space<vmem>>, vector<1x200x128xf32>
    %swap3A_148 = vector.shape_cast %swap3A_147 : vector<1x200x128xf32> to vector<200x128xf32>
    %swap3A_149 = vector.shape_cast %slice3A_143 : vector<200x128xf32> to vector<1x200x128xf32>
    tpu.vector_store %arg5[%swap3A_144, %swap3A_145, %swap3A_146], %swap3A_149 {strides = array<i32>} : memref<8x400x128xf32, #tpu.memory_space<vmem>>, vector<1x200x128xf32>,
    %slice3A_150 = vector.extract_strided_slice %dot_general3A_142 {offsets = [0, 128], sizes = [200, 128], strides = [1, 1]} : vector<200x256xf32> to vector<200x128xf32>
    %swap3A_151 = arith.constant 7 : index
    %swap3A_152 = arith.constant 200 : index
    %swap3A_153 = arith.constant 0 : index
    %swap3A_154 = vector.load %arg5[%swap3A_151, %swap3A_152, %swap3A_153] : memref<8x400x128xf32, #tpu.memory_space<vmem>>, vector<1x200x128xf32>
    %swap3A_155 = vector.shape_cast %swap3A_154 : vector<1x200x128xf32> to vector<200x128xf32>
    %swap3A_156 = vector.shape_cast %slice3A_150 : vector<200x128xf32> to vector<1x200x128xf32>
    tpu.vector_store %arg5[%swap3A_151, %swap3A_152, %swap3A_153], %swap3A_156 {strides = array<i32>} : memref<8x400x128xf32, #tpu.memory_space<vmem>>, vector<1x200x128xf32>,
    %broadcast_in_dim3A_157 = arith.constant 0.000000e+00 : f32
    %broadcast_in_dim3A_158 = vector.broadcast %broadcast_in_dim3A_157 : f32 to vector<200x96xf32>
    %get3A_159 = arith.constant 0 : index
    %get3A_160 = arith.constant 0 : index
    %get3A_161 = arith.constant 0 : index
    %get3A_162 = vector.load %arg2[%get3A_159, %get3A_160, %get3A_161] : memref<8x16x200xi32, #tpu.memory_space<vmem>>, vector<1x16x200xi32>
    %get3A_163 = vector.shape_cast %get3A_162 : vector<1x16x200xi32> to vector<16x200xi32>
    %transpose3A = tpu.transpose %get3A_163, [1, 0] : vector<16x200xi32> -> vector<200x16xi32>
    %bitcast_convert_type3A = tpu.bitcast %transpose3A : vector<200x16xi32> -> vector<200x16xf32>
    %get3A_164 = arith.constant 0 : index
    %get3A_165 = arith.constant 0 : index
    %get3A_166 = arith.constant 0 : index
    %get3A_167 = vector.load %arg3[%get3A_164, %get3A_165, %get3A_166] : memref<8x16x200xf32, #tpu.memory_space<vmem>>, vector<1x16x200xf32>
    %get3A_168 = vector.shape_cast %get3A_167 : vector<1x16x200xf32> to vector<16x200xf32>
    %transpose3A_169 = tpu.transpose %get3A_168, [1, 0] : vector<16x200xf32> -> vector<200x16xf32>
    %concatenate3A_170 = tpu.concatenate %transpose3A_169, %bitcast_convert_type3A, %broadcast_in_dim3A_158 in 1 : vector<200x16xf32>, vector<200x16xf32>, vector<200x96xf32> -> vector<200x128xf32>
    %swap3A_171 = arith.constant 0 : index
    %swap3A_172 = arith.constant 0 : index
    %swap3A_173 = arith.constant 0 : index
    %swap3A_174 = vector.load %arg6[%swap3A_171, %swap3A_172, %swap3A_173] : memref<8x200x128xf32, #tpu.memory_space<vmem>>, vector<1x200x128xf32>
    %swap3A_175 = vector.shape_cast %swap3A_174 : vector<1x200x128xf32> to vector<200x128xf32>
    %swap3A_176 = vector.shape_cast %concatenate3A_170 : vector<200x128xf32> to vector<1x200x128xf32>
    tpu.vector_store %arg6[%swap3A_171, %swap3A_172, %swap3A_173], %swap3A_176 {strides = array<i32>} : memref<8x200x128xf32, #tpu.memory_space<vmem>>, vector<1x200x128xf32>,
    %get3A_177 = arith.constant 1 : index
    %get3A_178 = arith.constant 0 : index
    %get3A_179 = arith.constant 0 : index
    %get3A_180 = vector.load %arg2[%get3A_177, %get3A_178, %get3A_179] : memref<8x16x200xi32, #tpu.memory_space<vmem>>, vector<1x16x200xi32>
    %get3A_181 = vector.shape_cast %get3A_180 : vector<1x16x200xi32> to vector<16x200xi32>
    %transpose3A_182 = tpu.transpose %get3A_181, [1, 0] : vector<16x200xi32> -> vector<200x16xi32>
    %bitcast_convert_type3A_183 = tpu.bitcast %transpose3A_182 : vector<200x16xi32> -> vector<200x16xf32>
    %get3A_184 = arith.constant 1 : index
    %get3A_185 = arith.constant 0 : index
    %get3A_186 = arith.constant 0 : index
    %get3A_187 = vector.load %arg3[%get3A_184, %get3A_185, %get3A_186] : memref<8x16x200xf32, #tpu.memory_space<vmem>>, vector<1x16x200xf32>
    %get3A_188 = vector.shape_cast %get3A_187 : vector<1x16x200xf32> to vector<16x200xf32>
    %transpose3A_189 = tpu.transpose %get3A_188, [1, 0] : vector<16x200xf32> -> vector<200x16xf32>
    %concatenate3A_190 = tpu.concatenate %transpose3A_189, %bitcast_convert_type3A_183, %broadcast_in_dim3A_158 in 1 : vector<200x16xf32>, vector<200x16xf32>, vector<200x96xf32> -> vector<200x128xf32>
    %swap3A_191 = arith.constant 1 : index
    %swap3A_192 = arith.constant 0 : index
    %swap3A_193 = arith.constant 0 : index
    %swap3A_194 = vector.load %arg6[%swap3A_191, %swap3A_192, %swap3A_193] : memref<8x200x128xf32, #tpu.memory_space<vmem>>, vector<1x200x128xf32>
    %swap3A_195 = vector.shape_cast %swap3A_194 : vector<1x200x128xf32> to vector<200x128xf32>
    %swap3A_196 = vector.shape_cast %concatenate3A_190 : vector<200x128xf32> to vector<1x200x128xf32>
    tpu.vector_store %arg6[%swap3A_191, %swap3A_192, %swap3A_193], %swap3A_196 {strides = array<i32>} : memref<8x200x128xf32, #tpu.memory_space<vmem>>, vector<1x200x128xf32>,
    %get3A_197 = arith.constant 2 : index
    %get3A_198 = arith.constant 0 : index
    %get3A_199 = arith.constant 0 : index
    %get3A_200 = vector.load %arg2[%get3A_197, %get3A_198, %get3A_199] : memref<8x16x200xi32, #tpu.memory_space<vmem>>, vector<1x16x200xi32>
    %get3A_201 = vector.shape_cast %get3A_200 : vector<1x16x200xi32> to vector<16x200xi32>
    %transpose3A_202 = tpu.transpose %get3A_201, [1, 0] : vector<16x200xi32> -> vector<200x16xi32>
    %bitcast_convert_type3A_203 = tpu.bitcast %transpose3A_202 : vector<200x16xi32> -> vector<200x16xf32>
    %get3A_204 = arith.constant 2 : index
    %get3A_205 = arith.constant 0 : index
    %get3A_206 = arith.constant 0 : index
    %get3A_207 = vector.load %arg3[%get3A_204, %get3A_205, %get3A_206] : memref<8x16x200xf32, #tpu.memory_space<vmem>>, vector<1x16x200xf32>
    %get3A_208 = vector.shape_cast %get3A_207 : vector<1x16x200xf32> to vector<16x200xf32>
    %transpose3A_209 = tpu.transpose %get3A_208, [1, 0] : vector<16x200xf32> -> vector<200x16xf32>
    %concatenate3A_210 = tpu.concatenate %transpose3A_209, %bitcast_convert_type3A_203, %broadcast_in_dim3A_158 in 1 : vector<200x16xf32>, vector<200x16xf32>, vector<200x96xf32> -> vector<200x128xf32>
    %swap3A_211 = arith.constant 2 : index
    %swap3A_212 = arith.constant 0 : index
    %swap3A_213 = arith.constant 0 : index
    %swap3A_214 = vector.load %arg6[%swap3A_211, %swap3A_212, %swap3A_213] : memref<8x200x128xf32, #tpu.memory_space<vmem>>, vector<1x200x128xf32>
    %swap3A_215 = vector.shape_cast %swap3A_214 : vector<1x200x128xf32> to vector<200x128xf32>
    %swap3A_216 = vector.shape_cast %concatenate3A_210 : vector<200x128xf32> to vector<1x200x128xf32>
    tpu.vector_store %arg6[%swap3A_211, %swap3A_212, %swap3A_213], %swap3A_216 {strides = array<i32>} : memref<8x200x128xf32, #tpu.memory_space<vmem>>, vector<1x200x128xf32>,
    %get3A_217 = arith.constant 3 : index
    %get3A_218 = arith.constant 0 : index
    %get3A_219 = arith.constant 0 : index
    %get3A_220 = vector.load %arg2[%get3A_217, %get3A_218, %get3A_219] : memref<8x16x200xi32, #tpu.memory_space<vmem>>, vector<1x16x200xi32>
    %get3A_221 = vector.shape_cast %get3A_220 : vector<1x16x200xi32> to vector<16x200xi32>
    %transpose3A_222 = tpu.transpose %get3A_221, [1, 0] : vector<16x200xi32> -> vector<200x16xi32>
    %bitcast_convert_type3A_223 = tpu.bitcast %transpose3A_222 : vector<200x16xi32> -> vector<200x16xf32>
    %get3A_224 = arith.constant 3 : index
    %get3A_225 = arith.constant 0 : index
    %get3A_226 = arith.constant 0 : index
    %get3A_227 = vector.load %arg3[%get3A_224, %get3A_225, %get3A_226] : memref<8x16x200xf32, #tpu.memory_space<vmem>>, vector<1x16x200xf32>
    %get3A_228 = vector.shape_cast %get3A_227 : vector<1x16x200xf32> to vector<16x200xf32>
    %transpose3A_229 = tpu.transpose %get3A_228, [1, 0] : vector<16x200xf32> -> vector<200x16xf32>
    %concatenate3A_230 = tpu.concatenate %transpose3A_229, %bitcast_convert_type3A_223, %broadcast_in_dim3A_158 in 1 : vector<200x16xf32>, vector<200x16xf32>, vector<200x96xf32> -> vector<200x128xf32>
    %swap3A_231 = arith.constant 3 : index
    %swap3A_232 = arith.constant 0 : index
    %swap3A_233 = arith.constant 0 : index
    %swap3A_234 = vector.load %arg6[%swap3A_231, %swap3A_232, %swap3A_233] : memref<8x200x128xf32, #tpu.memory_space<vmem>>, vector<1x200x128xf32>
    %swap3A_235 = vector.shape_cast %swap3A_234 : vector<1x200x128xf32> to vector<200x128xf32>
    %swap3A_236 = vector.shape_cast %concatenate3A_230 : vector<200x128xf32> to vector<1x200x128xf32>
    tpu.vector_store %arg6[%swap3A_231, %swap3A_232, %swap3A_233], %swap3A_236 {strides = array<i32>} : memref<8x200x128xf32, #tpu.memory_space<vmem>>, vector<1x200x128xf32>,
    %get3A_237 = arith.constant 4 : index
    %get3A_238 = arith.constant 0 : index
    %get3A_239 = arith.constant 0 : index
    %get3A_240 = vector.load %arg2[%get3A_237, %get3A_238, %get3A_239] : memref<8x16x200xi32, #tpu.memory_space<vmem>>, vector<1x16x200xi32>
    %get3A_241 = vector.shape_cast %get3A_240 : vector<1x16x200xi32> to vector<16x200xi32>
    %transpose3A_242 = tpu.transpose %get3A_241, [1, 0] : vector<16x200xi32> -> vector<200x16xi32>
    %bitcast_convert_type3A_243 = tpu.bitcast %transpose3A_242 : vector<200x16xi32> -> vector<200x16xf32>
    %get3A_244 = arith.constant 4 : index
    %get3A_245 = arith.constant 0 : index
    %get3A_246 = arith.constant 0 : index
    %get3A_247 = vector.load %arg3[%get3A_244, %get3A_245, %get3A_246] : memref<8x16x200xf32, #tpu.memory_space<vmem>>, vector<1x16x200xf32>
    %get3A_248 = vector.shape_cast %get3A_247 : vector<1x16x200xf32> to vector<16x200xf32>
    %transpose3A_249 = tpu.transpose %get3A_248, [1, 0] : vector<16x200xf32> -> vector<200x16xf32>
    %concatenate3A_250 = tpu.concatenate %transpose3A_249, %bitcast_convert_type3A_243, %broadcast_in_dim3A_158 in 1 : vector<200x16xf32>, vector<200x16xf32>, vector<200x96xf32> -> vector<200x128xf32>
    %swap3A_251 = arith.constant 4 : index
    %swap3A_252 = arith.constant 0 : index
    %swap3A_253 = arith.constant 0 : index
    %swap3A_254 = vector.load %arg6[%swap3A_251, %swap3A_252, %swap3A_253] : memref<8x200x128xf32, #tpu.memory_space<vmem>>, vector<1x200x128xf32>
    %swap3A_255 = vector.shape_cast %swap3A_254 : vector<1x200x128xf32> to vector<200x128xf32>
    %swap3A_256 = vector.shape_cast %concatenate3A_250 : vector<200x128xf32> to vector<1x200x128xf32>
    tpu.vector_store %arg6[%swap3A_251, %swap3A_252, %swap3A_253], %swap3A_256 {strides = array<i32>} : memref<8x200x128xf32, #tpu.memory_space<vmem>>, vector<1x200x128xf32>,
    %get3A_257 = arith.constant 5 : index
    %get3A_258 = arith.constant 0 : index
    %get3A_259 = arith.constant 0 : index
    %get3A_260 = vector.load %arg2[%get3A_257, %get3A_258, %get3A_259] : memref<8x16x200xi32, #tpu.memory_space<vmem>>, vector<1x16x200xi32>
    %get3A_261 = vector.shape_cast %get3A_260 : vector<1x16x200xi32> to vector<16x200xi32>
    %transpose3A_262 = tpu.transpose %get3A_261, [1, 0] : vector<16x200xi32> -> vector<200x16xi32>
    %bitcast_convert_type3A_263 = tpu.bitcast %transpose3A_262 : vector<200x16xi32> -> vector<200x16xf32>
    %get3A_264 = arith.constant 5 : index
    %get3A_265 = arith.constant 0 : index
    %get3A_266 = arith.constant 0 : index
    %get3A_267 = vector.load %arg3[%get3A_264, %get3A_265, %get3A_266] : memref<8x16x200xf32, #tpu.memory_space<vmem>>, vector<1x16x200xf32>
    %get3A_268 = vector.shape_cast %get3A_267 : vector<1x16x200xf32> to vector<16x200xf32>
    %transpose3A_269 = tpu.transpose %get3A_268, [1, 0] : vector<16x200xf32> -> vector<200x16xf32>
    %concatenate3A_270 = tpu.concatenate %transpose3A_269, %bitcast_convert_type3A_263, %broadcast_in_dim3A_158 in 1 : vector<200x16xf32>, vector<200x16xf32>, vector<200x96xf32> -> vector<200x128xf32>
    %swap3A_271 = arith.constant 5 : index
    %swap3A_272 = arith.constant 0 : index
    %swap3A_273 = arith.constant 0 : index
    %swap3A_274 = vector.load %arg6[%swap3A_271, %swap3A_272, %swap3A_273] : memref<8x200x128xf32, #tpu.memory_space<vmem>>, vector<1x200x128xf32>
    %swap3A_275 = vector.shape_cast %swap3A_274 : vector<1x200x128xf32> to vector<200x128xf32>
    %swap3A_276 = vector.shape_cast %concatenate3A_270 : vector<200x128xf32> to vector<1x200x128xf32>
    tpu.vector_store %arg6[%swap3A_271, %swap3A_272, %swap3A_273], %swap3A_276 {strides = array<i32>} : memref<8x200x128xf32, #tpu.memory_space<vmem>>, vector<1x200x128xf32>,
    %get3A_277 = arith.constant 6 : index
    %get3A_278 = arith.constant 0 : index
    %get3A_279 = arith.constant 0 : index
    %get3A_280 = vector.load %arg2[%get3A_277, %get3A_278, %get3A_279] : memref<8x16x200xi32, #tpu.memory_space<vmem>>, vector<1x16x200xi32>
    %get3A_281 = vector.shape_cast %get3A_280 : vector<1x16x200xi32> to vector<16x200xi32>
    %transpose3A_282 = tpu.transpose %get3A_281, [1, 0] : vector<16x200xi32> -> vector<200x16xi32>
    %bitcast_convert_type3A_283 = tpu.bitcast %transpose3A_282 : vector<200x16xi32> -> vector<200x16xf32>
    %get3A_284 = arith.constant 6 : index
    %get3A_285 = arith.constant 0 : index
    %get3A_286 = arith.constant 0 : index
    %get3A_287 = vector.load %arg3[%get3A_284, %get3A_285, %get3A_286] : memref<8x16x200xf32, #tpu.memory_space<vmem>>, vector<1x16x200xf32>
    %get3A_288 = vector.shape_cast %get3A_287 : vector<1x16x200xf32> to vector<16x200xf32>
    %transpose3A_289 = tpu.transpose %get3A_288, [1, 0] : vector<16x200xf32> -> vector<200x16xf32>
    %concatenate3A_290 = tpu.concatenate %transpose3A_289, %bitcast_convert_type3A_283, %broadcast_in_dim3A_158 in 1 : vector<200x16xf32>, vector<200x16xf32>, vector<200x96xf32> -> vector<200x128xf32>
    %swap3A_291 = arith.constant 6 : index
    %swap3A_292 = arith.constant 0 : index
    %swap3A_293 = arith.constant 0 : index
    %swap3A_294 = vector.load %arg6[%swap3A_291, %swap3A_292, %swap3A_293] : memref<8x200x128xf32, #tpu.memory_space<vmem>>, vector<1x200x128xf32>
    %swap3A_295 = vector.shape_cast %swap3A_294 : vector<1x200x128xf32> to vector<200x128xf32>
    %swap3A_296 = vector.shape_cast %concatenate3A_290 : vector<200x128xf32> to vector<1x200x128xf32>
    tpu.vector_store %arg6[%swap3A_291, %swap3A_292, %swap3A_293], %swap3A_296 {strides = array<i32>} : memref<8x200x128xf32, #tpu.memory_space<vmem>>, vector<1x200x128xf32>,
    %get3A_297 = arith.constant 7 : index
    %get3A_298 = arith.constant 0 : index
    %get3A_299 = arith.constant 0 : index
    %get3A_300 = vector.load %arg2[%get3A_297, %get3A_298, %get3A_299] : memref<8x16x200xi32, #tpu.memory_space<vmem>>, vector<1x16x200xi32>
    %get3A_301 = vector.shape_cast %get3A_300 : vector<1x16x200xi32> to vector<16x200xi32>
    %transpose3A_302 = tpu.transpose %get3A_301, [1, 0] : vector<16x200xi32> -> vector<200x16xi32>
    %bitcast_convert_type3A_303 = tpu.bitcast %transpose3A_302 : vector<200x16xi32> -> vector<200x16xf32>
    %get3A_304 = arith.constant 7 : index
    %get3A_305 = arith.constant 0 : index
    %get3A_306 = arith.constant 0 : index
    %get3A_307 = vector.load %arg3[%get3A_304, %get3A_305, %get3A_306] : memref<8x16x200xf32, #tpu.memory_space<vmem>>, vector<1x16x200xf32>
    %get3A_308 = vector.shape_cast %get3A_307 : vector<1x16x200xf32> to vector<16x200xf32>
    %transpose3A_309 = tpu.transpose %get3A_308, [1, 0] : vector<16x200xf32> -> vector<200x16xf32>
    %concatenate3A_310 = tpu.concatenate %transpose3A_309, %bitcast_convert_type3A_303, %broadcast_in_dim3A_158 in 1 : vector<200x16xf32>, vector<200x16xf32>, vector<200x96xf32> -> vector<200x128xf32>
    %swap3A_311 = arith.constant 7 : index
    %swap3A_312 = arith.constant 0 : index
    %swap3A_313 = arith.constant 0 : index
    %swap3A_314 = vector.load %arg6[%swap3A_311, %swap3A_312, %swap3A_313] : memref<8x200x128xf32, #tpu.memory_space<vmem>>, vector<1x200x128xf32>
    %swap3A_315 = vector.shape_cast %swap3A_314 : vector<1x200x128xf32> to vector<200x128xf32>
    %swap3A_316 = vector.shape_cast %concatenate3A_310 : vector<200x128xf32> to vector<1x200x128xf32>
    tpu.vector_store %arg6[%swap3A_311, %swap3A_312, %swap3A_313], %swap3A_316 {strides = array<i32>} : memref<8x200x128xf32, #tpu.memory_space<vmem>>, vector<1x200x128xf32>,
    return
  }
  func.func @transform_0(%arg0: i32) -> (i32, i32, i32) {
    %add3A = arith.constant 4 : i32
    %add3A_0 = arith.addi %arg0, %add3A : i32
    %c0_i32 = arith.constant 0 : i32
    %c0_i32_1 = arith.constant 0 : i32
    %c0_i32_2 = arith.constant 0 : i32
    return %add3A_0, %c0_i32, %c0_i32_1 : i32, i32, i32
  }
  func.func @transform_1(%arg0: i32) -> (i32, i32, i32) {
    %add3A = arith.constant 4 : i32
    %add3A_0 = arith.addi %arg0, %add3A : i32
    %c0_i32 = arith.constant 0 : i32
    %c0_i32_1 = arith.constant 0 : i32
    %c0_i32_2 = arith.constant 0 : i32
    return %add3A_0, %c0_i32, %c0_i32_1 : i32, i32, i32
  }
  func.func @transform_2(%arg0: i32) -> (i32, i32, i32) {
    %add3A = arith.constant 4 : i32
    %add3A_0 = arith.addi %arg0, %add3A : i32
    %c0_i32 = arith.constant 0 : i32
    %c0_i32_1 = arith.constant 0 : i32
    %c0_i32_2 = arith.constant 0 : i32
    return %add3A_0, %c0_i32, %c0_i32_1 : i32, i32, i32
  }
  func.func @transform_3(%arg0: i32) -> (i32, i32) {
    %c0_i32 = arith.constant 0 : i32
    %c0_i32_0 = arith.constant 0 : i32
    %c0_i32_1 = arith.constant 0 : i32
    return %c0_i32, %c0_i32_0 : i32, i32
  }
  func.func @transform_4(%arg0: i32) -> (i32, i32, i32) {
    %c0_i32 = arith.constant 0 : i32
    %c0_i32_0 = arith.constant 0 : i32
    %c0_i32_1 = arith.constant 0 : i32
    return %arg0, %c0_i32, %c0_i32_0 : i32, i32, i32
  }
  func.func @transform_5(%arg0: i32) -> (i32, i32, i32) {
    %c0_i32 = arith.constant 0 : i32
    %c0_i32_0 = arith.constant 0 : i32
    %c0_i32_1 = arith.constant 0 : i32
    return %arg0, %c0_i32, %c0_i32_0 : i32, i32, i32
  }
}

</mosaic_0001>

<sc_bundles>
// kernel: kernel.11.cloned.1.call-start
scs
__scs_entry_jumppad:
0x0: {  	(pc) =	sbr.rel $0x88, $3  }
0x1: {  	(tag) =	ssettag $0x0;
	lr =	simm.s32 $0x1  }
0x2: {  	[smem:$0x3F92] =	sst lr;
	_ =	strace $0xD0000000  }
0x3: {  	_ = 	snop  }
0x4: {  	_ = 	snop  }
0x5: {  	_ = 	snop  }
0x6: {  	_ = 	snop  }
0x7: {  	_ = 	snop  }
__scs_overlays_trampoline_lowered:
0x8: {  	[smem:$0x3FA1] =	sst s0  }
0x9: {  	[smem:$0x3FA2] =	sst s1  }
0xa: {  	[smem:$0x3FA3] =	sst s2  }
0xb: {  	[smem:$0x3FA4] =	sst s3  }
0xc: {  	[smem:$0x3FA5] =	sst s4  }
0xd: {  	[smem:$0x3FA6] =	sst s5  }
0xe: {  	[smem:$0x3FA7] =	sst s6  }
0xf: {  	[smem:$0x3FA8] =	sst s7  }
0x10: {  	[smem:$0x3FA9] =	sst s8  }
0x11: {  	[smem:$0x3FAA] =	sst s9;
	s0 =	simm.s32 @!p0 $0x0  }
0x12: {  	s1 =	sld [smem:$0x3F90];
	s0 =	simm.s32 @p0 $0x1  }
0x13: {  	[smem:$0x3FAB] =	sst s0;
	s0 =	simm.s32 @!p1 $0x0  }
0x14: {  	s2 =	sld [smem:$0x3F8F];
	s0 =	simm.s32 @p1 $0x1  }
0x15: {  	[smem:$0x3FAC] =	sst s0;
	s0 =	simm.s32 @!p2 $0x0  }
0x16: {  	s3 =	sld [smem:$0x3FDB];
	s0 =	simm.s32 @p2 $0x1  }
0x17: {  	s4 =	simm.s32 $0x1BF5;
	[smem:$0x3FAE] =	sst s0  }
0x18: {  	s0 =	sld [smem:$0x3F91];
	_ =	swait.ge [sflag:s4], $0x0  }
0x19: {  	s7 =	sld [smem:$0x3F92]  }
0x1a: {  	s8 =	sadd.s32 $0xFFFFE003, lr  }
0x1b: {  	s9 =	sadd.s32 $0xFFFFFEF7, lr;
	s5 =	simm.s32 $0xFFFFFFFF;
	p2 =	slt.u32 s8, $0xFFFFF086  }
0x1c: {  	p1 =	slt.u32 s9, $0xF7A;
	s5 =	simm.s32 @!p2 $0x0  }
0x1d: {  	s5 =	simm.s32 @p1 $0x1;
	p0 =	seq.s32 s7, s2  }
0x1e: {  	s7 =	smul.u32 @!p0 $0xF7A, s2;
	p2 =	seq.s32 @!p0 s5, $0x0  }
0x1f: {  	s9 =	smul.u32 $0xF7A, s1;
	s8 =	simm.s32 @!p0 $0x1BF5;
	p2 =	por !p2, p0  }
0x20: {  	[sflag:s8] =	ssyncset.s32 @!p0 $0xFFFFF086;
	s6 =	sadd.s32 @!p0 s3, s7;
	s7 =	simm.s32 @!p0 $0x108  }
0x21: {  	s3 =	sadd.s32 s3, s9;
	s6 =	sadd.s32 @!p0 $0x88, s6;
	s7 =	simm.s32 @p2 $0x1082  }
0x22: {  	[simem:s7], [sflag:s8] =	dma.local @!p0 [hbm:s6], $0xF7A  }
0x23: {  	s9 =	sor.u32 $0xD0000000, s2;
	s6 =	simm.s32 $0x108;
	_ =	swait.ge @!p0 [sflag:s8], $0x0  }
0x24: {  	s3 =	sadd.s32 $0x88, s3;
	s6 =	simm.s32 @!p1 $0x1082;
	[sflag:s4] =	ssyncset.s32 $0xFFFFF086  }
0x25: {  	[simem:s6], [sflag:s4] =	dma.local [hbm:s3], $0xF7A  }
0x26: {  	[smem:$0x3F92] =	sst s1;
	(tag) =	ssettag s2;
	_ =	strace s9  }
0x27: {  	s1 =	sld [smem:$0x3FA2]  }
0x28: {  	s2 =	sld [smem:$0x3FA3]  }
0x29: {  	s4 =	sld [smem:$0x3FA5]  }
0x2a: {  	p0 =	seq.s32 s5, $0x0;
	s5 =	sld [smem:$0x3FA6]  }
0x2b: {  	s6 =	sld [smem:$0x3FA7]  }
0x2c: {  	s7 =	sld [smem:$0x3FA8]  }
0x2d: {  	s3 =	simm.s32 $0x108;
	s8 =	sld [smem:$0x3FA9]  }
0x2e: {  	s3 =	simm.s32 @!p0 $0x1082;
	s9 =	sld [smem:$0x3FAA]  }
0x2f: {  	lr =	sadd.s32 s0, s3;
	s0 =	sld [smem:$0x3FA1]  }
0x30: {  	s3 =	sld [smem:$0x3FA4]  }
0x31: {  	[smem:$0x3FAD] =	sst s10  }
0x32: {  	s10 =	sld [smem:$0x3FAB];
	_ =	sdelay $0x3  }
0x33: {  	p0 =	seq.s32 s10, $0x1;
	s10 =	sld [smem:$0x3FAD];
	_ =	sdelay $0x3  }
0x34: {  	[smem:$0x3FAD] =	sst s10  }
0x35: {  	s10 =	sld [smem:$0x3FAC];
	_ =	sdelay $0x3  }
0x36: {  	p1 =	seq.s32 s10, $0x1;
	s10 =	sld [smem:$0x3FAD];
	_ =	sdelay $0x3  }
0x37: {  	[smem:$0x3FAD] =	sst s10  }
0x38: {  	s10 =	sld [smem:$0x3FAE]  }
0x39: {  	_ = 	snop;
	(pc) =	sbr.ind lr, $3  }
0x3a: {  	_ = 	snop  }
0x3b: {  	_ = 	snop  }
0x3c: {  	p2 =	seq.s32 s10, $0x1;
	s10 =	sld [smem:$0x3FAD]  }
0x3d: {  	_ =	shalt  }
0x3e: {  	_ =	shalt  }
0x3f: {  	_ =	shalt  }
0x40: {  	_ =	shalt  }
0x41: {  	_ =	shalt  }
0x42: {  	_ =	shalt  }
0x43: {  	_ =	shalt  }
0x44: {  	_ =	shalt  }
0x45: {  	_ =	shalt  }
0x46: {  	_ =	shalt  }
0x47: {  	_ =	shalt  }
0x48: {  	_ =	shalt  }
0x49: {  	_ =	shalt  }
0x4a: {  	_ =	shalt  }
0x4b: {  	_ =	shalt  }
0x4c: {  	_ =	shalt  }
0x4d: {  	_ =	shalt  }
0x4e: {  	_ =	shalt  }
0x4f: {  	_ =	shalt  }
0x50: {  	_ =	shalt  }
0x51: {  	_ =	shalt  }
0x52: {  	_ =	shalt  }
0x53: {  	_ =	shalt  }
0x54: {  	_ =	shalt  }
0x55: {  	_ =	shalt  }
0x56: {  	_ =	shalt  }
0x57: {  	_ =	shalt  }
0x58: {  	_ =	shalt  }
0x59: {  	_ =	shalt  }
0x5a: {  	_ =	shalt  }
0x5b: {  	_ =	shalt  }
0x5c: {  	_ =	shalt  }
0x5d: {  	_ =	shalt  }
0x5e: {  	_ =	shalt  }
0x5f: {  	_ =	shalt  }
0x60: {  	_ =	shalt  }
0x61: {  	_ =	shalt  }
0x62: {  	_ =	shalt  }
0x63: {  	_ =	shalt  }
0x64: {  	_ =	shalt  }
0x65: {  	_ =	shalt  }
0x66: {  	_ =	shalt  }
0x67: {  	_ =	shalt  }
0x68: {  	_ =	shalt  }
0x69: {  	_ =	shalt  }
0x6a: {  	_ =	shalt  }
0x6b: {  	_ =	shalt  }
0x6c: {  	_ =	shalt  }
0x6d: {  	_ =	shalt  }
0x6e: {  	_ =	shalt  }
0x6f: {  	_ =	shalt  }
0x70: {  	_ =	shalt  }
0x71: {  	_ =	shalt  }
0x72: {  	_ =	shalt  }
0x73: {  	_ =	shalt  }
0x74: {  	_ =	shalt  }
0x75: {  	_ =	shalt  }
0x76: {  	_ =	shalt  }
0x77: {  	_ =	shalt  }
0x78: {  	_ =	shalt  }
0x79: {  	_ =	shalt  }
0x7a: {  	_ =	shalt  }
0x7b: {  	_ =	shalt  }
0x7c: {  	_ =	shalt  }
0x7d: {  	_ =	shalt  }
0x7e: {  	_ =	shalt  }
0x7f: {  	_ =	shalt  }
0x80: {  	_ =	shalt  }
0x81: {  	_ =	shalt  }
0x82: {  	_ =	shalt  }
0x83: {  	_ =	shalt  }
0x84: {  	_ =	shalt  }
0x85: {  	_ =	shalt  }
0x86: {  	_ =	shalt  }
0x87: {  	_ =	shalt  }
.Lfunc_end0:
.L_simem_size_0:
called_computation.1_lowered:
.L_overlay_start_0:
0x88: {  	s2 =	sld [smem:$0x3FD9]  }
0x89: {  	s3 =	sld [smem:$0x3FFE];
	_ =	sdelay $0x1  }
0x8a: {  	s1 =	srdreg.scid  }
0x8b: {  	s0 =	sand.u32 $0x1, s1  }
0x8c: {  	s17 =	sshll.u32 s0, $0xA;
	s2 =	sadd.s32 s3, s2  }
0x8d: {  	s2 =	sadd.s32 s2, s17  }
0x8e: {  	[smem:$0x3FB9] =	sst s2  }
0x8f: {  	_ = 	snop  }
0x90: {  	s2 =	sld [smem:$0x3FD0];
	(tm) =	ssettm $0x1  }
0x91: {  	s18 =	sld [smem:$0x3FFB];
	_ =	sdelay $0x3  }
0x92: {  	_ =	strace s18  }
0x93: {  	s3 =	sld [smem:$0x3FFC];
	_ =	sdelay $0x3  }
0x94: {  	_ =	strace s3  }
0x95: {  	s3 =	sld [smem:$0x3FFD];
	_ =	sdelay $0x3  }
0x96: {  	_ =	strace s3  }
0x97: {  	_ =	strace $0x8FFFFFFF  }
0x98: {  	s19 =	sld [smem:$0x3FDB];
	_ =	sdelay $0x1  }
0x99: {  	s4 =	simm.s32 $_scs_section_size  }
0x9a: {  	s5 =	simm.s32 $_size__tile_overlayer_lowered;
	s6 =	simm.s32 $_tile_overlayer_lowered  }
0x9b: {  	s22 =	simm.s32 $0x1BFF;
	s21 =	sshll.u32 s6, $0x1;
	s3 =	sadd.s32 s4, s19  }
0x9c: {  	s7 =	simm.s32 $0x0;
	s20 =	sshll.u32 s5, $0x1;
	s5 =	sadd.s32 s21, s3  }
0x9d: {  	[timem:s7], [sflag:s22] =	dma.local [hbm:s5], s20  }
0x9e: {  	_ =	swait.ge [sflag:s22], s20  }
0x9f: {  	s4 =	ssub.s32 $0x0, s20;
	[sflag:s22] =	ssyncset.done $0x0  }
0xa0: {  	[sflag:s22] =	ssyncadd.s32 s4;
	_ =	sdelay $0x1  }
0xa1: {  	s23 =	simm.s32 $0x1B8B  }
0xa2: {  	_ =	swait.ge [sflag:s23], $0x1  }
0xa3: {  	[sflag:s23] =	ssyncset.done $0x0  }
0xa4: {  	s25 =	simm.s32 $0x1B8E;
	s24 =	sld [smem:$0x3FFE];
	[sflag:s23] =	ssyncadd.s32 $0xFFFFFFFF  }
0xa5: {  	s26 =	simm.s32 $execute0_lowered;
	[smem:$0x3FD2] =	sst s25  }
0xa6: {  	s5 =	sshll.u32 s26, $0x1;
	_ =	strace $0x80000049;
	[dreg:$0x1] =	wrdreg $0xFFFFFFFF  }
0xa7: {  	s28 =	simm.s32 $_size_execute0_lowered;
	s3 =	sadd.s32 s3, s5;
	[dreg:$0x0] =	wrdreg $0x0  }
0xa8: {  	s5 =	sshll.u32 s28, $0x1;
	[dreg:$0x2] =	wrdreg s3  }
0xa9: {  	[dreg:$0x3] =	wrdreg s5  }
0xaa: {  	[dreg:$0x4] =	wrdreg $0xC0  }
0xab: {  	_ =	task [dreg:s7], $0x5FFFF  }
0xac: {  	[dreg:$0x1] =	wrdreg $0xFFFFFFFF  }
0xad: {  	[dreg:$0x0] =	wrdreg $0x60  }
0xae: {  	[dreg:$0x2] =	wrdreg s2  }
0xaf: {  	[dreg:$0x3] =	wrdreg s24  }
0xb0: {  	[dreg:$0x4] =	wrdreg $0x9  }
0xb1: {  	_ =	task.clear_ibuf [dreg:s7], $0x5FFFF;
	_ =	strace $0x90000049  }
0xb2: {  	s29 =	simm.s32 $0x9;
	_ =	strace $0x8000004B  }
0xb3: {  	_ =	swait.ge [sflag:s29], $0x1  }
0xb4: {  	[sflag:s29] =	ssyncadd.s32 $0xFFFFFFFF  }
0xb5: {  	_ =	strace $0x9000004B  }
0xb6: {  	_ =	sfence  }
0xb7: {  	s30 =	sld [smem:$0x0];
	_ =	sdelay $0x2  }
0xb8: {  	s31 =	sshll.u32 s1, $0xD;
	s1 =	sshrl.u32 s1, $0x2  }
0xb9: {  	s3 =	sand.u32 $0x4000, s31;
	s1 =	sadd.s32 s1, s30  }
0xba: {  	s0 =	sor.u32 s3, s0;
	s1 =	sshll.u32 s1, $0x11  }
0xbb: {  	s0 =	sor.u32 s1, s0  }
0xbc: {  	s0 =	sadd.s32 $0x8F2B, s0  }
0xbd: {  	[sflag:s0] =	ssyncadd.remote.s32 $0x1  }
0xbe: {  	_ =	sfence.sel $0xFFFF  }
0xbf: {  	[dreg:$0x0] =	wrdreg $0xFFFFFFFF;
	(pc) =	sbr.abs _section_cstart, $3  }
0xc0: {  	[dreg:$0x1] =	wrdreg $0xFFFFFFFF  }
0xc1: {  	_ =	task.clear_ibuf [dreg:s7], $0x2FFFF;
	_ =	strace $0x9FFFFFFF  }
0xc2: {  	(tm) =	ssettm $0x7FFFFFFF  }
0xc3: {  	_ =	shalt  }
tec
execute0_lowered:
.L_overlay_start_1:
0x0: {  	(tag) =	ssettag $0x1  }
0x1: {  	s1 =	srdreg.scid;
	s3 =	rddreg [dreg:$0x0]  }
0x2: {  	s0 =	stileid.u32;
	s5 =	rddreg [dreg:$0x1]  }
0x3: {  	s2 =	simm.s32 $0x0;
	s4 =	sand.u32 $0x1, s1;
	s31 =	sshll.u32 s0, $0x1  }
0x4: {  	s9 =	simm.s32 $0x1;
	s10 =	simm.s32 $0xC800;
	s6 =	sor.u32 s4, s31  }
0x5: {  	s11 =	simm.s32 $0x3;
	s12 =	simm.s32 $0x0;
	s7 =	smul.u32 $0xC80, s6  }
0x6: {  	[smem:$0x7FF] =	sst s2;
	s4 =	ssub.s32 $0x2, s4;
	s6 =	smul.u32 $0x1900, s6  }
0x7: {  	s1 =	rddreg [dreg:$0x2];
	_ =	strace $0x8000004A;
	s8 =	sshrl.u32 s4, $0x1  }
0x8: {  	s8 =	ssub.s32 s4, s8;
	s7 =	sadd.s32 s7, s5;
	s5 =	sadd.s32 s6, s5  }
0x9: {  	s3 =	sadd.s32 s3, s6;
	s6 =	smax.u32 s8, $0x1;
	s8 =	simm.s32 $0x2  }
0xa: {  	v0 =	vimm.f32 $0.0e+00;
	v1 =	vlaneseq.u32;
	s4 =	sadd.s32 $0x80A00, s7;
	s5 =	sadd.s32 $0x3A00, s5;
	s7 =	simm.s32 $0x19000  }
.LBB2_1:
0xb: {  	[tilespmem:s2], [sflag:$0x1] =	stream.linear.gather [hbm4b:s3+s2], $0xC800, $0x38;
	[tilespmem:$0x1F400] =	vst v63  }
0xc: {  	s13 =	simm.s32 $0x0;
	s14 =	simm.s32 $0x200  }
0xd: {  	[tilespmem:s7], [sflag:$0x2] =	stream.linear.gather [hbm4b:s4+s2], $0x6400, $0x38;
	[tilespmem:$0x1F400] =	vst v63  }
.LBB2_2:
0xe: {  	p0 =	sne.s32 s14, $0x31E00;
	[tilespmem:s13+$0xC870] =	vst v0  }
0xf: {  	[tilespmem:s13+$0xC800] =	vst v0  }
0x10: {  	[tilespmem:s13+$0xC810] =	vst v0  }
.Ltmp0:
0x11: {  	[tilespmem:s13+$0xC820] =	vst v0;
	(pc) =	sbr.rel @p0 .LBB2_2-.Ltmp0, $4  }
0x12: {  	[tilespmem:s13+$0xC830] =	vst v0  }
0x13: {  	[tilespmem:s13+$0xC840] =	vst v0  }
0x14: {  	[tilespmem:s13+$0xC850] =	vst v0  }
0x15: {  	[tilespmem:s13+$0xC860] =	vst v0;
	s13 =	sshra.s32 s14, $0x2;
	s14 =	sadd.s32 $0x200, s14  }
0x16: {  	[tilespmem:s13+$0xC870] =	vst v0  }
0x17: {  	[tilespmem:s13+$0xC800] =	vst v0  }
0x18: {  	[tilespmem:s13+$0xC810] =	vst v0  }
0x19: {  	[tilespmem:s13+$0xC820] =	vst v0  }
0x1a: {  	[tilespmem:s13+$0xC830] =	vst v0;
	s14 =	simm.s32 $0x0  }
0x1b: {  	[tilespmem:s13+$0xC840] =	vst v0;
	v15 =	vor.u32 s14, v1  }
0x1c: {  	[tilespmem:s13+$0xC850] =	vst v0;
	vm0 =	vlt.s32 v15, $0xC7  }
0x1d: {  	[tilespmem:s13+$0xC860] =	vst v0;
	v16 =	vnsel vm0, $0xC7, v15  }
0x1e: {  	_ =	swait.ge [sflag:s8], $0x6400;
	v2 =	vshll.u32 v16, $0x7  }
0x1f: {  	[sflag:s8] =	ssyncset.done $0x0;
	v3 =	vor.u32 $0x12, v2  }
0x20: {  	[sflag:s8] =	ssyncadd.s32 $0xFFFF9C00;
	v4 =	vor.u32 $0x10, v2  }
0x21: {  	_ =	swait.ge [sflag:s9], $0xC800;
	v5 =	vor.u32 $0x11, v2  }
0x22: {  	[sflag:s9] =	ssyncset.done $0x0;
	v6 =	vor.u32 $0x13, v2  }
0x23: {  	v9 =	vor.u32 $0x1C, v2;
	[sflag:s9] =	ssyncadd.s32 $0xFFFF3800  }
0x24: {  	v8 =	vor.u32 $0x15, v2;
	v3 =	vld.idx.msk [tilespmem:v3+s7+$0x0], $0xffff  }
0x25: {  	v11 =	vor.u32 $0x17, v2;
	v4 =	vld.idx.msk [tilespmem:v4+s7+$0x0], $0xffff  }
0x26: {  	v7 =	vor.u32 $0x14, v2;
	v10 =	vor.u32 $0x16, v2;
	v22 =	vor.u32 $0x1A, v2;
	v5 =	vld.idx.msk [tilespmem:v5+s7+$0x0], $0xffff  }
0x27: {  	v12 =	vor.u32 $0x18, v2;
	v13 =	vor.u32 $0x1, v2;
	v14 =	vor.u32 $0x19, v2;
	v6 =	vld.idx.msk [tilespmem:v6+s7+$0x0], $0xffff  }
0x28: {  	v23 =	vor.u32 $0x2, v2;
	v24 =	vor.u32 $0x4, v2;
	v37 =	vor.u32 $0x1F, v2;
	v30 =	vld.idx.msk [tilespmem:v9+s7+$0x0], $0xffff  }
0x29: {  	v19 =	vor.u32 $0xC, v2;
	v25 =	vor.u32 $0x1B, v2;
	v28 =	vor.u32 $0x1D, v2;
	v8 =	vld.idx.msk [tilespmem:v8+s7+$0x0], $0xffff  }
0x2a: {  	v26 =	vor.u32 $0x5, v2;
	v27 =	vor.u32 $0x6, v2;
	v29 =	vor.u32 $0x1E, v2;
	v11 =	vld.idx.msk [tilespmem:v11+s7+$0x0], $0xffff  }
0x2b: {  	v20 =	vor.u32 $0xE, v2;
	v18 =	vor.u32 $0xF, v2;
	v31 =	vor.u32 $0xA, v2;
	v22 =	vld.idx.msk [tilespmem:v22+s7+$0x0], $0xffff  }
0x2c: {  	v17 =	vor.u32 $0xB, v2;
	v21 =	vor.u32 $0xD, v2;
	v32 =	vor.u32 $0x7, v2;
	v14 =	vld.idx.msk [tilespmem:v14+s7+$0x0], $0xffff  }
0x2d: {  	v33 =	vor.u32 $0x8, v2;
	v34 =	vor.u32 $0x9, v2;
	v35 =	vor.u32 $0x3, v2;
	v37 =	vld.idx.msk [tilespmem:v37+s7+$0x0], $0xffff  }
0x2e: {  	v28 =	vld.idx.msk [tilespmem:v28+s7+$0x0], $0xffff;
	v9 =	vshrl.u32 v3, $0x7;
	v3 =	vand.u32 $0x7F, v3;
	v36 =	vshrl.u32 v4, $0x7  }
0x2f: {  	v29 =	vld.idx.msk [tilespmem:v29+s7+$0x0], $0xffff;
	v38 =	vshrl.u32 v5, $0x7;
	v39 =	vand.u32 $0x7F, v4;
	v40 =	vshrl.u32 v6, $0x7  }
0x30: {  	v5 =	vand.u32 $0x7F, v5;
	v6 =	vand.u32 $0x7F, v6;
	v61 =	vand.u32 $0x7F, v8  }
0x31: {  	v8 =	vshrl.u32 v8, $0x7;
	v43 =	vshrl.u32 v11, $0x7;
	v44 =	vand.u32 $0x7F, v22  }
0x32: {  	v7 =	vld.idx.msk [tilespmem:v7+s7+$0x0], $0xffff;
	v48 =	vshrl.u32 v14, $0x7;
	v11 =	vand.u32 $0x7F, v11;
	v49 =	vshrl.u32 v37, $0x7  }
0x33: {  	v19 =	vld.idx.msk [tilespmem:v19+s7+$0x0], $0xffff;
	v14 =	vand.u32 $0x7F, v14;
	v55 =	vshrl.u32 v28, $0x7;
	v28 =	vand.u32 $0x7F, v28  }
0x34: {  	v10 =	vld.idx.msk [tilespmem:v10+s7+$0x0], $0xffff;
	v57 =	vshrl.u32 v29, $0x7;
	v29 =	vand.u32 $0x7F, v29;
	v9 =	vmul.u32 $0xC8, v9  }
0x35: {  	v23 =	vld.idx.msk [tilespmem:v23+s7+$0x0], $0xffff;
	v36 =	vmul.u32 $0xC8, v36;
	v4 =	vmul.u32 $0xC8, v38;
	v40 =	vmul.u32 $0xC8, v40  }
0x36: {  	v13 =	vld.idx.msk [tilespmem:v13+s7+$0x0], $0xffff;
	v8 =	vmul.u32 $0xC8, v8;
	v43 =	vmul.u32 $0xC8, v43;
	v59 =	vmul.u32 $0xC8, v57  }
0x37: {  	v35 =	vld.idx.msk [tilespmem:v35+s7+$0x0], $0xffff;
	v60 =	vmul.u32 $0xC8, v49;
	v9 =	vadd.s32 v16, v9;
	v36 =	vadd.s32 v16, v36  }
0x38: {  	v38 =	vld.idx.msk [tilespmem:v2+s7+$0x0], $0xffff;
	v2 =	vadd.s32 v16, v4;
	v8 =	vadd.s32 v16, v8;
	v43 =	vadd.s32 v16, v43  }
0x39: {  	v25 =	vld.idx.msk [tilespmem:v25+s7+$0x0], $0xffff;
	v4 =	vshll.u32 v9, $0x7;
	v9 =	vshrl.u32 v7, $0x7;
	v41 =	vshll.u32 v2, $0x7  }
0x3a: {  	v24 =	vld.idx.msk [tilespmem:v24+s7+$0x0], $0xffff;
	v36 =	vshll.u32 v36, $0x7;
	v2 =	vor.u32 v3, v4;
	v3 =	vor.u32 v5, v41  }
0x3b: {  	v4 =	vmul.u32 $0xC8, v9;
	v9 =	vld.idx.msk [tilespmem:v12+s7+$0x0], $0xffff;
	v12 =	vshrl.u32 v30, $0x7;
	v5 =	vand.u32 $0x7F, v7  }
0x3c: {  	v27 =	vld.idx.msk [tilespmem:v27+s7+$0x0], $0xffff;
	v7 =	vshrl.u32 v10, $0x7;
	v10 =	vand.u32 $0x7F, v10;
	v30 =	vand.u32 $0x7F, v30  }
0x3d: {  	v26 =	vld.idx.msk [tilespmem:v26+s7+$0x0], $0xffff;
	v41 =	vmul.u32 $0xC8, v55;
	v7 =	vmul.u32 $0xC8, v7;
	v4 =	vadd.s32 v16, v4  }
0x3e: {  	v31 =	vld.idx.msk [tilespmem:v31+s7+$0x0], $0xffff;
	v47 =	vmul.u32 $0xC8, v12;
	v12 =	vand.u32 $0x7F, v25;
	v4 =	vshll.u32 v4, $0x7  }
0x3f: {  	v4 =	vor.u32 v5, v4;
	v5 =	vadd.s32 v16, v7;
	v7 =	vadd.s32 v16, v40;
	v62 =	vld.idx.msk [tilespmem:v3+s2+$0x0], $0xffff  }
0x40: {  	v32 =	vld.idx.msk [tilespmem:v32+s7+$0x0], $0xffff;
	v5 =	vshll.u32 v5, $0x7;
	v7 =	vshll.u32 v7, $0x7;
	v45 =	vand.u32 $0x7F, v9  }
0x41: {  	v33 =	vld.idx.msk [tilespmem:v33+s7+$0x0], $0xffff;
	v5 =	vor.u32 v10, v5;
	v10 =	vshrl.u32 v9, $0x7;
	v6 =	vor.u32 v6, v7  }
0x42: {  	v42 =	vld.idx.msk [tilespmem:v2+s2+$0x0], $0xffff;
	v7 =	vor.u32 v39, v36;
	v9 =	vshrl.u32 v22, $0x7;
	v10 =	vmul.u32 $0xC8, v10  }
0x43: {  	v20 =	vld.idx.msk [tilespmem:v20+s7+$0x0], $0xffff;
	v22 =	vmul.u32 $0xC8, v48;
	v36 =	vadd.s32 v16, v60;
	v50 =	vmul.u32 $0xC8, v9  }
0x44: {  	v21 =	vld.idx.msk [tilespmem:v21+s7+$0x0], $0xffff;
	v10 =	vadd.s32 v16, v10;
	v40 =	vadd.f32 v62, v13;
	v13 =	vshll.u32 v43, $0x7  }
0x45: {  	v49 =	vld.idx.msk [tilespmem:v17+s7+$0x0], $0xffff;
	v9 =	vor.u32 v11, v13;
	v11 =	vshrl.u32 v25, $0x7;
	v13 =	vshll.u32 v8, $0x7  }
0x46: {  	v63 =	vld.idx.msk [tilespmem:v4+s2+$0x0], $0xffff;
	v8 =	vshll.u32 v10, $0x7;
	v10 =	vmul.u32 $0xC8, v11;
	v11 =	vor.u32 v61, v13  }
0x47: {  	v52 =	vadd.s32 v16, v50;
	v50 =	vshll.u32 v36, $0x7;
	v23 =	vadd.f32 v42, v23;
	v51 =	vld.idx.msk [tilespmem:v7+s2+$0x0], $0xffff  }
0x48: {  	v53 =	vshll.u32 v52, $0x7;
	v46 =	vld.idx.msk [tilespmem:v6+s2+$0x0], $0xffff;
	v13 =	vadd.s32 v16, v22;
	v10 =	vadd.s32 v16, v10  }
0x49: {  	v42 =	vld.idx.msk [tilespmem:v5+s2+$0x0], $0xffff;
	v8 =	vor.u32 v45, v8;
	v13 =	vshll.u32 v13, $0x7;
	v10 =	vshll.u32 v10, $0x7  }
0x4a: {  	v62 =	vadd.s32 v16, v41;
	v22 =	vld.idx.msk [tilespmem:v34+s7+$0x0], $0xffff;
	v10 =	vor.u32 v12, v10;
	v12 =	vor.u32 v14, v13  }
0x4b: {  	v25 =	vand.u32 $0x7F, v37;
	v14 =	vadd.s32 v16, v47;
	v13 =	vor.u32 v44, v53;
	v56 =	vld.idx.msk [tilespmem:v11+s2+$0x0], $0xffff  }
0x4c: {  	v54 =	vld.idx.msk [tilespmem:v9+s2+$0x0], $0xffff;
	v34 =	vadd.f32 v51, v38;
	v38 =	vshll.u32 v62, $0x7;
	v14 =	vshll.u32 v14, $0x7  }
0x4d: {  	v51 =	vld.idx.msk [tilespmem:v18+s7+$0x0], $0xffff;
	v14 =	vor.u32 v30, v14;
	v30 =	vadd.f32 v46, v35;
	v35 =	vadd.s32 v16, v59  }
0x4e: {  	v58 =	vld.idx.msk [tilespmem:v8+s2+$0x0], $0xffff;
	v17 =	vor.u32 v28, v38;
	v16 =	vmax.f32 v34, v40;
	v35 =	vshll.u32 v35, $0x7  }
0x4f: {  	v24 =	vadd.f32 v63, v24;
	v28 =	vmax.f32 v16, v23;
	v16 =	vor.u32 v29, v35;
	v63 =	vld.idx.msk [tilespmem:v12+s2+$0x0], $0xffff  }
0x50: {  	v18 =	vor.u32 v25, v50;
	v28 =	vmax.f32 v28, v30;
	v48 =	vld.idx.msk [tilespmem:v13+s2+$0x0], $0xffff;
	v26 =	vadd.f32 v56, v26  }
0x51: {  	v25 =	vadd.f32 v42, v27;
	v61 =	vld.idx.msk [tilespmem:v10+s2+$0x0], $0xffff;
	v27 =	vmax.f32 v28, v24  }
0x52: {  	v28 =	vadd.f32 v54, v32;
	v29 =	vld.idx.msk [tilespmem:v14+s2+$0x0], $0xffff;
	v27 =	vmax.f32 v27, v26  }
0x53: {  	v52 =	vadd.f32 v58, v33;
	v53 =	vld.idx.msk [tilespmem:v17+s2+$0x0], $0xffff;
	v27 =	vmax.f32 v27, v25  }
0x54: {  	v54 =	vld.idx.msk [tilespmem:v16+s2+$0x0], $0xffff;
	v22 =	vadd.f32 v63, v22;
	v27 =	vmax.f32 v27, v28  }
0x55: {  	v55 =	vld.idx.msk [tilespmem:v18+s2+$0x0], $0xffff;
	v31 =	vadd.f32 v48, v31;
	v27 =	vmax.f32 v27, v52  }
0x56: {  	v56 =	vadd.f32 v61, v49;
	v27 =	vmax.f32 v27, v22  }
0x57: {  	v29 =	vadd.f32 v29, v19;
	v19 =	vmax.f32 v27, v31  }
0x58: {  	v27 =	vadd.f32 v53, v21;
	v19 =	vmax.f32 v19, v56  }
0x59: {  	v57 =	vadd.f32 v54, v20;
	v19 =	vmax.f32 v19, v29  }
0x5a: {  	v58 =	vadd.f32 v55, v51;
	v19 =	vmax.f32 v19, v27  }
0x5b: {  	v19 =	vmax.f32 v19, v57  }
0x5c: {  	v36 =	vmax.f32 v19, v58  }
0x5d: {  	v19 =	vsub.f32 v34, v36;
	_ =	sdelay $0x1  }
0x5e: {  	v20 =	vsub.f32 v40, v36;
	v19 =	vmul.f32 $1.442695020e+00, v19;
	_ =	sdelay $0x1  }
0x5f: {  	v21 =	vsub.f32 v23, v36;
	v20 =	vmul.f32 $1.442695020e+00, v20;
	(erf) = vpow2.f32 v19;
	_ =	sdelay $0x1  }
0x60: {  	v21 =	vmul.f32 $1.442695020e+00, v21;
	v19 =	vsub.f32 v30, v36;
	(erf) = vpow2.f32 v20;
	_ =	sdelay $0x1  }
0x61: {  	v20 =	vsub.f32 v24, v36;
	v19 =	vmul.f32 $1.442695020e+00, v19;
	(erf) = vpow2.f32 v21;
	_ =	sdelay $0x1  }
0x62: {  	v20 =	vmul.f32 $1.442695020e+00, v20;
	(erf) = vpow2.f32 v19  }
0x63: {  	v21 =	vsub.f32 v26, v36  }
0x64: {  	(erf) = vpow2.f32 v20  }
0x65: {  	v23 =	vsub.f32 v25, v36;
	v21 =	vmul.f32 $1.442695020e+00, v21;
	v19 =	vpop (erf)  }
0x66: {  	v25 =	vadd.f32 $0.0e+00, v19  }
0x67: {  	v23 =	vmul.f32 $1.442695020e+00, v23;
	v24 =	vsub.f32 v28, v36;
	(erf) = vpow2.f32 v21;
	v20 =	vpop (erf)  }
0x68: {  	v26 =	vsub.f32 v52, v36;
	v25 =	vadd.f32 v25, v20  }
0x69: {  	v24 =	vmul.f32 $1.442695020e+00, v24;
	(erf) = vpow2.f32 v23;
	v23 =	vsub.f32 v22, v36;
	v21 =	vpop (erf)  }
0x6a: {  	v25 =	vadd.f32 v25, v21  }
0x6b: {  	v26 =	vmul.f32 $1.442695020e+00, v26;
	(erf) = vpow2.f32 v24;
	v22 =	vpop (erf)  }
0x6c: {  	v24 =	vsub.f32 v31, v36;
	v25 =	vadd.f32 v25, v22  }
0x6d: {  	v28 =	vmul.f32 $1.442695020e+00, v23;
	(erf) = vpow2.f32 v26;
	v23 =	vpop (erf)  }
0x6e: {  	v26 =	vsub.f32 v56, v36;
	v25 =	vadd.f32 v25, v23  }
0x6f: {  	v30 =	vmul.f32 $1.442695020e+00, v24  }
0x70: {  	(erf) = vpow2.f32 v28;
	v26 =	vmul.f32 $1.442695020e+00, v26;
	v24 =	vpop (erf)  }
0x71: {  	v28 =	vsub.f32 v29, v36;
	v29 =	vadd.f32 v25, v24  }
0x72: {  	v27 =	vsub.f32 v27, v36;
	(erf) = vpow2.f32 v30;
	v25 =	vpop (erf)  }
0x73: {  	v29 =	vadd.f32 v29, v25  }
0x74: {  	(erf) = vpow2.f32 v26;
	v26 =	vpop (erf)  }
0x75: {  	v28 =	vmul.f32 $1.442695020e+00, v28;
	v29 =	vadd.f32 v29, v26  }
0x76: {  	v31 =	vmul.f32 $1.442695020e+00, v27;
	v27 =	vpop (erf)  }
0x77: {  	v30 =	vsub.f32 v57, v36;
	(erf) = vpow2.f32 v28;
	v29 =	vadd.f32 v29, v27;
	_ =	sdelay $0x1  }
0x78: {  	v59 =	vsub.f32 v58, v36;
	v30 =	vmul.f32 $1.442695020e+00, v30;
	(erf) = vpow2.f32 v31;
	v28 =	vpop (erf)  }
0x79: {  	v60 =	vadd.f32 v29, v28  }
0x7a: {  	v31 =	vmul.f32 $1.442695020e+00, v59;
	(erf) = vpow2.f32 v30;
	v29 =	vpop (erf)  }
0x7b: {  	v32 =	vadd.f32 v60, v29  }
0x7c: {  	(erf) = vpow2.f32 v31;
	v30 =	vpop (erf)  }
0x7d: {  	v32 =	vadd.f32 v32, v30;
	_ =	sdelay $0x1  }
0x7e: {  	v31 =	vpop (erf)  }
0x7f: {  	v61 =	vadd.f32 v32, v31  }
0x80: {  	v32 =	vpop (erf)  }
0x81: {  	v62 =	vadd.f32 v61, v32  }
0x82: {  	v33 =	vpop (erf)  }
0x83: {  	v63 =	vadd.f32 v62, v33  }
0x84: {  	v34 =	vpop (erf)  }
0x85: {  	v35 =	vadd.f32 v63, v34;
	_ =	sdelay $0x1  }
0x86: {  	(erf) = vrcp.f32 v35;
	_ =	sdelay $0x5  }
0x87: {  	s13 =	simm.s32 $0x10;
	vm0 =	vlt.u32 v15, $0xC8  }
.LBB2_4:
0x88: {  	_ =	sdelay $0x1  }
0x89: {  	p0 =	sne.s32 s13, $0xC0;
	s14 =	smov.u32 s13;
	s13 =	sadd.s32 $0x10, s13;
	v35 =	vpop (erf)  }
0x8a: {  	v15 =	vmul.f32 v35, v19  }
0x8b: {  	v19 =	vmul.f32 v35, v20  }
0x8c: {  	[tilespmem:v7+s10+$0x0] =	vst.idx.add.f32.msk vm0, v15;
	v7 =	vmul.f32 v35, v21  }
0x8d: {  	[tilespmem:v3+s10+$0x0] =	vst.idx.add.f32.msk vm0, v19;
	v3 =	vmul.f32 v35, v22  }
0x8e: {  	[tilespmem:v2+s10+$0x0] =	vst.idx.add.f32.msk vm0, v7;
	v2 =	vmul.f32 v35, v23  }
0x8f: {  	[tilespmem:v6+s10+$0x0] =	vst.idx.add.f32.msk vm0, v3;
	v3 =	vmul.f32 v35, v24  }
0x90: {  	[tilespmem:v4+s10+$0x0] =	vst.idx.add.f32.msk vm0, v2;
	v2 =	vmul.f32 v35, v25  }
0x91: {  	[tilespmem:v11+s10+$0x0] =	vst.idx.add.f32.msk vm0, v3;
	v3 =	vmul.f32 v35, v26  }
0x92: {  	v15 =	vor.u32 s14, v1;
	v4 =	vmul.f32 v35, v34;
	[tilespmem:v5+s10+$0x0] =	vst.idx.add.f32.msk vm0, v2;
	v2 =	vmul.f32 v35, v27  }
0x93: {  	vm1 =	vlt.s32 v15, $0xC7;
	v5 =	vmul.f32 v35, v33;
	[tilespmem:v9+s10+$0x0] =	vst.idx.add.f32.msk vm0, v3;
	v3 =	vmul.f32 v35, v28  }
0x94: {  	v19 =	vnsel vm1, $0xC7, v15;
	v6 =	vmul.f32 v35, v32;
	[tilespmem:v8+s10+$0x0] =	vst.idx.add.f32.msk vm0, v2;
	v2 =	vmul.f32 v35, v29  }
0x95: {  	v7 =	vshll.u32 v19, $0x7;
	v8 =	vmul.f32 v35, v31;
	[tilespmem:v12+s10+$0x0] =	vst.idx.add.f32.msk vm0, v3;
	v3 =	vmul.f32 v35, v30  }
0x96: {  	v20 =	vor.u32 $0x11, v7;
	v11 =	vor.u32 $0x12, v7;
	v12 =	vor.u32 $0x10, v7;
	[tilespmem:v13+s10+$0x0] =	vst.idx.add.f32.msk vm0, v2  }
0x97: {  	v22 =	vor.u32 $0x15, v7;
	v2 =	vor.u32 $0x13, v7;
	v13 =	vor.u32 $0x14, v7;
	[tilespmem:v10+s10+$0x0] =	vst.idx.add.f32.msk vm0, v3  }
0x98: {  	v23 =	vor.u32 $0x17, v7;
	v24 =	vor.u32 $0x18, v7;
	v3 =	vor.u32 $0x16, v7;
	[tilespmem:v14+s10+$0x0] =	vst.idx.add.f32.msk vm0, v8  }
0x99: {  	v25 =	vor.u32 $0x19, v7;
	v26 =	vor.u32 $0x1A, v7;
	v8 =	vor.u32 $0x1, v7;
	[tilespmem:v17+s10+$0x0] =	vst.idx.add.f32.msk vm0, v6  }
0x9a: {  	v27 =	vor.u32 $0x4, v7;
	v28 =	vor.u32 $0x1B, v7;
	v6 =	vor.u32 $0x2, v7;
	[tilespmem:v16+s10+$0x0] =	vst.idx.add.f32.msk vm0, v5  }
0x9b: {  	v9 =	vor.u32 $0x5, v7;
	v29 =	vor.u32 $0x6, v7;
	v5 =	vor.u32 $0x1C, v7;
	[tilespmem:v18+s10+$0x0] =	vst.idx.add.f32.msk vm0, v4  }
0x9c: {  	v30 =	vor.u32 $0x1D, v7;
	v4 =	vld.idx.msk [tilespmem:v11+s7+$0x0], $0xffff;
	v11 =	vor.u32 $0x1E, v7  }
0x9d: {  	v12 =	vld.idx.msk [tilespmem:v12+s7+$0x0], $0xffff  }
0x9e: {  	v32 =	vor.u32 $0xC, v7;
	v31 =	vld.idx.msk [tilespmem:v20+s7+$0x0], $0xffff  }
0x9f: {  	v18 =	vor.u32 $0xF, v7;
	v20 =	vor.u32 $0xE, v7;
	v2 =	vld.idx.msk [tilespmem:v2+s7+$0x0], $0xffff  }
0xa0: {  	v21 =	vor.u32 $0xD, v7;
	v33 =	vor.u32 $0xA, v7;
	v16 =	vor.u32 $0xB, v7;
	v14 =	vld.idx.msk [tilespmem:v5+s7+$0x0], $0xffff  }
0xa1: {  	v34 =	vor.u32 $0x9, v7;
	v10 =	vor.u32 $0x7, v7;
	v17 =	vor.u32 $0x8, v7;
	v5 =	vld.idx.msk [tilespmem:v22+s7+$0x0], $0xffff  }
0xa2: {  	v35 =	vor.u32 $0x3, v7;
	v22 =	vshrl.u32 v4, $0x7;
	v4 =	vand.u32 $0x7F, v4;
	v13 =	vld.idx.msk [tilespmem:v13+s7+$0x0], $0xffff  }
0xa3: {  	v36 =	vshrl.u32 v12, $0x7;
	v37 =	vmul.u32 $0xC8, v22;
	v22 =	vld.idx.msk [tilespmem:v32+s7+$0x0], $0xffff;
	v32 =	vor.u32 $0x1F, v7  }
0xa4: {  	v12 =	vand.u32 $0x7F, v12;
	v36 =	vmul.u32 $0xC8, v36;
	v38 =	vshrl.u32 v31, $0x7;
	v39 =	vld.idx.msk [tilespmem:v3+s7+$0x0], $0xffff  }
0xa5: {  	v3 =	vmul.u32 $0xC8, v38;
	v37 =	vadd.s32 v19, v37;
	v38 =	vshrl.u32 v2, $0x7;
	v40 =	vld.idx.msk [tilespmem:v23+s7+$0x0], $0xffff  }
0xa6: {  	v31 =	vand.u32 $0x7F, v31;
	v23 =	vld.idx.msk [tilespmem:v7+s7+$0x0], $0xffff;
	v7 =	vadd.s32 v19, v36;
	v36 =	vshrl.u32 v14, $0x7  }
0xa7: {  	v3 =	vadd.s32 v19, v3;
	v41 =	vld.idx.msk [tilespmem:v6+s7+$0x0], $0xffff;
	v6 =	vshll.u32 v37, $0x7;
	v37 =	vand.u32 $0x7F, v2  }
0xa8: {  	v3 =	vshll.u32 v3, $0x7;
	v42 =	vshrl.u32 v13, $0x7;
	v13 =	vand.u32 $0x7F, v13;
	v26 =	vld.idx.msk [tilespmem:v26+s7+$0x0], $0xffff  }
0xa9: {  	v2 =	vor.u32 v4, v6;
	v4 =	vmul.u32 $0xC8, v42;
	v42 =	vand.u32 $0x7F, v5;
	v24 =	vld.idx.msk [tilespmem:v24+s7+$0x0], $0xffff  }
0xaa: {  	v3 =	vor.u32 v31, v3;
	v5 =	vshrl.u32 v5, $0x7;
	v6 =	vshrl.u32 v39, $0x7;
	v25 =	vld.idx.msk [tilespmem:v25+s7+$0x0], $0xffff  }
0xab: {  	v31 =	vmul.u32 $0xC8, v38;
	v4 =	vadd.s32 v19, v4;
	v6 =	vmul.u32 $0xC8, v6;
	v8 =	vld.idx.msk [tilespmem:v8+s7+$0x0], $0xffff  }
0xac: {  	v7 =	vshll.u32 v7, $0x7;
	v5 =	vmul.u32 $0xC8, v5;
	v4 =	vshll.u32 v4, $0x7;
	v32 =	vld.idx.msk [tilespmem:v32+s7+$0x0], $0xffff  }
0xad: {  	v31 =	vadd.s32 v19, v31;
	v4 =	vor.u32 v13, v4;
	v13 =	vshrl.u32 v40, $0x7;
	v35 =	vld.idx.msk [tilespmem:v35+s7+$0x0], $0xffff  }
0xae: {  	v31 =	vshll.u32 v31, $0x7;
	v6 =	vadd.s32 v19, v6;
	v43 =	vand.u32 $0x7F, v26;
	v38 =	vld.idx.msk [tilespmem:v2+s2+$0x0], $0xffff  }
0xaf: {  	v45 =	vadd.s32 v19, v5;
	v5 =	vshll.u32 v6, $0x7;
	v6 =	vand.u32 $0x7F, v39;
	v44 =	vld.idx.msk [tilespmem:v3+s2+$0x0], $0xffff  }
0xb0: {  	v7 =	vor.u32 v12, v7;
	v5 =	vor.u32 v6, v5;
	v12 =	vld.idx.msk [tilespmem:v27+s7+$0x0], $0xffff;
	v27 =	vshrl.u32 v24, $0x7  }
0xb1: {  	v6 =	vor.u32 v37, v31;
	v31 =	vshrl.u32 v25, $0x7;
	v27 =	vmul.u32 $0xC8, v27;
	v28 =	vld.idx.msk [tilespmem:v28+s7+$0x0], $0xffff  }
0xb2: {  	v39 =	vand.u32 $0x7F, v40;
	v26 =	vshrl.u32 v26, $0x7;
	v40 =	vand.u32 $0x7F, v24;
	v37 =	vld.idx.msk [tilespmem:v4+s2+$0x0], $0xffff  }
0xb3: {  	v13 =	vmul.u32 $0xC8, v13;
	v31 =	vmul.u32 $0xC8, v31;
	v46 =	vshrl.u32 v32, $0x7;
	v30 =	vld.idx.msk [tilespmem:v30+s7+$0x0], $0xffff  }
0xb4: {  	v26 =	vmul.u32 $0xC8, v26;
	v24 =	vadd.f32 v38, v41;
	v27 =	vadd.s32 v19, v27;
	v29 =	vld.idx.msk [tilespmem:v29+s7+$0x0], $0xffff  }
0xb5: {  	v36 =	vmul.u32 $0xC8, v36;
	v38 =	vshll.u32 v45, $0x7;
	v27 =	vshll.u32 v27, $0x7;
	v41 =	vld.idx.msk [tilespmem:v5+s2+$0x0], $0xffff  }
0xb6: {  	v13 =	vadd.s32 v19, v13;
	v44 =	vadd.f32 v44, v8;
	v8 =	vor.u32 v40, v27;
	v45 =	vld.idx.msk [tilespmem:v6+s2+$0x0], $0xffff  }
0xb7: {  	v13 =	vshll.u32 v13, $0x7;
	v27 =	vshrl.u32 v28, $0x7;
	v28 =	vand.u32 $0x7F, v28;
	v40 =	vld.idx.msk [tilespmem:v11+s7+$0x0], $0xffff  }
0xb8: {  	v11 =	vor.u32 v42, v38;
	v47 =	vld.idx.msk [tilespmem:v9+s7+$0x0], $0xffff;
	v9 =	vor.u32 v39, v13;
	v13 =	vmul.u32 $0xC8, v27  }
0xb9: {  	v25 =	vand.u32 $0x7F, v25;
	v32 =	vand.u32 $0x7F, v32;
	v27 =	vadd.s32 v19, v31;
	v31 =	vld.idx.msk [tilespmem:v33+s7+$0x0], $0xffff  }
0xba: {  	v26 =	vadd.s32 v19, v26;
	v27 =	vshll.u32 v27, $0x7;
	v33 =	vld.idx.msk [tilespmem:v34+s7+$0x0], $0xffff;
	v13 =	vadd.s32 v19, v13  }
0xbb: {  	v26 =	vshll.u32 v26, $0x7;
	v37 =	vadd.f32 v37, v12;
	v34 =	vld.idx.msk [tilespmem:v7+s2+$0x0], $0xffff;
	v13 =	vshll.u32 v13, $0x7  }
0xbc: {  	v29 =	vadd.f32 v41, v29;
	v12 =	vor.u32 v25, v27;
	v38 =	vld.idx.msk [tilespmem:v10+s7+$0x0], $0xffff;
	v10 =	vor.u32 v28, v13  }
0xbd: {  	v27 =	vadd.s32 v19, v36;
	v28 =	vshrl.u32 v30, $0x7;
	v30 =	vand.u32 $0x7F, v30;
	v25 =	vld.idx.msk [tilespmem:v9+s2+$0x0], $0xffff  }
0xbe: {  	v13 =	vor.u32 v43, v26;
	v26 =	vshll.u32 v27, $0x7;
	v27 =	vshrl.u32 v40, $0x7;
	v36 =	vld.idx.msk [tilespmem:v11+s2+$0x0], $0xffff  }
0xbf: {  	v14 =	vand.u32 $0x7F, v14;
	v35 =	vadd.f32 v45, v35;
	v39 =	vld.idx.msk [tilespmem:v17+s7+$0x0], $0xffff;
	v17 =	vmul.u32 $0xC8, v28  }
0xc0: {  	v14 =	vor.u32 v14, v26;
	v26 =	vmul.u32 $0xC8, v27;
	v27 =	vmul.u32 $0xC8, v46;
	v28 =	vld.idx.msk [tilespmem:v8+s2+$0x0], $0xffff  }
0xc1: {  	v40 =	vand.u32 $0x7F, v40;
	v23 =	vadd.f32 v34, v23;
	v34 =	vld.idx.msk [tilespmem:v10+s2+$0x0], $0xffff;
	v17 =	vadd.s32 v19, v17  }
0xc2: {  	v26 =	vadd.s32 v19, v26;
	v19 =	vadd.s32 v19, v27;
	v41 =	vld.idx.msk [tilespmem:v12+s2+$0x0], $0xffff;
	v17 =	vshll.u32 v17, $0x7  }
0xc3: {  	v26 =	vshll.u32 v26, $0x7;
	v27 =	vmax.f32 v23, v44;
	v25 =	vadd.f32 v25, v38;
	v38 =	vld.idx.msk [tilespmem:v13+s2+$0x0], $0xffff  }
0xc4: {  	v27 =	vmax.f32 v27, v24;
	v17 =	vor.u32 v30, v17;
	v42 =	vld.idx.msk [tilespmem:v16+s7+$0x0], $0xffff;
	v16 =	vor.u32 v40, v26  }
0xc5: {  	v19 =	vshll.u32 v19, $0x7;
	v26 =	vmax.f32 v27, v35;
	v27 =	vadd.f32 v36, v47;
	v30 =	vld.idx.msk [tilespmem:v14+s2+$0x0], $0xffff  }
0xc6: {  	v26 =	vmax.f32 v26, v37;
	v36 =	vld.idx.msk [tilespmem:v18+s7+$0x0], $0xffff;
	v18 =	vor.u32 v32, v19  }
0xc7: {  	v19 =	vmax.f32 v26, v27;
	v26 =	vadd.f32 v28, v39;
	v20 =	vld.idx.msk [tilespmem:v20+s7+$0x0], $0xffff  }
0xc8: {  	v19 =	vmax.f32 v19, v29;
	v28 =	vadd.f32 v41, v33;
	v21 =	vld.idx.msk [tilespmem:v21+s7+$0x0], $0xffff  }
0xc9: {  	v19 =	vmax.f32 v19, v25;
	v31 =	vadd.f32 v38, v31;
	v32 =	vld.idx.msk [tilespmem:v17+s2+$0x0], $0xffff  }
0xca: {  	v19 =	vmax.f32 v19, v26;
	v33 =	vadd.f32 v34, v42;
	v34 =	vld.idx.msk [tilespmem:v16+s2+$0x0], $0xffff  }
0xcb: {  	v19 =	vmax.f32 v19, v28;
	v22 =	vadd.f32 v30, v22;
	v30 =	vld.idx.msk [tilespmem:v18+s2+$0x0], $0xffff  }
0xcc: {  	v19 =	vmax.f32 v19, v31  }
0xcd: {  	v19 =	vmax.f32 v19, v33  }
0xce: {  	v19 =	vmax.f32 v19, v22  }
0xcf: {  	v21 =	vadd.f32 v32, v21  }
0xd0: {  	v20 =	vadd.f32 v34, v20  }
0xd1: {  	v19 =	vmax.f32 v19, v21;
	v30 =	vadd.f32 v30, v36  }
0xd2: {  	v19 =	vmax.f32 v19, v20  }
0xd3: {  	v19 =	vmax.f32 v19, v30  }
0xd4: {  	v23 =	vsub.f32 v23, v19;
	v32 =	vsub.f32 v44, v19  }
0xd5: {  	v24 =	vsub.f32 v24, v19;
	v34 =	vsub.f32 v35, v19  }
0xd6: {  	v35 =	vsub.f32 v37, v19;
	v23 =	vmul.f32 $1.442695020e+00, v23;
	v32 =	vmul.f32 $1.442695020e+00, v32  }
0xd7: {  	v27 =	vsub.f32 v27, v19;
	v24 =	vmul.f32 $1.442695020e+00, v24;
	v34 =	vmul.f32 $1.442695020e+00, v34  }
0xd8: {  	v29 =	vsub.f32 v29, v19;
	v35 =	vmul.f32 $1.442695020e+00, v35;
	(erf) = vpow2.f32 v23  }
0xd9: {  	v25 =	vsub.f32 v25, v19;
	v26 =	vsub.f32 v26, v19;
	v23 =	vmul.f32 $1.442695020e+00, v27  }
0xda: {  	v28 =	vsub.f32 v28, v19;
	v27 =	vmul.f32 $1.442695020e+00, v29;
	(erf) = vpow2.f32 v32  }
0xdb: {  	v25 =	vmul.f32 $1.442695020e+00, v25;
	v26 =	vmul.f32 $1.442695020e+00, v26;
	v29 =	vsub.f32 v31, v19  }
0xdc: {  	v28 =	vmul.f32 $1.442695020e+00, v28;
	v31 =	vsub.f32 v33, v19;
	(erf) = vpow2.f32 v24  }
0xdd: {  	v22 =	vsub.f32 v22, v19;
	v21 =	vsub.f32 v21, v19;
	v29 =	vmul.f32 $1.442695020e+00, v29  }
0xde: {  	v20 =	vsub.f32 v20, v19;
	v31 =	vmul.f32 $1.442695020e+00, v31;
	(erf) = vpow2.f32 v34  }
0xdf: {  	v33 =	vmul.f32 $1.442695020e+00, v21;
	v21 =	vsub.f32 v30, v19;
	v32 =	vmul.f32 $1.442695020e+00, v22  }
0xe0: {  	v30 =	vmul.f32 $1.442695020e+00, v20;
	(erf) = vpow2.f32 v35  }
0xe1: {  	v34 =	vmul.f32 $1.442695020e+00, v21;
	v19 =	vpop (erf)  }
0xe2: {  	v24 =	vadd.f32 $0.0e+00, v19;
	(erf) = vpow2.f32 v23  }
0xe3: {  	v20 =	vpop (erf)  }
0xe4: {  	v24 =	vadd.f32 v24, v20;
	(erf) = vpow2.f32 v27  }
0xe5: {  	v21 =	vpop (erf)  }
0xe6: {  	v27 =	vadd.f32 v24, v21;
	(erf) = vpow2.f32 v25  }
0xe7: {  	v22 =	vpop (erf)  }
0xe8: {  	v27 =	vadd.f32 v27, v22;
	(erf) = vpow2.f32 v26  }
0xe9: {  	v23 =	vpop (erf)  }
0xea: {  	v27 =	vadd.f32 v27, v23;
	(erf) = vpow2.f32 v28  }
0xeb: {  	v24 =	vpop (erf)  }
0xec: {  	v28 =	vadd.f32 v27, v24;
	(erf) = vpow2.f32 v29  }
0xed: {  	v25 =	vpop (erf)  }
0xee: {  	v29 =	vadd.f32 v28, v25;
	(erf) = vpow2.f32 v31  }
0xef: {  	v26 =	vpop (erf)  }
0xf0: {  	v31 =	vadd.f32 v29, v26;
	(erf) = vpow2.f32 v32  }
0xf1: {  	v27 =	vpop (erf)  }
0xf2: {  	v32 =	vadd.f32 v31, v27;
	(erf) = vpow2.f32 v33  }
0xf3: {  	v28 =	vpop (erf)  }
0xf4: {  	v31 =	vadd.f32 v32, v28;
	(erf) = vpow2.f32 v30  }
0xf5: {  	v29 =	vpop (erf)  }
0xf6: {  	v33 =	vadd.f32 v31, v29;
	(erf) = vpow2.f32 v34  }
0xf7: {  	v30 =	vpop (erf)  }
0xf8: {  	v34 =	vadd.f32 v33, v30  }
0xf9: {  	v31 =	vpop (erf)  }
0xfa: {  	v35 =	vadd.f32 v34, v31  }
0xfb: {  	v32 =	vpop (erf)  }
0xfc: {  	v36 =	vadd.f32 v35, v32  }
0xfd: {  	v33 =	vpop (erf)  }
0xfe: {  	v35 =	vadd.f32 v36, v33  }
0xff: {  	v34 =	vpop (erf)  }
0x100: {  	v35 =	vadd.f32 v35, v34;
	_ =	sdelay $0x1  }
0x101: {  	(erf) = vrcp.f32 v35;
	_ =	sdelay $0x1  }
.Ltmp1:
0x102: {  	(pc) =	sbr.rel @p0 .LBB2_4-.Ltmp1, $2  }
0x103: {  	_ =	sdelay $0x2  }
0x104: {  	vm0 =	vlt.u32 v15, $0xC8  }
0x105: {  	_ =	sdelay $0x1  }
0x106: {  	v15 =	vpop (erf)  }
0x107: {  	v19 =	vmul.f32 v15, v19  }
0x108: {  	v20 =	vmul.f32 v15, v20  }
0x109: {  	v61 =	vmul.f32 v15, v21;
	[tilespmem:v7+s10+$0x0] =	vst.idx.add.f32.msk vm0, v19  }
0x10a: {  	[tilespmem:v3+s10+$0x0] =	vst.idx.add.f32.msk vm0, v20;
	v3 =	vmul.f32 v15, v22  }
0x10b: {  	[tilespmem:v2+s10+$0x0] =	vst.idx.add.f32.msk vm0, v61;
	v2 =	vmul.f32 v15, v23  }
0x10c: {  	[tilespmem:v6+s10+$0x0] =	vst.idx.add.f32.msk vm0, v3;
	v3 =	vmul.f32 v15, v24  }
0x10d: {  	[tilespmem:v4+s10+$0x0] =	vst.idx.add.f32.msk vm0, v2;
	v2 =	vmul.f32 v15, v25  }
0x10e: {  	[tilespmem:v11+s10+$0x0] =	vst.idx.add.f32.msk vm0, v3;
	v3 =	vmul.f32 v15, v26  }
0x10f: {  	[tilespmem:v5+s10+$0x0] =	vst.idx.add.f32.msk vm0, v2;
	v2 =	vmul.f32 v15, v27  }
0x110: {  	[tilespmem:v9+s10+$0x0] =	vst.idx.add.f32.msk vm0, v3;
	v3 =	vmul.f32 v15, v28  }
0x111: {  	[tilespmem:v8+s10+$0x0] =	vst.idx.add.f32.msk vm0, v2;
	v2 =	vmul.f32 v15, v29  }
0x112: {  	[tilespmem:v12+s10+$0x0] =	vst.idx.add.f32.msk vm0, v3;
	v3 =	vmul.f32 v15, v30  }
0x113: {  	v62 =	vmul.f32 v15, v31;
	[tilespmem:v13+s10+$0x0] =	vst.idx.add.f32.msk vm0, v2  }
0x114: {  	v2 =	vmul.f32 v15, v32;
	[tilespmem:v10+s10+$0x0] =	vst.idx.add.f32.msk vm0, v3  }
0x115: {  	v3 =	vmul.f32 v15, v33;
	[tilespmem:v14+s10+$0x0] =	vst.idx.add.f32.msk vm0, v62  }
0x116: {  	s12 =	sadd.s32 $0x1, s12;
	v63 =	vmul.f32 v15, v34;
	[tilespmem:v17+s10+$0x0] =	vst.idx.add.f32.msk vm0, v2  }
0x117: {  	p0 =	sne.s32 s12, s6;
	[tilespmem:v16+s10+$0x0] =	vst.idx.add.f32.msk vm0, v3  }
.Ltmp2:
0x118: {  	[tilespmem:v18+s10+$0x0] =	vst.idx.add.f32.msk vm0, v63;
	(pc) =	sbr.rel @p0 .LBB2_1-.Ltmp2, $4  }
0x119: {  	[hbm4b:s5+s2] =	stream.linear.scatter [tilespmem:s10], [sflag:$0x3], $0xC800, $0x38;
	[tilespmem:$0x1F400] =	vst v63  }
0x11a: {  	_ =	swait.ge [sflag:s11], $0xC800  }
0x11b: {  	[sflag:s11] =	ssyncset.done $0x0  }
0x11c: {  	[sflag:s11] =	ssyncadd.s32 $0xFFFF3800  }
0x11d: {  	_ =	sfence.sel $0x180000  }
0x11e: {  	[bflag:$0x0] =	sbarrier.arrive $0xFFFF  }
0x11f: {  	p0 =	sne.s32 s0, $0x0;
	_ =	strace $0x9000004A  }
0x120: {  	s0 =	sadd.s32 @!p0 $0x100000, s1;
	[bflag:$0x2] =	sbarrier.arrive $0xFFFF  }
0x121: {  	[sflag:s0] =	ssyncadd.tile.s32 @!p0 $0x1;
	_ =	shalt  }
.Lfunc_end2:
_tile_overlayer_lowered:
.L_overlay_start_2:
0x122: {  	(tag) =	ssettag $0x2  }
0x123: {  	s0 =	rddreg [dreg:$0x0];
	s2 =	stileid.u32  }
0x124: {  	s1 =	rddreg [dreg:$0x1];
	p0 =	sne.s32 s2, $0x0  }
0x125: {  	s3 =	rddreg [dreg:$0x2];
	[bflag:$0x3] =	sbarrier.arrive $0xFFFF;
	s2 =	simm.s32 @!p0 $0x1C03  }
0x126: {  	[timem:s3], [sflag:s2] =	dma.local @!p0 [hbm:s0], s1  }
0x127: {  	s0 =	simm.s32 @!p0 $0x3  }
0x128: {  	_ =	swait.ge @!p0 [sflag:s0], s1  }
0x129: {  	s1 =	ssub.s32 @!p0 $0x0, s1;
	[sflag:s0] =	ssyncset.done @!p0 $0x0  }
0x12a: {  	[sflag:s0] =	ssyncadd.s32 @!p0 s1  }
0x12b: {  	[bflag:$0x3] =	sbarrier.arrive $0xFFFF  }
0x12c: {  	_ =	shalt  }

// kernel: kernel.8.cloned.1.call-start
scs
__scs_entry_jumppad:
0x0: {  	(pc) =	sbr.rel $0x88, $3  }
0x1: {  	(tag) =	ssettag $0x0;
	lr =	simm.s32 $0x1  }
0x2: {  	[smem:$0x3F92] =	sst lr;
	_ =	strace $0xD0000000  }
0x3: {  	_ = 	snop  }
0x4: {  	_ = 	snop  }
0x5: {  	_ = 	snop  }
0x6: {  	_ = 	snop  }
0x7: {  	_ = 	snop  }
__scs_overlays_trampoline_lowered:
0x8: {  	[smem:$0x3FA1] =	sst s0  }
0x9: {  	[smem:$0x3FA2] =	sst s1  }
0xa: {  	[smem:$0x3FA3] =	sst s2  }
0xb: {  	[smem:$0x3FA4] =	sst s3  }
0xc: {  	[smem:$0x3FA5] =	sst s4  }
0xd: {  	[smem:$0x3FA6] =	sst s5  }
0xe: {  	[smem:$0x3FA7] =	sst s6  }
0xf: {  	[smem:$0x3FA8] =	sst s7  }
0x10: {  	[smem:$0x3FA9] =	sst s8  }
0x11: {  	[smem:$0x3FAA] =	sst s9;
	s0 =	simm.s32 @!p0 $0x0  }
0x12: {  	s1 =	sld [smem:$0x3F90];
	s0 =	simm.s32 @p0 $0x1  }
0x13: {  	[smem:$0x3FAB] =	sst s0;
	s0 =	simm.s32 @!p1 $0x0  }
0x14: {  	s2 =	sld [smem:$0x3F8F];
	s0 =	simm.s32 @p1 $0x1  }
0x15: {  	[smem:$0x3FAC] =	sst s0;
	s0 =	simm.s32 @!p2 $0x0  }
0x16: {  	s3 =	sld [smem:$0x3FDB];
	s0 =	simm.s32 @p2 $0x1  }
0x17: {  	s4 =	simm.s32 $0x1BF5;
	[smem:$0x3FAE] =	sst s0  }
0x18: {  	s0 =	sld [smem:$0x3F91];
	_ =	swait.ge [sflag:s4], $0x0  }
0x19: {  	s7 =	sld [smem:$0x3F92]  }
0x1a: {  	s8 =	sadd.s32 $0xFFFFE003, lr  }
0x1b: {  	s9 =	sadd.s32 $0xFFFFFEF7, lr;
	s5 =	simm.s32 $0xFFFFFFFF;
	p2 =	slt.u32 s8, $0xFFFFF086  }
0x1c: {  	p1 =	slt.u32 s9, $0xF7A;
	s5 =	simm.s32 @!p2 $0x0  }
0x1d: {  	s5 =	simm.s32 @p1 $0x1;
	p0 =	seq.s32 s7, s2  }
0x1e: {  	s7 =	smul.u32 @!p0 $0xF7A, s2;
	p2 =	seq.s32 @!p0 s5, $0x0  }
0x1f: {  	s9 =	smul.u32 $0xF7A, s1;
	s8 =	simm.s32 @!p0 $0x1BF5;
	p2 =	por !p2, p0  }
0x20: {  	[sflag:s8] =	ssyncset.s32 @!p0 $0xFFFFF086;
	s6 =	sadd.s32 @!p0 s3, s7;
	s7 =	simm.s32 @!p0 $0x108  }
0x21: {  	s3 =	sadd.s32 s3, s9;
	s6 =	sadd.s32 @!p0 $0x88, s6;
	s7 =	simm.s32 @p2 $0x1082  }
0x22: {  	[simem:s7], [sflag:s8] =	dma.local @!p0 [hbm:s6], $0xF7A  }
0x23: {  	s9 =	sor.u32 $0xD0000000, s2;
	s6 =	simm.s32 $0x108;
	_ =	swait.ge @!p0 [sflag:s8], $0x0  }
0x24: {  	s3 =	sadd.s32 $0x88, s3;
	s6 =	simm.s32 @!p1 $0x1082;
	[sflag:s4] =	ssyncset.s32 $0xFFFFF086  }
0x25: {  	[simem:s6], [sflag:s4] =	dma.local [hbm:s3], $0xF7A  }
0x26: {  	[smem:$0x3F92] =	sst s1;
	(tag) =	ssettag s2;
	_ =	strace s9  }
0x27: {  	s1 =	sld [smem:$0x3FA2]  }
0x28: {  	s2 =	sld [smem:$0x3FA3]  }
0x29: {  	s4 =	sld [smem:$0x3FA5]  }
0x2a: {  	p0 =	seq.s32 s5, $0x0;
	s5 =	sld [smem:$0x3FA6]  }
0x2b: {  	s6 =	sld [smem:$0x3FA7]  }
0x2c: {  	s7 =	sld [smem:$0x3FA8]  }
0x2d: {  	s3 =	simm.s32 $0x108;
	s8 =	sld [smem:$0x3FA9]  }
0x2e: {  	s3 =	simm.s32 @!p0 $0x1082;
	s9 =	sld [smem:$0x3FAA]  }
0x2f: {  	lr =	sadd.s32 s0, s3;
	s0 =	sld [smem:$0x3FA1]  }
0x30: {  	s3 =	sld [smem:$0x3FA4]  }
0x31: {  	[smem:$0x3FAD] =	sst s10  }
0x32: {  	s10 =	sld [smem:$0x3FAB];
	_ =	sdelay $0x3  }
0x33: {  	p0 =	seq.s32 s10, $0x1;
	s10 =	sld [smem:$0x3FAD];
	_ =	sdelay $0x3  }
0x34: {  	[smem:$0x3FAD] =	sst s10  }
0x35: {  	s10 =	sld [smem:$0x3FAC];
	_ =	sdelay $0x3  }
0x36: {  	p1 =	seq.s32 s10, $0x1;
	s10 =	sld [smem:$0x3FAD];
	_ =	sdelay $0x3  }
0x37: {  	[smem:$0x3FAD] =	sst s10  }
0x38: {  	s10 =	sld [smem:$0x3FAE]  }
0x39: {  	_ = 	snop;
	(pc) =	sbr.ind lr, $3  }
0x3a: {  	_ = 	snop  }
0x3b: {  	_ = 	snop  }
0x3c: {  	p2 =	seq.s32 s10, $0x1;
	s10 =	sld [smem:$0x3FAD]  }
0x3d: {  	_ =	shalt  }
0x3e: {  	_ =	shalt  }
0x3f: {  	_ =	shalt  }
0x40: {  	_ =	shalt  }
0x41: {  	_ =	shalt  }
0x42: {  	_ =	shalt  }
0x43: {  	_ =	shalt  }
0x44: {  	_ =	shalt  }
0x45: {  	_ =	shalt  }
0x46: {  	_ =	shalt  }
0x47: {  	_ =	shalt  }
0x48: {  	_ =	shalt  }
0x49: {  	_ =	shalt  }
0x4a: {  	_ =	shalt  }
0x4b: {  	_ =	shalt  }
0x4c: {  	_ =	shalt  }
0x4d: {  	_ =	shalt  }
0x4e: {  	_ =	shalt  }
0x4f: {  	_ =	shalt  }
0x50: {  	_ =	shalt  }
0x51: {  	_ =	shalt  }
0x52: {  	_ =	shalt  }
0x53: {  	_ =	shalt  }
0x54: {  	_ =	shalt  }
0x55: {  	_ =	shalt  }
0x56: {  	_ =	shalt  }
0x57: {  	_ =	shalt  }
0x58: {  	_ =	shalt  }
0x59: {  	_ =	shalt  }
0x5a: {  	_ =	shalt  }
0x5b: {  	_ =	shalt  }
0x5c: {  	_ =	shalt  }
0x5d: {  	_ =	shalt  }
0x5e: {  	_ =	shalt  }
0x5f: {  	_ =	shalt  }
0x60: {  	_ =	shalt  }
0x61: {  	_ =	shalt  }
0x62: {  	_ =	shalt  }
0x63: {  	_ =	shalt  }
0x64: {  	_ =	shalt  }
0x65: {  	_ =	shalt  }
0x66: {  	_ =	shalt  }
0x67: {  	_ =	shalt  }
0x68: {  	_ =	shalt  }
0x69: {  	_ =	shalt  }
0x6a: {  	_ =	shalt  }
0x6b: {  	_ =	shalt  }
0x6c: {  	_ =	shalt  }
0x6d: {  	_ =	shalt  }
0x6e: {  	_ =	shalt  }
0x6f: {  	_ =	shalt  }
0x70: {  	_ =	shalt  }
0x71: {  	_ =	shalt  }
0x72: {  	_ =	shalt  }
0x73: {  	_ =	shalt  }
0x74: {  	_ =	shalt  }
0x75: {  	_ =	shalt  }
0x76: {  	_ =	shalt  }
0x77: {  	_ =	shalt  }
0x78: {  	_ =	shalt  }
0x79: {  	_ =	shalt  }
0x7a: {  	_ =	shalt  }
0x7b: {  	_ =	shalt  }
0x7c: {  	_ =	shalt  }
0x7d: {  	_ =	shalt  }
0x7e: {  	_ =	shalt  }
0x7f: {  	_ =	shalt  }
0x80: {  	_ =	shalt  }
0x81: {  	_ =	shalt  }
0x82: {  	_ =	shalt  }
0x83: {  	_ =	shalt  }
0x84: {  	_ =	shalt  }
0x85: {  	_ =	shalt  }
0x86: {  	_ =	shalt  }
0x87: {  	_ =	shalt  }
.Lfunc_end0:
.L_simem_size_0:
called_computation_lowered:
.L_overlay_start_0:
0x88: {  	s2 =	sld [smem:$0x3FD9]  }
0x89: {  	s3 =	sld [smem:$0x3FFE];
	_ =	sdelay $0x1  }
0x8a: {  	s1 =	srdreg.scid  }
0x8b: {  	s0 =	sand.u32 $0x1, s1  }
0x8c: {  	s16 =	sshll.u32 s0, $0xA;
	s2 =	sadd.s32 s3, s2  }
0x8d: {  	s2 =	sadd.s32 s2, s16  }
0x8e: {  	[smem:$0x3FB9] =	sst s2  }
0x8f: {  	_ = 	snop  }
0x90: {  	(tm) =	ssettm $0x1  }
0x91: {  	s17 =	sld [smem:$0x3FFB];
	_ =	sdelay $0x3  }
0x92: {  	_ =	strace s17  }
0x93: {  	s2 =	sld [smem:$0x3FFC];
	_ =	sdelay $0x3  }
0x94: {  	_ =	strace s2  }
0x95: {  	s2 =	sld [smem:$0x3FFD];
	_ =	sdelay $0x3  }
0x96: {  	_ =	strace s2  }
0x97: {  	_ =	strace $0x8FFFFFFF  }
0x98: {  	s18 =	sld [smem:$0x3FDB];
	_ =	sdelay $0x1  }
0x99: {  	s19 =	simm.s32 $_scs_section_size  }
0x9a: {  	s4 =	simm.s32 $_size__tile_overlayer_lowered;
	s5 =	simm.s32 $_tile_overlayer_lowered  }
0x9b: {  	s22 =	simm.s32 $0x1BFF;
	s21 =	sshll.u32 s5, $0x1;
	s2 =	sadd.s32 s19, s18  }
0x9c: {  	s6 =	simm.s32 $0x0;
	s20 =	sshll.u32 s4, $0x1;
	s4 =	sadd.s32 s21, s2  }
0x9d: {  	[timem:s6], [sflag:s22] =	dma.local [hbm:s4], s20  }
0x9e: {  	_ =	swait.ge [sflag:s22], s20  }
0x9f: {  	s3 =	ssub.s32 $0x0, s20;
	[sflag:s22] =	ssyncset.done $0x0  }
0xa0: {  	[sflag:s22] =	ssyncadd.s32 s3;
	_ =	sdelay $0x1  }
0xa1: {  	s23 =	simm.s32 $0x1B8B  }
0xa2: {  	_ =	swait.ge [sflag:s23], $0x1  }
0xa3: {  	[sflag:s23] =	ssyncset.done $0x0  }
0xa4: {  	s25 =	simm.s32 $0x1B8E;
	s24 =	sld [smem:$0x3FFE];
	[sflag:s23] =	ssyncadd.s32 $0xFFFFFFFF  }
0xa5: {  	s26 =	simm.s32 $execute0_lowered;
	[smem:$0x3FD2] =	sst s25  }
0xa6: {  	s4 =	sshll.u32 s26, $0x1;
	_ =	strace $0x80000046;
	[dreg:$0x1] =	wrdreg $0xFFFFFFFF  }
0xa7: {  	s28 =	simm.s32 $_size_execute0_lowered;
	s2 =	sadd.s32 s2, s4;
	[dreg:$0x0] =	wrdreg $0x0  }
0xa8: {  	s4 =	sshll.u32 s28, $0x1;
	[dreg:$0x2] =	wrdreg s2  }
0xa9: {  	[dreg:$0x3] =	wrdreg s4  }
0xaa: {  	[dreg:$0x4] =	wrdreg $0xC0  }
0xab: {  	_ =	task [dreg:s6], $0x5FFFF  }
0xac: {  	[dreg:$0x1] =	wrdreg $0xFFFFFFFF  }
0xad: {  	[dreg:$0x0] =	wrdreg $0x60  }
0xae: {  	[dreg:$0x2] =	wrdreg s24  }
0xaf: {  	[dreg:$0x3] =	wrdreg $0x9  }
0xb0: {  	_ =	task.clear_ibuf [dreg:s6], $0x4FFFF;
	_ =	strace $0x90000046  }
0xb1: {  	s29 =	simm.s32 $0x9;
	_ =	strace $0x80000048  }
0xb2: {  	_ =	swait.ge [sflag:s29], $0x1  }
0xb3: {  	[sflag:s29] =	ssyncadd.s32 $0xFFFFFFFF  }
0xb4: {  	_ =	strace $0x90000048  }
0xb5: {  	_ =	sfence  }
0xb6: {  	s30 =	sld [smem:$0x0];
	_ =	sdelay $0x2  }
0xb7: {  	s31 =	sshll.u32 s1, $0xD;
	s1 =	sshrl.u32 s1, $0x2  }
0xb8: {  	s3 =	sand.u32 $0x4000, s31;
	s1 =	sadd.s32 s1, s30  }
0xb9: {  	s0 =	sor.u32 s3, s0;
	s1 =	sshll.u32 s1, $0x11  }
0xba: {  	s0 =	sor.u32 s1, s0  }
0xbb: {  	s0 =	sadd.s32 $0x8F2B, s0  }
0xbc: {  	[sflag:s0] =	ssyncadd.remote.s32 $0x1  }
0xbd: {  	_ =	sfence.sel $0xFFFF  }
0xbe: {  	[dreg:$0x0] =	wrdreg $0xFFFFFFFF;
	(pc) =	sbr.abs _section_cstart, $3  }
0xbf: {  	[dreg:$0x1] =	wrdreg $0xFFFFFFFF  }
0xc0: {  	_ =	task.clear_ibuf [dreg:s6], $0x2FFFF;
	_ =	strace $0x9FFFFFFF  }
0xc1: {  	(tm) =	ssettm $0x7FFFFFFF  }
tec
execute0_lowered:
.L_overlay_start_1:
0x0: {  	(tag) =	ssettag $0x1  }
0x1: {  	s1 =	srdreg.scid  }
0x2: {  	s0 =	stileid.u32;
	s4 =	rddreg [dreg:$0x0]  }
0x3: {  	s2 =	simm.s32 $0x0;
	s3 =	sand.u32 $0x1, s1;
	s31 =	sshll.u32 s0, $0x1  }
0x4: {  	s8 =	simm.s32 $0x2;
	s9 =	simm.s32 $0x1;
	s5 =	sor.u32 s3, s31  }
0x5: {  	s10 =	simm.s32 $0xC800;
	s11 =	simm.s32 $0x3;
	s6 =	smul.u32 $0x1900, s5  }
0x6: {  	s12 =	simm.s32 $0x0;
	[smem:$0x7FF] =	sst s2;
	s5 =	smul.u32 $0xC80, s5  }
0x7: {  	s1 =	rddreg [dreg:$0x1];
	s3 =	ssub.s32 $0x2, s3;
	_ =	strace $0x80000047  }
0x8: {  	s7 =	sshrl.u32 s3, $0x1;
	s6 =	sadd.s32 s6, s4;
	s4 =	sadd.s32 s5, s4  }
0x9: {  	s7 =	ssub.s32 s3, s7;
	s3 =	sadd.s32 $0x3A00, s6;
	s4 =	sadd.s32 $0x35A00, s4  }
0xa: {  	v0 =	vimm.f32 $0.0e+00;
	v1 =	vlaneseq.u32;
	s5 =	sadd.s32 $0x4EA00, s6;
	s6 =	smax.u32 s7, $0x1;
	s7 =	simm.s32 $0x19000  }
.LBB2_1:
0xb: {  	[tilespmem:s2], [sflag:$0x1] =	stream.linear.gather [hbm4b:s3+s2], $0xC800, $0x38;
	[tilespmem:$0x1F400] =	vst v63  }
0xc: {  	s13 =	simm.s32 $0x0;
	s14 =	simm.s32 $0x200  }
0xd: {  	[tilespmem:s7], [sflag:$0x2] =	stream.linear.gather [hbm4b:s4+s2], $0x6400, $0x38;
	[tilespmem:$0x1F400] =	vst v63  }
.LBB2_2:
0xe: {  	p0 =	sne.s32 s14, $0x31E00;
	[tilespmem:s13+$0xC870] =	vst v0  }
0xf: {  	[tilespmem:s13+$0xC800] =	vst v0  }
0x10: {  	[tilespmem:s13+$0xC810] =	vst v0  }
.Ltmp0:
0x11: {  	[tilespmem:s13+$0xC820] =	vst v0;
	(pc) =	sbr.rel @p0 .LBB2_2-.Ltmp0, $4  }
0x12: {  	[tilespmem:s13+$0xC830] =	vst v0  }
0x13: {  	[tilespmem:s13+$0xC840] =	vst v0  }
0x14: {  	[tilespmem:s13+$0xC850] =	vst v0  }
0x15: {  	[tilespmem:s13+$0xC860] =	vst v0;
	s13 =	sshra.s32 s14, $0x2;
	s14 =	sadd.s32 $0x200, s14  }
0x16: {  	[tilespmem:s13+$0xC870] =	vst v0  }
0x17: {  	[tilespmem:s13+$0xC800] =	vst v0  }
0x18: {  	[tilespmem:s13+$0xC810] =	vst v0  }
0x19: {  	[tilespmem:s13+$0xC820] =	vst v0  }
0x1a: {  	[tilespmem:s13+$0xC830] =	vst v0;
	s14 =	simm.s32 $0x0  }
0x1b: {  	[tilespmem:s13+$0xC840] =	vst v0;
	v15 =	vor.u32 s14, v1  }
0x1c: {  	[tilespmem:s13+$0xC850] =	vst v0;
	vm0 =	vlt.s32 v15, $0xC7  }
0x1d: {  	[tilespmem:s13+$0xC860] =	vst v0;
	v16 =	vnsel vm0, $0xC7, v15  }
0x1e: {  	_ =	swait.ge [sflag:s8], $0x6400;
	v2 =	vshll.u32 v16, $0x7  }
0x1f: {  	[sflag:s8] =	ssyncset.done $0x0;
	v3 =	vor.u32 $0x12, v2  }
0x20: {  	[sflag:s8] =	ssyncadd.s32 $0xFFFF9C00;
	v4 =	vor.u32 $0x10, v2  }
0x21: {  	_ =	swait.ge [sflag:s9], $0xC800;
	v5 =	vor.u32 $0x11, v2  }
0x22: {  	[sflag:s9] =	ssyncset.done $0x0;
	v6 =	vor.u32 $0x13, v2  }
0x23: {  	v9 =	vor.u32 $0x1C, v2;
	[sflag:s9] =	ssyncadd.s32 $0xFFFF3800  }
0x24: {  	v8 =	vor.u32 $0x15, v2;
	v3 =	vld.idx.msk [tilespmem:v3+s7+$0x0], $0xffff  }
0x25: {  	v11 =	vor.u32 $0x17, v2;
	v4 =	vld.idx.msk [tilespmem:v4+s7+$0x0], $0xffff  }
0x26: {  	v7 =	vor.u32 $0x14, v2;
	v10 =	vor.u32 $0x16, v2;
	v22 =	vor.u32 $0x1A, v2;
	v5 =	vld.idx.msk [tilespmem:v5+s7+$0x0], $0xffff  }
0x27: {  	v12 =	vor.u32 $0x18, v2;
	v13 =	vor.u32 $0x1, v2;
	v14 =	vor.u32 $0x19, v2;
	v6 =	vld.idx.msk [tilespmem:v6+s7+$0x0], $0xffff  }
0x28: {  	v23 =	vor.u32 $0x2, v2;
	v24 =	vor.u32 $0x4, v2;
	v37 =	vor.u32 $0x1F, v2;
	v30 =	vld.idx.msk [tilespmem:v9+s7+$0x0], $0xffff  }
0x29: {  	v19 =	vor.u32 $0xC, v2;
	v25 =	vor.u32 $0x1B, v2;
	v28 =	vor.u32 $0x1D, v2;
	v8 =	vld.idx.msk [tilespmem:v8+s7+$0x0], $0xffff  }
0x2a: {  	v26 =	vor.u32 $0x5, v2;
	v27 =	vor.u32 $0x6, v2;
	v29 =	vor.u32 $0x1E, v2;
	v11 =	vld.idx.msk [tilespmem:v11+s7+$0x0], $0xffff  }
0x2b: {  	v20 =	vor.u32 $0xE, v2;
	v18 =	vor.u32 $0xF, v2;
	v31 =	vor.u32 $0xA, v2;
	v22 =	vld.idx.msk [tilespmem:v22+s7+$0x0], $0xffff  }
0x2c: {  	v17 =	vor.u32 $0xB, v2;
	v21 =	vor.u32 $0xD, v2;
	v32 =	vor.u32 $0x7, v2;
	v14 =	vld.idx.msk [tilespmem:v14+s7+$0x0], $0xffff  }
0x2d: {  	v33 =	vor.u32 $0x8, v2;
	v34 =	vor.u32 $0x9, v2;
	v35 =	vor.u32 $0x3, v2;
	v37 =	vld.idx.msk [tilespmem:v37+s7+$0x0], $0xffff  }
0x2e: {  	v28 =	vld.idx.msk [tilespmem:v28+s7+$0x0], $0xffff;
	v9 =	vshrl.u32 v3, $0x7;
	v3 =	vand.u32 $0x7F, v3;
	v36 =	vshrl.u32 v4, $0x7  }
0x2f: {  	v29 =	vld.idx.msk [tilespmem:v29+s7+$0x0], $0xffff;
	v38 =	vshrl.u32 v5, $0x7;
	v39 =	vand.u32 $0x7F, v4;
	v40 =	vshrl.u32 v6, $0x7  }
0x30: {  	v5 =	vand.u32 $0x7F, v5;
	v6 =	vand.u32 $0x7F, v6;
	v61 =	vand.u32 $0x7F, v8  }
0x31: {  	v8 =	vshrl.u32 v8, $0x7;
	v43 =	vshrl.u32 v11, $0x7;
	v44 =	vand.u32 $0x7F, v22  }
0x32: {  	v7 =	vld.idx.msk [tilespmem:v7+s7+$0x0], $0xffff;
	v48 =	vshrl.u32 v14, $0x7;
	v11 =	vand.u32 $0x7F, v11;
	v49 =	vshrl.u32 v37, $0x7  }
0x33: {  	v19 =	vld.idx.msk [tilespmem:v19+s7+$0x0], $0xffff;
	v14 =	vand.u32 $0x7F, v14;
	v55 =	vshrl.u32 v28, $0x7;
	v28 =	vand.u32 $0x7F, v28  }
0x34: {  	v10 =	vld.idx.msk [tilespmem:v10+s7+$0x0], $0xffff;
	v57 =	vshrl.u32 v29, $0x7;
	v29 =	vand.u32 $0x7F, v29;
	v9 =	vmul.u32 $0xC8, v9  }
0x35: {  	v23 =	vld.idx.msk [tilespmem:v23+s7+$0x0], $0xffff;
	v36 =	vmul.u32 $0xC8, v36;
	v4 =	vmul.u32 $0xC8, v38;
	v40 =	vmul.u32 $0xC8, v40  }
0x36: {  	v13 =	vld.idx.msk [tilespmem:v13+s7+$0x0], $0xffff;
	v8 =	vmul.u32 $0xC8, v8;
	v43 =	vmul.u32 $0xC8, v43;
	v59 =	vmul.u32 $0xC8, v57  }
0x37: {  	v35 =	vld.idx.msk [tilespmem:v35+s7+$0x0], $0xffff;
	v60 =	vmul.u32 $0xC8, v49;
	v9 =	vadd.s32 v16, v9;
	v36 =	vadd.s32 v16, v36  }
0x38: {  	v38 =	vld.idx.msk [tilespmem:v2+s7+$0x0], $0xffff;
	v2 =	vadd.s32 v16, v4;
	v8 =	vadd.s32 v16, v8;
	v43 =	vadd.s32 v16, v43  }
0x39: {  	v25 =	vld.idx.msk [tilespmem:v25+s7+$0x0], $0xffff;
	v4 =	vshll.u32 v9, $0x7;
	v9 =	vshrl.u32 v7, $0x7;
	v41 =	vshll.u32 v2, $0x7  }
0x3a: {  	v24 =	vld.idx.msk [tilespmem:v24+s7+$0x0], $0xffff;
	v36 =	vshll.u32 v36, $0x7;
	v2 =	vor.u32 v3, v4;
	v3 =	vor.u32 v5, v41  }
0x3b: {  	v4 =	vmul.u32 $0xC8, v9;
	v9 =	vld.idx.msk [tilespmem:v12+s7+$0x0], $0xffff;
	v12 =	vshrl.u32 v30, $0x7;
	v5 =	vand.u32 $0x7F, v7  }
0x3c: {  	v27 =	vld.idx.msk [tilespmem:v27+s7+$0x0], $0xffff;
	v7 =	vshrl.u32 v10, $0x7;
	v10 =	vand.u32 $0x7F, v10;
	v30 =	vand.u32 $0x7F, v30  }
0x3d: {  	v26 =	vld.idx.msk [tilespmem:v26+s7+$0x0], $0xffff;
	v41 =	vmul.u32 $0xC8, v55;
	v7 =	vmul.u32 $0xC8, v7;
	v4 =	vadd.s32 v16, v4  }
0x3e: {  	v31 =	vld.idx.msk [tilespmem:v31+s7+$0x0], $0xffff;
	v47 =	vmul.u32 $0xC8, v12;
	v12 =	vand.u32 $0x7F, v25;
	v4 =	vshll.u32 v4, $0x7  }
0x3f: {  	v4 =	vor.u32 v5, v4;
	v5 =	vadd.s32 v16, v7;
	v7 =	vadd.s32 v16, v40;
	v62 =	vld.idx.msk [tilespmem:v3+s2+$0x0], $0xffff  }
0x40: {  	v32 =	vld.idx.msk [tilespmem:v32+s7+$0x0], $0xffff;
	v5 =	vshll.u32 v5, $0x7;
	v7 =	vshll.u32 v7, $0x7;
	v45 =	vand.u32 $0x7F, v9  }
0x41: {  	v33 =	vld.idx.msk [tilespmem:v33+s7+$0x0], $0xffff;
	v5 =	vor.u32 v10, v5;
	v10 =	vshrl.u32 v9, $0x7;
	v6 =	vor.u32 v6, v7  }
0x42: {  	v42 =	vld.idx.msk [tilespmem:v2+s2+$0x0], $0xffff;
	v7 =	vor.u32 v39, v36;
	v9 =	vshrl.u32 v22, $0x7;
	v10 =	vmul.u32 $0xC8, v10  }
0x43: {  	v20 =	vld.idx.msk [tilespmem:v20+s7+$0x0], $0xffff;
	v22 =	vmul.u32 $0xC8, v48;
	v36 =	vadd.s32 v16, v60;
	v50 =	vmul.u32 $0xC8, v9  }
0x44: {  	v21 =	vld.idx.msk [tilespmem:v21+s7+$0x0], $0xffff;
	v10 =	vadd.s32 v16, v10;
	v40 =	vadd.f32 v62, v13;
	v13 =	vshll.u32 v43, $0x7  }
0x45: {  	v49 =	vld.idx.msk [tilespmem:v17+s7+$0x0], $0xffff;
	v9 =	vor.u32 v11, v13;
	v11 =	vshrl.u32 v25, $0x7;
	v13 =	vshll.u32 v8, $0x7  }
0x46: {  	v63 =	vld.idx.msk [tilespmem:v4+s2+$0x0], $0xffff;
	v8 =	vshll.u32 v10, $0x7;
	v10 =	vmul.u32 $0xC8, v11;
	v11 =	vor.u32 v61, v13  }
0x47: {  	v52 =	vadd.s32 v16, v50;
	v50 =	vshll.u32 v36, $0x7;
	v23 =	vadd.f32 v42, v23;
	v51 =	vld.idx.msk [tilespmem:v7+s2+$0x0], $0xffff  }
0x48: {  	v53 =	vshll.u32 v52, $0x7;
	v46 =	vld.idx.msk [tilespmem:v6+s2+$0x0], $0xffff;
	v13 =	vadd.s32 v16, v22;
	v10 =	vadd.s32 v16, v10  }
0x49: {  	v42 =	vld.idx.msk [tilespmem:v5+s2+$0x0], $0xffff;
	v8 =	vor.u32 v45, v8;
	v13 =	vshll.u32 v13, $0x7;
	v10 =	vshll.u32 v10, $0x7  }
0x4a: {  	v62 =	vadd.s32 v16, v41;
	v22 =	vld.idx.msk [tilespmem:v34+s7+$0x0], $0xffff;
	v10 =	vor.u32 v12, v10;
	v12 =	vor.u32 v14, v13  }
0x4b: {  	v25 =	vand.u32 $0x7F, v37;
	v14 =	vadd.s32 v16, v47;
	v13 =	vor.u32 v44, v53;
	v56 =	vld.idx.msk [tilespmem:v11+s2+$0x0], $0xffff  }
0x4c: {  	v54 =	vld.idx.msk [tilespmem:v9+s2+$0x0], $0xffff;
	v34 =	vadd.f32 v51, v38;
	v38 =	vshll.u32 v62, $0x7;
	v14 =	vshll.u32 v14, $0x7  }
0x4d: {  	v51 =	vld.idx.msk [tilespmem:v18+s7+$0x0], $0xffff;
	v14 =	vor.u32 v30, v14;
	v30 =	vadd.f32 v46, v35;
	v35 =	vadd.s32 v16, v59  }
0x4e: {  	v58 =	vld.idx.msk [tilespmem:v8+s2+$0x0], $0xffff;
	v17 =	vor.u32 v28, v38;
	v16 =	vmax.f32 v34, v40;
	v35 =	vshll.u32 v35, $0x7  }
0x4f: {  	v24 =	vadd.f32 v63, v24;
	v28 =	vmax.f32 v16, v23;
	v16 =	vor.u32 v29, v35;
	v63 =	vld.idx.msk [tilespmem:v12+s2+$0x0], $0xffff  }
0x50: {  	v18 =	vor.u32 v25, v50;
	v28 =	vmax.f32 v28, v30;
	v48 =	vld.idx.msk [tilespmem:v13+s2+$0x0], $0xffff;
	v26 =	vadd.f32 v56, v26  }
0x51: {  	v25 =	vadd.f32 v42, v27;
	v61 =	vld.idx.msk [tilespmem:v10+s2+$0x0], $0xffff;
	v27 =	vmax.f32 v28, v24  }
0x52: {  	v28 =	vadd.f32 v54, v32;
	v29 =	vld.idx.msk [tilespmem:v14+s2+$0x0], $0xffff;
	v27 =	vmax.f32 v27, v26  }
0x53: {  	v52 =	vadd.f32 v58, v33;
	v53 =	vld.idx.msk [tilespmem:v17+s2+$0x0], $0xffff;
	v27 =	vmax.f32 v27, v25  }
0x54: {  	v54 =	vld.idx.msk [tilespmem:v16+s2+$0x0], $0xffff;
	v22 =	vadd.f32 v63, v22;
	v27 =	vmax.f32 v27, v28  }
0x55: {  	v55 =	vld.idx.msk [tilespmem:v18+s2+$0x0], $0xffff;
	v31 =	vadd.f32 v48, v31;
	v27 =	vmax.f32 v27, v52  }
0x56: {  	v56 =	vadd.f32 v61, v49;
	v27 =	vmax.f32 v27, v22  }
0x57: {  	v29 =	vadd.f32 v29, v19;
	v19 =	vmax.f32 v27, v31  }
0x58: {  	v27 =	vadd.f32 v53, v21;
	v19 =	vmax.f32 v19, v56  }
0x59: {  	v57 =	vadd.f32 v54, v20;
	v19 =	vmax.f32 v19, v29  }
0x5a: {  	v58 =	vadd.f32 v55, v51;
	v19 =	vmax.f32 v19, v27  }
0x5b: {  	v19 =	vmax.f32 v19, v57  }
0x5c: {  	v36 =	vmax.f32 v19, v58  }
0x5d: {  	v19 =	vsub.f32 v34, v36;
	_ =	sdelay $0x1  }
0x5e: {  	v20 =	vsub.f32 v40, v36;
	v19 =	vmul.f32 $1.442695020e+00, v19;
	_ =	sdelay $0x1  }
0x5f: {  	v21 =	vsub.f32 v23, v36;
	v20 =	vmul.f32 $1.442695020e+00, v20;
	(erf) = vpow2.f32 v19;
	_ =	sdelay $0x1  }
0x60: {  	v21 =	vmul.f32 $1.442695020e+00, v21;
	v19 =	vsub.f32 v30, v36;
	(erf) = vpow2.f32 v20;
	_ =	sdelay $0x1  }
0x61: {  	v20 =	vsub.f32 v24, v36;
	v19 =	vmul.f32 $1.442695020e+00, v19;
	(erf) = vpow2.f32 v21;
	_ =	sdelay $0x1  }
0x62: {  	v20 =	vmul.f32 $1.442695020e+00, v20;
	(erf) = vpow2.f32 v19  }
0x63: {  	v21 =	vsub.f32 v26, v36  }
0x64: {  	(erf) = vpow2.f32 v20  }
0x65: {  	v23 =	vsub.f32 v25, v36;
	v21 =	vmul.f32 $1.442695020e+00, v21;
	v19 =	vpop (erf)  }
0x66: {  	v25 =	vadd.f32 $0.0e+00, v19  }
0x67: {  	v23 =	vmul.f32 $1.442695020e+00, v23;
	v24 =	vsub.f32 v28, v36;
	(erf) = vpow2.f32 v21;
	v20 =	vpop (erf)  }
0x68: {  	v26 =	vsub.f32 v52, v36;
	v25 =	vadd.f32 v25, v20  }
0x69: {  	v24 =	vmul.f32 $1.442695020e+00, v24;
	(erf) = vpow2.f32 v23;
	v23 =	vsub.f32 v22, v36;
	v21 =	vpop (erf)  }
0x6a: {  	v25 =	vadd.f32 v25, v21  }
0x6b: {  	v26 =	vmul.f32 $1.442695020e+00, v26;
	(erf) = vpow2.f32 v24;
	v22 =	vpop (erf)  }
0x6c: {  	v24 =	vsub.f32 v31, v36;
	v25 =	vadd.f32 v25, v22  }
0x6d: {  	v28 =	vmul.f32 $1.442695020e+00, v23;
	(erf) = vpow2.f32 v26;
	v23 =	vpop (erf)  }
0x6e: {  	v26 =	vsub.f32 v56, v36;
	v25 =	vadd.f32 v25, v23  }
0x6f: {  	v30 =	vmul.f32 $1.442695020e+00, v24  }
0x70: {  	(erf) = vpow2.f32 v28;
	v26 =	vmul.f32 $1.442695020e+00, v26;
	v24 =	vpop (erf)  }
0x71: {  	v28 =	vsub.f32 v29, v36;
	v29 =	vadd.f32 v25, v24  }
0x72: {  	v27 =	vsub.f32 v27, v36;
	(erf) = vpow2.f32 v30;
	v25 =	vpop (erf)  }
0x73: {  	v29 =	vadd.f32 v29, v25  }
0x74: {  	(erf) = vpow2.f32 v26;
	v26 =	vpop (erf)  }
0x75: {  	v28 =	vmul.f32 $1.442695020e+00, v28;
	v29 =	vadd.f32 v29, v26  }
0x76: {  	v31 =	vmul.f32 $1.442695020e+00, v27;
	v27 =	vpop (erf)  }
0x77: {  	v30 =	vsub.f32 v57, v36;
	(erf) = vpow2.f32 v28;
	v29 =	vadd.f32 v29, v27;
	_ =	sdelay $0x1  }
0x78: {  	v59 =	vsub.f32 v58, v36;
	v30 =	vmul.f32 $1.442695020e+00, v30;
	(erf) = vpow2.f32 v31;
	v28 =	vpop (erf)  }
0x79: {  	v60 =	vadd.f32 v29, v28  }
0x7a: {  	v31 =	vmul.f32 $1.442695020e+00, v59;
	(erf) = vpow2.f32 v30;
	v29 =	vpop (erf)  }
0x7b: {  	v32 =	vadd.f32 v60, v29  }
0x7c: {  	(erf) = vpow2.f32 v31;
	v30 =	vpop (erf)  }
0x7d: {  	v32 =	vadd.f32 v32, v30;
	_ =	sdelay $0x1  }
0x7e: {  	v31 =	vpop (erf)  }
0x7f: {  	v61 =	vadd.f32 v32, v31  }
0x80: {  	v32 =	vpop (erf)  }
0x81: {  	v62 =	vadd.f32 v61, v32  }
0x82: {  	v33 =	vpop (erf)  }
0x83: {  	v63 =	vadd.f32 v62, v33  }
0x84: {  	v34 =	vpop (erf)  }
0x85: {  	v35 =	vadd.f32 v63, v34;
	_ =	sdelay $0x1  }
0x86: {  	(erf) = vrcp.f32 v35;
	_ =	sdelay $0x5  }
0x87: {  	s13 =	simm.s32 $0x10;
	vm0 =	vlt.u32 v15, $0xC8  }
.LBB2_4:
0x88: {  	_ =	sdelay $0x1  }
0x89: {  	p0 =	sne.s32 s13, $0xC0;
	s14 =	smov.u32 s13;
	s13 =	sadd.s32 $0x10, s13;
	v35 =	vpop (erf)  }
0x8a: {  	v15 =	vmul.f32 v35, v19  }
0x8b: {  	v19 =	vmul.f32 v35, v20  }
0x8c: {  	[tilespmem:v7+s10+$0x0] =	vst.idx.add.f32.msk vm0, v15;
	v7 =	vmul.f32 v35, v21  }
0x8d: {  	[tilespmem:v3+s10+$0x0] =	vst.idx.add.f32.msk vm0, v19;
	v3 =	vmul.f32 v35, v22  }
0x8e: {  	[tilespmem:v2+s10+$0x0] =	vst.idx.add.f32.msk vm0, v7;
	v2 =	vmul.f32 v35, v23  }
0x8f: {  	[tilespmem:v6+s10+$0x0] =	vst.idx.add.f32.msk vm0, v3;
	v3 =	vmul.f32 v35, v24  }
0x90: {  	[tilespmem:v4+s10+$0x0] =	vst.idx.add.f32.msk vm0, v2;
	v2 =	vmul.f32 v35, v25  }
0x91: {  	[tilespmem:v11+s10+$0x0] =	vst.idx.add.f32.msk vm0, v3;
	v3 =	vmul.f32 v35, v26  }
0x92: {  	v15 =	vor.u32 s14, v1;
	v4 =	vmul.f32 v35, v34;
	[tilespmem:v5+s10+$0x0] =	vst.idx.add.f32.msk vm0, v2;
	v2 =	vmul.f32 v35, v27  }
0x93: {  	vm1 =	vlt.s32 v15, $0xC7;
	v5 =	vmul.f32 v35, v33;
	[tilespmem:v9+s10+$0x0] =	vst.idx.add.f32.msk vm0, v3;
	v3 =	vmul.f32 v35, v28  }
0x94: {  	v19 =	vnsel vm1, $0xC7, v15;
	v6 =	vmul.f32 v35, v32;
	[tilespmem:v8+s10+$0x0] =	vst.idx.add.f32.msk vm0, v2;
	v2 =	vmul.f32 v35, v29  }
0x95: {  	v7 =	vshll.u32 v19, $0x7;
	v8 =	vmul.f32 v35, v31;
	[tilespmem:v12+s10+$0x0] =	vst.idx.add.f32.msk vm0, v3;
	v3 =	vmul.f32 v35, v30  }
0x96: {  	v20 =	vor.u32 $0x11, v7;
	v11 =	vor.u32 $0x12, v7;
	v12 =	vor.u32 $0x10, v7;
	[tilespmem:v13+s10+$0x0] =	vst.idx.add.f32.msk vm0, v2  }
0x97: {  	v22 =	vor.u32 $0x15, v7;
	v2 =	vor.u32 $0x13, v7;
	v13 =	vor.u32 $0x14, v7;
	[tilespmem:v10+s10+$0x0] =	vst.idx.add.f32.msk vm0, v3  }
0x98: {  	v23 =	vor.u32 $0x17, v7;
	v24 =	vor.u32 $0x18, v7;
	v3 =	vor.u32 $0x16, v7;
	[tilespmem:v14+s10+$0x0] =	vst.idx.add.f32.msk vm0, v8  }
0x99: {  	v25 =	vor.u32 $0x19, v7;
	v26 =	vor.u32 $0x1A, v7;
	v8 =	vor.u32 $0x1, v7;
	[tilespmem:v17+s10+$0x0] =	vst.idx.add.f32.msk vm0, v6  }
0x9a: {  	v27 =	vor.u32 $0x4, v7;
	v28 =	vor.u32 $0x1B, v7;
	v6 =	vor.u32 $0x2, v7;
	[tilespmem:v16+s10+$0x0] =	vst.idx.add.f32.msk vm0, v5  }
0x9b: {  	v9 =	vor.u32 $0x5, v7;
	v29 =	vor.u32 $0x6, v7;
	v5 =	vor.u32 $0x1C, v7;
	[tilespmem:v18+s10+$0x0] =	vst.idx.add.f32.msk vm0, v4  }
0x9c: {  	v30 =	vor.u32 $0x1D, v7;
	v4 =	vld.idx.msk [tilespmem:v11+s7+$0x0], $0xffff;
	v11 =	vor.u32 $0x1E, v7  }
0x9d: {  	v12 =	vld.idx.msk [tilespmem:v12+s7+$0x0], $0xffff  }
0x9e: {  	v32 =	vor.u32 $0xC, v7;
	v31 =	vld.idx.msk [tilespmem:v20+s7+$0x0], $0xffff  }
0x9f: {  	v18 =	vor.u32 $0xF, v7;
	v20 =	vor.u32 $0xE, v7;
	v2 =	vld.idx.msk [tilespmem:v2+s7+$0x0], $0xffff  }
0xa0: {  	v21 =	vor.u32 $0xD, v7;
	v33 =	vor.u32 $0xA, v7;
	v16 =	vor.u32 $0xB, v7;
	v14 =	vld.idx.msk [tilespmem:v5+s7+$0x0], $0xffff  }
0xa1: {  	v34 =	vor.u32 $0x9, v7;
	v10 =	vor.u32 $0x7, v7;
	v17 =	vor.u32 $0x8, v7;
	v5 =	vld.idx.msk [tilespmem:v22+s7+$0x0], $0xffff  }
0xa2: {  	v35 =	vor.u32 $0x3, v7;
	v22 =	vshrl.u32 v4, $0x7;
	v4 =	vand.u32 $0x7F, v4;
	v13 =	vld.idx.msk [tilespmem:v13+s7+$0x0], $0xffff  }
0xa3: {  	v36 =	vshrl.u32 v12, $0x7;
	v37 =	vmul.u32 $0xC8, v22;
	v22 =	vld.idx.msk [tilespmem:v32+s7+$0x0], $0xffff;
	v32 =	vor.u32 $0x1F, v7  }
0xa4: {  	v12 =	vand.u32 $0x7F, v12;
	v36 =	vmul.u32 $0xC8, v36;
	v38 =	vshrl.u32 v31, $0x7;
	v39 =	vld.idx.msk [tilespmem:v3+s7+$0x0], $0xffff  }
0xa5: {  	v3 =	vmul.u32 $0xC8, v38;
	v37 =	vadd.s32 v19, v37;
	v38 =	vshrl.u32 v2, $0x7;
	v40 =	vld.idx.msk [tilespmem:v23+s7+$0x0], $0xffff  }
0xa6: {  	v31 =	vand.u32 $0x7F, v31;
	v23 =	vld.idx.msk [tilespmem:v7+s7+$0x0], $0xffff;
	v7 =	vadd.s32 v19, v36;
	v36 =	vshrl.u32 v14, $0x7  }
0xa7: {  	v3 =	vadd.s32 v19, v3;
	v41 =	vld.idx.msk [tilespmem:v6+s7+$0x0], $0xffff;
	v6 =	vshll.u32 v37, $0x7;
	v37 =	vand.u32 $0x7F, v2  }
0xa8: {  	v3 =	vshll.u32 v3, $0x7;
	v42 =	vshrl.u32 v13, $0x7;
	v13 =	vand.u32 $0x7F, v13;
	v26 =	vld.idx.msk [tilespmem:v26+s7+$0x0], $0xffff  }
0xa9: {  	v2 =	vor.u32 v4, v6;
	v4 =	vmul.u32 $0xC8, v42;
	v42 =	vand.u32 $0x7F, v5;
	v24 =	vld.idx.msk [tilespmem:v24+s7+$0x0], $0xffff  }
0xaa: {  	v3 =	vor.u32 v31, v3;
	v5 =	vshrl.u32 v5, $0x7;
	v6 =	vshrl.u32 v39, $0x7;
	v25 =	vld.idx.msk [tilespmem:v25+s7+$0x0], $0xffff  }
0xab: {  	v31 =	vmul.u32 $0xC8, v38;
	v4 =	vadd.s32 v19, v4;
	v6 =	vmul.u32 $0xC8, v6;
	v8 =	vld.idx.msk [tilespmem:v8+s7+$0x0], $0xffff  }
0xac: {  	v7 =	vshll.u32 v7, $0x7;
	v5 =	vmul.u32 $0xC8, v5;
	v4 =	vshll.u32 v4, $0x7;
	v32 =	vld.idx.msk [tilespmem:v32+s7+$0x0], $0xffff  }
0xad: {  	v31 =	vadd.s32 v19, v31;
	v4 =	vor.u32 v13, v4;
	v13 =	vshrl.u32 v40, $0x7;
	v35 =	vld.idx.msk [tilespmem:v35+s7+$0x0], $0xffff  }
0xae: {  	v31 =	vshll.u32 v31, $0x7;
	v6 =	vadd.s32 v19, v6;
	v43 =	vand.u32 $0x7F, v26;
	v38 =	vld.idx.msk [tilespmem:v2+s2+$0x0], $0xffff  }
0xaf: {  	v45 =	vadd.s32 v19, v5;
	v5 =	vshll.u32 v6, $0x7;
	v6 =	vand.u32 $0x7F, v39;
	v44 =	vld.idx.msk [tilespmem:v3+s2+$0x0], $0xffff  }
0xb0: {  	v7 =	vor.u32 v12, v7;
	v5 =	vor.u32 v6, v5;
	v12 =	vld.idx.msk [tilespmem:v27+s7+$0x0], $0xffff;
	v27 =	vshrl.u32 v24, $0x7  }
0xb1: {  	v6 =	vor.u32 v37, v31;
	v31 =	vshrl.u32 v25, $0x7;
	v27 =	vmul.u32 $0xC8, v27;
	v28 =	vld.idx.msk [tilespmem:v28+s7+$0x0], $0xffff  }
0xb2: {  	v39 =	vand.u32 $0x7F, v40;
	v26 =	vshrl.u32 v26, $0x7;
	v40 =	vand.u32 $0x7F, v24;
	v37 =	vld.idx.msk [tilespmem:v4+s2+$0x0], $0xffff  }
0xb3: {  	v13 =	vmul.u32 $0xC8, v13;
	v31 =	vmul.u32 $0xC8, v31;
	v46 =	vshrl.u32 v32, $0x7;
	v30 =	vld.idx.msk [tilespmem:v30+s7+$0x0], $0xffff  }
0xb4: {  	v26 =	vmul.u32 $0xC8, v26;
	v24 =	vadd.f32 v38, v41;
	v27 =	vadd.s32 v19, v27;
	v29 =	vld.idx.msk [tilespmem:v29+s7+$0x0], $0xffff  }
0xb5: {  	v36 =	vmul.u32 $0xC8, v36;
	v38 =	vshll.u32 v45, $0x7;
	v27 =	vshll.u32 v27, $0x7;
	v41 =	vld.idx.msk [tilespmem:v5+s2+$0x0], $0xffff  }
0xb6: {  	v13 =	vadd.s32 v19, v13;
	v44 =	vadd.f32 v44, v8;
	v8 =	vor.u32 v40, v27;
	v45 =	vld.idx.msk [tilespmem:v6+s2+$0x0], $0xffff  }
0xb7: {  	v13 =	vshll.u32 v13, $0x7;
	v27 =	vshrl.u32 v28, $0x7;
	v28 =	vand.u32 $0x7F, v28;
	v40 =	vld.idx.msk [tilespmem:v11+s7+$0x0], $0xffff  }
0xb8: {  	v11 =	vor.u32 v42, v38;
	v47 =	vld.idx.msk [tilespmem:v9+s7+$0x0], $0xffff;
	v9 =	vor.u32 v39, v13;
	v13 =	vmul.u32 $0xC8, v27  }
0xb9: {  	v25 =	vand.u32 $0x7F, v25;
	v32 =	vand.u32 $0x7F, v32;
	v27 =	vadd.s32 v19, v31;
	v31 =	vld.idx.msk [tilespmem:v33+s7+$0x0], $0xffff  }
0xba: {  	v26 =	vadd.s32 v19, v26;
	v27 =	vshll.u32 v27, $0x7;
	v33 =	vld.idx.msk [tilespmem:v34+s7+$0x0], $0xffff;
	v13 =	vadd.s32 v19, v13  }
0xbb: {  	v26 =	vshll.u32 v26, $0x7;
	v37 =	vadd.f32 v37, v12;
	v34 =	vld.idx.msk [tilespmem:v7+s2+$0x0], $0xffff;
	v13 =	vshll.u32 v13, $0x7  }
0xbc: {  	v29 =	vadd.f32 v41, v29;
	v12 =	vor.u32 v25, v27;
	v38 =	vld.idx.msk [tilespmem:v10+s7+$0x0], $0xffff;
	v10 =	vor.u32 v28, v13  }
0xbd: {  	v27 =	vadd.s32 v19, v36;
	v28 =	vshrl.u32 v30, $0x7;
	v30 =	vand.u32 $0x7F, v30;
	v25 =	vld.idx.msk [tilespmem:v9+s2+$0x0], $0xffff  }
0xbe: {  	v13 =	vor.u32 v43, v26;
	v26 =	vshll.u32 v27, $0x7;
	v27 =	vshrl.u32 v40, $0x7;
	v36 =	vld.idx.msk [tilespmem:v11+s2+$0x0], $0xffff  }
0xbf: {  	v14 =	vand.u32 $0x7F, v14;
	v35 =	vadd.f32 v45, v35;
	v39 =	vld.idx.msk [tilespmem:v17+s7+$0x0], $0xffff;
	v17 =	vmul.u32 $0xC8, v28  }
0xc0: {  	v14 =	vor.u32 v14, v26;
	v26 =	vmul.u32 $0xC8, v27;
	v27 =	vmul.u32 $0xC8, v46;
	v28 =	vld.idx.msk [tilespmem:v8+s2+$0x0], $0xffff  }
0xc1: {  	v40 =	vand.u32 $0x7F, v40;
	v23 =	vadd.f32 v34, v23;
	v34 =	vld.idx.msk [tilespmem:v10+s2+$0x0], $0xffff;
	v17 =	vadd.s32 v19, v17  }
0xc2: {  	v26 =	vadd.s32 v19, v26;
	v19 =	vadd.s32 v19, v27;
	v41 =	vld.idx.msk [tilespmem:v12+s2+$0x0], $0xffff;
	v17 =	vshll.u32 v17, $0x7  }
0xc3: {  	v26 =	vshll.u32 v26, $0x7;
	v27 =	vmax.f32 v23, v44;
	v25 =	vadd.f32 v25, v38;
	v38 =	vld.idx.msk [tilespmem:v13+s2+$0x0], $0xffff  }
0xc4: {  	v27 =	vmax.f32 v27, v24;
	v17 =	vor.u32 v30, v17;
	v42 =	vld.idx.msk [tilespmem:v16+s7+$0x0], $0xffff;
	v16 =	vor.u32 v40, v26  }
0xc5: {  	v19 =	vshll.u32 v19, $0x7;
	v26 =	vmax.f32 v27, v35;
	v27 =	vadd.f32 v36, v47;
	v30 =	vld.idx.msk [tilespmem:v14+s2+$0x0], $0xffff  }
0xc6: {  	v26 =	vmax.f32 v26, v37;
	v36 =	vld.idx.msk [tilespmem:v18+s7+$0x0], $0xffff;
	v18 =	vor.u32 v32, v19  }
0xc7: {  	v19 =	vmax.f32 v26, v27;
	v26 =	vadd.f32 v28, v39;
	v20 =	vld.idx.msk [tilespmem:v20+s7+$0x0], $0xffff  }
0xc8: {  	v19 =	vmax.f32 v19, v29;
	v28 =	vadd.f32 v41, v33;
	v21 =	vld.idx.msk [tilespmem:v21+s7+$0x0], $0xffff  }
0xc9: {  	v19 =	vmax.f32 v19, v25;
	v31 =	vadd.f32 v38, v31;
	v32 =	vld.idx.msk [tilespmem:v17+s2+$0x0], $0xffff  }
0xca: {  	v19 =	vmax.f32 v19, v26;
	v33 =	vadd.f32 v34, v42;
	v34 =	vld.idx.msk [tilespmem:v16+s2+$0x0], $0xffff  }
0xcb: {  	v19 =	vmax.f32 v19, v28;
	v22 =	vadd.f32 v30, v22;
	v30 =	vld.idx.msk [tilespmem:v18+s2+$0x0], $0xffff  }
0xcc: {  	v19 =	vmax.f32 v19, v31  }
0xcd: {  	v19 =	vmax.f32 v19, v33  }
0xce: {  	v19 =	vmax.f32 v19, v22  }
0xcf: {  	v21 =	vadd.f32 v32, v21  }
0xd0: {  	v20 =	vadd.f32 v34, v20  }
0xd1: {  	v19 =	vmax.f32 v19, v21;
	v30 =	vadd.f32 v30, v36  }
0xd2: {  	v19 =	vmax.f32 v19, v20  }
0xd3: {  	v19 =	vmax.f32 v19, v30  }
0xd4: {  	v23 =	vsub.f32 v23, v19;
	v32 =	vsub.f32 v44, v19  }
0xd5: {  	v24 =	vsub.f32 v24, v19;
	v34 =	vsub.f32 v35, v19  }
0xd6: {  	v35 =	vsub.f32 v37, v19;
	v23 =	vmul.f32 $1.442695020e+00, v23;
	v32 =	vmul.f32 $1.442695020e+00, v32  }
0xd7: {  	v27 =	vsub.f32 v27, v19;
	v24 =	vmul.f32 $1.442695020e+00, v24;
	v34 =	vmul.f32 $1.442695020e+00, v34  }
0xd8: {  	v29 =	vsub.f32 v29, v19;
	v35 =	vmul.f32 $1.442695020e+00, v35;
	(erf) = vpow2.f32 v23  }
0xd9: {  	v25 =	vsub.f32 v25, v19;
	v26 =	vsub.f32 v26, v19;
	v23 =	vmul.f32 $1.442695020e+00, v27  }
0xda: {  	v28 =	vsub.f32 v28, v19;
	v27 =	vmul.f32 $1.442695020e+00, v29;
	(erf) = vpow2.f32 v32  }
0xdb: {  	v25 =	vmul.f32 $1.442695020e+00, v25;
	v26 =	vmul.f32 $1.442695020e+00, v26;
	v29 =	vsub.f32 v31, v19  }
0xdc: {  	v28 =	vmul.f32 $1.442695020e+00, v28;
	v31 =	vsub.f32 v33, v19;
	(erf) = vpow2.f32 v24  }
0xdd: {  	v22 =	vsub.f32 v22, v19;
	v21 =	vsub.f32 v21, v19;
	v29 =	vmul.f32 $1.442695020e+00, v29  }
0xde: {  	v20 =	vsub.f32 v20, v19;
	v31 =	vmul.f32 $1.442695020e+00, v31;
	(erf) = vpow2.f32 v34  }
0xdf: {  	v33 =	vmul.f32 $1.442695020e+00, v21;
	v21 =	vsub.f32 v30, v19;
	v32 =	vmul.f32 $1.442695020e+00, v22  }
0xe0: {  	v30 =	vmul.f32 $1.442695020e+00, v20;
	(erf) = vpow2.f32 v35  }
0xe1: {  	v34 =	vmul.f32 $1.442695020e+00, v21;
	v19 =	vpop (erf)  }
0xe2: {  	v24 =	vadd.f32 $0.0e+00, v19;
	(erf) = vpow2.f32 v23  }
0xe3: {  	v20 =	vpop (erf)  }
0xe4: {  	v24 =	vadd.f32 v24, v20;
	(erf) = vpow2.f32 v27  }
0xe5: {  	v21 =	vpop (erf)  }
0xe6: {  	v27 =	vadd.f32 v24, v21;
	(erf) = vpow2.f32 v25  }
0xe7: {  	v22 =	vpop (erf)  }
0xe8: {  	v27 =	vadd.f32 v27, v22;
	(erf) = vpow2.f32 v26  }
0xe9: {  	v23 =	vpop (erf)  }
0xea: {  	v27 =	vadd.f32 v27, v23;
	(erf) = vpow2.f32 v28  }
0xeb: {  	v24 =	vpop (erf)  }
0xec: {  	v28 =	vadd.f32 v27, v24;
	(erf) = vpow2.f32 v29  }
0xed: {  	v25 =	vpop (erf)  }
0xee: {  	v29 =	vadd.f32 v28, v25;
	(erf) = vpow2.f32 v31  }
0xef: {  	v26 =	vpop (erf)  }
0xf0: {  	v31 =	vadd.f32 v29, v26;
	(erf) = vpow2.f32 v32  }
0xf1: {  	v27 =	vpop (erf)  }
0xf2: {  	v32 =	vadd.f32 v31, v27;
	(erf) = vpow2.f32 v33  }
0xf3: {  	v28 =	vpop (erf)  }
0xf4: {  	v31 =	vadd.f32 v32, v28;
	(erf) = vpow2.f32 v30  }
0xf5: {  	v29 =	vpop (erf)  }
0xf6: {  	v33 =	vadd.f32 v31, v29;
	(erf) = vpow2.f32 v34  }
0xf7: {  	v30 =	vpop (erf)  }
0xf8: {  	v34 =	vadd.f32 v33, v30  }
0xf9: {  	v31 =	vpop (erf)  }
0xfa: {  	v35 =	vadd.f32 v34, v31  }
0xfb: {  	v32 =	vpop (erf)  }
0xfc: {  	v36 =	vadd.f32 v35, v32  }
0xfd: {  	v33 =	vpop (erf)  }
0xfe: {  	v35 =	vadd.f32 v36, v33  }
0xff: {  	v34 =	vpop (erf)  }
0x100: {  	v35 =	vadd.f32 v35, v34;
	_ =	sdelay $0x1  }
0x101: {  	(erf) = vrcp.f32 v35;
	_ =	sdelay $0x1  }
.Ltmp1:
0x102: {  	(pc) =	sbr.rel @p0 .LBB2_4-.Ltmp1, $2  }
0x103: {  	_ =	sdelay $0x2  }
0x104: {  	vm0 =	vlt.u32 v15, $0xC8  }
0x105: {  	_ =	sdelay $0x1  }
0x106: {  	v15 =	vpop (erf)  }
0x107: {  	v19 =	vmul.f32 v15, v19  }
0x108: {  	v20 =	vmul.f32 v15, v20  }
0x109: {  	v61 =	vmul.f32 v15, v21;
	[tilespmem:v7+s10+$0x0] =	vst.idx.add.f32.msk vm0, v19  }
0x10a: {  	[tilespmem:v3+s10+$0x0] =	vst.idx.add.f32.msk vm0, v20;
	v3 =	vmul.f32 v15, v22  }
0x10b: {  	[tilespmem:v2+s10+$0x0] =	vst.idx.add.f32.msk vm0, v61;
	v2 =	vmul.f32 v15, v23  }
0x10c: {  	[tilespmem:v6+s10+$0x0] =	vst.idx.add.f32.msk vm0, v3;
	v3 =	vmul.f32 v15, v24  }
0x10d: {  	[tilespmem:v4+s10+$0x0] =	vst.idx.add.f32.msk vm0, v2;
	v2 =	vmul.f32 v15, v25  }
0x10e: {  	[tilespmem:v11+s10+$0x0] =	vst.idx.add.f32.msk vm0, v3;
	v3 =	vmul.f32 v15, v26  }
0x10f: {  	[tilespmem:v5+s10+$0x0] =	vst.idx.add.f32.msk vm0, v2;
	v2 =	vmul.f32 v15, v27  }
0x110: {  	[tilespmem:v9+s10+$0x0] =	vst.idx.add.f32.msk vm0, v3;
	v3 =	vmul.f32 v15, v28  }
0x111: {  	[tilespmem:v8+s10+$0x0] =	vst.idx.add.f32.msk vm0, v2;
	v2 =	vmul.f32 v15, v29  }
0x112: {  	[tilespmem:v12+s10+$0x0] =	vst.idx.add.f32.msk vm0, v3;
	v3 =	vmul.f32 v15, v30  }
0x113: {  	v62 =	vmul.f32 v15, v31;
	[tilespmem:v13+s10+$0x0] =	vst.idx.add.f32.msk vm0, v2  }
0x114: {  	v2 =	vmul.f32 v15, v32;
	[tilespmem:v10+s10+$0x0] =	vst.idx.add.f32.msk vm0, v3  }
0x115: {  	v3 =	vmul.f32 v15, v33;
	[tilespmem:v14+s10+$0x0] =	vst.idx.add.f32.msk vm0, v62  }
0x116: {  	s12 =	sadd.s32 $0x1, s12;
	v63 =	vmul.f32 v15, v34;
	[tilespmem:v17+s10+$0x0] =	vst.idx.add.f32.msk vm0, v2  }
0x117: {  	p0 =	sne.s32 s12, s6;
	[tilespmem:v16+s10+$0x0] =	vst.idx.add.f32.msk vm0, v3  }
.Ltmp2:
0x118: {  	[tilespmem:v18+s10+$0x0] =	vst.idx.add.f32.msk vm0, v63;
	(pc) =	sbr.rel @p0 .LBB2_1-.Ltmp2, $4  }
0x119: {  	[hbm4b:s5+s2] =	stream.linear.scatter [tilespmem:s10], [sflag:$0x3], $0xC800, $0x38;
	[tilespmem:$0x1F400] =	vst v63  }
0x11a: {  	_ =	swait.ge [sflag:s11], $0xC800  }
0x11b: {  	[sflag:s11] =	ssyncset.done $0x0  }
0x11c: {  	[sflag:s11] =	ssyncadd.s32 $0xFFFF3800  }
0x11d: {  	_ =	sfence.sel $0x180000  }
0x11e: {  	[bflag:$0x0] =	sbarrier.arrive $0xFFFF  }
0x11f: {  	p0 =	sne.s32 s0, $0x0;
	_ =	strace $0x90000047  }
0x120: {  	s0 =	sadd.s32 @!p0 $0x100000, s1;
	[bflag:$0x2] =	sbarrier.arrive $0xFFFF  }
0x121: {  	[sflag:s0] =	ssyncadd.tile.s32 @!p0 $0x1;
	_ =	shalt  }
.Lfunc_end2:
_tile_overlayer_lowered:
.L_overlay_start_2:
0x122: {  	(tag) =	ssettag $0x2  }
0x123: {  	s0 =	rddreg [dreg:$0x0];
	s2 =	stileid.u32  }
0x124: {  	s1 =	rddreg [dreg:$0x1];
	p0 =	sne.s32 s2, $0x0  }
0x125: {  	s3 =	rddreg [dreg:$0x2];
	[bflag:$0x3] =	sbarrier.arrive $0xFFFF;
	s2 =	simm.s32 @!p0 $0x1C03  }
0x126: {  	[timem:s3], [sflag:s2] =	dma.local @!p0 [hbm:s0], s1  }
0x127: {  	s0 =	simm.s32 @!p0 $0x3  }
0x128: {  	_ =	swait.ge @!p0 [sflag:s0], s1  }
0x129: {  	s1 =	ssub.s32 @!p0 $0x0, s1;
	[sflag:s0] =	ssyncset.done @!p0 $0x0  }
0x12a: {  	[sflag:s0] =	ssyncadd.s32 @!p0 s1  }
0x12b: {  	[bflag:$0x3] =	sbarrier.arrive $0xFFFF  }
0x12c: {  	_ =	shalt  }

</sc_bundles>
